<compile_context>
chip_gen: v7x
topology: tpu7x:2x2x1
jax: 0.10.2.dev20260603
libtpu: 0.0.44.dev20260713+nightly
codegen_flags: <defaults>
</compile_context>

<pallas_src>
import functools

import jax
import jax.numpy as jnp
from jax import lax
from jax.experimental import pallas as pl
from jax.experimental.pallas import tpu as pltpu
from jax.experimental.pallas import tpu_sc as plsc

N = 10000
E = 320000
D = 128
NSC = 2
NTPS = 16
NTILES = NSC * NTPS
NPAD = 10240
RPT = NPAD // NTPS
C = 64
EPT = 10240
E_PAD = NTILES * EPT
NCHUNK = EPT // C
NBUF = 4
NBA = 5
PRE = 2
DEGW = 128
R = 1000


def _deg_body(dst_hbm, zeros_hbm, ones_hbm, out_hbm, acc,
              d0, d1, d2, d3, ones, ss0, ss1, ss2, ss3):
    didx = [d0, d1, d2, d3]
    ssem = [ss0, ss1, ss2, ss3]
    c = lax.axis_index("c")
    s = lax.axis_index("s")
    wid = c * NTPS + s

    pltpu.sync_copy(ones_hbm, ones)
    pltpu.sync_copy(zeros_hbm, acc.at[pl.ds(s * RPT, RPT)])
    plsc.subcore_barrier()

    base = wid * EPT
    for b in range(NBUF):
        pltpu.sync_copy(dst_hbm.at[pl.ds(base + b * C, C)], didx[b])
        pltpu.async_copy(ones, acc.at[didx[b]], ssem[b], add=True)

    def group(j, carry):
        for b in range(NBUF):
            i = NBUF * j + b
            pltpu.make_async_copy(ones, acc.at[didx[b]], ssem[b]).wait()
            pltpu.sync_copy(dst_hbm.at[pl.ds(base + i * C, C)], didx[b])
            pltpu.async_copy(ones, acc.at[didx[b]], ssem[b], add=True)
        return carry

    lax.fori_loop(1, NCHUNK // NBUF, group, 0)
    for b in range(NBUF):
        pltpu.make_async_copy(ones, acc.at[didx[b]], ssem[b]).wait()

    plsc.subcore_barrier()
    pltpu.sync_copy(acc.at[pl.ds(s * RPT, RPT)],
                    out_hbm.at[c, pl.ds(s * RPT, RPT)])


def _agg_body(g_hbm, src_hbm, dst_hbm, zeros_hbm, out_hbm, acc,
              s0, s1, s2, s3, s4, d0, d1, d2, d3, d4, r0, r1, r2, r3, r4,
              gs0, gs1, gs2, gs3, gs4, ss0, ss1, ss2, ss3, ss4):
    sidx = [s0, s1, s2, s3, s4]
    didx = [d0, d1, d2, d3, d4]
    rows = [r0, r1, r2, r3, r4]
    gsem = [gs0, gs1, gs2, gs3, gs4]
    ssem = [ss0, ss1, ss2, ss3, ss4]
    c = lax.axis_index("c")
    s = lax.axis_index("s")
    wid = c * NTPS + s
    pltpu.sync_copy(zeros_hbm, acc.at[pl.ds(s * RPT, RPT)])
    plsc.subcore_barrier()

    base = wid * EPT

    def prefetch(i, b):
        off = base + i * C
        pltpu.sync_copy(src_hbm.at[pl.ds(off, C)], sidx[b])
        pltpu.sync_copy(dst_hbm.at[pl.ds(off, C)], didx[b])
        pltpu.async_copy(g_hbm.at[sidx[b]], rows[b], gsem[b])

    def wait_scatter(b):
        pltpu.make_async_copy(rows[b], acc.at[didx[b]], ssem[b]).wait()

    def slot(i, b, do_pref, wait_prev):
        pltpu.make_async_copy(g_hbm.at[sidx[b]], rows[b], gsem[b]).wait()
        pltpu.async_copy(rows[b], acc.at[didx[b]], ssem[b], add=True)
        if do_pref:
            bp = (b + PRE) % NBA
            if wait_prev:
                wait_scatter(bp)
            prefetch(i + PRE, bp)

    for b in range(PRE):
        prefetch(b, b)

    for b in range(NBA):
        slot(b, b, True, b + PRE >= NBA)

    def group(j, carry):
        for b in range(NBA):
            slot(NBA * j + b, b, True, True)
        return carry

    lax.fori_loop(1, NCHUNK // NBA - 1, group, 0)
    for b in range(NBA):
        i = NCHUNK - NBA + b
        slot(i, b, i + PRE < NCHUNK, True)
    for b in range(NBA):
        wait_scatter(b)

    plsc.subcore_barrier()
    pltpu.sync_copy(acc.at[pl.ds(s * RPT, RPT)],
                    out_hbm.at[c, pl.ds(s * RPT, RPT)])


@functools.lru_cache(maxsize=None)
def _sc_calls():
    mesh = plsc.VectorSubcoreMesh(
        core_axis_name="c", subcore_axis_name="s",
        num_cores=NSC, num_subcores=NTPS)
    deg_call = pl.kernel(
        _deg_body,
        mesh=mesh,
        out_type=jax.ShapeDtypeStruct((NSC, NPAD, DEGW), jnp.float32),
        scratch_types=(
            [pltpu.VMEM_SHARED((NPAD, DEGW), jnp.float32)]
            + [pltpu.VMEM((C,), jnp.int32) for _ in range(NBUF)]
            + [pltpu.VMEM((C, DEGW), jnp.float32)]
            + [pltpu.SemaphoreType.DMA for _ in range(NBUF)]
        ),
    )
    agg_call = pl.kernel(
        _agg_body,
        mesh=mesh,
        out_type=jax.ShapeDtypeStruct((NSC, NPAD, D), jnp.float32),
        scratch_types=(
            [pltpu.VMEM_SHARED((NPAD, D), jnp.float32)]
            + [pltpu.VMEM((C,), jnp.int32) for _ in range(2 * NBA)]
            + [pltpu.VMEM((C, D), jnp.float32) for _ in range(NBA)]
            + [pltpu.SemaphoreType.DMA for _ in range(2 * NBA)]
        ),
    )
    return deg_call, agg_call


def _l1_body(x_ref, w_ref, degp_ref, g_ref, dis_ref):
    deg = degp_ref[0, :, 0:1] + degp_ref[1, :, 0:1] + 1.0
    dis = lax.rsqrt(deg)
    h = jnp.dot(x_ref[...], w_ref[...], preferred_element_type=jnp.float32)
    g_ref[...] = h * dis
    dis_ref[...] = dis


def _l2_body(p_ref, g1_ref, dis_ref, b1_ref, w2_ref, g2_ref):
    comb = dis_ref[...] * (p_ref[0] + p_ref[1] + g1_ref[...]) + b1_ref[...]
    x2 = jnp.maximum(comb, 0.0)
    h2 = jnp.dot(x2, w2_ref[...], preferred_element_type=jnp.float32)
    g2_ref[...] = h2 * dis_ref[...]


def _fin_body(p_ref, g2_ref, dis_ref, b2_ref, o_ref):
    comb = dis_ref[...] * (p_ref[0] + p_ref[1] + g2_ref[...]) + b2_ref[...]
    o_ref[...] = jax.nn.sigmoid(comb)


_NB = N // R

_l1_call = pl.pallas_call(
    _l1_body,
    grid=(_NB,),
    in_specs=[
        pl.BlockSpec((R, D), lambda i: (i, 0)),
        pl.BlockSpec((D, D), lambda i: (0, 0)),
        pl.BlockSpec((NSC, R, DEGW), lambda i: (0, i, 0)),
    ],
    out_specs=[
        pl.BlockSpec((R, D), lambda i: (i, 0)),
        pl.BlockSpec((R, 1), lambda i: (i, 0)),
    ],
    out_shape=[
        jax.ShapeDtypeStruct((N, D), jnp.float32),
        jax.ShapeDtypeStruct((N, 1), jnp.float32),
    ],
)

_l2_call = pl.pallas_call(
    _l2_body,
    grid=(_NB,),
    in_specs=[
        pl.BlockSpec((NSC, R, D), lambda i: (0, i, 0)),
        pl.BlockSpec((R, D), lambda i: (i, 0)),
        pl.BlockSpec((R, 1), lambda i: (i, 0)),
        pl.BlockSpec((1, D), lambda i: (0, 0)),
        pl.BlockSpec((D, D), lambda i: (0, 0)),
    ],
    out_specs=pl.BlockSpec((R, D), lambda i: (i, 0)),
    out_shape=jax.ShapeDtypeStruct((N, D), jnp.float32),
)

_fin_call = pl.pallas_call(
    _fin_body,
    grid=(_NB,),
    in_specs=[
        pl.BlockSpec((NSC, R, D), lambda i: (0, i, 0)),
        pl.BlockSpec((R, D), lambda i: (i, 0)),
        pl.BlockSpec((R, 1), lambda i: (i, 0)),
        pl.BlockSpec((1, D), lambda i: (0, 0)),
    ],
    out_specs=pl.BlockSpec((R, D), lambda i: (i, 0)),
    out_shape=jax.ShapeDtypeStruct((N, D), jnp.float32),
)


@jax.jit
def kernel(x, edge_index, W1, b1, W2, b2):
    ei = edge_index.astype(jnp.int32)
    pad = E_PAD - E
    pad_dst = N + (jnp.arange(pad, dtype=jnp.int32) % (NPAD - N))
    pad_src = jnp.arange(pad, dtype=jnp.int32) % N
    src = jnp.concatenate([ei[0], pad_src])
    dst = jnp.concatenate([ei[1], pad_dst])
    zeros128 = jnp.zeros((RPT, D), jnp.float32)
    ones128 = jnp.ones((C, DEGW), jnp.float32)

    _deg_call, _agg_call = _sc_calls()
    degp = _deg_call(dst, zeros128, ones128)
    g1, dis = _l1_call(x, W1, degp)
    p1 = _agg_call(g1, src, dst, zeros128)
    g2 = _l2_call(p1, g1, dis, b1.reshape(1, D), W2)
    p2 = _agg_call(g2, src, dst, zeros128)
    return _fin_call(p2, g2, dis, b2.reshape(1, D))

# --- scband reference (transcript-rebuilt; emitter-appended) ---
"""Pipeline reference for scband-gcn-22041772163466 (READ-ONLY COPY).

The authoritative reference and input builder live on the scoring server;
editing this copy changes nothing except your own understanding.
"""

import jax, jax.numpy as jnp
import numpy as np

NUM_NODES = 10000
NUM_EDGES = 320000
D_IN = 128
D_HID = 128
D_OUT = 128


def gcn_conv(x, edge_index, W, b, num_nodes):
    # PyG-style GCNConv: add self-loops, symmetric normalization, linear transform,
    # gather messages from src, scatter-add to dst, add bias.
    src = edge_index[0]
    dst = edge_index[1]
    loop = jnp.arange(num_nodes, dtype=edge_index.dtype)
    src = jnp.concatenate([src, loop])
    dst = jnp.concatenate([dst, loop])
    deg = jnp.zeros((num_nodes,), dtype=x.dtype).at[dst].add(1.0)
    deg_inv_sqrt = jnp.where(deg > 0, deg ** -0.5, 0.0)
    norm = deg_inv_sqrt[src] * deg_inv_sqrt[dst]
    h = x @ W
    msg = h[src] * norm[:, None]
    out = jnp.zeros((num_nodes, h.shape[1]), dtype=x.dtype).at[dst].add(msg)
    return out + b


def setup_inputs(seed: int = 0) -> dict:
    key = jax.random.key(seed)
    k1, k2, k3, k4, k5, k6 = jax.random.split(key, 6)
    x = jax.random.normal(k1, (NUM_NODES, D_IN), dtype=jnp.float32)
    edge_index = jax.random.randint(k2, (2, NUM_EDGES), 0, NUM_NODES, dtype=jnp.int64)
    s1 = 1.0 / np.sqrt(D_IN)
    s2 = 1.0 / np.sqrt(D_HID)
    W1 = jax.random.uniform(k3, (D_IN, D_HID), dtype=jnp.float32, minval=-s1, maxval=s1)
    b1 = jnp.zeros((D_HID,), dtype=jnp.float32)
    W2 = jax.random.uniform(k4, (D_HID, D_OUT), dtype=jnp.float32, minval=-s2, maxval=s2)
    b2 = jnp.zeros((D_OUT,), dtype=jnp.float32)
    return {"x": x, "edge_index": edge_index, "W1": W1, "b1": b1, "W2": W2, "b2": b2}


def reference(x, edge_index, W1, b1, W2, b2):
    h = gcn_conv(x, edge_index, W1, b1, NUM_NODES)
    h = jax.nn.relu(h)
    h = gcn_conv(h, edge_index, W2, b2, NUM_NODES)
    return jax.nn.sigmoid(h)

if __name__ == "__main__":
    import jax
    _d = setup_inputs()
    print(jax.jit(kernel)(*tuple(_d.values())))

</pallas_src>

<mosaic_0001>
#map = affine_map<(d0, d1) -> (0, 0)>
#map1 = affine_map<(d0, d1) -> (0)>
#map2 = affine_map<(d0, d1) -> (0, 0, 0)>
module attributes {stable_mosaic.version = 14 : i64} {
  func.func @_agg_body(%arg0: i32, %arg1: i32, %arg2: memref<10000x128xf32, #tpu.memory_space<hbm>>, %arg3: memref<327680xi32, #tpu.memory_space<hbm>>, %arg4: memref<327680xi32, #tpu.memory_space<hbm>>, %arg5: memref<640x128xf32, #tpu.memory_space<hbm>>, %arg6: memref<2x10240x128xf32, #tpu.memory_space<hbm>>, %arg7: memref<10240x128xf32, #tpu.memory_space<vmem_shared>>, %arg8: memref<64xi32, #tpu.memory_space<vmem>>, %arg9: memref<64xi32, #tpu.memory_space<vmem>>, %arg10: memref<64xi32, #tpu.memory_space<vmem>>, %arg11: memref<64xi32, #tpu.memory_space<vmem>>, %arg12: memref<64xi32, #tpu.memory_space<vmem>>, %arg13: memref<64xi32, #tpu.memory_space<vmem>>, %arg14: memref<64xi32, #tpu.memory_space<vmem>>, %arg15: memref<64xi32, #tpu.memory_space<vmem>>, %arg16: memref<64xi32, #tpu.memory_space<vmem>>, %arg17: memref<64xi32, #tpu.memory_space<vmem>>, %arg18: memref<64x128xf32, #tpu.memory_space<vmem>>, %arg19: memref<64x128xf32, #tpu.memory_space<vmem>>, %arg20: memref<64x128xf32, #tpu.memory_space<vmem>>, %arg21: memref<64x128xf32, #tpu.memory_space<vmem>>, %arg22: memref<64x128xf32, #tpu.memory_space<vmem>>, %arg23: memref<!tpu.dma_semaphore, #tpu.memory_space<semaphore_mem>>, %arg24: memref<!tpu.dma_semaphore, #tpu.memory_space<semaphore_mem>>, %arg25: memref<!tpu.dma_semaphore, #tpu.memory_space<semaphore_mem>>, %arg26: memref<!tpu.dma_semaphore, #tpu.memory_space<semaphore_mem>>, %arg27: memref<!tpu.dma_semaphore, #tpu.memory_space<semaphore_mem>>, %arg28: memref<!tpu.dma_semaphore, #tpu.memory_space<semaphore_mem>>, %arg29: memref<!tpu.dma_semaphore, #tpu.memory_space<semaphore_mem>>, %arg30: memref<!tpu.dma_semaphore, #tpu.memory_space<semaphore_mem>>, %arg31: memref<!tpu.dma_semaphore, #tpu.memory_space<semaphore_mem>>, %arg32: memref<!tpu.dma_semaphore, #tpu.memory_space<semaphore_mem>>) attributes {dimension_semantics = [#tpu.dimension_semantics<core_parallel>, #tpu.dimension_semantics<subcore_parallel>], iteration_bounds = array<i64: 2, 16>, scalar_prefetch = 0 : i64, scratch_operands = 26 : i64, tpu.core_type = #tpu.core_type<sc_vector_subcore>, window_params = [{transform_indices = #map}, {transform_indices = #map1}, {transform_indices = #map1}, {transform_indices = #map}, {transform_indices = #map2}]} {
    %mul3A = arith.constant 16 : i32
    %mul3A_0 = arith.muli %arg0, %mul3A : i32
    %add3A = arith.addi %mul3A_0, %arg1 : i32
    %mul3A_1 = arith.constant 640 : i32
    %mul3A_2 = arith.muli %arg1, %mul3A_1 : i32
    "tpu.region"() ({
      %run_scoped3A = tpu.sem_alloc : memref<!tpu.dma_semaphore, #tpu.memory_space<semaphore_mem>>
      %dma_start3A_153 = arith.constant 0 : i32
      %dma_start3A_154 = tpu.memref_slice %arg7[%mul3A_2, %dma_start3A_153] : memref<10240x128xf32, #tpu.memory_space<vmem_shared>> -> memref<640x128xf32, #tpu.memory_space<vmem_shared>>
      tpu.enqueue_dma source(%arg5 : memref<640x128xf32, #tpu.memory_space<hbm>>) target(%dma_start3A_154 : memref<640x128xf32, #tpu.memory_space<vmem_shared>>) target_semaphore(%run_scoped3A : memref<!tpu.dma_semaphore, #tpu.memory_space<semaphore_mem>>)
      %dma_wait3A_155 = arith.constant 0 : i32
      %dma_wait3A_156 = tpu.memref_slice %arg7[%mul3A_2, %dma_wait3A_155] : memref<10240x128xf32, #tpu.memory_space<vmem_shared>> -> memref<640x128xf32, #tpu.memory_space<vmem_shared>>
      tpu.wait_dma2 semaphore(%run_scoped3A : memref<!tpu.dma_semaphore, #tpu.memory_space<semaphore_mem>>) src(%arg5 : memref<640x128xf32, #tpu.memory_space<hbm>>) dst(%dma_wait3A_156 : memref<640x128xf32, #tpu.memory_space<vmem_shared>>)
      tpu.yield
    }) : () -> ()
    %barrier3A = arith.constant 0 : index
    tpu.barrier barrier_id(%barrier3A)
    %mul3A_3 = arith.constant 10240 : i32
    %mul3A_4 = arith.muli %add3A, %mul3A_3 : i32
    %add3A_5 = arith.constant 0 : i32
    %add3A_6 = arith.addi %mul3A_4, %add3A_5 : i32
    "tpu.region"() ({
      %run_scoped3A = tpu.sem_alloc : memref<!tpu.dma_semaphore, #tpu.memory_space<semaphore_mem>>
      %dma_start3A_153 = tpu.memref_slice %arg3[%add3A_6] : memref<327680xi32, #tpu.memory_space<hbm>> -> memref<64xi32, #tpu.memory_space<hbm>>
      %dma_start3A_154 = tpu.memref_slice %arg3[%add3A_6] : memref<327680xi32, #tpu.memory_space<hbm>> -> memref<64xi32, #tpu.memory_space<hbm>>
      tpu.enqueue_dma source(%dma_start3A_154 : memref<64xi32, #tpu.memory_space<hbm>>) target(%arg8 : memref<64xi32, #tpu.memory_space<vmem>>) target_semaphore(%run_scoped3A : memref<!tpu.dma_semaphore, #tpu.memory_space<semaphore_mem>>)
      %dma_wait3A_155 = tpu.memref_slice %arg3[%add3A_6] : memref<327680xi32, #tpu.memory_space<hbm>> -> memref<64xi32, #tpu.memory_space<hbm>>
      %dma_wait3A_156 = tpu.memref_slice %arg3[%add3A_6] : memref<327680xi32, #tpu.memory_space<hbm>> -> memref<64xi32, #tpu.memory_space<hbm>>
      tpu.wait_dma2 semaphore(%run_scoped3A : memref<!tpu.dma_semaphore, #tpu.memory_space<semaphore_mem>>) src(%dma_wait3A_156 : memref<64xi32, #tpu.memory_space<hbm>>) dst(%arg8 : memref<64xi32, #tpu.memory_space<vmem>>)
      tpu.yield
    }) : () -> ()
    "tpu.region"() ({
      %run_scoped3A = tpu.sem_alloc : memref<!tpu.dma_semaphore, #tpu.memory_space<semaphore_mem>>
      %dma_start3A_153 = tpu.memref_slice %arg4[%add3A_6] : memref<327680xi32, #tpu.memory_space<hbm>> -> memref<64xi32, #tpu.memory_space<hbm>>
      %dma_start3A_154 = tpu.memref_slice %arg4[%add3A_6] : memref<327680xi32, #tpu.memory_space<hbm>> -> memref<64xi32, #tpu.memory_space<hbm>>
      tpu.enqueue_dma source(%dma_start3A_154 : memref<64xi32, #tpu.memory_space<hbm>>) target(%arg13 : memref<64xi32, #tpu.memory_space<vmem>>) target_semaphore(%run_scoped3A : memref<!tpu.dma_semaphore, #tpu.memory_space<semaphore_mem>>)
      %dma_wait3A_155 = tpu.memref_slice %arg4[%add3A_6] : memref<327680xi32, #tpu.memory_space<hbm>> -> memref<64xi32, #tpu.memory_space<hbm>>
      %dma_wait3A_156 = tpu.memref_slice %arg4[%add3A_6] : memref<327680xi32, #tpu.memory_space<hbm>> -> memref<64xi32, #tpu.memory_space<hbm>>
      tpu.wait_dma2 semaphore(%run_scoped3A : memref<!tpu.dma_semaphore, #tpu.memory_space<semaphore_mem>>) src(%dma_wait3A_156 : memref<64xi32, #tpu.memory_space<hbm>>) dst(%arg13 : memref<64xi32, #tpu.memory_space<vmem>>)
      tpu.yield
    }) : () -> ()
    %dma_start3A = arith.constant 0 : i32
    %dma_start3A_7 = arith.constant 0 : i32
    %dma_start3A_8 = tpu.memref_slice %arg2[%dma_start3A, %dma_start3A_7] : memref<10000x128xf32, #tpu.memory_space<hbm>> -> memref<10000x128xf32, #tpu.memory_space<hbm>>
    tpu.enqueue_indirect_dma source(%dma_start3A_8 : memref<10000x128xf32, #tpu.memory_space<hbm>>) target(%arg18 : memref<64x128xf32, #tpu.memory_space<vmem>>) offsets(%arg8 : memref<64xi32, #tpu.memory_space<vmem>>) semaphore(%arg23 : memref<!tpu.dma_semaphore, #tpu.memory_space<semaphore_mem>>)
    %add3A_9 = arith.constant 64 : i32
    %add3A_10 = arith.addi %mul3A_4, %add3A_9 : i32
    "tpu.region"() ({
      %run_scoped3A = tpu.sem_alloc : memref<!tpu.dma_semaphore, #tpu.memory_space<semaphore_mem>>
      %dma_start3A_153 = tpu.memref_slice %arg3[%add3A_10] : memref<327680xi32, #tpu.memory_space<hbm>> -> memref<64xi32, #tpu.memory_space<hbm>>
      %dma_start3A_154 = tpu.memref_slice %arg3[%add3A_10] : memref<327680xi32, #tpu.memory_space<hbm>> -> memref<64xi32, #tpu.memory_space<hbm>>
      tpu.enqueue_dma source(%dma_start3A_154 : memref<64xi32, #tpu.memory_space<hbm>>) target(%arg9 : memref<64xi32, #tpu.memory_space<vmem>>) target_semaphore(%run_scoped3A : memref<!tpu.dma_semaphore, #tpu.memory_space<semaphore_mem>>)
      %dma_wait3A_155 = tpu.memref_slice %arg3[%add3A_10] : memref<327680xi32, #tpu.memory_space<hbm>> -> memref<64xi32, #tpu.memory_space<hbm>>
      %dma_wait3A_156 = tpu.memref_slice %arg3[%add3A_10] : memref<327680xi32, #tpu.memory_space<hbm>> -> memref<64xi32, #tpu.memory_space<hbm>>
      tpu.wait_dma2 semaphore(%run_scoped3A : memref<!tpu.dma_semaphore, #tpu.memory_space<semaphore_mem>>) src(%dma_wait3A_156 : memref<64xi32, #tpu.memory_space<hbm>>) dst(%arg9 : memref<64xi32, #tpu.memory_space<vmem>>)
      tpu.yield
    }) : () -> ()
    "tpu.region"() ({
      %run_scoped3A = tpu.sem_alloc : memref<!tpu.dma_semaphore, #tpu.memory_space<semaphore_mem>>
      %dma_start3A_153 = tpu.memref_slice %arg4[%add3A_10] : memref<327680xi32, #tpu.memory_space<hbm>> -> memref<64xi32, #tpu.memory_space<hbm>>
      %dma_start3A_154 = tpu.memref_slice %arg4[%add3A_10] : memref<327680xi32, #tpu.memory_space<hbm>> -> memref<64xi32, #tpu.memory_space<hbm>>
      tpu.enqueue_dma source(%dma_start3A_154 : memref<64xi32, #tpu.memory_space<hbm>>) target(%arg14 : memref<64xi32, #tpu.memory_space<vmem>>) target_semaphore(%run_scoped3A : memref<!tpu.dma_semaphore, #tpu.memory_space<semaphore_mem>>)
      %dma_wait3A_155 = tpu.memref_slice %arg4[%add3A_10] : memref<327680xi32, #tpu.memory_space<hbm>> -> memref<64xi32, #tpu.memory_space<hbm>>
      %dma_wait3A_156 = tpu.memref_slice %arg4[%add3A_10] : memref<327680xi32, #tpu.memory_space<hbm>> -> memref<64xi32, #tpu.memory_space<hbm>>
      tpu.wait_dma2 semaphore(%run_scoped3A : memref<!tpu.dma_semaphore, #tpu.memory_space<semaphore_mem>>) src(%dma_wait3A_156 : memref<64xi32, #tpu.memory_space<hbm>>) dst(%arg14 : memref<64xi32, #tpu.memory_space<vmem>>)
      tpu.yield
    }) : () -> ()
    %dma_start3A_11 = arith.constant 0 : i32
    %dma_start3A_12 = arith.constant 0 : i32
    %dma_start3A_13 = tpu.memref_slice %arg2[%dma_start3A_11, %dma_start3A_12] : memref<10000x128xf32, #tpu.memory_space<hbm>> -> memref<10000x128xf32, #tpu.memory_space<hbm>>
    tpu.enqueue_indirect_dma source(%dma_start3A_13 : memref<10000x128xf32, #tpu.memory_space<hbm>>) target(%arg19 : memref<64x128xf32, #tpu.memory_space<vmem>>) offsets(%arg9 : memref<64xi32, #tpu.memory_space<vmem>>) semaphore(%arg24 : memref<!tpu.dma_semaphore, #tpu.memory_space<semaphore_mem>>)
    %dma_wait3A = arith.constant 0 : i32
    %dma_wait3A_14 = arith.constant 0 : i32
    %dma_wait3A_15 = tpu.memref_slice %arg2[%dma_wait3A, %dma_wait3A_14] : memref<10000x128xf32, #tpu.memory_space<hbm>> -> memref<10000x128xf32, #tpu.memory_space<hbm>>
    tpu.wait_indirect_dma semaphore(%arg23 : memref<!tpu.dma_semaphore, #tpu.memory_space<semaphore_mem>>) src(%dma_wait3A_15 : memref<10000x128xf32, #tpu.memory_space<hbm>>) dst(%arg18 : memref<64x128xf32, #tpu.memory_space<vmem>>)
    %dma_start3A_16 = arith.constant 0 : i32
    %dma_start3A_17 = arith.constant 0 : i32
    %dma_start3A_18 = tpu.memref_slice %arg7[%dma_start3A_16, %dma_start3A_17] : memref<10240x128xf32, #tpu.memory_space<vmem_shared>> -> memref<10240x128xf32, #tpu.memory_space<vmem_shared>>
    tpu.enqueue_indirect_dma source(%arg18 : memref<64x128xf32, #tpu.memory_space<vmem>>) target(%dma_start3A_18 : memref<10240x128xf32, #tpu.memory_space<vmem_shared>>) offsets(%arg13 : memref<64xi32, #tpu.memory_space<vmem>>) semaphore(%arg28 : memref<!tpu.dma_semaphore, #tpu.memory_space<semaphore_mem>>) {add = true}
    %add3A_19 = arith.constant 128 : i32
    %add3A_20 = arith.addi %mul3A_4, %add3A_19 : i32
    "tpu.region"() ({
      %run_scoped3A = tpu.sem_alloc : memref<!tpu.dma_semaphore, #tpu.memory_space<semaphore_mem>>
      %dma_start3A_153 = tpu.memref_slice %arg3[%add3A_20] : memref<327680xi32, #tpu.memory_space<hbm>> -> memref<64xi32, #tpu.memory_space<hbm>>
      %dma_start3A_154 = tpu.memref_slice %arg3[%add3A_20] : memref<327680xi32, #tpu.memory_space<hbm>> -> memref<64xi32, #tpu.memory_space<hbm>>
      tpu.enqueue_dma source(%dma_start3A_154 : memref<64xi32, #tpu.memory_space<hbm>>) target(%arg10 : memref<64xi32, #tpu.memory_space<vmem>>) target_semaphore(%run_scoped3A : memref<!tpu.dma_semaphore, #tpu.memory_space<semaphore_mem>>)
      %dma_wait3A_155 = tpu.memref_slice %arg3[%add3A_20] : memref<327680xi32, #tpu.memory_space<hbm>> -> memref<64xi32, #tpu.memory_space<hbm>>
      %dma_wait3A_156 = tpu.memref_slice %arg3[%add3A_20] : memref<327680xi32, #tpu.memory_space<hbm>> -> memref<64xi32, #tpu.memory_space<hbm>>
      tpu.wait_dma2 semaphore(%run_scoped3A : memref<!tpu.dma_semaphore, #tpu.memory_space<semaphore_mem>>) src(%dma_wait3A_156 : memref<64xi32, #tpu.memory_space<hbm>>) dst(%arg10 : memref<64xi32, #tpu.memory_space<vmem>>)
      tpu.yield
    }) : () -> ()
    "tpu.region"() ({
      %run_scoped3A = tpu.sem_alloc : memref<!tpu.dma_semaphore, #tpu.memory_space<semaphore_mem>>
      %dma_start3A_153 = tpu.memref_slice %arg4[%add3A_20] : memref<327680xi32, #tpu.memory_space<hbm>> -> memref<64xi32, #tpu.memory_space<hbm>>
      %dma_start3A_154 = tpu.memref_slice %arg4[%add3A_20] : memref<327680xi32, #tpu.memory_space<hbm>> -> memref<64xi32, #tpu.memory_space<hbm>>
      tpu.enqueue_dma source(%dma_start3A_154 : memref<64xi32, #tpu.memory_space<hbm>>) target(%arg15 : memref<64xi32, #tpu.memory_space<vmem>>) target_semaphore(%run_scoped3A : memref<!tpu.dma_semaphore, #tpu.memory_space<semaphore_mem>>)
      %dma_wait3A_155 = tpu.memref_slice %arg4[%add3A_20] : memref<327680xi32, #tpu.memory_space<hbm>> -> memref<64xi32, #tpu.memory_space<hbm>>
      %dma_wait3A_156 = tpu.memref_slice %arg4[%add3A_20] : memref<327680xi32, #tpu.memory_space<hbm>> -> memref<64xi32, #tpu.memory_space<hbm>>
      tpu.wait_dma2 semaphore(%run_scoped3A : memref<!tpu.dma_semaphore, #tpu.memory_space<semaphore_mem>>) src(%dma_wait3A_156 : memref<64xi32, #tpu.memory_space<hbm>>) dst(%arg15 : memref<64xi32, #tpu.memory_space<vmem>>)
      tpu.yield
    }) : () -> ()
    %dma_start3A_21 = arith.constant 0 : i32
    %dma_start3A_22 = arith.constant 0 : i32
    %dma_start3A_23 = tpu.memref_slice %arg2[%dma_start3A_21, %dma_start3A_22] : memref<10000x128xf32, #tpu.memory_space<hbm>> -> memref<10000x128xf32, #tpu.memory_space<hbm>>
    tpu.enqueue_indirect_dma source(%dma_start3A_23 : memref<10000x128xf32, #tpu.memory_space<hbm>>) target(%arg20 : memref<64x128xf32, #tpu.memory_space<vmem>>) offsets(%arg10 : memref<64xi32, #tpu.memory_space<vmem>>) semaphore(%arg25 : memref<!tpu.dma_semaphore, #tpu.memory_space<semaphore_mem>>)
    %dma_wait3A_24 = arith.constant 0 : i32
    %dma_wait3A_25 = arith.constant 0 : i32
    %dma_wait3A_26 = tpu.memref_slice %arg2[%dma_wait3A_24, %dma_wait3A_25] : memref<10000x128xf32, #tpu.memory_space<hbm>> -> memref<10000x128xf32, #tpu.memory_space<hbm>>
    tpu.wait_indirect_dma semaphore(%arg24 : memref<!tpu.dma_semaphore, #tpu.memory_space<semaphore_mem>>) src(%dma_wait3A_26 : memref<10000x128xf32, #tpu.memory_space<hbm>>) dst(%arg19 : memref<64x128xf32, #tpu.memory_space<vmem>>)
    %dma_start3A_27 = arith.constant 0 : i32
    %dma_start3A_28 = arith.constant 0 : i32
    %dma_start3A_29 = tpu.memref_slice %arg7[%dma_start3A_27, %dma_start3A_28] : memref<10240x128xf32, #tpu.memory_space<vmem_shared>> -> memref<10240x128xf32, #tpu.memory_space<vmem_shared>>
    tpu.enqueue_indirect_dma source(%arg19 : memref<64x128xf32, #tpu.memory_space<vmem>>) target(%dma_start3A_29 : memref<10240x128xf32, #tpu.memory_space<vmem_shared>>) offsets(%arg14 : memref<64xi32, #tpu.memory_space<vmem>>) semaphore(%arg29 : memref<!tpu.dma_semaphore, #tpu.memory_space<semaphore_mem>>) {add = true}
    %add3A_30 = arith.constant 192 : i32
    %add3A_31 = arith.addi %mul3A_4, %add3A_30 : i32
    "tpu.region"() ({
      %run_scoped3A = tpu.sem_alloc : memref<!tpu.dma_semaphore, #tpu.memory_space<semaphore_mem>>
      %dma_start3A_153 = tpu.memref_slice %arg3[%add3A_31] : memref<327680xi32, #tpu.memory_space<hbm>> -> memref<64xi32, #tpu.memory_space<hbm>>
      %dma_start3A_154 = tpu.memref_slice %arg3[%add3A_31] : memref<327680xi32, #tpu.memory_space<hbm>> -> memref<64xi32, #tpu.memory_space<hbm>>
      tpu.enqueue_dma source(%dma_start3A_154 : memref<64xi32, #tpu.memory_space<hbm>>) target(%arg11 : memref<64xi32, #tpu.memory_space<vmem>>) target_semaphore(%run_scoped3A : memref<!tpu.dma_semaphore, #tpu.memory_space<semaphore_mem>>)
      %dma_wait3A_155 = tpu.memref_slice %arg3[%add3A_31] : memref<327680xi32, #tpu.memory_space<hbm>> -> memref<64xi32, #tpu.memory_space<hbm>>
      %dma_wait3A_156 = tpu.memref_slice %arg3[%add3A_31] : memref<327680xi32, #tpu.memory_space<hbm>> -> memref<64xi32, #tpu.memory_space<hbm>>
      tpu.wait_dma2 semaphore(%run_scoped3A : memref<!tpu.dma_semaphore, #tpu.memory_space<semaphore_mem>>) src(%dma_wait3A_156 : memref<64xi32, #tpu.memory_space<hbm>>) dst(%arg11 : memref<64xi32, #tpu.memory_space<vmem>>)
      tpu.yield
    }) : () -> ()
    "tpu.region"() ({
      %run_scoped3A = tpu.sem_alloc : memref<!tpu.dma_semaphore, #tpu.memory_space<semaphore_mem>>
      %dma_start3A_153 = tpu.memref_slice %arg4[%add3A_31] : memref<327680xi32, #tpu.memory_space<hbm>> -> memref<64xi32, #tpu.memory_space<hbm>>
      %dma_start3A_154 = tpu.memref_slice %arg4[%add3A_31] : memref<327680xi32, #tpu.memory_space<hbm>> -> memref<64xi32, #tpu.memory_space<hbm>>
      tpu.enqueue_dma source(%dma_start3A_154 : memref<64xi32, #tpu.memory_space<hbm>>) target(%arg16 : memref<64xi32, #tpu.memory_space<vmem>>) target_semaphore(%run_scoped3A : memref<!tpu.dma_semaphore, #tpu.memory_space<semaphore_mem>>)
      %dma_wait3A_155 = tpu.memref_slice %arg4[%add3A_31] : memref<327680xi32, #tpu.memory_space<hbm>> -> memref<64xi32, #tpu.memory_space<hbm>>
      %dma_wait3A_156 = tpu.memref_slice %arg4[%add3A_31] : memref<327680xi32, #tpu.memory_space<hbm>> -> memref<64xi32, #tpu.memory_space<hbm>>
      tpu.wait_dma2 semaphore(%run_scoped3A : memref<!tpu.dma_semaphore, #tpu.memory_space<semaphore_mem>>) src(%dma_wait3A_156 : memref<64xi32, #tpu.memory_space<hbm>>) dst(%arg16 : memref<64xi32, #tpu.memory_space<vmem>>)
      tpu.yield
    }) : () -> ()
    %dma_start3A_32 = arith.constant 0 : i32
    %dma_start3A_33 = arith.constant 0 : i32
    %dma_start3A_34 = tpu.memref_slice %arg2[%dma_start3A_32, %dma_start3A_33] : memref<10000x128xf32, #tpu.memory_space<hbm>> -> memref<10000x128xf32, #tpu.memory_space<hbm>>
    tpu.enqueue_indirect_dma source(%dma_start3A_34 : memref<10000x128xf32, #tpu.memory_space<hbm>>) target(%arg21 : memref<64x128xf32, #tpu.memory_space<vmem>>) offsets(%arg11 : memref<64xi32, #tpu.memory_space<vmem>>) semaphore(%arg26 : memref<!tpu.dma_semaphore, #tpu.memory_space<semaphore_mem>>)
    %dma_wait3A_35 = arith.constant 0 : i32
    %dma_wait3A_36 = arith.constant 0 : i32
    %dma_wait3A_37 = tpu.memref_slice %arg2[%dma_wait3A_35, %dma_wait3A_36] : memref<10000x128xf32, #tpu.memory_space<hbm>> -> memref<10000x128xf32, #tpu.memory_space<hbm>>
    tpu.wait_indirect_dma semaphore(%arg25 : memref<!tpu.dma_semaphore, #tpu.memory_space<semaphore_mem>>) src(%dma_wait3A_37 : memref<10000x128xf32, #tpu.memory_space<hbm>>) dst(%arg20 : memref<64x128xf32, #tpu.memory_space<vmem>>)
    %dma_start3A_38 = arith.constant 0 : i32
    %dma_start3A_39 = arith.constant 0 : i32
    %dma_start3A_40 = tpu.memref_slice %arg7[%dma_start3A_38, %dma_start3A_39] : memref<10240x128xf32, #tpu.memory_space<vmem_shared>> -> memref<10240x128xf32, #tpu.memory_space<vmem_shared>>
    tpu.enqueue_indirect_dma source(%arg20 : memref<64x128xf32, #tpu.memory_space<vmem>>) target(%dma_start3A_40 : memref<10240x128xf32, #tpu.memory_space<vmem_shared>>) offsets(%arg15 : memref<64xi32, #tpu.memory_space<vmem>>) semaphore(%arg30 : memref<!tpu.dma_semaphore, #tpu.memory_space<semaphore_mem>>) {add = true}
    %add3A_41 = arith.constant 256 : i32
    %add3A_42 = arith.addi %mul3A_4, %add3A_41 : i32
    "tpu.region"() ({
      %run_scoped3A = tpu.sem_alloc : memref<!tpu.dma_semaphore, #tpu.memory_space<semaphore_mem>>
      %dma_start3A_153 = tpu.memref_slice %arg3[%add3A_42] : memref<327680xi32, #tpu.memory_space<hbm>> -> memref<64xi32, #tpu.memory_space<hbm>>
      %dma_start3A_154 = tpu.memref_slice %arg3[%add3A_42] : memref<327680xi32, #tpu.memory_space<hbm>> -> memref<64xi32, #tpu.memory_space<hbm>>
      tpu.enqueue_dma source(%dma_start3A_154 : memref<64xi32, #tpu.memory_space<hbm>>) target(%arg12 : memref<64xi32, #tpu.memory_space<vmem>>) target_semaphore(%run_scoped3A : memref<!tpu.dma_semaphore, #tpu.memory_space<semaphore_mem>>)
      %dma_wait3A_155 = tpu.memref_slice %arg3[%add3A_42] : memref<327680xi32, #tpu.memory_space<hbm>> -> memref<64xi32, #tpu.memory_space<hbm>>
      %dma_wait3A_156 = tpu.memref_slice %arg3[%add3A_42] : memref<327680xi32, #tpu.memory_space<hbm>> -> memref<64xi32, #tpu.memory_space<hbm>>
      tpu.wait_dma2 semaphore(%run_scoped3A : memref<!tpu.dma_semaphore, #tpu.memory_space<semaphore_mem>>) src(%dma_wait3A_156 : memref<64xi32, #tpu.memory_space<hbm>>) dst(%arg12 : memref<64xi32, #tpu.memory_space<vmem>>)
      tpu.yield
    }) : () -> ()
    "tpu.region"() ({
      %run_scoped3A = tpu.sem_alloc : memref<!tpu.dma_semaphore, #tpu.memory_space<semaphore_mem>>
      %dma_start3A_153 = tpu.memref_slice %arg4[%add3A_42] : memref<327680xi32, #tpu.memory_space<hbm>> -> memref<64xi32, #tpu.memory_space<hbm>>
      %dma_start3A_154 = tpu.memref_slice %arg4[%add3A_42] : memref<327680xi32, #tpu.memory_space<hbm>> -> memref<64xi32, #tpu.memory_space<hbm>>
      tpu.enqueue_dma source(%dma_start3A_154 : memref<64xi32, #tpu.memory_space<hbm>>) target(%arg17 : memref<64xi32, #tpu.memory_space<vmem>>) target_semaphore(%run_scoped3A : memref<!tpu.dma_semaphore, #tpu.memory_space<semaphore_mem>>)
      %dma_wait3A_155 = tpu.memref_slice %arg4[%add3A_42] : memref<327680xi32, #tpu.memory_space<hbm>> -> memref<64xi32, #tpu.memory_space<hbm>>
      %dma_wait3A_156 = tpu.memref_slice %arg4[%add3A_42] : memref<327680xi32, #tpu.memory_space<hbm>> -> memref<64xi32, #tpu.memory_space<hbm>>
      tpu.wait_dma2 semaphore(%run_scoped3A : memref<!tpu.dma_semaphore, #tpu.memory_space<semaphore_mem>>) src(%dma_wait3A_156 : memref<64xi32, #tpu.memory_space<hbm>>) dst(%arg17 : memref<64xi32, #tpu.memory_space<vmem>>)
      tpu.yield
    }) : () -> ()
    %dma_start3A_43 = arith.constant 0 : i32
    %dma_start3A_44 = arith.constant 0 : i32
    %dma_start3A_45 = tpu.memref_slice %arg2[%dma_start3A_43, %dma_start3A_44] : memref<10000x128xf32, #tpu.memory_space<hbm>> -> memref<10000x128xf32, #tpu.memory_space<hbm>>
    tpu.enqueue_indirect_dma source(%dma_start3A_45 : memref<10000x128xf32, #tpu.memory_space<hbm>>) target(%arg22 : memref<64x128xf32, #tpu.memory_space<vmem>>) offsets(%arg12 : memref<64xi32, #tpu.memory_space<vmem>>) semaphore(%arg27 : memref<!tpu.dma_semaphore, #tpu.memory_space<semaphore_mem>>)
    %dma_wait3A_46 = arith.constant 0 : i32
    %dma_wait3A_47 = arith.constant 0 : i32
    %dma_wait3A_48 = tpu.memref_slice %arg2[%dma_wait3A_46, %dma_wait3A_47] : memref<10000x128xf32, #tpu.memory_space<hbm>> -> memref<10000x128xf32, #tpu.memory_space<hbm>>
    tpu.wait_indirect_dma semaphore(%arg26 : memref<!tpu.dma_semaphore, #tpu.memory_space<semaphore_mem>>) src(%dma_wait3A_48 : memref<10000x128xf32, #tpu.memory_space<hbm>>) dst(%arg21 : memref<64x128xf32, #tpu.memory_space<vmem>>)
    %dma_start3A_49 = arith.constant 0 : i32
    %dma_start3A_50 = arith.constant 0 : i32
    %dma_start3A_51 = tpu.memref_slice %arg7[%dma_start3A_49, %dma_start3A_50] : memref<10240x128xf32, #tpu.memory_space<vmem_shared>> -> memref<10240x128xf32, #tpu.memory_space<vmem_shared>>
    tpu.enqueue_indirect_dma source(%arg21 : memref<64x128xf32, #tpu.memory_space<vmem>>) target(%dma_start3A_51 : memref<10240x128xf32, #tpu.memory_space<vmem_shared>>) offsets(%arg16 : memref<64xi32, #tpu.memory_space<vmem>>) semaphore(%arg31 : memref<!tpu.dma_semaphore, #tpu.memory_space<semaphore_mem>>) {add = true}
    %dma_wait3A_52 = arith.constant 0 : i32
    %dma_wait3A_53 = arith.constant 0 : i32
    %dma_wait3A_54 = tpu.memref_slice %arg7[%dma_wait3A_52, %dma_wait3A_53] : memref<10240x128xf32, #tpu.memory_space<vmem_shared>> -> memref<10240x128xf32, #tpu.memory_space<vmem_shared>>
    tpu.wait_indirect_dma semaphore(%arg28 : memref<!tpu.dma_semaphore, #tpu.memory_space<semaphore_mem>>) src(%arg18 : memref<64x128xf32, #tpu.memory_space<vmem>>) dst(%dma_wait3A_54 : memref<10240x128xf32, #tpu.memory_space<vmem_shared>>)
    %add3A_55 = arith.constant 320 : i32
    %add3A_56 = arith.addi %mul3A_4, %add3A_55 : i32
    "tpu.region"() ({
      %run_scoped3A = tpu.sem_alloc : memref<!tpu.dma_semaphore, #tpu.memory_space<semaphore_mem>>
      %dma_start3A_153 = tpu.memref_slice %arg3[%add3A_56] : memref<327680xi32, #tpu.memory_space<hbm>> -> memref<64xi32, #tpu.memory_space<hbm>>
      %dma_start3A_154 = tpu.memref_slice %arg3[%add3A_56] : memref<327680xi32, #tpu.memory_space<hbm>> -> memref<64xi32, #tpu.memory_space<hbm>>
      tpu.enqueue_dma source(%dma_start3A_154 : memref<64xi32, #tpu.memory_space<hbm>>) target(%arg8 : memref<64xi32, #tpu.memory_space<vmem>>) target_semaphore(%run_scoped3A : memref<!tpu.dma_semaphore, #tpu.memory_space<semaphore_mem>>)
      %dma_wait3A_155 = tpu.memref_slice %arg3[%add3A_56] : memref<327680xi32, #tpu.memory_space<hbm>> -> memref<64xi32, #tpu.memory_space<hbm>>
      %dma_wait3A_156 = tpu.memref_slice %arg3[%add3A_56] : memref<327680xi32, #tpu.memory_space<hbm>> -> memref<64xi32, #tpu.memory_space<hbm>>
      tpu.wait_dma2 semaphore(%run_scoped3A : memref<!tpu.dma_semaphore, #tpu.memory_space<semaphore_mem>>) src(%dma_wait3A_156 : memref<64xi32, #tpu.memory_space<hbm>>) dst(%arg8 : memref<64xi32, #tpu.memory_space<vmem>>)
      tpu.yield
    }) : () -> ()
    "tpu.region"() ({
      %run_scoped3A = tpu.sem_alloc : memref<!tpu.dma_semaphore, #tpu.memory_space<semaphore_mem>>
      %dma_start3A_153 = tpu.memref_slice %arg4[%add3A_56] : memref<327680xi32, #tpu.memory_space<hbm>> -> memref<64xi32, #tpu.memory_space<hbm>>
      %dma_start3A_154 = tpu.memref_slice %arg4[%add3A_56] : memref<327680xi32, #tpu.memory_space<hbm>> -> memref<64xi32, #tpu.memory_space<hbm>>
      tpu.enqueue_dma source(%dma_start3A_154 : memref<64xi32, #tpu.memory_space<hbm>>) target(%arg13 : memref<64xi32, #tpu.memory_space<vmem>>) target_semaphore(%run_scoped3A : memref<!tpu.dma_semaphore, #tpu.memory_space<semaphore_mem>>)
      %dma_wait3A_155 = tpu.memref_slice %arg4[%add3A_56] : memref<327680xi32, #tpu.memory_space<hbm>> -> memref<64xi32, #tpu.memory_space<hbm>>
      %dma_wait3A_156 = tpu.memref_slice %arg4[%add3A_56] : memref<327680xi32, #tpu.memory_space<hbm>> -> memref<64xi32, #tpu.memory_space<hbm>>
      tpu.wait_dma2 semaphore(%run_scoped3A : memref<!tpu.dma_semaphore, #tpu.memory_space<semaphore_mem>>) src(%dma_wait3A_156 : memref<64xi32, #tpu.memory_space<hbm>>) dst(%arg13 : memref<64xi32, #tpu.memory_space<vmem>>)
      tpu.yield
    }) : () -> ()
    %dma_start3A_57 = arith.constant 0 : i32
    %dma_start3A_58 = arith.constant 0 : i32
    %dma_start3A_59 = tpu.memref_slice %arg2[%dma_start3A_57, %dma_start3A_58] : memref<10000x128xf32, #tpu.memory_space<hbm>> -> memref<10000x128xf32, #tpu.memory_space<hbm>>
    tpu.enqueue_indirect_dma source(%dma_start3A_59 : memref<10000x128xf32, #tpu.memory_space<hbm>>) target(%arg18 : memref<64x128xf32, #tpu.memory_space<vmem>>) offsets(%arg8 : memref<64xi32, #tpu.memory_space<vmem>>) semaphore(%arg23 : memref<!tpu.dma_semaphore, #tpu.memory_space<semaphore_mem>>)
    %dma_wait3A_60 = arith.constant 0 : i32
    %dma_wait3A_61 = arith.constant 0 : i32
    %dma_wait3A_62 = tpu.memref_slice %arg2[%dma_wait3A_60, %dma_wait3A_61] : memref<10000x128xf32, #tpu.memory_space<hbm>> -> memref<10000x128xf32, #tpu.memory_space<hbm>>
    tpu.wait_indirect_dma semaphore(%arg27 : memref<!tpu.dma_semaphore, #tpu.memory_space<semaphore_mem>>) src(%dma_wait3A_62 : memref<10000x128xf32, #tpu.memory_space<hbm>>) dst(%arg22 : memref<64x128xf32, #tpu.memory_space<vmem>>)
    %dma_start3A_63 = arith.constant 0 : i32
    %dma_start3A_64 = arith.constant 0 : i32
    %dma_start3A_65 = tpu.memref_slice %arg7[%dma_start3A_63, %dma_start3A_64] : memref<10240x128xf32, #tpu.memory_space<vmem_shared>> -> memref<10240x128xf32, #tpu.memory_space<vmem_shared>>
    tpu.enqueue_indirect_dma source(%arg22 : memref<64x128xf32, #tpu.memory_space<vmem>>) target(%dma_start3A_65 : memref<10240x128xf32, #tpu.memory_space<vmem_shared>>) offsets(%arg17 : memref<64xi32, #tpu.memory_space<vmem>>) semaphore(%arg32 : memref<!tpu.dma_semaphore, #tpu.memory_space<semaphore_mem>>) {add = true}
    %dma_wait3A_66 = arith.constant 0 : i32
    %dma_wait3A_67 = arith.constant 0 : i32
    %dma_wait3A_68 = tpu.memref_slice %arg7[%dma_wait3A_66, %dma_wait3A_67] : memref<10240x128xf32, #tpu.memory_space<vmem_shared>> -> memref<10240x128xf32, #tpu.memory_space<vmem_shared>>
    tpu.wait_indirect_dma semaphore(%arg29 : memref<!tpu.dma_semaphore, #tpu.memory_space<semaphore_mem>>) src(%arg19 : memref<64x128xf32, #tpu.memory_space<vmem>>) dst(%dma_wait3A_68 : memref<10240x128xf32, #tpu.memory_space<vmem_shared>>)
    %add3A_69 = arith.constant 384 : i32
    %add3A_70 = arith.addi %mul3A_4, %add3A_69 : i32
    "tpu.region"() ({
      %run_scoped3A = tpu.sem_alloc : memref<!tpu.dma_semaphore, #tpu.memory_space<semaphore_mem>>
      %dma_start3A_153 = tpu.memref_slice %arg3[%add3A_70] : memref<327680xi32, #tpu.memory_space<hbm>> -> memref<64xi32, #tpu.memory_space<hbm>>
      %dma_start3A_154 = tpu.memref_slice %arg3[%add3A_70] : memref<327680xi32, #tpu.memory_space<hbm>> -> memref<64xi32, #tpu.memory_space<hbm>>
      tpu.enqueue_dma source(%dma_start3A_154 : memref<64xi32, #tpu.memory_space<hbm>>) target(%arg9 : memref<64xi32, #tpu.memory_space<vmem>>) target_semaphore(%run_scoped3A : memref<!tpu.dma_semaphore, #tpu.memory_space<semaphore_mem>>)
      %dma_wait3A_155 = tpu.memref_slice %arg3[%add3A_70] : memref<327680xi32, #tpu.memory_space<hbm>> -> memref<64xi32, #tpu.memory_space<hbm>>
      %dma_wait3A_156 = tpu.memref_slice %arg3[%add3A_70] : memref<327680xi32, #tpu.memory_space<hbm>> -> memref<64xi32, #tpu.memory_space<hbm>>
      tpu.wait_dma2 semaphore(%run_scoped3A : memref<!tpu.dma_semaphore, #tpu.memory_space<semaphore_mem>>) src(%dma_wait3A_156 : memref<64xi32, #tpu.memory_space<hbm>>) dst(%arg9 : memref<64xi32, #tpu.memory_space<vmem>>)
      tpu.yield
    }) : () -> ()
    "tpu.region"() ({
      %run_scoped3A = tpu.sem_alloc : memref<!tpu.dma_semaphore, #tpu.memory_space<semaphore_mem>>
      %dma_start3A_153 = tpu.memref_slice %arg4[%add3A_70] : memref<327680xi32, #tpu.memory_space<hbm>> -> memref<64xi32, #tpu.memory_space<hbm>>
      %dma_start3A_154 = tpu.memref_slice %arg4[%add3A_70] : memref<327680xi32, #tpu.memory_space<hbm>> -> memref<64xi32, #tpu.memory_space<hbm>>
      tpu.enqueue_dma source(%dma_start3A_154 : memref<64xi32, #tpu.memory_space<hbm>>) target(%arg14 : memref<64xi32, #tpu.memory_space<vmem>>) target_semaphore(%run_scoped3A : memref<!tpu.dma_semaphore, #tpu.memory_space<semaphore_mem>>)
      %dma_wait3A_155 = tpu.memref_slice %arg4[%add3A_70] : memref<327680xi32, #tpu.memory_space<hbm>> -> memref<64xi32, #tpu.memory_space<hbm>>
      %dma_wait3A_156 = tpu.memref_slice %arg4[%add3A_70] : memref<327680xi32, #tpu.memory_space<hbm>> -> memref<64xi32, #tpu.memory_space<hbm>>
      tpu.wait_dma2 semaphore(%run_scoped3A : memref<!tpu.dma_semaphore, #tpu.memory_space<semaphore_mem>>) src(%dma_wait3A_156 : memref<64xi32, #tpu.memory_space<hbm>>) dst(%arg14 : memref<64xi32, #tpu.memory_space<vmem>>)
      tpu.yield
    }) : () -> ()
    %dma_start3A_71 = arith.constant 0 : i32
    %dma_start3A_72 = arith.constant 0 : i32
    %dma_start3A_73 = tpu.memref_slice %arg2[%dma_start3A_71, %dma_start3A_72] : memref<10000x128xf32, #tpu.memory_space<hbm>> -> memref<10000x128xf32, #tpu.memory_space<hbm>>
    tpu.enqueue_indirect_dma source(%dma_start3A_73 : memref<10000x128xf32, #tpu.memory_space<hbm>>) target(%arg19 : memref<64x128xf32, #tpu.memory_space<vmem>>) offsets(%arg9 : memref<64xi32, #tpu.memory_space<vmem>>) semaphore(%arg24 : memref<!tpu.dma_semaphore, #tpu.memory_space<semaphore_mem>>)
    %scan3A = arith.constant 0 : i32
    %scan3A_74 = arith.constant 1 : i32
    %scan3A_75 = arith.constant 30 : i32
    %scan3A_76 = arith.addi %scan3A_74, %scan3A_75 : i32
    %scan3A_77 = arith.constant 1 : i32
    scf.for %scan3A_153 = %scan3A_74 to %scan3A_76 step %scan3A_77  : i32 {
      %mul3A_154 = arith.constant 5 : i32
      %mul3A_155 = arith.muli %mul3A_154, %scan3A_153 : i32
      %add3A_156 = arith.constant 0 : i32
      %add3A_157 = arith.addi %mul3A_155, %add3A_156 : i32
      %dma_wait3A_158 = arith.constant 0 : i32
      %dma_wait3A_159 = arith.constant 0 : i32
      %dma_wait3A_160 = tpu.memref_slice %arg2[%dma_wait3A_158, %dma_wait3A_159] : memref<10000x128xf32, #tpu.memory_space<hbm>> -> memref<10000x128xf32, #tpu.memory_space<hbm>>
      tpu.wait_indirect_dma semaphore(%arg23 : memref<!tpu.dma_semaphore, #tpu.memory_space<semaphore_mem>>) src(%dma_wait3A_160 : memref<10000x128xf32, #tpu.memory_space<hbm>>) dst(%arg18 : memref<64x128xf32, #tpu.memory_space<vmem>>)
      %dma_start3A_161 = arith.constant 0 : i32
      %dma_start3A_162 = arith.constant 0 : i32
      %dma_start3A_163 = tpu.memref_slice %arg7[%dma_start3A_161, %dma_start3A_162] : memref<10240x128xf32, #tpu.memory_space<vmem_shared>> -> memref<10240x128xf32, #tpu.memory_space<vmem_shared>>
      tpu.enqueue_indirect_dma source(%arg18 : memref<64x128xf32, #tpu.memory_space<vmem>>) target(%dma_start3A_163 : memref<10240x128xf32, #tpu.memory_space<vmem_shared>>) offsets(%arg13 : memref<64xi32, #tpu.memory_space<vmem>>) semaphore(%arg28 : memref<!tpu.dma_semaphore, #tpu.memory_space<semaphore_mem>>) {add = true}
      %dma_wait3A_164 = arith.constant 0 : i32
      %dma_wait3A_165 = arith.constant 0 : i32
      %dma_wait3A_166 = tpu.memref_slice %arg7[%dma_wait3A_164, %dma_wait3A_165] : memref<10240x128xf32, #tpu.memory_space<vmem_shared>> -> memref<10240x128xf32, #tpu.memory_space<vmem_shared>>
      tpu.wait_indirect_dma semaphore(%arg30 : memref<!tpu.dma_semaphore, #tpu.memory_space<semaphore_mem>>) src(%arg20 : memref<64x128xf32, #tpu.memory_space<vmem>>) dst(%dma_wait3A_166 : memref<10240x128xf32, #tpu.memory_space<vmem_shared>>)
      %add3A_167 = arith.constant 2 : i32
      %add3A_168 = arith.addi %add3A_157, %add3A_167 : i32
      %mul3A_169 = arith.constant 64 : i32
      %mul3A_170 = arith.muli %add3A_168, %mul3A_169 : i32
      %add3A_171 = arith.addi %mul3A_4, %mul3A_170 : i32
      "tpu.region"() ({
        %run_scoped3A = tpu.sem_alloc : memref<!tpu.dma_semaphore, #tpu.memory_space<semaphore_mem>>
        %dma_start3A_259 = tpu.memref_slice %arg3[%add3A_171] : memref<327680xi32, #tpu.memory_space<hbm>> -> memref<64xi32, #tpu.memory_space<hbm>>
        %dma_start3A_260 = tpu.memref_slice %arg3[%add3A_171] : memref<327680xi32, #tpu.memory_space<hbm>> -> memref<64xi32, #tpu.memory_space<hbm>>
        tpu.enqueue_dma source(%dma_start3A_260 : memref<64xi32, #tpu.memory_space<hbm>>) target(%arg10 : memref<64xi32, #tpu.memory_space<vmem>>) target_semaphore(%run_scoped3A : memref<!tpu.dma_semaphore, #tpu.memory_space<semaphore_mem>>)
        %dma_wait3A_261 = tpu.memref_slice %arg3[%add3A_171] : memref<327680xi32, #tpu.memory_space<hbm>> -> memref<64xi32, #tpu.memory_space<hbm>>
        %dma_wait3A_262 = tpu.memref_slice %arg3[%add3A_171] : memref<327680xi32, #tpu.memory_space<hbm>> -> memref<64xi32, #tpu.memory_space<hbm>>
        tpu.wait_dma2 semaphore(%run_scoped3A : memref<!tpu.dma_semaphore, #tpu.memory_space<semaphore_mem>>) src(%dma_wait3A_262 : memref<64xi32, #tpu.memory_space<hbm>>) dst(%arg10 : memref<64xi32, #tpu.memory_space<vmem>>)
        tpu.yield
      }) : () -> ()
      "tpu.region"() ({
        %run_scoped3A = tpu.sem_alloc : memref<!tpu.dma_semaphore, #tpu.memory_space<semaphore_mem>>
        %dma_start3A_259 = tpu.memref_slice %arg4[%add3A_171] : memref<327680xi32, #tpu.memory_space<hbm>> -> memref<64xi32, #tpu.memory_space<hbm>>
        %dma_start3A_260 = tpu.memref_slice %arg4[%add3A_171] : memref<327680xi32, #tpu.memory_space<hbm>> -> memref<64xi32, #tpu.memory_space<hbm>>
        tpu.enqueue_dma source(%dma_start3A_260 : memref<64xi32, #tpu.memory_space<hbm>>) target(%arg15 : memref<64xi32, #tpu.memory_space<vmem>>) target_semaphore(%run_scoped3A : memref<!tpu.dma_semaphore, #tpu.memory_space<semaphore_mem>>)
        %dma_wait3A_261 = tpu.memref_slice %arg4[%add3A_171] : memref<327680xi32, #tpu.memory_space<hbm>> -> memref<64xi32, #tpu.memory_space<hbm>>
        %dma_wait3A_262 = tpu.memref_slice %arg4[%add3A_171] : memref<327680xi32, #tpu.memory_space<hbm>> -> memref<64xi32, #tpu.memory_space<hbm>>
        tpu.wait_dma2 semaphore(%run_scoped3A : memref<!tpu.dma_semaphore, #tpu.memory_space<semaphore_mem>>) src(%dma_wait3A_262 : memref<64xi32, #tpu.memory_space<hbm>>) dst(%arg15 : memref<64xi32, #tpu.memory_space<vmem>>)
        tpu.yield
      }) : () -> ()
      %dma_start3A_172 = arith.constant 0 : i32
      %dma_start3A_173 = arith.constant 0 : i32
      %dma_start3A_174 = tpu.memref_slice %arg2[%dma_start3A_172, %dma_start3A_173] : memref<10000x128xf32, #tpu.memory_space<hbm>> -> memref<10000x128xf32, #tpu.memory_space<hbm>>
      tpu.enqueue_indirect_dma source(%dma_start3A_174 : memref<10000x128xf32, #tpu.memory_space<hbm>>) target(%arg20 : memref<64x128xf32, #tpu.memory_space<vmem>>) offsets(%arg10 : memref<64xi32, #tpu.memory_space<vmem>>) semaphore(%arg25 : memref<!tpu.dma_semaphore, #tpu.memory_space<semaphore_mem>>)
      %mul3A_175 = arith.constant 5 : i32
      %mul3A_176 = arith.muli %mul3A_175, %scan3A_153 : i32
      %add3A_177 = arith.constant 1 : i32
      %add3A_178 = arith.addi %mul3A_176, %add3A_177 : i32
      %dma_wait3A_179 = arith.constant 0 : i32
      %dma_wait3A_180 = arith.constant 0 : i32
      %dma_wait3A_181 = tpu.memref_slice %arg2[%dma_wait3A_179, %dma_wait3A_180] : memref<10000x128xf32, #tpu.memory_space<hbm>> -> memref<10000x128xf32, #tpu.memory_space<hbm>>
      tpu.wait_indirect_dma semaphore(%arg24 : memref<!tpu.dma_semaphore, #tpu.memory_space<semaphore_mem>>) src(%dma_wait3A_181 : memref<10000x128xf32, #tpu.memory_space<hbm>>) dst(%arg19 : memref<64x128xf32, #tpu.memory_space<vmem>>)
      %dma_start3A_182 = arith.constant 0 : i32
      %dma_start3A_183 = arith.constant 0 : i32
      %dma_start3A_184 = tpu.memref_slice %arg7[%dma_start3A_182, %dma_start3A_183] : memref<10240x128xf32, #tpu.memory_space<vmem_shared>> -> memref<10240x128xf32, #tpu.memory_space<vmem_shared>>
      tpu.enqueue_indirect_dma source(%arg19 : memref<64x128xf32, #tpu.memory_space<vmem>>) target(%dma_start3A_184 : memref<10240x128xf32, #tpu.memory_space<vmem_shared>>) offsets(%arg14 : memref<64xi32, #tpu.memory_space<vmem>>) semaphore(%arg29 : memref<!tpu.dma_semaphore, #tpu.memory_space<semaphore_mem>>) {add = true}
      %dma_wait3A_185 = arith.constant 0 : i32
      %dma_wait3A_186 = arith.constant 0 : i32
      %dma_wait3A_187 = tpu.memref_slice %arg7[%dma_wait3A_185, %dma_wait3A_186] : memref<10240x128xf32, #tpu.memory_space<vmem_shared>> -> memref<10240x128xf32, #tpu.memory_space<vmem_shared>>
      tpu.wait_indirect_dma semaphore(%arg31 : memref<!tpu.dma_semaphore, #tpu.memory_space<semaphore_mem>>) src(%arg21 : memref<64x128xf32, #tpu.memory_space<vmem>>) dst(%dma_wait3A_187 : memref<10240x128xf32, #tpu.memory_space<vmem_shared>>)
      %add3A_188 = arith.constant 2 : i32
      %add3A_189 = arith.addi %add3A_178, %add3A_188 : i32
      %mul3A_190 = arith.constant 64 : i32
      %mul3A_191 = arith.muli %add3A_189, %mul3A_190 : i32
      %add3A_192 = arith.addi %mul3A_4, %mul3A_191 : i32
      "tpu.region"() ({
        %run_scoped3A = tpu.sem_alloc : memref<!tpu.dma_semaphore, #tpu.memory_space<semaphore_mem>>
        %dma_start3A_259 = tpu.memref_slice %arg3[%add3A_192] : memref<327680xi32, #tpu.memory_space<hbm>> -> memref<64xi32, #tpu.memory_space<hbm>>
        %dma_start3A_260 = tpu.memref_slice %arg3[%add3A_192] : memref<327680xi32, #tpu.memory_space<hbm>> -> memref<64xi32, #tpu.memory_space<hbm>>
        tpu.enqueue_dma source(%dma_start3A_260 : memref<64xi32, #tpu.memory_space<hbm>>) target(%arg11 : memref<64xi32, #tpu.memory_space<vmem>>) target_semaphore(%run_scoped3A : memref<!tpu.dma_semaphore, #tpu.memory_space<semaphore_mem>>)
        %dma_wait3A_261 = tpu.memref_slice %arg3[%add3A_192] : memref<327680xi32, #tpu.memory_space<hbm>> -> memref<64xi32, #tpu.memory_space<hbm>>
        %dma_wait3A_262 = tpu.memref_slice %arg3[%add3A_192] : memref<327680xi32, #tpu.memory_space<hbm>> -> memref<64xi32, #tpu.memory_space<hbm>>
        tpu.wait_dma2 semaphore(%run_scoped3A : memref<!tpu.dma_semaphore, #tpu.memory_space<semaphore_mem>>) src(%dma_wait3A_262 : memref<64xi32, #tpu.memory_space<hbm>>) dst(%arg11 : memref<64xi32, #tpu.memory_space<vmem>>)
        tpu.yield
      }) : () -> ()
      "tpu.region"() ({
        %run_scoped3A = tpu.sem_alloc : memref<!tpu.dma_semaphore, #tpu.memory_space<semaphore_mem>>
        %dma_start3A_259 = tpu.memref_slice %arg4[%add3A_192] : memref<327680xi32, #tpu.memory_space<hbm>> -> memref<64xi32, #tpu.memory_space<hbm>>
        %dma_start3A_260 = tpu.memref_slice %arg4[%add3A_192] : memref<327680xi32, #tpu.memory_space<hbm>> -> memref<64xi32, #tpu.memory_space<hbm>>
        tpu.enqueue_dma source(%dma_start3A_260 : memref<64xi32, #tpu.memory_space<hbm>>) target(%arg16 : memref<64xi32, #tpu.memory_space<vmem>>) target_semaphore(%run_scoped3A : memref<!tpu.dma_semaphore, #tpu.memory_space<semaphore_mem>>)
        %dma_wait3A_261 = tpu.memref_slice %arg4[%add3A_192] : memref<327680xi32, #tpu.memory_space<hbm>> -> memref<64xi32, #tpu.memory_space<hbm>>
        %dma_wait3A_262 = tpu.memref_slice %arg4[%add3A_192] : memref<327680xi32, #tpu.memory_space<hbm>> -> memref<64xi32, #tpu.memory_space<hbm>>
        tpu.wait_dma2 semaphore(%run_scoped3A : memref<!tpu.dma_semaphore, #tpu.memory_space<semaphore_mem>>) src(%dma_wait3A_262 : memref<64xi32, #tpu.memory_space<hbm>>) dst(%arg16 : memref<64xi32, #tpu.memory_space<vmem>>)
        tpu.yield
      }) : () -> ()
      %dma_start3A_193 = arith.constant 0 : i32
      %dma_start3A_194 = arith.constant 0 : i32
      %dma_start3A_195 = tpu.memref_slice %arg2[%dma_start3A_193, %dma_start3A_194] : memref<10000x128xf32, #tpu.memory_space<hbm>> -> memref<10000x128xf32, #tpu.memory_space<hbm>>
      tpu.enqueue_indirect_dma source(%dma_start3A_195 : memref<10000x128xf32, #tpu.memory_space<hbm>>) target(%arg21 : memref<64x128xf32, #tpu.memory_space<vmem>>) offsets(%arg11 : memref<64xi32, #tpu.memory_space<vmem>>) semaphore(%arg26 : memref<!tpu.dma_semaphore, #tpu.memory_space<semaphore_mem>>)
      %mul3A_196 = arith.constant 5 : i32
      %mul3A_197 = arith.muli %mul3A_196, %scan3A_153 : i32
      %add3A_198 = arith.constant 2 : i32
      %add3A_199 = arith.addi %mul3A_197, %add3A_198 : i32
      %dma_wait3A_200 = arith.constant 0 : i32
      %dma_wait3A_201 = arith.constant 0 : i32
      %dma_wait3A_202 = tpu.memref_slice %arg2[%dma_wait3A_200, %dma_wait3A_201] : memref<10000x128xf32, #tpu.memory_space<hbm>> -> memref<10000x128xf32, #tpu.memory_space<hbm>>
      tpu.wait_indirect_dma semaphore(%arg25 : memref<!tpu.dma_semaphore, #tpu.memory_space<semaphore_mem>>) src(%dma_wait3A_202 : memref<10000x128xf32, #tpu.memory_space<hbm>>) dst(%arg20 : memref<64x128xf32, #tpu.memory_space<vmem>>)
      %dma_start3A_203 = arith.constant 0 : i32
      %dma_start3A_204 = arith.constant 0 : i32
      %dma_start3A_205 = tpu.memref_slice %arg7[%dma_start3A_203, %dma_start3A_204] : memref<10240x128xf32, #tpu.memory_space<vmem_shared>> -> memref<10240x128xf32, #tpu.memory_space<vmem_shared>>
      tpu.enqueue_indirect_dma source(%arg20 : memref<64x128xf32, #tpu.memory_space<vmem>>) target(%dma_start3A_205 : memref<10240x128xf32, #tpu.memory_space<vmem_shared>>) offsets(%arg15 : memref<64xi32, #tpu.memory_space<vmem>>) semaphore(%arg30 : memref<!tpu.dma_semaphore, #tpu.memory_space<semaphore_mem>>) {add = true}
      %dma_wait3A_206 = arith.constant 0 : i32
      %dma_wait3A_207 = arith.constant 0 : i32
      %dma_wait3A_208 = tpu.memref_slice %arg7[%dma_wait3A_206, %dma_wait3A_207] : memref<10240x128xf32, #tpu.memory_space<vmem_shared>> -> memref<10240x128xf32, #tpu.memory_space<vmem_shared>>
      tpu.wait_indirect_dma semaphore(%arg32 : memref<!tpu.dma_semaphore, #tpu.memory_space<semaphore_mem>>) src(%arg22 : memref<64x128xf32, #tpu.memory_space<vmem>>) dst(%dma_wait3A_208 : memref<10240x128xf32, #tpu.memory_space<vmem_shared>>)
      %add3A_209 = arith.constant 2 : i32
      %add3A_210 = arith.addi %add3A_199, %add3A_209 : i32
      %mul3A_211 = arith.constant 64 : i32
      %mul3A_212 = arith.muli %add3A_210, %mul3A_211 : i32
      %add3A_213 = arith.addi %mul3A_4, %mul3A_212 : i32
      "tpu.region"() ({
        %run_scoped3A = tpu.sem_alloc : memref<!tpu.dma_semaphore, #tpu.memory_space<semaphore_mem>>
        %dma_start3A_259 = tpu.memref_slice %arg3[%add3A_213] : memref<327680xi32, #tpu.memory_space<hbm>> -> memref<64xi32, #tpu.memory_space<hbm>>
        %dma_start3A_260 = tpu.memref_slice %arg3[%add3A_213] : memref<327680xi32, #tpu.memory_space<hbm>> -> memref<64xi32, #tpu.memory_space<hbm>>
        tpu.enqueue_dma source(%dma_start3A_260 : memref<64xi32, #tpu.memory_space<hbm>>) target(%arg12 : memref<64xi32, #tpu.memory_space<vmem>>) target_semaphore(%run_scoped3A : memref<!tpu.dma_semaphore, #tpu.memory_space<semaphore_mem>>)
        %dma_wait3A_261 = tpu.memref_slice %arg3[%add3A_213] : memref<327680xi32, #tpu.memory_space<hbm>> -> memref<64xi32, #tpu.memory_space<hbm>>
        %dma_wait3A_262 = tpu.memref_slice %arg3[%add3A_213] : memref<327680xi32, #tpu.memory_space<hbm>> -> memref<64xi32, #tpu.memory_space<hbm>>
        tpu.wait_dma2 semaphore(%run_scoped3A : memref<!tpu.dma_semaphore, #tpu.memory_space<semaphore_mem>>) src(%dma_wait3A_262 : memref<64xi32, #tpu.memory_space<hbm>>) dst(%arg12 : memref<64xi32, #tpu.memory_space<vmem>>)
        tpu.yield
      }) : () -> ()
      "tpu.region"() ({
        %run_scoped3A = tpu.sem_alloc : memref<!tpu.dma_semaphore, #tpu.memory_space<semaphore_mem>>
        %dma_start3A_259 = tpu.memref_slice %arg4[%add3A_213] : memref<327680xi32, #tpu.memory_space<hbm>> -> memref<64xi32, #tpu.memory_space<hbm>>
        %dma_start3A_260 = tpu.memref_slice %arg4[%add3A_213] : memref<327680xi32, #tpu.memory_space<hbm>> -> memref<64xi32, #tpu.memory_space<hbm>>
        tpu.enqueue_dma source(%dma_start3A_260 : memref<64xi32, #tpu.memory_space<hbm>>) target(%arg17 : memref<64xi32, #tpu.memory_space<vmem>>) target_semaphore(%run_scoped3A : memref<!tpu.dma_semaphore, #tpu.memory_space<semaphore_mem>>)
        %dma_wait3A_261 = tpu.memref_slice %arg4[%add3A_213] : memref<327680xi32, #tpu.memory_space<hbm>> -> memref<64xi32, #tpu.memory_space<hbm>>
        %dma_wait3A_262 = tpu.memref_slice %arg4[%add3A_213] : memref<327680xi32, #tpu.memory_space<hbm>> -> memref<64xi32, #tpu.memory_space<hbm>>
        tpu.wait_dma2 semaphore(%run_scoped3A : memref<!tpu.dma_semaphore, #tpu.memory_space<semaphore_mem>>) src(%dma_wait3A_262 : memref<64xi32, #tpu.memory_space<hbm>>) dst(%arg17 : memref<64xi32, #tpu.memory_space<vmem>>)
        tpu.yield
      }) : () -> ()
      %dma_start3A_214 = arith.constant 0 : i32
      %dma_start3A_215 = arith.constant 0 : i32
      %dma_start3A_216 = tpu.memref_slice %arg2[%dma_start3A_214, %dma_start3A_215] : memref<10000x128xf32, #tpu.memory_space<hbm>> -> memref<10000x128xf32, #tpu.memory_space<hbm>>
      tpu.enqueue_indirect_dma source(%dma_start3A_216 : memref<10000x128xf32, #tpu.memory_space<hbm>>) target(%arg22 : memref<64x128xf32, #tpu.memory_space<vmem>>) offsets(%arg12 : memref<64xi32, #tpu.memory_space<vmem>>) semaphore(%arg27 : memref<!tpu.dma_semaphore, #tpu.memory_space<semaphore_mem>>)
      %mul3A_217 = arith.constant 5 : i32
      %mul3A_218 = arith.muli %mul3A_217, %scan3A_153 : i32
      %add3A_219 = arith.constant 3 : i32
      %add3A_220 = arith.addi %mul3A_218, %add3A_219 : i32
      %dma_wait3A_221 = arith.constant 0 : i32
      %dma_wait3A_222 = arith.constant 0 : i32
      %dma_wait3A_223 = tpu.memref_slice %arg2[%dma_wait3A_221, %dma_wait3A_222] : memref<10000x128xf32, #tpu.memory_space<hbm>> -> memref<10000x128xf32, #tpu.memory_space<hbm>>
      tpu.wait_indirect_dma semaphore(%arg26 : memref<!tpu.dma_semaphore, #tpu.memory_space<semaphore_mem>>) src(%dma_wait3A_223 : memref<10000x128xf32, #tpu.memory_space<hbm>>) dst(%arg21 : memref<64x128xf32, #tpu.memory_space<vmem>>)
      %dma_start3A_224 = arith.constant 0 : i32
      %dma_start3A_225 = arith.constant 0 : i32
      %dma_start3A_226 = tpu.memref_slice %arg7[%dma_start3A_224, %dma_start3A_225] : memref<10240x128xf32, #tpu.memory_space<vmem_shared>> -> memref<10240x128xf32, #tpu.memory_space<vmem_shared>>
      tpu.enqueue_indirect_dma source(%arg21 : memref<64x128xf32, #tpu.memory_space<vmem>>) target(%dma_start3A_226 : memref<10240x128xf32, #tpu.memory_space<vmem_shared>>) offsets(%arg16 : memref<64xi32, #tpu.memory_space<vmem>>) semaphore(%arg31 : memref<!tpu.dma_semaphore, #tpu.memory_space<semaphore_mem>>) {add = true}
      %dma_wait3A_227 = arith.constant 0 : i32
      %dma_wait3A_228 = arith.constant 0 : i32
      %dma_wait3A_229 = tpu.memref_slice %arg7[%dma_wait3A_227, %dma_wait3A_228] : memref<10240x128xf32, #tpu.memory_space<vmem_shared>> -> memref<10240x128xf32, #tpu.memory_space<vmem_shared>>
      tpu.wait_indirect_dma semaphore(%arg28 : memref<!tpu.dma_semaphore, #tpu.memory_space<semaphore_mem>>) src(%arg18 : memref<64x128xf32, #tpu.memory_space<vmem>>) dst(%dma_wait3A_229 : memref<10240x128xf32, #tpu.memory_space<vmem_shared>>)
      %add3A_230 = arith.constant 2 : i32
      %add3A_231 = arith.addi %add3A_220, %add3A_230 : i32
      %mul3A_232 = arith.constant 64 : i32
      %mul3A_233 = arith.muli %add3A_231, %mul3A_232 : i32
      %add3A_234 = arith.addi %mul3A_4, %mul3A_233 : i32
      "tpu.region"() ({
        %run_scoped3A = tpu.sem_alloc : memref<!tpu.dma_semaphore, #tpu.memory_space<semaphore_mem>>
        %dma_start3A_259 = tpu.memref_slice %arg3[%add3A_234] : memref<327680xi32, #tpu.memory_space<hbm>> -> memref<64xi32, #tpu.memory_space<hbm>>
        %dma_start3A_260 = tpu.memref_slice %arg3[%add3A_234] : memref<327680xi32, #tpu.memory_space<hbm>> -> memref<64xi32, #tpu.memory_space<hbm>>
        tpu.enqueue_dma source(%dma_start3A_260 : memref<64xi32, #tpu.memory_space<hbm>>) target(%arg8 : memref<64xi32, #tpu.memory_space<vmem>>) target_semaphore(%run_scoped3A : memref<!tpu.dma_semaphore, #tpu.memory_space<semaphore_mem>>)
        %dma_wait3A_261 = tpu.memref_slice %arg3[%add3A_234] : memref<327680xi32, #tpu.memory_space<hbm>> -> memref<64xi32, #tpu.memory_space<hbm>>
        %dma_wait3A_262 = tpu.memref_slice %arg3[%add3A_234] : memref<327680xi32, #tpu.memory_space<hbm>> -> memref<64xi32, #tpu.memory_space<hbm>>
        tpu.wait_dma2 semaphore(%run_scoped3A : memref<!tpu.dma_semaphore, #tpu.memory_space<semaphore_mem>>) src(%dma_wait3A_262 : memref<64xi32, #tpu.memory_space<hbm>>) dst(%arg8 : memref<64xi32, #tpu.memory_space<vmem>>)
        tpu.yield
      }) : () -> ()
      "tpu.region"() ({
        %run_scoped3A = tpu.sem_alloc : memref<!tpu.dma_semaphore, #tpu.memory_space<semaphore_mem>>
        %dma_start3A_259 = tpu.memref_slice %arg4[%add3A_234] : memref<327680xi32, #tpu.memory_space<hbm>> -> memref<64xi32, #tpu.memory_space<hbm>>
        %dma_start3A_260 = tpu.memref_slice %arg4[%add3A_234] : memref<327680xi32, #tpu.memory_space<hbm>> -> memref<64xi32, #tpu.memory_space<hbm>>
        tpu.enqueue_dma source(%dma_start3A_260 : memref<64xi32, #tpu.memory_space<hbm>>) target(%arg13 : memref<64xi32, #tpu.memory_space<vmem>>) target_semaphore(%run_scoped3A : memref<!tpu.dma_semaphore, #tpu.memory_space<semaphore_mem>>)
        %dma_wait3A_261 = tpu.memref_slice %arg4[%add3A_234] : memref<327680xi32, #tpu.memory_space<hbm>> -> memref<64xi32, #tpu.memory_space<hbm>>
        %dma_wait3A_262 = tpu.memref_slice %arg4[%add3A_234] : memref<327680xi32, #tpu.memory_space<hbm>> -> memref<64xi32, #tpu.memory_space<hbm>>
        tpu.wait_dma2 semaphore(%run_scoped3A : memref<!tpu.dma_semaphore, #tpu.memory_space<semaphore_mem>>) src(%dma_wait3A_262 : memref<64xi32, #tpu.memory_space<hbm>>) dst(%arg13 : memref<64xi32, #tpu.memory_space<vmem>>)
        tpu.yield
      }) : () -> ()
      %dma_start3A_235 = arith.constant 0 : i32
      %dma_start3A_236 = arith.constant 0 : i32
      %dma_start3A_237 = tpu.memref_slice %arg2[%dma_start3A_235, %dma_start3A_236] : memref<10000x128xf32, #tpu.memory_space<hbm>> -> memref<10000x128xf32, #tpu.memory_space<hbm>>
      tpu.enqueue_indirect_dma source(%dma_start3A_237 : memref<10000x128xf32, #tpu.memory_space<hbm>>) target(%arg18 : memref<64x128xf32, #tpu.memory_space<vmem>>) offsets(%arg8 : memref<64xi32, #tpu.memory_space<vmem>>) semaphore(%arg23 : memref<!tpu.dma_semaphore, #tpu.memory_space<semaphore_mem>>)
      %mul3A_238 = arith.constant 5 : i32
      %mul3A_239 = arith.muli %mul3A_238, %scan3A_153 : i32
      %add3A_240 = arith.constant 4 : i32
      %add3A_241 = arith.addi %mul3A_239, %add3A_240 : i32
      %dma_wait3A_242 = arith.constant 0 : i32
      %dma_wait3A_243 = arith.constant 0 : i32
      %dma_wait3A_244 = tpu.memref_slice %arg2[%dma_wait3A_242, %dma_wait3A_243] : memref<10000x128xf32, #tpu.memory_space<hbm>> -> memref<10000x128xf32, #tpu.memory_space<hbm>>
      tpu.wait_indirect_dma semaphore(%arg27 : memref<!tpu.dma_semaphore, #tpu.memory_space<semaphore_mem>>) src(%dma_wait3A_244 : memref<10000x128xf32, #tpu.memory_space<hbm>>) dst(%arg22 : memref<64x128xf32, #tpu.memory_space<vmem>>)
      %dma_start3A_245 = arith.constant 0 : i32
      %dma_start3A_246 = arith.constant 0 : i32
      %dma_start3A_247 = tpu.memref_slice %arg7[%dma_start3A_245, %dma_start3A_246] : memref<10240x128xf32, #tpu.memory_space<vmem_shared>> -> memref<10240x128xf32, #tpu.memory_space<vmem_shared>>
      tpu.enqueue_indirect_dma source(%arg22 : memref<64x128xf32, #tpu.memory_space<vmem>>) target(%dma_start3A_247 : memref<10240x128xf32, #tpu.memory_space<vmem_shared>>) offsets(%arg17 : memref<64xi32, #tpu.memory_space<vmem>>) semaphore(%arg32 : memref<!tpu.dma_semaphore, #tpu.memory_space<semaphore_mem>>) {add = true}
      %dma_wait3A_248 = arith.constant 0 : i32
      %dma_wait3A_249 = arith.constant 0 : i32
      %dma_wait3A_250 = tpu.memref_slice %arg7[%dma_wait3A_248, %dma_wait3A_249] : memref<10240x128xf32, #tpu.memory_space<vmem_shared>> -> memref<10240x128xf32, #tpu.memory_space<vmem_shared>>
      tpu.wait_indirect_dma semaphore(%arg29 : memref<!tpu.dma_semaphore, #tpu.memory_space<semaphore_mem>>) src(%arg19 : memref<64x128xf32, #tpu.memory_space<vmem>>) dst(%dma_wait3A_250 : memref<10240x128xf32, #tpu.memory_space<vmem_shared>>)
      %add3A_251 = arith.constant 2 : i32
      %add3A_252 = arith.addi %add3A_241, %add3A_251 : i32
      %mul3A_253 = arith.constant 64 : i32
      %mul3A_254 = arith.muli %add3A_252, %mul3A_253 : i32
      %add3A_255 = arith.addi %mul3A_4, %mul3A_254 : i32
      "tpu.region"() ({
        %run_scoped3A = tpu.sem_alloc : memref<!tpu.dma_semaphore, #tpu.memory_space<semaphore_mem>>
        %dma_start3A_259 = tpu.memref_slice %arg3[%add3A_255] : memref<327680xi32, #tpu.memory_space<hbm>> -> memref<64xi32, #tpu.memory_space<hbm>>
        %dma_start3A_260 = tpu.memref_slice %arg3[%add3A_255] : memref<327680xi32, #tpu.memory_space<hbm>> -> memref<64xi32, #tpu.memory_space<hbm>>
        tpu.enqueue_dma source(%dma_start3A_260 : memref<64xi32, #tpu.memory_space<hbm>>) target(%arg9 : memref<64xi32, #tpu.memory_space<vmem>>) target_semaphore(%run_scoped3A : memref<!tpu.dma_semaphore, #tpu.memory_space<semaphore_mem>>)
        %dma_wait3A_261 = tpu.memref_slice %arg3[%add3A_255] : memref<327680xi32, #tpu.memory_space<hbm>> -> memref<64xi32, #tpu.memory_space<hbm>>
        %dma_wait3A_262 = tpu.memref_slice %arg3[%add3A_255] : memref<327680xi32, #tpu.memory_space<hbm>> -> memref<64xi32, #tpu.memory_space<hbm>>
        tpu.wait_dma2 semaphore(%run_scoped3A : memref<!tpu.dma_semaphore, #tpu.memory_space<semaphore_mem>>) src(%dma_wait3A_262 : memref<64xi32, #tpu.memory_space<hbm>>) dst(%arg9 : memref<64xi32, #tpu.memory_space<vmem>>)
        tpu.yield
      }) : () -> ()
      "tpu.region"() ({
        %run_scoped3A = tpu.sem_alloc : memref<!tpu.dma_semaphore, #tpu.memory_space<semaphore_mem>>
        %dma_start3A_259 = tpu.memref_slice %arg4[%add3A_255] : memref<327680xi32, #tpu.memory_space<hbm>> -> memref<64xi32, #tpu.memory_space<hbm>>
        %dma_start3A_260 = tpu.memref_slice %arg4[%add3A_255] : memref<327680xi32, #tpu.memory_space<hbm>> -> memref<64xi32, #tpu.memory_space<hbm>>
        tpu.enqueue_dma source(%dma_start3A_260 : memref<64xi32, #tpu.memory_space<hbm>>) target(%arg14 : memref<64xi32, #tpu.memory_space<vmem>>) target_semaphore(%run_scoped3A : memref<!tpu.dma_semaphore, #tpu.memory_space<semaphore_mem>>)
        %dma_wait3A_261 = tpu.memref_slice %arg4[%add3A_255] : memref<327680xi32, #tpu.memory_space<hbm>> -> memref<64xi32, #tpu.memory_space<hbm>>
        %dma_wait3A_262 = tpu.memref_slice %arg4[%add3A_255] : memref<327680xi32, #tpu.memory_space<hbm>> -> memref<64xi32, #tpu.memory_space<hbm>>
        tpu.wait_dma2 semaphore(%run_scoped3A : memref<!tpu.dma_semaphore, #tpu.memory_space<semaphore_mem>>) src(%dma_wait3A_262 : memref<64xi32, #tpu.memory_space<hbm>>) dst(%arg14 : memref<64xi32, #tpu.memory_space<vmem>>)
        tpu.yield
      }) : () -> ()
      %dma_start3A_256 = arith.constant 0 : i32
      %dma_start3A_257 = arith.constant 0 : i32
      %dma_start3A_258 = tpu.memref_slice %arg2[%dma_start3A_256, %dma_start3A_257] : memref<10000x128xf32, #tpu.memory_space<hbm>> -> memref<10000x128xf32, #tpu.memory_space<hbm>>
      tpu.enqueue_indirect_dma source(%dma_start3A_258 : memref<10000x128xf32, #tpu.memory_space<hbm>>) target(%arg19 : memref<64x128xf32, #tpu.memory_space<vmem>>) offsets(%arg9 : memref<64xi32, #tpu.memory_space<vmem>>) semaphore(%arg24 : memref<!tpu.dma_semaphore, #tpu.memory_space<semaphore_mem>>)
    }
    %scan3A_78 = arith.constant 30 : i32
    %dma_wait3A_79 = arith.constant 0 : i32
    %dma_wait3A_80 = arith.constant 0 : i32
    %dma_wait3A_81 = tpu.memref_slice %arg2[%dma_wait3A_79, %dma_wait3A_80] : memref<10000x128xf32, #tpu.memory_space<hbm>> -> memref<10000x128xf32, #tpu.memory_space<hbm>>
    tpu.wait_indirect_dma semaphore(%arg23 : memref<!tpu.dma_semaphore, #tpu.memory_space<semaphore_mem>>) src(%dma_wait3A_81 : memref<10000x128xf32, #tpu.memory_space<hbm>>) dst(%arg18 : memref<64x128xf32, #tpu.memory_space<vmem>>)
    %dma_start3A_82 = arith.constant 0 : i32
    %dma_start3A_83 = arith.constant 0 : i32
    %dma_start3A_84 = tpu.memref_slice %arg7[%dma_start3A_82, %dma_start3A_83] : memref<10240x128xf32, #tpu.memory_space<vmem_shared>> -> memref<10240x128xf32, #tpu.memory_space<vmem_shared>>
    tpu.enqueue_indirect_dma source(%arg18 : memref<64x128xf32, #tpu.memory_space<vmem>>) target(%dma_start3A_84 : memref<10240x128xf32, #tpu.memory_space<vmem_shared>>) offsets(%arg13 : memref<64xi32, #tpu.memory_space<vmem>>) semaphore(%arg28 : memref<!tpu.dma_semaphore, #tpu.memory_space<semaphore_mem>>) {add = true}
    %dma_wait3A_85 = arith.constant 0 : i32
    %dma_wait3A_86 = arith.constant 0 : i32
    %dma_wait3A_87 = tpu.memref_slice %arg7[%dma_wait3A_85, %dma_wait3A_86] : memref<10240x128xf32, #tpu.memory_space<vmem_shared>> -> memref<10240x128xf32, #tpu.memory_space<vmem_shared>>
    tpu.wait_indirect_dma semaphore(%arg30 : memref<!tpu.dma_semaphore, #tpu.memory_space<semaphore_mem>>) src(%arg20 : memref<64x128xf32, #tpu.memory_space<vmem>>) dst(%dma_wait3A_87 : memref<10240x128xf32, #tpu.memory_space<vmem_shared>>)
    %add3A_88 = arith.constant 10048 : i32
    %add3A_89 = arith.addi %mul3A_4, %add3A_88 : i32
    "tpu.region"() ({
      %run_scoped3A = tpu.sem_alloc : memref<!tpu.dma_semaphore, #tpu.memory_space<semaphore_mem>>
      %dma_start3A_153 = tpu.memref_slice %arg3[%add3A_89] : memref<327680xi32, #tpu.memory_space<hbm>> -> memref<64xi32, #tpu.memory_space<hbm>>
      %dma_start3A_154 = tpu.memref_slice %arg3[%add3A_89] : memref<327680xi32, #tpu.memory_space<hbm>> -> memref<64xi32, #tpu.memory_space<hbm>>
      tpu.enqueue_dma source(%dma_start3A_154 : memref<64xi32, #tpu.memory_space<hbm>>) target(%arg10 : memref<64xi32, #tpu.memory_space<vmem>>) target_semaphore(%run_scoped3A : memref<!tpu.dma_semaphore, #tpu.memory_space<semaphore_mem>>)
      %dma_wait3A_155 = tpu.memref_slice %arg3[%add3A_89] : memref<327680xi32, #tpu.memory_space<hbm>> -> memref<64xi32, #tpu.memory_space<hbm>>
      %dma_wait3A_156 = tpu.memref_slice %arg3[%add3A_89] : memref<327680xi32, #tpu.memory_space<hbm>> -> memref<64xi32, #tpu.memory_space<hbm>>
      tpu.wait_dma2 semaphore(%run_scoped3A : memref<!tpu.dma_semaphore, #tpu.memory_space<semaphore_mem>>) src(%dma_wait3A_156 : memref<64xi32, #tpu.memory_space<hbm>>) dst(%arg10 : memref<64xi32, #tpu.memory_space<vmem>>)
      tpu.yield
    }) : () -> ()
    "tpu.region"() ({
      %run_scoped3A = tpu.sem_alloc : memref<!tpu.dma_semaphore, #tpu.memory_space<semaphore_mem>>
      %dma_start3A_153 = tpu.memref_slice %arg4[%add3A_89] : memref<327680xi32, #tpu.memory_space<hbm>> -> memref<64xi32, #tpu.memory_space<hbm>>
      %dma_start3A_154 = tpu.memref_slice %arg4[%add3A_89] : memref<327680xi32, #tpu.memory_space<hbm>> -> memref<64xi32, #tpu.memory_space<hbm>>
      tpu.enqueue_dma source(%dma_start3A_154 : memref<64xi32, #tpu.memory_space<hbm>>) target(%arg15 : memref<64xi32, #tpu.memory_space<vmem>>) target_semaphore(%run_scoped3A : memref<!tpu.dma_semaphore, #tpu.memory_space<semaphore_mem>>)
      %dma_wait3A_155 = tpu.memref_slice %arg4[%add3A_89] : memref<327680xi32, #tpu.memory_space<hbm>> -> memref<64xi32, #tpu.memory_space<hbm>>
      %dma_wait3A_156 = tpu.memref_slice %arg4[%add3A_89] : memref<327680xi32, #tpu.memory_space<hbm>> -> memref<64xi32, #tpu.memory_space<hbm>>
      tpu.wait_dma2 semaphore(%run_scoped3A : memref<!tpu.dma_semaphore, #tpu.memory_space<semaphore_mem>>) src(%dma_wait3A_156 : memref<64xi32, #tpu.memory_space<hbm>>) dst(%arg15 : memref<64xi32, #tpu.memory_space<vmem>>)
      tpu.yield
    }) : () -> ()
    %dma_start3A_90 = arith.constant 0 : i32
    %dma_start3A_91 = arith.constant 0 : i32
    %dma_start3A_92 = tpu.memref_slice %arg2[%dma_start3A_90, %dma_start3A_91] : memref<10000x128xf32, #tpu.memory_space<hbm>> -> memref<10000x128xf32, #tpu.memory_space<hbm>>
    tpu.enqueue_indirect_dma source(%dma_start3A_92 : memref<10000x128xf32, #tpu.memory_space<hbm>>) target(%arg20 : memref<64x128xf32, #tpu.memory_space<vmem>>) offsets(%arg10 : memref<64xi32, #tpu.memory_space<vmem>>) semaphore(%arg25 : memref<!tpu.dma_semaphore, #tpu.memory_space<semaphore_mem>>)
    %dma_wait3A_93 = arith.constant 0 : i32
    %dma_wait3A_94 = arith.constant 0 : i32
    %dma_wait3A_95 = tpu.memref_slice %arg2[%dma_wait3A_93, %dma_wait3A_94] : memref<10000x128xf32, #tpu.memory_space<hbm>> -> memref<10000x128xf32, #tpu.memory_space<hbm>>
    tpu.wait_indirect_dma semaphore(%arg24 : memref<!tpu.dma_semaphore, #tpu.memory_space<semaphore_mem>>) src(%dma_wait3A_95 : memref<10000x128xf32, #tpu.memory_space<hbm>>) dst(%arg19 : memref<64x128xf32, #tpu.memory_space<vmem>>)
    %dma_start3A_96 = arith.constant 0 : i32
    %dma_start3A_97 = arith.constant 0 : i32
    %dma_start3A_98 = tpu.memref_slice %arg7[%dma_start3A_96, %dma_start3A_97] : memref<10240x128xf32, #tpu.memory_space<vmem_shared>> -> memref<10240x128xf32, #tpu.memory_space<vmem_shared>>
    tpu.enqueue_indirect_dma source(%arg19 : memref<64x128xf32, #tpu.memory_space<vmem>>) target(%dma_start3A_98 : memref<10240x128xf32, #tpu.memory_space<vmem_shared>>) offsets(%arg14 : memref<64xi32, #tpu.memory_space<vmem>>) semaphore(%arg29 : memref<!tpu.dma_semaphore, #tpu.memory_space<semaphore_mem>>) {add = true}
    %dma_wait3A_99 = arith.constant 0 : i32
    %dma_wait3A_100 = arith.constant 0 : i32
    %dma_wait3A_101 = tpu.memref_slice %arg7[%dma_wait3A_99, %dma_wait3A_100] : memref<10240x128xf32, #tpu.memory_space<vmem_shared>> -> memref<10240x128xf32, #tpu.memory_space<vmem_shared>>
    tpu.wait_indirect_dma semaphore(%arg31 : memref<!tpu.dma_semaphore, #tpu.memory_space<semaphore_mem>>) src(%arg21 : memref<64x128xf32, #tpu.memory_space<vmem>>) dst(%dma_wait3A_101 : memref<10240x128xf32, #tpu.memory_space<vmem_shared>>)
    %add3A_102 = arith.constant 10112 : i32
    %add3A_103 = arith.addi %mul3A_4, %add3A_102 : i32
    "tpu.region"() ({
      %run_scoped3A = tpu.sem_alloc : memref<!tpu.dma_semaphore, #tpu.memory_space<semaphore_mem>>
      %dma_start3A_153 = tpu.memref_slice %arg3[%add3A_103] : memref<327680xi32, #tpu.memory_space<hbm>> -> memref<64xi32, #tpu.memory_space<hbm>>
      %dma_start3A_154 = tpu.memref_slice %arg3[%add3A_103] : memref<327680xi32, #tpu.memory_space<hbm>> -> memref<64xi32, #tpu.memory_space<hbm>>
      tpu.enqueue_dma source(%dma_start3A_154 : memref<64xi32, #tpu.memory_space<hbm>>) target(%arg11 : memref<64xi32, #tpu.memory_space<vmem>>) target_semaphore(%run_scoped3A : memref<!tpu.dma_semaphore, #tpu.memory_space<semaphore_mem>>)
      %dma_wait3A_155 = tpu.memref_slice %arg3[%add3A_103] : memref<327680xi32, #tpu.memory_space<hbm>> -> memref<64xi32, #tpu.memory_space<hbm>>
      %dma_wait3A_156 = tpu.memref_slice %arg3[%add3A_103] : memref<327680xi32, #tpu.memory_space<hbm>> -> memref<64xi32, #tpu.memory_space<hbm>>
      tpu.wait_dma2 semaphore(%run_scoped3A : memref<!tpu.dma_semaphore, #tpu.memory_space<semaphore_mem>>) src(%dma_wait3A_156 : memref<64xi32, #tpu.memory_space<hbm>>) dst(%arg11 : memref<64xi32, #tpu.memory_space<vmem>>)
      tpu.yield
    }) : () -> ()
    "tpu.region"() ({
      %run_scoped3A = tpu.sem_alloc : memref<!tpu.dma_semaphore, #tpu.memory_space<semaphore_mem>>
      %dma_start3A_153 = tpu.memref_slice %arg4[%add3A_103] : memref<327680xi32, #tpu.memory_space<hbm>> -> memref<64xi32, #tpu.memory_space<hbm>>
      %dma_start3A_154 = tpu.memref_slice %arg4[%add3A_103] : memref<327680xi32, #tpu.memory_space<hbm>> -> memref<64xi32, #tpu.memory_space<hbm>>
      tpu.enqueue_dma source(%dma_start3A_154 : memref<64xi32, #tpu.memory_space<hbm>>) target(%arg16 : memref<64xi32, #tpu.memory_space<vmem>>) target_semaphore(%run_scoped3A : memref<!tpu.dma_semaphore, #tpu.memory_space<semaphore_mem>>)
      %dma_wait3A_155 = tpu.memref_slice %arg4[%add3A_103] : memref<327680xi32, #tpu.memory_space<hbm>> -> memref<64xi32, #tpu.memory_space<hbm>>
      %dma_wait3A_156 = tpu.memref_slice %arg4[%add3A_103] : memref<327680xi32, #tpu.memory_space<hbm>> -> memref<64xi32, #tpu.memory_space<hbm>>
      tpu.wait_dma2 semaphore(%run_scoped3A : memref<!tpu.dma_semaphore, #tpu.memory_space<semaphore_mem>>) src(%dma_wait3A_156 : memref<64xi32, #tpu.memory_space<hbm>>) dst(%arg16 : memref<64xi32, #tpu.memory_space<vmem>>)
      tpu.yield
    }) : () -> ()
    %dma_start3A_104 = arith.constant 0 : i32
    %dma_start3A_105 = arith.constant 0 : i32
    %dma_start3A_106 = tpu.memref_slice %arg2[%dma_start3A_104, %dma_start3A_105] : memref<10000x128xf32, #tpu.memory_space<hbm>> -> memref<10000x128xf32, #tpu.memory_space<hbm>>
    tpu.enqueue_indirect_dma source(%dma_start3A_106 : memref<10000x128xf32, #tpu.memory_space<hbm>>) target(%arg21 : memref<64x128xf32, #tpu.memory_space<vmem>>) offsets(%arg11 : memref<64xi32, #tpu.memory_space<vmem>>) semaphore(%arg26 : memref<!tpu.dma_semaphore, #tpu.memory_space<semaphore_mem>>)
    %dma_wait3A_107 = arith.constant 0 : i32
    %dma_wait3A_108 = arith.constant 0 : i32
    %dma_wait3A_109 = tpu.memref_slice %arg2[%dma_wait3A_107, %dma_wait3A_108] : memref<10000x128xf32, #tpu.memory_space<hbm>> -> memref<10000x128xf32, #tpu.memory_space<hbm>>
    tpu.wait_indirect_dma semaphore(%arg25 : memref<!tpu.dma_semaphore, #tpu.memory_space<semaphore_mem>>) src(%dma_wait3A_109 : memref<10000x128xf32, #tpu.memory_space<hbm>>) dst(%arg20 : memref<64x128xf32, #tpu.memory_space<vmem>>)
    %dma_start3A_110 = arith.constant 0 : i32
    %dma_start3A_111 = arith.constant 0 : i32
    %dma_start3A_112 = tpu.memref_slice %arg7[%dma_start3A_110, %dma_start3A_111] : memref<10240x128xf32, #tpu.memory_space<vmem_shared>> -> memref<10240x128xf32, #tpu.memory_space<vmem_shared>>
    tpu.enqueue_indirect_dma source(%arg20 : memref<64x128xf32, #tpu.memory_space<vmem>>) target(%dma_start3A_112 : memref<10240x128xf32, #tpu.memory_space<vmem_shared>>) offsets(%arg15 : memref<64xi32, #tpu.memory_space<vmem>>) semaphore(%arg30 : memref<!tpu.dma_semaphore, #tpu.memory_space<semaphore_mem>>) {add = true}
    %dma_wait3A_113 = arith.constant 0 : i32
    %dma_wait3A_114 = arith.constant 0 : i32
    %dma_wait3A_115 = tpu.memref_slice %arg7[%dma_wait3A_113, %dma_wait3A_114] : memref<10240x128xf32, #tpu.memory_space<vmem_shared>> -> memref<10240x128xf32, #tpu.memory_space<vmem_shared>>
    tpu.wait_indirect_dma semaphore(%arg32 : memref<!tpu.dma_semaphore, #tpu.memory_space<semaphore_mem>>) src(%arg22 : memref<64x128xf32, #tpu.memory_space<vmem>>) dst(%dma_wait3A_115 : memref<10240x128xf32, #tpu.memory_space<vmem_shared>>)
    %add3A_116 = arith.constant 10176 : i32
    %add3A_117 = arith.addi %mul3A_4, %add3A_116 : i32
    "tpu.region"() ({
      %run_scoped3A = tpu.sem_alloc : memref<!tpu.dma_semaphore, #tpu.memory_space<semaphore_mem>>
      %dma_start3A_153 = tpu.memref_slice %arg3[%add3A_117] : memref<327680xi32, #tpu.memory_space<hbm>> -> memref<64xi32, #tpu.memory_space<hbm>>
      %dma_start3A_154 = tpu.memref_slice %arg3[%add3A_117] : memref<327680xi32, #tpu.memory_space<hbm>> -> memref<64xi32, #tpu.memory_space<hbm>>
      tpu.enqueue_dma source(%dma_start3A_154 : memref<64xi32, #tpu.memory_space<hbm>>) target(%arg12 : memref<64xi32, #tpu.memory_space<vmem>>) target_semaphore(%run_scoped3A : memref<!tpu.dma_semaphore, #tpu.memory_space<semaphore_mem>>)
      %dma_wait3A_155 = tpu.memref_slice %arg3[%add3A_117] : memref<327680xi32, #tpu.memory_space<hbm>> -> memref<64xi32, #tpu.memory_space<hbm>>
      %dma_wait3A_156 = tpu.memref_slice %arg3[%add3A_117] : memref<327680xi32, #tpu.memory_space<hbm>> -> memref<64xi32, #tpu.memory_space<hbm>>
      tpu.wait_dma2 semaphore(%run_scoped3A : memref<!tpu.dma_semaphore, #tpu.memory_space<semaphore_mem>>) src(%dma_wait3A_156 : memref<64xi32, #tpu.memory_space<hbm>>) dst(%arg12 : memref<64xi32, #tpu.memory_space<vmem>>)
      tpu.yield
    }) : () -> ()
    "tpu.region"() ({
      %run_scoped3A = tpu.sem_alloc : memref<!tpu.dma_semaphore, #tpu.memory_space<semaphore_mem>>
      %dma_start3A_153 = tpu.memref_slice %arg4[%add3A_117] : memref<327680xi32, #tpu.memory_space<hbm>> -> memref<64xi32, #tpu.memory_space<hbm>>
      %dma_start3A_154 = tpu.memref_slice %arg4[%add3A_117] : memref<327680xi32, #tpu.memory_space<hbm>> -> memref<64xi32, #tpu.memory_space<hbm>>
      tpu.enqueue_dma source(%dma_start3A_154 : memref<64xi32, #tpu.memory_space<hbm>>) target(%arg17 : memref<64xi32, #tpu.memory_space<vmem>>) target_semaphore(%run_scoped3A : memref<!tpu.dma_semaphore, #tpu.memory_space<semaphore_mem>>)
      %dma_wait3A_155 = tpu.memref_slice %arg4[%add3A_117] : memref<327680xi32, #tpu.memory_space<hbm>> -> memref<64xi32, #tpu.memory_space<hbm>>
      %dma_wait3A_156 = tpu.memref_slice %arg4[%add3A_117] : memref<327680xi32, #tpu.memory_space<hbm>> -> memref<64xi32, #tpu.memory_space<hbm>>
      tpu.wait_dma2 semaphore(%run_scoped3A : memref<!tpu.dma_semaphore, #tpu.memory_space<semaphore_mem>>) src(%dma_wait3A_156 : memref<64xi32, #tpu.memory_space<hbm>>) dst(%arg17 : memref<64xi32, #tpu.memory_space<vmem>>)
      tpu.yield
    }) : () -> ()
    %dma_start3A_118 = arith.constant 0 : i32
    %dma_start3A_119 = arith.constant 0 : i32
    %dma_start3A_120 = tpu.memref_slice %arg2[%dma_start3A_118, %dma_start3A_119] : memref<10000x128xf32, #tpu.memory_space<hbm>> -> memref<10000x128xf32, #tpu.memory_space<hbm>>
    tpu.enqueue_indirect_dma source(%dma_start3A_120 : memref<10000x128xf32, #tpu.memory_space<hbm>>) target(%arg22 : memref<64x128xf32, #tpu.memory_space<vmem>>) offsets(%arg12 : memref<64xi32, #tpu.memory_space<vmem>>) semaphore(%arg27 : memref<!tpu.dma_semaphore, #tpu.memory_space<semaphore_mem>>)
    %dma_wait3A_121 = arith.constant 0 : i32
    %dma_wait3A_122 = arith.constant 0 : i32
    %dma_wait3A_123 = tpu.memref_slice %arg2[%dma_wait3A_121, %dma_wait3A_122] : memref<10000x128xf32, #tpu.memory_space<hbm>> -> memref<10000x128xf32, #tpu.memory_space<hbm>>
    tpu.wait_indirect_dma semaphore(%arg26 : memref<!tpu.dma_semaphore, #tpu.memory_space<semaphore_mem>>) src(%dma_wait3A_123 : memref<10000x128xf32, #tpu.memory_space<hbm>>) dst(%arg21 : memref<64x128xf32, #tpu.memory_space<vmem>>)
    %dma_start3A_124 = arith.constant 0 : i32
    %dma_start3A_125 = arith.constant 0 : i32
    %dma_start3A_126 = tpu.memref_slice %arg7[%dma_start3A_124, %dma_start3A_125] : memref<10240x128xf32, #tpu.memory_space<vmem_shared>> -> memref<10240x128xf32, #tpu.memory_space<vmem_shared>>
    tpu.enqueue_indirect_dma source(%arg21 : memref<64x128xf32, #tpu.memory_space<vmem>>) target(%dma_start3A_126 : memref<10240x128xf32, #tpu.memory_space<vmem_shared>>) offsets(%arg16 : memref<64xi32, #tpu.memory_space<vmem>>) semaphore(%arg31 : memref<!tpu.dma_semaphore, #tpu.memory_space<semaphore_mem>>) {add = true}
    %dma_wait3A_127 = arith.constant 0 : i32
    %dma_wait3A_128 = arith.constant 0 : i32
    %dma_wait3A_129 = tpu.memref_slice %arg2[%dma_wait3A_127, %dma_wait3A_128] : memref<10000x128xf32, #tpu.memory_space<hbm>> -> memref<10000x128xf32, #tpu.memory_space<hbm>>
    tpu.wait_indirect_dma semaphore(%arg27 : memref<!tpu.dma_semaphore, #tpu.memory_space<semaphore_mem>>) src(%dma_wait3A_129 : memref<10000x128xf32, #tpu.memory_space<hbm>>) dst(%arg22 : memref<64x128xf32, #tpu.memory_space<vmem>>)
    %dma_start3A_130 = arith.constant 0 : i32
    %dma_start3A_131 = arith.constant 0 : i32
    %dma_start3A_132 = tpu.memref_slice %arg7[%dma_start3A_130, %dma_start3A_131] : memref<10240x128xf32, #tpu.memory_space<vmem_shared>> -> memref<10240x128xf32, #tpu.memory_space<vmem_shared>>
    tpu.enqueue_indirect_dma source(%arg22 : memref<64x128xf32, #tpu.memory_space<vmem>>) target(%dma_start3A_132 : memref<10240x128xf32, #tpu.memory_space<vmem_shared>>) offsets(%arg17 : memref<64xi32, #tpu.memory_space<vmem>>) semaphore(%arg32 : memref<!tpu.dma_semaphore, #tpu.memory_space<semaphore_mem>>) {add = true}
    %dma_wait3A_133 = arith.constant 0 : i32
    %dma_wait3A_134 = arith.constant 0 : i32
    %dma_wait3A_135 = tpu.memref_slice %arg7[%dma_wait3A_133, %dma_wait3A_134] : memref<10240x128xf32, #tpu.memory_space<vmem_shared>> -> memref<10240x128xf32, #tpu.memory_space<vmem_shared>>
    tpu.wait_indirect_dma semaphore(%arg28 : memref<!tpu.dma_semaphore, #tpu.memory_space<semaphore_mem>>) src(%arg18 : memref<64x128xf32, #tpu.memory_space<vmem>>) dst(%dma_wait3A_135 : memref<10240x128xf32, #tpu.memory_space<vmem_shared>>)
    %dma_wait3A_136 = arith.constant 0 : i32
    %dma_wait3A_137 = arith.constant 0 : i32
    %dma_wait3A_138 = tpu.memref_slice %arg7[%dma_wait3A_136, %dma_wait3A_137] : memref<10240x128xf32, #tpu.memory_space<vmem_shared>> -> memref<10240x128xf32, #tpu.memory_space<vmem_shared>>
    tpu.wait_indirect_dma semaphore(%arg29 : memref<!tpu.dma_semaphore, #tpu.memory_space<semaphore_mem>>) src(%arg19 : memref<64x128xf32, #tpu.memory_space<vmem>>) dst(%dma_wait3A_138 : memref<10240x128xf32, #tpu.memory_space<vmem_shared>>)
    %dma_wait3A_139 = arith.constant 0 : i32
    %dma_wait3A_140 = arith.constant 0 : i32
    %dma_wait3A_141 = tpu.memref_slice %arg7[%dma_wait3A_139, %dma_wait3A_140] : memref<10240x128xf32, #tpu.memory_space<vmem_shared>> -> memref<10240x128xf32, #tpu.memory_space<vmem_shared>>
    tpu.wait_indirect_dma semaphore(%arg30 : memref<!tpu.dma_semaphore, #tpu.memory_space<semaphore_mem>>) src(%arg20 : memref<64x128xf32, #tpu.memory_space<vmem>>) dst(%dma_wait3A_141 : memref<10240x128xf32, #tpu.memory_space<vmem_shared>>)
    %dma_wait3A_142 = arith.constant 0 : i32
    %dma_wait3A_143 = arith.constant 0 : i32
    %dma_wait3A_144 = tpu.memref_slice %arg7[%dma_wait3A_142, %dma_wait3A_143] : memref<10240x128xf32, #tpu.memory_space<vmem_shared>> -> memref<10240x128xf32, #tpu.memory_space<vmem_shared>>
    tpu.wait_indirect_dma semaphore(%arg31 : memref<!tpu.dma_semaphore, #tpu.memory_space<semaphore_mem>>) src(%arg21 : memref<64x128xf32, #tpu.memory_space<vmem>>) dst(%dma_wait3A_144 : memref<10240x128xf32, #tpu.memory_space<vmem_shared>>)
    %dma_wait3A_145 = arith.constant 0 : i32
    %dma_wait3A_146 = arith.constant 0 : i32
    %dma_wait3A_147 = tpu.memref_slice %arg7[%dma_wait3A_145, %dma_wait3A_146] : memref<10240x128xf32, #tpu.memory_space<vmem_shared>> -> memref<10240x128xf32, #tpu.memory_space<vmem_shared>>
    tpu.wait_indirect_dma semaphore(%arg32 : memref<!tpu.dma_semaphore, #tpu.memory_space<semaphore_mem>>) src(%arg22 : memref<64x128xf32, #tpu.memory_space<vmem>>) dst(%dma_wait3A_147 : memref<10240x128xf32, #tpu.memory_space<vmem_shared>>)
    %barrier3A_148 = arith.constant 0 : index
    tpu.barrier barrier_id(%barrier3A_148)
    %mul3A_149 = arith.constant 640 : i32
    %mul3A_150 = arith.muli %arg1, %mul3A_149 : i32
    %mul3A_151 = arith.constant 640 : i32
    %mul3A_152 = arith.muli %arg1, %mul3A_151 : i32
    "tpu.region"() ({
      %run_scoped3A = tpu.sem_alloc : memref<!tpu.dma_semaphore, #tpu.memory_space<semaphore_mem>>
      %dma_start3A_153 = arith.constant 0 : i32
      %dma_start3A_154 = tpu.memref_slice %arg6[%arg0, %mul3A_152, %dma_start3A_153] : memref<2x10240x128xf32, #tpu.memory_space<hbm>> -> memref<1x640x128xf32, #tpu.memory_space<hbm>>
      %dma_start3A_155 = tpu.memref_squeeze %dma_start3A_154 : memref<1x640x128xf32, #tpu.memory_space<hbm>> -> memref<640x128xf32, #tpu.memory_space<hbm>>
      %dma_start3A_156 = arith.constant 0 : i32
      %dma_start3A_157 = tpu.memref_slice %arg7[%mul3A_150, %dma_start3A_156] : memref<10240x128xf32, #tpu.memory_space<vmem_shared>> -> memref<640x128xf32, #tpu.memory_space<vmem_shared>>
      tpu.enqueue_dma source(%dma_start3A_157 : memref<640x128xf32, #tpu.memory_space<vmem_shared>>) target(%dma_start3A_155 : memref<640x128xf32, #tpu.memory_space<hbm>>) target_semaphore(%run_scoped3A : memref<!tpu.dma_semaphore, #tpu.memory_space<semaphore_mem>>)
      %dma_wait3A_158 = arith.constant 0 : i32
      %dma_wait3A_159 = tpu.memref_slice %arg6[%arg0, %mul3A_152, %dma_wait3A_158] : memref<2x10240x128xf32, #tpu.memory_space<hbm>> -> memref<1x640x128xf32, #tpu.memory_space<hbm>>
      %dma_wait3A_160 = tpu.memref_squeeze %dma_wait3A_159 : memref<1x640x128xf32, #tpu.memory_space<hbm>> -> memref<640x128xf32, #tpu.memory_space<hbm>>
      %dma_wait3A_161 = arith.constant 0 : i32
      %dma_wait3A_162 = tpu.memref_slice %arg7[%mul3A_150, %dma_wait3A_161] : memref<10240x128xf32, #tpu.memory_space<vmem_shared>> -> memref<640x128xf32, #tpu.memory_space<vmem_shared>>
      tpu.wait_dma2 semaphore(%run_scoped3A : memref<!tpu.dma_semaphore, #tpu.memory_space<semaphore_mem>>) src(%dma_wait3A_162 : memref<640x128xf32, #tpu.memory_space<vmem_shared>>) dst(%dma_wait3A_160 : memref<640x128xf32, #tpu.memory_space<hbm>>)
      tpu.yield
    }) : () -> ()
    return
  }
}

#map = affine_map<(d0, d1) -> (0)>
#map1 = affine_map<(d0, d1) -> (0, 0)>
#map2 = affine_map<(d0, d1) -> (0, 0, 0)>
module attributes {stable_mosaic.version = 14 : i64} {
  func.func @_deg_body(%arg0: i32, %arg1: i32, %arg2: memref<327680xi32, #tpu.memory_space<hbm>>, %arg3: memref<640x128xf32, #tpu.memory_space<hbm>>, %arg4: memref<64x128xf32, #tpu.memory_space<hbm>>, %arg5: memref<2x10240x128xf32, #tpu.memory_space<hbm>>, %arg6: memref<10240x128xf32, #tpu.memory_space<vmem_shared>>, %arg7: memref<64xi32, #tpu.memory_space<vmem>>, %arg8: memref<64xi32, #tpu.memory_space<vmem>>, %arg9: memref<64xi32, #tpu.memory_space<vmem>>, %arg10: memref<64xi32, #tpu.memory_space<vmem>>, %arg11: memref<64x128xf32, #tpu.memory_space<vmem>>, %arg12: memref<!tpu.dma_semaphore, #tpu.memory_space<semaphore_mem>>, %arg13: memref<!tpu.dma_semaphore, #tpu.memory_space<semaphore_mem>>, %arg14: memref<!tpu.dma_semaphore, #tpu.memory_space<semaphore_mem>>, %arg15: memref<!tpu.dma_semaphore, #tpu.memory_space<semaphore_mem>>) attributes {dimension_semantics = [#tpu.dimension_semantics<core_parallel>, #tpu.dimension_semantics<subcore_parallel>], iteration_bounds = array<i64: 2, 16>, scalar_prefetch = 0 : i64, scratch_operands = 10 : i64, tpu.core_type = #tpu.core_type<sc_vector_subcore>, window_params = [{transform_indices = #map}, {transform_indices = #map1}, {transform_indices = #map1}, {transform_indices = #map2}]} {
    %mul3A = arith.constant 16 : i32
    %mul3A_0 = arith.muli %arg0, %mul3A : i32
    %add3A = arith.addi %mul3A_0, %arg1 : i32
    "tpu.region"() ({
      %run_scoped3A = tpu.sem_alloc : memref<!tpu.dma_semaphore, #tpu.memory_space<semaphore_mem>>
      tpu.enqueue_dma source(%arg4 : memref<64x128xf32, #tpu.memory_space<hbm>>) target(%arg11 : memref<64x128xf32, #tpu.memory_space<vmem>>) target_semaphore(%run_scoped3A : memref<!tpu.dma_semaphore, #tpu.memory_space<semaphore_mem>>)
      tpu.wait_dma2 semaphore(%run_scoped3A : memref<!tpu.dma_semaphore, #tpu.memory_space<semaphore_mem>>) src(%arg4 : memref<64x128xf32, #tpu.memory_space<hbm>>) dst(%arg11 : memref<64x128xf32, #tpu.memory_space<vmem>>)
      tpu.yield
    }) : () -> ()
    %mul3A_1 = arith.constant 640 : i32
    %mul3A_2 = arith.muli %arg1, %mul3A_1 : i32
    "tpu.region"() ({
      %run_scoped3A = tpu.sem_alloc : memref<!tpu.dma_semaphore, #tpu.memory_space<semaphore_mem>>
      %dma_start3A_45 = arith.constant 0 : i32
      %dma_start3A_46 = tpu.memref_slice %arg6[%mul3A_2, %dma_start3A_45] : memref<10240x128xf32, #tpu.memory_space<vmem_shared>> -> memref<640x128xf32, #tpu.memory_space<vmem_shared>>
      tpu.enqueue_dma source(%arg3 : memref<640x128xf32, #tpu.memory_space<hbm>>) target(%dma_start3A_46 : memref<640x128xf32, #tpu.memory_space<vmem_shared>>) target_semaphore(%run_scoped3A : memref<!tpu.dma_semaphore, #tpu.memory_space<semaphore_mem>>)
      %dma_wait3A_47 = arith.constant 0 : i32
      %dma_wait3A_48 = tpu.memref_slice %arg6[%mul3A_2, %dma_wait3A_47] : memref<10240x128xf32, #tpu.memory_space<vmem_shared>> -> memref<640x128xf32, #tpu.memory_space<vmem_shared>>
      tpu.wait_dma2 semaphore(%run_scoped3A : memref<!tpu.dma_semaphore, #tpu.memory_space<semaphore_mem>>) src(%arg3 : memref<640x128xf32, #tpu.memory_space<hbm>>) dst(%dma_wait3A_48 : memref<640x128xf32, #tpu.memory_space<vmem_shared>>)
      tpu.yield
    }) : () -> ()
    %barrier3A = arith.constant 0 : index
    tpu.barrier barrier_id(%barrier3A)
    %mul3A_3 = arith.constant 10240 : i32
    %mul3A_4 = arith.muli %add3A, %mul3A_3 : i32
    %add3A_5 = arith.constant 0 : i32
    %add3A_6 = arith.addi %mul3A_4, %add3A_5 : i32
    "tpu.region"() ({
      %run_scoped3A = tpu.sem_alloc : memref<!tpu.dma_semaphore, #tpu.memory_space<semaphore_mem>>
      %dma_start3A_45 = tpu.memref_slice %arg2[%add3A_6] : memref<327680xi32, #tpu.memory_space<hbm>> -> memref<64xi32, #tpu.memory_space<hbm>>
      %dma_start3A_46 = tpu.memref_slice %arg2[%add3A_6] : memref<327680xi32, #tpu.memory_space<hbm>> -> memref<64xi32, #tpu.memory_space<hbm>>
      tpu.enqueue_dma source(%dma_start3A_46 : memref<64xi32, #tpu.memory_space<hbm>>) target(%arg7 : memref<64xi32, #tpu.memory_space<vmem>>) target_semaphore(%run_scoped3A : memref<!tpu.dma_semaphore, #tpu.memory_space<semaphore_mem>>)
      %dma_wait3A_47 = tpu.memref_slice %arg2[%add3A_6] : memref<327680xi32, #tpu.memory_space<hbm>> -> memref<64xi32, #tpu.memory_space<hbm>>
      %dma_wait3A_48 = tpu.memref_slice %arg2[%add3A_6] : memref<327680xi32, #tpu.memory_space<hbm>> -> memref<64xi32, #tpu.memory_space<hbm>>
      tpu.wait_dma2 semaphore(%run_scoped3A : memref<!tpu.dma_semaphore, #tpu.memory_space<semaphore_mem>>) src(%dma_wait3A_48 : memref<64xi32, #tpu.memory_space<hbm>>) dst(%arg7 : memref<64xi32, #tpu.memory_space<vmem>>)
      tpu.yield
    }) : () -> ()
    %dma_start3A = arith.constant 0 : i32
    %dma_start3A_7 = arith.constant 0 : i32
    %dma_start3A_8 = tpu.memref_slice %arg6[%dma_start3A, %dma_start3A_7] : memref<10240x128xf32, #tpu.memory_space<vmem_shared>> -> memref<10240x128xf32, #tpu.memory_space<vmem_shared>>
    tpu.enqueue_indirect_dma source(%arg11 : memref<64x128xf32, #tpu.memory_space<vmem>>) target(%dma_start3A_8 : memref<10240x128xf32, #tpu.memory_space<vmem_shared>>) offsets(%arg7 : memref<64xi32, #tpu.memory_space<vmem>>) semaphore(%arg12 : memref<!tpu.dma_semaphore, #tpu.memory_space<semaphore_mem>>) {add = true}
    %add3A_9 = arith.constant 64 : i32
    %add3A_10 = arith.addi %mul3A_4, %add3A_9 : i32
    "tpu.region"() ({
      %run_scoped3A = tpu.sem_alloc : memref<!tpu.dma_semaphore, #tpu.memory_space<semaphore_mem>>
      %dma_start3A_45 = tpu.memref_slice %arg2[%add3A_10] : memref<327680xi32, #tpu.memory_space<hbm>> -> memref<64xi32, #tpu.memory_space<hbm>>
      %dma_start3A_46 = tpu.memref_slice %arg2[%add3A_10] : memref<327680xi32, #tpu.memory_space<hbm>> -> memref<64xi32, #tpu.memory_space<hbm>>
      tpu.enqueue_dma source(%dma_start3A_46 : memref<64xi32, #tpu.memory_space<hbm>>) target(%arg8 : memref<64xi32, #tpu.memory_space<vmem>>) target_semaphore(%run_scoped3A : memref<!tpu.dma_semaphore, #tpu.memory_space<semaphore_mem>>)
      %dma_wait3A_47 = tpu.memref_slice %arg2[%add3A_10] : memref<327680xi32, #tpu.memory_space<hbm>> -> memref<64xi32, #tpu.memory_space<hbm>>
      %dma_wait3A_48 = tpu.memref_slice %arg2[%add3A_10] : memref<327680xi32, #tpu.memory_space<hbm>> -> memref<64xi32, #tpu.memory_space<hbm>>
      tpu.wait_dma2 semaphore(%run_scoped3A : memref<!tpu.dma_semaphore, #tpu.memory_space<semaphore_mem>>) src(%dma_wait3A_48 : memref<64xi32, #tpu.memory_space<hbm>>) dst(%arg8 : memref<64xi32, #tpu.memory_space<vmem>>)
      tpu.yield
    }) : () -> ()
    %dma_start3A_11 = arith.constant 0 : i32
    %dma_start3A_12 = arith.constant 0 : i32
    %dma_start3A_13 = tpu.memref_slice %arg6[%dma_start3A_11, %dma_start3A_12] : memref<10240x128xf32, #tpu.memory_space<vmem_shared>> -> memref<10240x128xf32, #tpu.memory_space<vmem_shared>>
    tpu.enqueue_indirect_dma source(%arg11 : memref<64x128xf32, #tpu.memory_space<vmem>>) target(%dma_start3A_13 : memref<10240x128xf32, #tpu.memory_space<vmem_shared>>) offsets(%arg8 : memref<64xi32, #tpu.memory_space<vmem>>) semaphore(%arg13 : memref<!tpu.dma_semaphore, #tpu.memory_space<semaphore_mem>>) {add = true}
    %add3A_14 = arith.constant 128 : i32
    %add3A_15 = arith.addi %mul3A_4, %add3A_14 : i32
    "tpu.region"() ({
      %run_scoped3A = tpu.sem_alloc : memref<!tpu.dma_semaphore, #tpu.memory_space<semaphore_mem>>
      %dma_start3A_45 = tpu.memref_slice %arg2[%add3A_15] : memref<327680xi32, #tpu.memory_space<hbm>> -> memref<64xi32, #tpu.memory_space<hbm>>
      %dma_start3A_46 = tpu.memref_slice %arg2[%add3A_15] : memref<327680xi32, #tpu.memory_space<hbm>> -> memref<64xi32, #tpu.memory_space<hbm>>
      tpu.enqueue_dma source(%dma_start3A_46 : memref<64xi32, #tpu.memory_space<hbm>>) target(%arg9 : memref<64xi32, #tpu.memory_space<vmem>>) target_semaphore(%run_scoped3A : memref<!tpu.dma_semaphore, #tpu.memory_space<semaphore_mem>>)
      %dma_wait3A_47 = tpu.memref_slice %arg2[%add3A_15] : memref<327680xi32, #tpu.memory_space<hbm>> -> memref<64xi32, #tpu.memory_space<hbm>>
      %dma_wait3A_48 = tpu.memref_slice %arg2[%add3A_15] : memref<327680xi32, #tpu.memory_space<hbm>> -> memref<64xi32, #tpu.memory_space<hbm>>
      tpu.wait_dma2 semaphore(%run_scoped3A : memref<!tpu.dma_semaphore, #tpu.memory_space<semaphore_mem>>) src(%dma_wait3A_48 : memref<64xi32, #tpu.memory_space<hbm>>) dst(%arg9 : memref<64xi32, #tpu.memory_space<vmem>>)
      tpu.yield
    }) : () -> ()
    %dma_start3A_16 = arith.constant 0 : i32
    %dma_start3A_17 = arith.constant 0 : i32
    %dma_start3A_18 = tpu.memref_slice %arg6[%dma_start3A_16, %dma_start3A_17] : memref<10240x128xf32, #tpu.memory_space<vmem_shared>> -> memref<10240x128xf32, #tpu.memory_space<vmem_shared>>
    tpu.enqueue_indirect_dma source(%arg11 : memref<64x128xf32, #tpu.memory_space<vmem>>) target(%dma_start3A_18 : memref<10240x128xf32, #tpu.memory_space<vmem_shared>>) offsets(%arg9 : memref<64xi32, #tpu.memory_space<vmem>>) semaphore(%arg14 : memref<!tpu.dma_semaphore, #tpu.memory_space<semaphore_mem>>) {add = true}
    %add3A_19 = arith.constant 192 : i32
    %add3A_20 = arith.addi %mul3A_4, %add3A_19 : i32
    "tpu.region"() ({
      %run_scoped3A = tpu.sem_alloc : memref<!tpu.dma_semaphore, #tpu.memory_space<semaphore_mem>>
      %dma_start3A_45 = tpu.memref_slice %arg2[%add3A_20] : memref<327680xi32, #tpu.memory_space<hbm>> -> memref<64xi32, #tpu.memory_space<hbm>>
      %dma_start3A_46 = tpu.memref_slice %arg2[%add3A_20] : memref<327680xi32, #tpu.memory_space<hbm>> -> memref<64xi32, #tpu.memory_space<hbm>>
      tpu.enqueue_dma source(%dma_start3A_46 : memref<64xi32, #tpu.memory_space<hbm>>) target(%arg10 : memref<64xi32, #tpu.memory_space<vmem>>) target_semaphore(%run_scoped3A : memref<!tpu.dma_semaphore, #tpu.memory_space<semaphore_mem>>)
      %dma_wait3A_47 = tpu.memref_slice %arg2[%add3A_20] : memref<327680xi32, #tpu.memory_space<hbm>> -> memref<64xi32, #tpu.memory_space<hbm>>
      %dma_wait3A_48 = tpu.memref_slice %arg2[%add3A_20] : memref<327680xi32, #tpu.memory_space<hbm>> -> memref<64xi32, #tpu.memory_space<hbm>>
      tpu.wait_dma2 semaphore(%run_scoped3A : memref<!tpu.dma_semaphore, #tpu.memory_space<semaphore_mem>>) src(%dma_wait3A_48 : memref<64xi32, #tpu.memory_space<hbm>>) dst(%arg10 : memref<64xi32, #tpu.memory_space<vmem>>)
      tpu.yield
    }) : () -> ()
    %dma_start3A_21 = arith.constant 0 : i32
    %dma_start3A_22 = arith.constant 0 : i32
    %dma_start3A_23 = tpu.memref_slice %arg6[%dma_start3A_21, %dma_start3A_22] : memref<10240x128xf32, #tpu.memory_space<vmem_shared>> -> memref<10240x128xf32, #tpu.memory_space<vmem_shared>>
    tpu.enqueue_indirect_dma source(%arg11 : memref<64x128xf32, #tpu.memory_space<vmem>>) target(%dma_start3A_23 : memref<10240x128xf32, #tpu.memory_space<vmem_shared>>) offsets(%arg10 : memref<64xi32, #tpu.memory_space<vmem>>) semaphore(%arg15 : memref<!tpu.dma_semaphore, #tpu.memory_space<semaphore_mem>>) {add = true}
    %scan3A = arith.constant 0 : i32
    %scan3A_24 = arith.constant 1 : i32
    %scan3A_25 = arith.constant 39 : i32
    %scan3A_26 = arith.addi %scan3A_24, %scan3A_25 : i32
    %scan3A_27 = arith.constant 1 : i32
    scf.for %scan3A_45 = %scan3A_24 to %scan3A_26 step %scan3A_27  : i32 {
      %mul3A_46 = arith.constant 4 : i32
      %mul3A_47 = arith.muli %mul3A_46, %scan3A_45 : i32
      %add3A_48 = arith.constant 0 : i32
      %add3A_49 = arith.addi %mul3A_47, %add3A_48 : i32
      %dma_wait3A_50 = arith.constant 0 : i32
      %dma_wait3A_51 = arith.constant 0 : i32
      %dma_wait3A_52 = tpu.memref_slice %arg6[%dma_wait3A_50, %dma_wait3A_51] : memref<10240x128xf32, #tpu.memory_space<vmem_shared>> -> memref<10240x128xf32, #tpu.memory_space<vmem_shared>>
      tpu.wait_indirect_dma semaphore(%arg12 : memref<!tpu.dma_semaphore, #tpu.memory_space<semaphore_mem>>) src(%arg11 : memref<64x128xf32, #tpu.memory_space<vmem>>) dst(%dma_wait3A_52 : memref<10240x128xf32, #tpu.memory_space<vmem_shared>>)
      %mul3A_53 = arith.constant 64 : i32
      %mul3A_54 = arith.muli %add3A_49, %mul3A_53 : i32
      %add3A_55 = arith.addi %mul3A_4, %mul3A_54 : i32
      "tpu.region"() ({
        %run_scoped3A = tpu.sem_alloc : memref<!tpu.dma_semaphore, #tpu.memory_space<semaphore_mem>>
        %dma_start3A_98 = tpu.memref_slice %arg2[%add3A_55] : memref<327680xi32, #tpu.memory_space<hbm>> -> memref<64xi32, #tpu.memory_space<hbm>>
        %dma_start3A_99 = tpu.memref_slice %arg2[%add3A_55] : memref<327680xi32, #tpu.memory_space<hbm>> -> memref<64xi32, #tpu.memory_space<hbm>>
        tpu.enqueue_dma source(%dma_start3A_99 : memref<64xi32, #tpu.memory_space<hbm>>) target(%arg7 : memref<64xi32, #tpu.memory_space<vmem>>) target_semaphore(%run_scoped3A : memref<!tpu.dma_semaphore, #tpu.memory_space<semaphore_mem>>)
        %dma_wait3A_100 = tpu.memref_slice %arg2[%add3A_55] : memref<327680xi32, #tpu.memory_space<hbm>> -> memref<64xi32, #tpu.memory_space<hbm>>
        %dma_wait3A_101 = tpu.memref_slice %arg2[%add3A_55] : memref<327680xi32, #tpu.memory_space<hbm>> -> memref<64xi32, #tpu.memory_space<hbm>>
        tpu.wait_dma2 semaphore(%run_scoped3A : memref<!tpu.dma_semaphore, #tpu.memory_space<semaphore_mem>>) src(%dma_wait3A_101 : memref<64xi32, #tpu.memory_space<hbm>>) dst(%arg7 : memref<64xi32, #tpu.memory_space<vmem>>)
        tpu.yield
      }) : () -> ()
      %dma_start3A_56 = arith.constant 0 : i32
      %dma_start3A_57 = arith.constant 0 : i32
      %dma_start3A_58 = tpu.memref_slice %arg6[%dma_start3A_56, %dma_start3A_57] : memref<10240x128xf32, #tpu.memory_space<vmem_shared>> -> memref<10240x128xf32, #tpu.memory_space<vmem_shared>>
      tpu.enqueue_indirect_dma source(%arg11 : memref<64x128xf32, #tpu.memory_space<vmem>>) target(%dma_start3A_58 : memref<10240x128xf32, #tpu.memory_space<vmem_shared>>) offsets(%arg7 : memref<64xi32, #tpu.memory_space<vmem>>) semaphore(%arg12 : memref<!tpu.dma_semaphore, #tpu.memory_space<semaphore_mem>>) {add = true}
      %mul3A_59 = arith.constant 4 : i32
      %mul3A_60 = arith.muli %mul3A_59, %scan3A_45 : i32
      %add3A_61 = arith.constant 1 : i32
      %add3A_62 = arith.addi %mul3A_60, %add3A_61 : i32
      %dma_wait3A_63 = arith.constant 0 : i32
      %dma_wait3A_64 = arith.constant 0 : i32
      %dma_wait3A_65 = tpu.memref_slice %arg6[%dma_wait3A_63, %dma_wait3A_64] : memref<10240x128xf32, #tpu.memory_space<vmem_shared>> -> memref<10240x128xf32, #tpu.memory_space<vmem_shared>>
      tpu.wait_indirect_dma semaphore(%arg13 : memref<!tpu.dma_semaphore, #tpu.memory_space<semaphore_mem>>) src(%arg11 : memref<64x128xf32, #tpu.memory_space<vmem>>) dst(%dma_wait3A_65 : memref<10240x128xf32, #tpu.memory_space<vmem_shared>>)
      %mul3A_66 = arith.constant 64 : i32
      %mul3A_67 = arith.muli %add3A_62, %mul3A_66 : i32
      %add3A_68 = arith.addi %mul3A_4, %mul3A_67 : i32
      "tpu.region"() ({
        %run_scoped3A = tpu.sem_alloc : memref<!tpu.dma_semaphore, #tpu.memory_space<semaphore_mem>>
        %dma_start3A_98 = tpu.memref_slice %arg2[%add3A_68] : memref<327680xi32, #tpu.memory_space<hbm>> -> memref<64xi32, #tpu.memory_space<hbm>>
        %dma_start3A_99 = tpu.memref_slice %arg2[%add3A_68] : memref<327680xi32, #tpu.memory_space<hbm>> -> memref<64xi32, #tpu.memory_space<hbm>>
        tpu.enqueue_dma source(%dma_start3A_99 : memref<64xi32, #tpu.memory_space<hbm>>) target(%arg8 : memref<64xi32, #tpu.memory_space<vmem>>) target_semaphore(%run_scoped3A : memref<!tpu.dma_semaphore, #tpu.memory_space<semaphore_mem>>)
        %dma_wait3A_100 = tpu.memref_slice %arg2[%add3A_68] : memref<327680xi32, #tpu.memory_space<hbm>> -> memref<64xi32, #tpu.memory_space<hbm>>
        %dma_wait3A_101 = tpu.memref_slice %arg2[%add3A_68] : memref<327680xi32, #tpu.memory_space<hbm>> -> memref<64xi32, #tpu.memory_space<hbm>>
        tpu.wait_dma2 semaphore(%run_scoped3A : memref<!tpu.dma_semaphore, #tpu.memory_space<semaphore_mem>>) src(%dma_wait3A_101 : memref<64xi32, #tpu.memory_space<hbm>>) dst(%arg8 : memref<64xi32, #tpu.memory_space<vmem>>)
        tpu.yield
      }) : () -> ()
      %dma_start3A_69 = arith.constant 0 : i32
      %dma_start3A_70 = arith.constant 0 : i32
      %dma_start3A_71 = tpu.memref_slice %arg6[%dma_start3A_69, %dma_start3A_70] : memref<10240x128xf32, #tpu.memory_space<vmem_shared>> -> memref<10240x128xf32, #tpu.memory_space<vmem_shared>>
      tpu.enqueue_indirect_dma source(%arg11 : memref<64x128xf32, #tpu.memory_space<vmem>>) target(%dma_start3A_71 : memref<10240x128xf32, #tpu.memory_space<vmem_shared>>) offsets(%arg8 : memref<64xi32, #tpu.memory_space<vmem>>) semaphore(%arg13 : memref<!tpu.dma_semaphore, #tpu.memory_space<semaphore_mem>>) {add = true}
      %mul3A_72 = arith.constant 4 : i32
      %mul3A_73 = arith.muli %mul3A_72, %scan3A_45 : i32
      %add3A_74 = arith.constant 2 : i32
      %add3A_75 = arith.addi %mul3A_73, %add3A_74 : i32
      %dma_wait3A_76 = arith.constant 0 : i32
      %dma_wait3A_77 = arith.constant 0 : i32
      %dma_wait3A_78 = tpu.memref_slice %arg6[%dma_wait3A_76, %dma_wait3A_77] : memref<10240x128xf32, #tpu.memory_space<vmem_shared>> -> memref<10240x128xf32, #tpu.memory_space<vmem_shared>>
      tpu.wait_indirect_dma semaphore(%arg14 : memref<!tpu.dma_semaphore, #tpu.memory_space<semaphore_mem>>) src(%arg11 : memref<64x128xf32, #tpu.memory_space<vmem>>) dst(%dma_wait3A_78 : memref<10240x128xf32, #tpu.memory_space<vmem_shared>>)
      %mul3A_79 = arith.constant 64 : i32
      %mul3A_80 = arith.muli %add3A_75, %mul3A_79 : i32
      %add3A_81 = arith.addi %mul3A_4, %mul3A_80 : i32
      "tpu.region"() ({
        %run_scoped3A = tpu.sem_alloc : memref<!tpu.dma_semaphore, #tpu.memory_space<semaphore_mem>>
        %dma_start3A_98 = tpu.memref_slice %arg2[%add3A_81] : memref<327680xi32, #tpu.memory_space<hbm>> -> memref<64xi32, #tpu.memory_space<hbm>>
        %dma_start3A_99 = tpu.memref_slice %arg2[%add3A_81] : memref<327680xi32, #tpu.memory_space<hbm>> -> memref<64xi32, #tpu.memory_space<hbm>>
        tpu.enqueue_dma source(%dma_start3A_99 : memref<64xi32, #tpu.memory_space<hbm>>) target(%arg9 : memref<64xi32, #tpu.memory_space<vmem>>) target_semaphore(%run_scoped3A : memref<!tpu.dma_semaphore, #tpu.memory_space<semaphore_mem>>)
        %dma_wait3A_100 = tpu.memref_slice %arg2[%add3A_81] : memref<327680xi32, #tpu.memory_space<hbm>> -> memref<64xi32, #tpu.memory_space<hbm>>
        %dma_wait3A_101 = tpu.memref_slice %arg2[%add3A_81] : memref<327680xi32, #tpu.memory_space<hbm>> -> memref<64xi32, #tpu.memory_space<hbm>>
        tpu.wait_dma2 semaphore(%run_scoped3A : memref<!tpu.dma_semaphore, #tpu.memory_space<semaphore_mem>>) src(%dma_wait3A_101 : memref<64xi32, #tpu.memory_space<hbm>>) dst(%arg9 : memref<64xi32, #tpu.memory_space<vmem>>)
        tpu.yield
      }) : () -> ()
      %dma_start3A_82 = arith.constant 0 : i32
      %dma_start3A_83 = arith.constant 0 : i32
      %dma_start3A_84 = tpu.memref_slice %arg6[%dma_start3A_82, %dma_start3A_83] : memref<10240x128xf32, #tpu.memory_space<vmem_shared>> -> memref<10240x128xf32, #tpu.memory_space<vmem_shared>>
      tpu.enqueue_indirect_dma source(%arg11 : memref<64x128xf32, #tpu.memory_space<vmem>>) target(%dma_start3A_84 : memref<10240x128xf32, #tpu.memory_space<vmem_shared>>) offsets(%arg9 : memref<64xi32, #tpu.memory_space<vmem>>) semaphore(%arg14 : memref<!tpu.dma_semaphore, #tpu.memory_space<semaphore_mem>>) {add = true}
      %mul3A_85 = arith.constant 4 : i32
      %mul3A_86 = arith.muli %mul3A_85, %scan3A_45 : i32
      %add3A_87 = arith.constant 3 : i32
      %add3A_88 = arith.addi %mul3A_86, %add3A_87 : i32
      %dma_wait3A_89 = arith.constant 0 : i32
      %dma_wait3A_90 = arith.constant 0 : i32
      %dma_wait3A_91 = tpu.memref_slice %arg6[%dma_wait3A_89, %dma_wait3A_90] : memref<10240x128xf32, #tpu.memory_space<vmem_shared>> -> memref<10240x128xf32, #tpu.memory_space<vmem_shared>>
      tpu.wait_indirect_dma semaphore(%arg15 : memref<!tpu.dma_semaphore, #tpu.memory_space<semaphore_mem>>) src(%arg11 : memref<64x128xf32, #tpu.memory_space<vmem>>) dst(%dma_wait3A_91 : memref<10240x128xf32, #tpu.memory_space<vmem_shared>>)
      %mul3A_92 = arith.constant 64 : i32
      %mul3A_93 = arith.muli %add3A_88, %mul3A_92 : i32
      %add3A_94 = arith.addi %mul3A_4, %mul3A_93 : i32
      "tpu.region"() ({
        %run_scoped3A = tpu.sem_alloc : memref<!tpu.dma_semaphore, #tpu.memory_space<semaphore_mem>>
        %dma_start3A_98 = tpu.memref_slice %arg2[%add3A_94] : memref<327680xi32, #tpu.memory_space<hbm>> -> memref<64xi32, #tpu.memory_space<hbm>>
        %dma_start3A_99 = tpu.memref_slice %arg2[%add3A_94] : memref<327680xi32, #tpu.memory_space<hbm>> -> memref<64xi32, #tpu.memory_space<hbm>>
        tpu.enqueue_dma source(%dma_start3A_99 : memref<64xi32, #tpu.memory_space<hbm>>) target(%arg10 : memref<64xi32, #tpu.memory_space<vmem>>) target_semaphore(%run_scoped3A : memref<!tpu.dma_semaphore, #tpu.memory_space<semaphore_mem>>)
        %dma_wait3A_100 = tpu.memref_slice %arg2[%add3A_94] : memref<327680xi32, #tpu.memory_space<hbm>> -> memref<64xi32, #tpu.memory_space<hbm>>
        %dma_wait3A_101 = tpu.memref_slice %arg2[%add3A_94] : memref<327680xi32, #tpu.memory_space<hbm>> -> memref<64xi32, #tpu.memory_space<hbm>>
        tpu.wait_dma2 semaphore(%run_scoped3A : memref<!tpu.dma_semaphore, #tpu.memory_space<semaphore_mem>>) src(%dma_wait3A_101 : memref<64xi32, #tpu.memory_space<hbm>>) dst(%arg10 : memref<64xi32, #tpu.memory_space<vmem>>)
        tpu.yield
      }) : () -> ()
      %dma_start3A_95 = arith.constant 0 : i32
      %dma_start3A_96 = arith.constant 0 : i32
      %dma_start3A_97 = tpu.memref_slice %arg6[%dma_start3A_95, %dma_start3A_96] : memref<10240x128xf32, #tpu.memory_space<vmem_shared>> -> memref<10240x128xf32, #tpu.memory_space<vmem_shared>>
      tpu.enqueue_indirect_dma source(%arg11 : memref<64x128xf32, #tpu.memory_space<vmem>>) target(%dma_start3A_97 : memref<10240x128xf32, #tpu.memory_space<vmem_shared>>) offsets(%arg10 : memref<64xi32, #tpu.memory_space<vmem>>) semaphore(%arg15 : memref<!tpu.dma_semaphore, #tpu.memory_space<semaphore_mem>>) {add = true}
    }
    %scan3A_28 = arith.constant 39 : i32
    %dma_wait3A = arith.constant 0 : i32
    %dma_wait3A_29 = arith.constant 0 : i32
    %dma_wait3A_30 = tpu.memref_slice %arg6[%dma_wait3A, %dma_wait3A_29] : memref<10240x128xf32, #tpu.memory_space<vmem_shared>> -> memref<10240x128xf32, #tpu.memory_space<vmem_shared>>
    tpu.wait_indirect_dma semaphore(%arg12 : memref<!tpu.dma_semaphore, #tpu.memory_space<semaphore_mem>>) src(%arg11 : memref<64x128xf32, #tpu.memory_space<vmem>>) dst(%dma_wait3A_30 : memref<10240x128xf32, #tpu.memory_space<vmem_shared>>)
    %dma_wait3A_31 = arith.constant 0 : i32
    %dma_wait3A_32 = arith.constant 0 : i32
    %dma_wait3A_33 = tpu.memref_slice %arg6[%dma_wait3A_31, %dma_wait3A_32] : memref<10240x128xf32, #tpu.memory_space<vmem_shared>> -> memref<10240x128xf32, #tpu.memory_space<vmem_shared>>
    tpu.wait_indirect_dma semaphore(%arg13 : memref<!tpu.dma_semaphore, #tpu.memory_space<semaphore_mem>>) src(%arg11 : memref<64x128xf32, #tpu.memory_space<vmem>>) dst(%dma_wait3A_33 : memref<10240x128xf32, #tpu.memory_space<vmem_shared>>)
    %dma_wait3A_34 = arith.constant 0 : i32
    %dma_wait3A_35 = arith.constant 0 : i32
    %dma_wait3A_36 = tpu.memref_slice %arg6[%dma_wait3A_34, %dma_wait3A_35] : memref<10240x128xf32, #tpu.memory_space<vmem_shared>> -> memref<10240x128xf32, #tpu.memory_space<vmem_shared>>
    tpu.wait_indirect_dma semaphore(%arg14 : memref<!tpu.dma_semaphore, #tpu.memory_space<semaphore_mem>>) src(%arg11 : memref<64x128xf32, #tpu.memory_space<vmem>>) dst(%dma_wait3A_36 : memref<10240x128xf32, #tpu.memory_space<vmem_shared>>)
    %dma_wait3A_37 = arith.constant 0 : i32
    %dma_wait3A_38 = arith.constant 0 : i32
    %dma_wait3A_39 = tpu.memref_slice %arg6[%dma_wait3A_37, %dma_wait3A_38] : memref<10240x128xf32, #tpu.memory_space<vmem_shared>> -> memref<10240x128xf32, #tpu.memory_space<vmem_shared>>
    tpu.wait_indirect_dma semaphore(%arg15 : memref<!tpu.dma_semaphore, #tpu.memory_space<semaphore_mem>>) src(%arg11 : memref<64x128xf32, #tpu.memory_space<vmem>>) dst(%dma_wait3A_39 : memref<10240x128xf32, #tpu.memory_space<vmem_shared>>)
    %barrier3A_40 = arith.constant 0 : index
    tpu.barrier barrier_id(%barrier3A_40)
    %mul3A_41 = arith.constant 640 : i32
    %mul3A_42 = arith.muli %arg1, %mul3A_41 : i32
    %mul3A_43 = arith.constant 640 : i32
    %mul3A_44 = arith.muli %arg1, %mul3A_43 : i32
    "tpu.region"() ({
      %run_scoped3A = tpu.sem_alloc : memref<!tpu.dma_semaphore, #tpu.memory_space<semaphore_mem>>
      %dma_start3A_45 = arith.constant 0 : i32
      %dma_start3A_46 = tpu.memref_slice %arg5[%arg0, %mul3A_44, %dma_start3A_45] : memref<2x10240x128xf32, #tpu.memory_space<hbm>> -> memref<1x640x128xf32, #tpu.memory_space<hbm>>
      %dma_start3A_47 = tpu.memref_squeeze %dma_start3A_46 : memref<1x640x128xf32, #tpu.memory_space<hbm>> -> memref<640x128xf32, #tpu.memory_space<hbm>>
      %dma_start3A_48 = arith.constant 0 : i32
      %dma_start3A_49 = tpu.memref_slice %arg6[%mul3A_42, %dma_start3A_48] : memref<10240x128xf32, #tpu.memory_space<vmem_shared>> -> memref<640x128xf32, #tpu.memory_space<vmem_shared>>
      tpu.enqueue_dma source(%dma_start3A_49 : memref<640x128xf32, #tpu.memory_space<vmem_shared>>) target(%dma_start3A_47 : memref<640x128xf32, #tpu.memory_space<hbm>>) target_semaphore(%run_scoped3A : memref<!tpu.dma_semaphore, #tpu.memory_space<semaphore_mem>>)
      %dma_wait3A_50 = arith.constant 0 : i32
      %dma_wait3A_51 = tpu.memref_slice %arg5[%arg0, %mul3A_44, %dma_wait3A_50] : memref<2x10240x128xf32, #tpu.memory_space<hbm>> -> memref<1x640x128xf32, #tpu.memory_space<hbm>>
      %dma_wait3A_52 = tpu.memref_squeeze %dma_wait3A_51 : memref<1x640x128xf32, #tpu.memory_space<hbm>> -> memref<640x128xf32, #tpu.memory_space<hbm>>
      %dma_wait3A_53 = arith.constant 0 : i32
      %dma_wait3A_54 = tpu.memref_slice %arg6[%mul3A_42, %dma_wait3A_53] : memref<10240x128xf32, #tpu.memory_space<vmem_shared>> -> memref<640x128xf32, #tpu.memory_space<vmem_shared>>
      tpu.wait_dma2 semaphore(%run_scoped3A : memref<!tpu.dma_semaphore, #tpu.memory_space<semaphore_mem>>) src(%dma_wait3A_54 : memref<640x128xf32, #tpu.memory_space<vmem_shared>>) dst(%dma_wait3A_52 : memref<640x128xf32, #tpu.memory_space<hbm>>)
      tpu.yield
    }) : () -> ()
    return
  }
}

#map = affine_map<(d0, d1) -> (0, 0)>
#map1 = affine_map<(d0, d1) -> (0)>
#map2 = affine_map<(d0, d1) -> (0, 0, 0)>
module attributes {stable_mosaic.version = 14 : i64} {
  func.func @_agg_body(%arg0: i32, %arg1: i32, %arg2: memref<10000x128xf32, #tpu.memory_space<hbm>>, %arg3: memref<327680xi32, #tpu.memory_space<hbm>>, %arg4: memref<327680xi32, #tpu.memory_space<hbm>>, %arg5: memref<640x128xf32, #tpu.memory_space<hbm>>, %arg6: memref<2x10240x128xf32, #tpu.memory_space<hbm>>, %arg7: memref<10240x128xf32, #tpu.memory_space<vmem_shared>>, %arg8: memref<64xi32, #tpu.memory_space<vmem>>, %arg9: memref<64xi32, #tpu.memory_space<vmem>>, %arg10: memref<64xi32, #tpu.memory_space<vmem>>, %arg11: memref<64xi32, #tpu.memory_space<vmem>>, %arg12: memref<64xi32, #tpu.memory_space<vmem>>, %arg13: memref<64xi32, #tpu.memory_space<vmem>>, %arg14: memref<64xi32, #tpu.memory_space<vmem>>, %arg15: memref<64xi32, #tpu.memory_space<vmem>>, %arg16: memref<64xi32, #tpu.memory_space<vmem>>, %arg17: memref<64xi32, #tpu.memory_space<vmem>>, %arg18: memref<64x128xf32, #tpu.memory_space<vmem>>, %arg19: memref<64x128xf32, #tpu.memory_space<vmem>>, %arg20: memref<64x128xf32, #tpu.memory_space<vmem>>, %arg21: memref<64x128xf32, #tpu.memory_space<vmem>>, %arg22: memref<64x128xf32, #tpu.memory_space<vmem>>, %arg23: memref<!tpu.dma_semaphore, #tpu.memory_space<semaphore_mem>>, %arg24: memref<!tpu.dma_semaphore, #tpu.memory_space<semaphore_mem>>, %arg25: memref<!tpu.dma_semaphore, #tpu.memory_space<semaphore_mem>>, %arg26: memref<!tpu.dma_semaphore, #tpu.memory_space<semaphore_mem>>, %arg27: memref<!tpu.dma_semaphore, #tpu.memory_space<semaphore_mem>>, %arg28: memref<!tpu.dma_semaphore, #tpu.memory_space<semaphore_mem>>, %arg29: memref<!tpu.dma_semaphore, #tpu.memory_space<semaphore_mem>>, %arg30: memref<!tpu.dma_semaphore, #tpu.memory_space<semaphore_mem>>, %arg31: memref<!tpu.dma_semaphore, #tpu.memory_space<semaphore_mem>>, %arg32: memref<!tpu.dma_semaphore, #tpu.memory_space<semaphore_mem>>) attributes {dimension_semantics = [#tpu.dimension_semantics<core_parallel>, #tpu.dimension_semantics<subcore_parallel>], iteration_bounds = array<i64: 2, 16>, scalar_prefetch = 0 : i64, scratch_operands = 26 : i64, tpu.core_type = #tpu.core_type<sc_vector_subcore>, window_params = [{transform_indices = #map}, {transform_indices = #map1}, {transform_indices = #map1}, {transform_indices = #map}, {transform_indices = #map2}]} {
    %mul3A = arith.constant 16 : i32
    %mul3A_0 = arith.muli %arg0, %mul3A : i32
    %add3A = arith.addi %mul3A_0, %arg1 : i32
    %mul3A_1 = arith.constant 640 : i32
    %mul3A_2 = arith.muli %arg1, %mul3A_1 : i32
    "tpu.region"() ({
      %run_scoped3A = tpu.sem_alloc : memref<!tpu.dma_semaphore, #tpu.memory_space<semaphore_mem>>
      %dma_start3A_153 = arith.constant 0 : i32
      %dma_start3A_154 = tpu.memref_slice %arg7[%mul3A_2, %dma_start3A_153] : memref<10240x128xf32, #tpu.memory_space<vmem_shared>> -> memref<640x128xf32, #tpu.memory_space<vmem_shared>>
      tpu.enqueue_dma source(%arg5 : memref<640x128xf32, #tpu.memory_space<hbm>>) target(%dma_start3A_154 : memref<640x128xf32, #tpu.memory_space<vmem_shared>>) target_semaphore(%run_scoped3A : memref<!tpu.dma_semaphore, #tpu.memory_space<semaphore_mem>>)
      %dma_wait3A_155 = arith.constant 0 : i32
      %dma_wait3A_156 = tpu.memref_slice %arg7[%mul3A_2, %dma_wait3A_155] : memref<10240x128xf32, #tpu.memory_space<vmem_shared>> -> memref<640x128xf32, #tpu.memory_space<vmem_shared>>
      tpu.wait_dma2 semaphore(%run_scoped3A : memref<!tpu.dma_semaphore, #tpu.memory_space<semaphore_mem>>) src(%arg5 : memref<640x128xf32, #tpu.memory_space<hbm>>) dst(%dma_wait3A_156 : memref<640x128xf32, #tpu.memory_space<vmem_shared>>)
      tpu.yield
    }) : () -> ()
    %barrier3A = arith.constant 0 : index
    tpu.barrier barrier_id(%barrier3A)
    %mul3A_3 = arith.constant 10240 : i32
    %mul3A_4 = arith.muli %add3A, %mul3A_3 : i32
    %add3A_5 = arith.constant 0 : i32
    %add3A_6 = arith.addi %mul3A_4, %add3A_5 : i32
    "tpu.region"() ({
      %run_scoped3A = tpu.sem_alloc : memref<!tpu.dma_semaphore, #tpu.memory_space<semaphore_mem>>
      %dma_start3A_153 = tpu.memref_slice %arg3[%add3A_6] : memref<327680xi32, #tpu.memory_space<hbm>> -> memref<64xi32, #tpu.memory_space<hbm>>
      %dma_start3A_154 = tpu.memref_slice %arg3[%add3A_6] : memref<327680xi32, #tpu.memory_space<hbm>> -> memref<64xi32, #tpu.memory_space<hbm>>
      tpu.enqueue_dma source(%dma_start3A_154 : memref<64xi32, #tpu.memory_space<hbm>>) target(%arg8 : memref<64xi32, #tpu.memory_space<vmem>>) target_semaphore(%run_scoped3A : memref<!tpu.dma_semaphore, #tpu.memory_space<semaphore_mem>>)
      %dma_wait3A_155 = tpu.memref_slice %arg3[%add3A_6] : memref<327680xi32, #tpu.memory_space<hbm>> -> memref<64xi32, #tpu.memory_space<hbm>>
      %dma_wait3A_156 = tpu.memref_slice %arg3[%add3A_6] : memref<327680xi32, #tpu.memory_space<hbm>> -> memref<64xi32, #tpu.memory_space<hbm>>
      tpu.wait_dma2 semaphore(%run_scoped3A : memref<!tpu.dma_semaphore, #tpu.memory_space<semaphore_mem>>) src(%dma_wait3A_156 : memref<64xi32, #tpu.memory_space<hbm>>) dst(%arg8 : memref<64xi32, #tpu.memory_space<vmem>>)
      tpu.yield
    }) : () -> ()
    "tpu.region"() ({
      %run_scoped3A = tpu.sem_alloc : memref<!tpu.dma_semaphore, #tpu.memory_space<semaphore_mem>>
      %dma_start3A_153 = tpu.memref_slice %arg4[%add3A_6] : memref<327680xi32, #tpu.memory_space<hbm>> -> memref<64xi32, #tpu.memory_space<hbm>>
      %dma_start3A_154 = tpu.memref_slice %arg4[%add3A_6] : memref<327680xi32, #tpu.memory_space<hbm>> -> memref<64xi32, #tpu.memory_space<hbm>>
      tpu.enqueue_dma source(%dma_start3A_154 : memref<64xi32, #tpu.memory_space<hbm>>) target(%arg13 : memref<64xi32, #tpu.memory_space<vmem>>) target_semaphore(%run_scoped3A : memref<!tpu.dma_semaphore, #tpu.memory_space<semaphore_mem>>)
      %dma_wait3A_155 = tpu.memref_slice %arg4[%add3A_6] : memref<327680xi32, #tpu.memory_space<hbm>> -> memref<64xi32, #tpu.memory_space<hbm>>
      %dma_wait3A_156 = tpu.memref_slice %arg4[%add3A_6] : memref<327680xi32, #tpu.memory_space<hbm>> -> memref<64xi32, #tpu.memory_space<hbm>>
      tpu.wait_dma2 semaphore(%run_scoped3A : memref<!tpu.dma_semaphore, #tpu.memory_space<semaphore_mem>>) src(%dma_wait3A_156 : memref<64xi32, #tpu.memory_space<hbm>>) dst(%arg13 : memref<64xi32, #tpu.memory_space<vmem>>)
      tpu.yield
    }) : () -> ()
    %dma_start3A = arith.constant 0 : i32
    %dma_start3A_7 = arith.constant 0 : i32
    %dma_start3A_8 = tpu.memref_slice %arg2[%dma_start3A, %dma_start3A_7] : memref<10000x128xf32, #tpu.memory_space<hbm>> -> memref<10000x128xf32, #tpu.memory_space<hbm>>
    tpu.enqueue_indirect_dma source(%dma_start3A_8 : memref<10000x128xf32, #tpu.memory_space<hbm>>) target(%arg18 : memref<64x128xf32, #tpu.memory_space<vmem>>) offsets(%arg8 : memref<64xi32, #tpu.memory_space<vmem>>) semaphore(%arg23 : memref<!tpu.dma_semaphore, #tpu.memory_space<semaphore_mem>>)
    %add3A_9 = arith.constant 64 : i32
    %add3A_10 = arith.addi %mul3A_4, %add3A_9 : i32
    "tpu.region"() ({
      %run_scoped3A = tpu.sem_alloc : memref<!tpu.dma_semaphore, #tpu.memory_space<semaphore_mem>>
      %dma_start3A_153 = tpu.memref_slice %arg3[%add3A_10] : memref<327680xi32, #tpu.memory_space<hbm>> -> memref<64xi32, #tpu.memory_space<hbm>>
      %dma_start3A_154 = tpu.memref_slice %arg3[%add3A_10] : memref<327680xi32, #tpu.memory_space<hbm>> -> memref<64xi32, #tpu.memory_space<hbm>>
      tpu.enqueue_dma source(%dma_start3A_154 : memref<64xi32, #tpu.memory_space<hbm>>) target(%arg9 : memref<64xi32, #tpu.memory_space<vmem>>) target_semaphore(%run_scoped3A : memref<!tpu.dma_semaphore, #tpu.memory_space<semaphore_mem>>)
      %dma_wait3A_155 = tpu.memref_slice %arg3[%add3A_10] : memref<327680xi32, #tpu.memory_space<hbm>> -> memref<64xi32, #tpu.memory_space<hbm>>
      %dma_wait3A_156 = tpu.memref_slice %arg3[%add3A_10] : memref<327680xi32, #tpu.memory_space<hbm>> -> memref<64xi32, #tpu.memory_space<hbm>>
      tpu.wait_dma2 semaphore(%run_scoped3A : memref<!tpu.dma_semaphore, #tpu.memory_space<semaphore_mem>>) src(%dma_wait3A_156 : memref<64xi32, #tpu.memory_space<hbm>>) dst(%arg9 : memref<64xi32, #tpu.memory_space<vmem>>)
      tpu.yield
    }) : () -> ()
    "tpu.region"() ({
      %run_scoped3A = tpu.sem_alloc : memref<!tpu.dma_semaphore, #tpu.memory_space<semaphore_mem>>
      %dma_start3A_153 = tpu.memref_slice %arg4[%add3A_10] : memref<327680xi32, #tpu.memory_space<hbm>> -> memref<64xi32, #tpu.memory_space<hbm>>
      %dma_start3A_154 = tpu.memref_slice %arg4[%add3A_10] : memref<327680xi32, #tpu.memory_space<hbm>> -> memref<64xi32, #tpu.memory_space<hbm>>
      tpu.enqueue_dma source(%dma_start3A_154 : memref<64xi32, #tpu.memory_space<hbm>>) target(%arg14 : memref<64xi32, #tpu.memory_space<vmem>>) target_semaphore(%run_scoped3A : memref<!tpu.dma_semaphore, #tpu.memory_space<semaphore_mem>>)
      %dma_wait3A_155 = tpu.memref_slice %arg4[%add3A_10] : memref<327680xi32, #tpu.memory_space<hbm>> -> memref<64xi32, #tpu.memory_space<hbm>>
      %dma_wait3A_156 = tpu.memref_slice %arg4[%add3A_10] : memref<327680xi32, #tpu.memory_space<hbm>> -> memref<64xi32, #tpu.memory_space<hbm>>
      tpu.wait_dma2 semaphore(%run_scoped3A : memref<!tpu.dma_semaphore, #tpu.memory_space<semaphore_mem>>) src(%dma_wait3A_156 : memref<64xi32, #tpu.memory_space<hbm>>) dst(%arg14 : memref<64xi32, #tpu.memory_space<vmem>>)
      tpu.yield
    }) : () -> ()
    %dma_start3A_11 = arith.constant 0 : i32
    %dma_start3A_12 = arith.constant 0 : i32
    %dma_start3A_13 = tpu.memref_slice %arg2[%dma_start3A_11, %dma_start3A_12] : memref<10000x128xf32, #tpu.memory_space<hbm>> -> memref<10000x128xf32, #tpu.memory_space<hbm>>
    tpu.enqueue_indirect_dma source(%dma_start3A_13 : memref<10000x128xf32, #tpu.memory_space<hbm>>) target(%arg19 : memref<64x128xf32, #tpu.memory_space<vmem>>) offsets(%arg9 : memref<64xi32, #tpu.memory_space<vmem>>) semaphore(%arg24 : memref<!tpu.dma_semaphore, #tpu.memory_space<semaphore_mem>>)
    %dma_wait3A = arith.constant 0 : i32
    %dma_wait3A_14 = arith.constant 0 : i32
    %dma_wait3A_15 = tpu.memref_slice %arg2[%dma_wait3A, %dma_wait3A_14] : memref<10000x128xf32, #tpu.memory_space<hbm>> -> memref<10000x128xf32, #tpu.memory_space<hbm>>
    tpu.wait_indirect_dma semaphore(%arg23 : memref<!tpu.dma_semaphore, #tpu.memory_space<semaphore_mem>>) src(%dma_wait3A_15 : memref<10000x128xf32, #tpu.memory_space<hbm>>) dst(%arg18 : memref<64x128xf32, #tpu.memory_space<vmem>>)
    %dma_start3A_16 = arith.constant 0 : i32
    %dma_start3A_17 = arith.constant 0 : i32
    %dma_start3A_18 = tpu.memref_slice %arg7[%dma_start3A_16, %dma_start3A_17] : memref<10240x128xf32, #tpu.memory_space<vmem_shared>> -> memref<10240x128xf32, #tpu.memory_space<vmem_shared>>
    tpu.enqueue_indirect_dma source(%arg18 : memref<64x128xf32, #tpu.memory_space<vmem>>) target(%dma_start3A_18 : memref<10240x128xf32, #tpu.memory_space<vmem_shared>>) offsets(%arg13 : memref<64xi32, #tpu.memory_space<vmem>>) semaphore(%arg28 : memref<!tpu.dma_semaphore, #tpu.memory_space<semaphore_mem>>) {add = true}
    %add3A_19 = arith.constant 128 : i32
    %add3A_20 = arith.addi %mul3A_4, %add3A_19 : i32
    "tpu.region"() ({
      %run_scoped3A = tpu.sem_alloc : memref<!tpu.dma_semaphore, #tpu.memory_space<semaphore_mem>>
      %dma_start3A_153 = tpu.memref_slice %arg3[%add3A_20] : memref<327680xi32, #tpu.memory_space<hbm>> -> memref<64xi32, #tpu.memory_space<hbm>>
      %dma_start3A_154 = tpu.memref_slice %arg3[%add3A_20] : memref<327680xi32, #tpu.memory_space<hbm>> -> memref<64xi32, #tpu.memory_space<hbm>>
      tpu.enqueue_dma source(%dma_start3A_154 : memref<64xi32, #tpu.memory_space<hbm>>) target(%arg10 : memref<64xi32, #tpu.memory_space<vmem>>) target_semaphore(%run_scoped3A : memref<!tpu.dma_semaphore, #tpu.memory_space<semaphore_mem>>)
      %dma_wait3A_155 = tpu.memref_slice %arg3[%add3A_20] : memref<327680xi32, #tpu.memory_space<hbm>> -> memref<64xi32, #tpu.memory_space<hbm>>
      %dma_wait3A_156 = tpu.memref_slice %arg3[%add3A_20] : memref<327680xi32, #tpu.memory_space<hbm>> -> memref<64xi32, #tpu.memory_space<hbm>>
      tpu.wait_dma2 semaphore(%run_scoped3A : memref<!tpu.dma_semaphore, #tpu.memory_space<semaphore_mem>>) src(%dma_wait3A_156 : memref<64xi32, #tpu.memory_space<hbm>>) dst(%arg10 : memref<64xi32, #tpu.memory_space<vmem>>)
      tpu.yield
    }) : () -> ()
    "tpu.region"() ({
      %run_scoped3A = tpu.sem_alloc : memref<!tpu.dma_semaphore, #tpu.memory_space<semaphore_mem>>
      %dma_start3A_153 = tpu.memref_slice %arg4[%add3A_20] : memref<327680xi32, #tpu.memory_space<hbm>> -> memref<64xi32, #tpu.memory_space<hbm>>
      %dma_start3A_154 = tpu.memref_slice %arg4[%add3A_20] : memref<327680xi32, #tpu.memory_space<hbm>> -> memref<64xi32, #tpu.memory_space<hbm>>
      tpu.enqueue_dma source(%dma_start3A_154 : memref<64xi32, #tpu.memory_space<hbm>>) target(%arg15 : memref<64xi32, #tpu.memory_space<vmem>>) target_semaphore(%run_scoped3A : memref<!tpu.dma_semaphore, #tpu.memory_space<semaphore_mem>>)
      %dma_wait3A_155 = tpu.memref_slice %arg4[%add3A_20] : memref<327680xi32, #tpu.memory_space<hbm>> -> memref<64xi32, #tpu.memory_space<hbm>>
      %dma_wait3A_156 = tpu.memref_slice %arg4[%add3A_20] : memref<327680xi32, #tpu.memory_space<hbm>> -> memref<64xi32, #tpu.memory_space<hbm>>
      tpu.wait_dma2 semaphore(%run_scoped3A : memref<!tpu.dma_semaphore, #tpu.memory_space<semaphore_mem>>) src(%dma_wait3A_156 : memref<64xi32, #tpu.memory_space<hbm>>) dst(%arg15 : memref<64xi32, #tpu.memory_space<vmem>>)
      tpu.yield
    }) : () -> ()
    %dma_start3A_21 = arith.constant 0 : i32
    %dma_start3A_22 = arith.constant 0 : i32
    %dma_start3A_23 = tpu.memref_slice %arg2[%dma_start3A_21, %dma_start3A_22] : memref<10000x128xf32, #tpu.memory_space<hbm>> -> memref<10000x128xf32, #tpu.memory_space<hbm>>
    tpu.enqueue_indirect_dma source(%dma_start3A_23 : memref<10000x128xf32, #tpu.memory_space<hbm>>) target(%arg20 : memref<64x128xf32, #tpu.memory_space<vmem>>) offsets(%arg10 : memref<64xi32, #tpu.memory_space<vmem>>) semaphore(%arg25 : memref<!tpu.dma_semaphore, #tpu.memory_space<semaphore_mem>>)
    %dma_wait3A_24 = arith.constant 0 : i32
    %dma_wait3A_25 = arith.constant 0 : i32
    %dma_wait3A_26 = tpu.memref_slice %arg2[%dma_wait3A_24, %dma_wait3A_25] : memref<10000x128xf32, #tpu.memory_space<hbm>> -> memref<10000x128xf32, #tpu.memory_space<hbm>>
    tpu.wait_indirect_dma semaphore(%arg24 : memref<!tpu.dma_semaphore, #tpu.memory_space<semaphore_mem>>) src(%dma_wait3A_26 : memref<10000x128xf32, #tpu.memory_space<hbm>>) dst(%arg19 : memref<64x128xf32, #tpu.memory_space<vmem>>)
    %dma_start3A_27 = arith.constant 0 : i32
    %dma_start3A_28 = arith.constant 0 : i32
    %dma_start3A_29 = tpu.memref_slice %arg7[%dma_start3A_27, %dma_start3A_28] : memref<10240x128xf32, #tpu.memory_space<vmem_shared>> -> memref<10240x128xf32, #tpu.memory_space<vmem_shared>>
    tpu.enqueue_indirect_dma source(%arg19 : memref<64x128xf32, #tpu.memory_space<vmem>>) target(%dma_start3A_29 : memref<10240x128xf32, #tpu.memory_space<vmem_shared>>) offsets(%arg14 : memref<64xi32, #tpu.memory_space<vmem>>) semaphore(%arg29 : memref<!tpu.dma_semaphore, #tpu.memory_space<semaphore_mem>>) {add = true}
    %add3A_30 = arith.constant 192 : i32
    %add3A_31 = arith.addi %mul3A_4, %add3A_30 : i32
    "tpu.region"() ({
      %run_scoped3A = tpu.sem_alloc : memref<!tpu.dma_semaphore, #tpu.memory_space<semaphore_mem>>
      %dma_start3A_153 = tpu.memref_slice %arg3[%add3A_31] : memref<327680xi32, #tpu.memory_space<hbm>> -> memref<64xi32, #tpu.memory_space<hbm>>
      %dma_start3A_154 = tpu.memref_slice %arg3[%add3A_31] : memref<327680xi32, #tpu.memory_space<hbm>> -> memref<64xi32, #tpu.memory_space<hbm>>
      tpu.enqueue_dma source(%dma_start3A_154 : memref<64xi32, #tpu.memory_space<hbm>>) target(%arg11 : memref<64xi32, #tpu.memory_space<vmem>>) target_semaphore(%run_scoped3A : memref<!tpu.dma_semaphore, #tpu.memory_space<semaphore_mem>>)
      %dma_wait3A_155 = tpu.memref_slice %arg3[%add3A_31] : memref<327680xi32, #tpu.memory_space<hbm>> -> memref<64xi32, #tpu.memory_space<hbm>>
      %dma_wait3A_156 = tpu.memref_slice %arg3[%add3A_31] : memref<327680xi32, #tpu.memory_space<hbm>> -> memref<64xi32, #tpu.memory_space<hbm>>
      tpu.wait_dma2 semaphore(%run_scoped3A : memref<!tpu.dma_semaphore, #tpu.memory_space<semaphore_mem>>) src(%dma_wait3A_156 : memref<64xi32, #tpu.memory_space<hbm>>) dst(%arg11 : memref<64xi32, #tpu.memory_space<vmem>>)
      tpu.yield
    }) : () -> ()
    "tpu.region"() ({
      %run_scoped3A = tpu.sem_alloc : memref<!tpu.dma_semaphore, #tpu.memory_space<semaphore_mem>>
      %dma_start3A_153 = tpu.memref_slice %arg4[%add3A_31] : memref<327680xi32, #tpu.memory_space<hbm>> -> memref<64xi32, #tpu.memory_space<hbm>>
      %dma_start3A_154 = tpu.memref_slice %arg4[%add3A_31] : memref<327680xi32, #tpu.memory_space<hbm>> -> memref<64xi32, #tpu.memory_space<hbm>>
      tpu.enqueue_dma source(%dma_start3A_154 : memref<64xi32, #tpu.memory_space<hbm>>) target(%arg16 : memref<64xi32, #tpu.memory_space<vmem>>) target_semaphore(%run_scoped3A : memref<!tpu.dma_semaphore, #tpu.memory_space<semaphore_mem>>)
      %dma_wait3A_155 = tpu.memref_slice %arg4[%add3A_31] : memref<327680xi32, #tpu.memory_space<hbm>> -> memref<64xi32, #tpu.memory_space<hbm>>
      %dma_wait3A_156 = tpu.memref_slice %arg4[%add3A_31] : memref<327680xi32, #tpu.memory_space<hbm>> -> memref<64xi32, #tpu.memory_space<hbm>>
      tpu.wait_dma2 semaphore(%run_scoped3A : memref<!tpu.dma_semaphore, #tpu.memory_space<semaphore_mem>>) src(%dma_wait3A_156 : memref<64xi32, #tpu.memory_space<hbm>>) dst(%arg16 : memref<64xi32, #tpu.memory_space<vmem>>)
      tpu.yield
    }) : () -> ()
    %dma_start3A_32 = arith.constant 0 : i32
    %dma_start3A_33 = arith.constant 0 : i32
    %dma_start3A_34 = tpu.memref_slice %arg2[%dma_start3A_32, %dma_start3A_33] : memref<10000x128xf32, #tpu.memory_space<hbm>> -> memref<10000x128xf32, #tpu.memory_space<hbm>>
    tpu.enqueue_indirect_dma source(%dma_start3A_34 : memref<10000x128xf32, #tpu.memory_space<hbm>>) target(%arg21 : memref<64x128xf32, #tpu.memory_space<vmem>>) offsets(%arg11 : memref<64xi32, #tpu.memory_space<vmem>>) semaphore(%arg26 : memref<!tpu.dma_semaphore, #tpu.memory_space<semaphore_mem>>)
    %dma_wait3A_35 = arith.constant 0 : i32
    %dma_wait3A_36 = arith.constant 0 : i32
    %dma_wait3A_37 = tpu.memref_slice %arg2[%dma_wait3A_35, %dma_wait3A_36] : memref<10000x128xf32, #tpu.memory_space<hbm>> -> memref<10000x128xf32, #tpu.memory_space<hbm>>
    tpu.wait_indirect_dma semaphore(%arg25 : memref<!tpu.dma_semaphore, #tpu.memory_space<semaphore_mem>>) src(%dma_wait3A_37 : memref<10000x128xf32, #tpu.memory_space<hbm>>) dst(%arg20 : memref<64x128xf32, #tpu.memory_space<vmem>>)
    %dma_start3A_38 = arith.constant 0 : i32
    %dma_start3A_39 = arith.constant 0 : i32
    %dma_start3A_40 = tpu.memref_slice %arg7[%dma_start3A_38, %dma_start3A_39] : memref<10240x128xf32, #tpu.memory_space<vmem_shared>> -> memref<10240x128xf32, #tpu.memory_space<vmem_shared>>
    tpu.enqueue_indirect_dma source(%arg20 : memref<64x128xf32, #tpu.memory_space<vmem>>) target(%dma_start3A_40 : memref<10240x128xf32, #tpu.memory_space<vmem_shared>>) offsets(%arg15 : memref<64xi32, #tpu.memory_space<vmem>>) semaphore(%arg30 : memref<!tpu.dma_semaphore, #tpu.memory_space<semaphore_mem>>) {add = true}
    %add3A_41 = arith.constant 256 : i32
    %add3A_42 = arith.addi %mul3A_4, %add3A_41 : i32
    "tpu.region"() ({
      %run_scoped3A = tpu.sem_alloc : memref<!tpu.dma_semaphore, #tpu.memory_space<semaphore_mem>>
      %dma_start3A_153 = tpu.memref_slice %arg3[%add3A_42] : memref<327680xi32, #tpu.memory_space<hbm>> -> memref<64xi32, #tpu.memory_space<hbm>>
      %dma_start3A_154 = tpu.memref_slice %arg3[%add3A_42] : memref<327680xi32, #tpu.memory_space<hbm>> -> memref<64xi32, #tpu.memory_space<hbm>>
      tpu.enqueue_dma source(%dma_start3A_154 : memref<64xi32, #tpu.memory_space<hbm>>) target(%arg12 : memref<64xi32, #tpu.memory_space<vmem>>) target_semaphore(%run_scoped3A : memref<!tpu.dma_semaphore, #tpu.memory_space<semaphore_mem>>)
      %dma_wait3A_155 = tpu.memref_slice %arg3[%add3A_42] : memref<327680xi32, #tpu.memory_space<hbm>> -> memref<64xi32, #tpu.memory_space<hbm>>
      %dma_wait3A_156 = tpu.memref_slice %arg3[%add3A_42] : memref<327680xi32, #tpu.memory_space<hbm>> -> memref<64xi32, #tpu.memory_space<hbm>>
      tpu.wait_dma2 semaphore(%run_scoped3A : memref<!tpu.dma_semaphore, #tpu.memory_space<semaphore_mem>>) src(%dma_wait3A_156 : memref<64xi32, #tpu.memory_space<hbm>>) dst(%arg12 : memref<64xi32, #tpu.memory_space<vmem>>)
      tpu.yield
    }) : () -> ()
    "tpu.region"() ({
      %run_scoped3A = tpu.sem_alloc : memref<!tpu.dma_semaphore, #tpu.memory_space<semaphore_mem>>
      %dma_start3A_153 = tpu.memref_slice %arg4[%add3A_42] : memref<327680xi32, #tpu.memory_space<hbm>> -> memref<64xi32, #tpu.memory_space<hbm>>
      %dma_start3A_154 = tpu.memref_slice %arg4[%add3A_42] : memref<327680xi32, #tpu.memory_space<hbm>> -> memref<64xi32, #tpu.memory_space<hbm>>
      tpu.enqueue_dma source(%dma_start3A_154 : memref<64xi32, #tpu.memory_space<hbm>>) target(%arg17 : memref<64xi32, #tpu.memory_space<vmem>>) target_semaphore(%run_scoped3A : memref<!tpu.dma_semaphore, #tpu.memory_space<semaphore_mem>>)
      %dma_wait3A_155 = tpu.memref_slice %arg4[%add3A_42] : memref<327680xi32, #tpu.memory_space<hbm>> -> memref<64xi32, #tpu.memory_space<hbm>>
      %dma_wait3A_156 = tpu.memref_slice %arg4[%add3A_42] : memref<327680xi32, #tpu.memory_space<hbm>> -> memref<64xi32, #tpu.memory_space<hbm>>
      tpu.wait_dma2 semaphore(%run_scoped3A : memref<!tpu.dma_semaphore, #tpu.memory_space<semaphore_mem>>) src(%dma_wait3A_156 : memref<64xi32, #tpu.memory_space<hbm>>) dst(%arg17 : memref<64xi32, #tpu.memory_space<vmem>>)
      tpu.yield
    }) : () -> ()
    %dma_start3A_43 = arith.constant 0 : i32
    %dma_start3A_44 = arith.constant 0 : i32
    %dma_start3A_45 = tpu.memref_slice %arg2[%dma_start3A_43, %dma_start3A_44] : memref<10000x128xf32, #tpu.memory_space<hbm>> -> memref<10000x128xf32, #tpu.memory_space<hbm>>
    tpu.enqueue_indirect_dma source(%dma_start3A_45 : memref<10000x128xf32, #tpu.memory_space<hbm>>) target(%arg22 : memref<64x128xf32, #tpu.memory_space<vmem>>) offsets(%arg12 : memref<64xi32, #tpu.memory_space<vmem>>) semaphore(%arg27 : memref<!tpu.dma_semaphore, #tpu.memory_space<semaphore_mem>>)
    %dma_wait3A_46 = arith.constant 0 : i32
    %dma_wait3A_47 = arith.constant 0 : i32
    %dma_wait3A_48 = tpu.memref_slice %arg2[%dma_wait3A_46, %dma_wait3A_47] : memref<10000x128xf32, #tpu.memory_space<hbm>> -> memref<10000x128xf32, #tpu.memory_space<hbm>>
    tpu.wait_indirect_dma semaphore(%arg26 : memref<!tpu.dma_semaphore, #tpu.memory_space<semaphore_mem>>) src(%dma_wait3A_48 : memref<10000x128xf32, #tpu.memory_space<hbm>>) dst(%arg21 : memref<64x128xf32, #tpu.memory_space<vmem>>)
    %dma_start3A_49 = arith.constant 0 : i32
    %dma_start3A_50 = arith.constant 0 : i32
    %dma_start3A_51 = tpu.memref_slice %arg7[%dma_start3A_49, %dma_start3A_50] : memref<10240x128xf32, #tpu.memory_space<vmem_shared>> -> memref<10240x128xf32, #tpu.memory_space<vmem_shared>>
    tpu.enqueue_indirect_dma source(%arg21 : memref<64x128xf32, #tpu.memory_space<vmem>>) target(%dma_start3A_51 : memref<10240x128xf32, #tpu.memory_space<vmem_shared>>) offsets(%arg16 : memref<64xi32, #tpu.memory_space<vmem>>) semaphore(%arg31 : memref<!tpu.dma_semaphore, #tpu.memory_space<semaphore_mem>>) {add = true}
    %dma_wait3A_52 = arith.constant 0 : i32
    %dma_wait3A_53 = arith.constant 0 : i32
    %dma_wait3A_54 = tpu.memref_slice %arg7[%dma_wait3A_52, %dma_wait3A_53] : memref<10240x128xf32, #tpu.memory_space<vmem_shared>> -> memref<10240x128xf32, #tpu.memory_space<vmem_shared>>
    tpu.wait_indirect_dma semaphore(%arg28 : memref<!tpu.dma_semaphore, #tpu.memory_space<semaphore_mem>>) src(%arg18 : memref<64x128xf32, #tpu.memory_space<vmem>>) dst(%dma_wait3A_54 : memref<10240x128xf32, #tpu.memory_space<vmem_shared>>)
    %add3A_55 = arith.constant 320 : i32
    %add3A_56 = arith.addi %mul3A_4, %add3A_55 : i32
    "tpu.region"() ({
      %run_scoped3A = tpu.sem_alloc : memref<!tpu.dma_semaphore, #tpu.memory_space<semaphore_mem>>
      %dma_start3A_153 = tpu.memref_slice %arg3[%add3A_56] : memref<327680xi32, #tpu.memory_space<hbm>> -> memref<64xi32, #tpu.memory_space<hbm>>
      %dma_start3A_154 = tpu.memref_slice %arg3[%add3A_56] : memref<327680xi32, #tpu.memory_space<hbm>> -> memref<64xi32, #tpu.memory_space<hbm>>
      tpu.enqueue_dma source(%dma_start3A_154 : memref<64xi32, #tpu.memory_space<hbm>>) target(%arg8 : memref<64xi32, #tpu.memory_space<vmem>>) target_semaphore(%run_scoped3A : memref<!tpu.dma_semaphore, #tpu.memory_space<semaphore_mem>>)
      %dma_wait3A_155 = tpu.memref_slice %arg3[%add3A_56] : memref<327680xi32, #tpu.memory_space<hbm>> -> memref<64xi32, #tpu.memory_space<hbm>>
      %dma_wait3A_156 = tpu.memref_slice %arg3[%add3A_56] : memref<327680xi32, #tpu.memory_space<hbm>> -> memref<64xi32, #tpu.memory_space<hbm>>
      tpu.wait_dma2 semaphore(%run_scoped3A : memref<!tpu.dma_semaphore, #tpu.memory_space<semaphore_mem>>) src(%dma_wait3A_156 : memref<64xi32, #tpu.memory_space<hbm>>) dst(%arg8 : memref<64xi32, #tpu.memory_space<vmem>>)
      tpu.yield
    }) : () -> ()
    "tpu.region"() ({
      %run_scoped3A = tpu.sem_alloc : memref<!tpu.dma_semaphore, #tpu.memory_space<semaphore_mem>>
      %dma_start3A_153 = tpu.memref_slice %arg4[%add3A_56] : memref<327680xi32, #tpu.memory_space<hbm>> -> memref<64xi32, #tpu.memory_space<hbm>>
      %dma_start3A_154 = tpu.memref_slice %arg4[%add3A_56] : memref<327680xi32, #tpu.memory_space<hbm>> -> memref<64xi32, #tpu.memory_space<hbm>>
      tpu.enqueue_dma source(%dma_start3A_154 : memref<64xi32, #tpu.memory_space<hbm>>) target(%arg13 : memref<64xi32, #tpu.memory_space<vmem>>) target_semaphore(%run_scoped3A : memref<!tpu.dma_semaphore, #tpu.memory_space<semaphore_mem>>)
      %dma_wait3A_155 = tpu.memref_slice %arg4[%add3A_56] : memref<327680xi32, #tpu.memory_space<hbm>> -> memref<64xi32, #tpu.memory_space<hbm>>
      %dma_wait3A_156 = tpu.memref_slice %arg4[%add3A_56] : memref<327680xi32, #tpu.memory_space<hbm>> -> memref<64xi32, #tpu.memory_space<hbm>>
      tpu.wait_dma2 semaphore(%run_scoped3A : memref<!tpu.dma_semaphore, #tpu.memory_space<semaphore_mem>>) src(%dma_wait3A_156 : memref<64xi32, #tpu.memory_space<hbm>>) dst(%arg13 : memref<64xi32, #tpu.memory_space<vmem>>)
      tpu.yield
    }) : () -> ()
    %dma_start3A_57 = arith.constant 0 : i32
    %dma_start3A_58 = arith.constant 0 : i32
    %dma_start3A_59 = tpu.memref_slice %arg2[%dma_start3A_57, %dma_start3A_58] : memref<10000x128xf32, #tpu.memory_space<hbm>> -> memref<10000x128xf32, #tpu.memory_space<hbm>>
    tpu.enqueue_indirect_dma source(%dma_start3A_59 : memref<10000x128xf32, #tpu.memory_space<hbm>>) target(%arg18 : memref<64x128xf32, #tpu.memory_space<vmem>>) offsets(%arg8 : memref<64xi32, #tpu.memory_space<vmem>>) semaphore(%arg23 : memref<!tpu.dma_semaphore, #tpu.memory_space<semaphore_mem>>)
    %dma_wait3A_60 = arith.constant 0 : i32
    %dma_wait3A_61 = arith.constant 0 : i32
    %dma_wait3A_62 = tpu.memref_slice %arg2[%dma_wait3A_60, %dma_wait3A_61] : memref<10000x128xf32, #tpu.memory_space<hbm>> -> memref<10000x128xf32, #tpu.memory_space<hbm>>
    tpu.wait_indirect_dma semaphore(%arg27 : memref<!tpu.dma_semaphore, #tpu.memory_space<semaphore_mem>>) src(%dma_wait3A_62 : memref<10000x128xf32, #tpu.memory_space<hbm>>) dst(%arg22 : memref<64x128xf32, #tpu.memory_space<vmem>>)
    %dma_start3A_63 = arith.constant 0 : i32
    %dma_start3A_64 = arith.constant 0 : i32
    %dma_start3A_65 = tpu.memref_slice %arg7[%dma_start3A_63, %dma_start3A_64] : memref<10240x128xf32, #tpu.memory_space<vmem_shared>> -> memref<10240x128xf32, #tpu.memory_space<vmem_shared>>
    tpu.enqueue_indirect_dma source(%arg22 : memref<64x128xf32, #tpu.memory_space<vmem>>) target(%dma_start3A_65 : memref<10240x128xf32, #tpu.memory_space<vmem_shared>>) offsets(%arg17 : memref<64xi32, #tpu.memory_space<vmem>>) semaphore(%arg32 : memref<!tpu.dma_semaphore, #tpu.memory_space<semaphore_mem>>) {add = true}
    %dma_wait3A_66 = arith.constant 0 : i32
    %dma_wait3A_67 = arith.constant 0 : i32
    %dma_wait3A_68 = tpu.memref_slice %arg7[%dma_wait3A_66, %dma_wait3A_67] : memref<10240x128xf32, #tpu.memory_space<vmem_shared>> -> memref<10240x128xf32, #tpu.memory_space<vmem_shared>>
    tpu.wait_indirect_dma semaphore(%arg29 : memref<!tpu.dma_semaphore, #tpu.memory_space<semaphore_mem>>) src(%arg19 : memref<64x128xf32, #tpu.memory_space<vmem>>) dst(%dma_wait3A_68 : memref<10240x128xf32, #tpu.memory_space<vmem_shared>>)
    %add3A_69 = arith.constant 384 : i32
    %add3A_70 = arith.addi %mul3A_4, %add3A_69 : i32
    "tpu.region"() ({
      %run_scoped3A = tpu.sem_alloc : memref<!tpu.dma_semaphore, #tpu.memory_space<semaphore_mem>>
      %dma_start3A_153 = tpu.memref_slice %arg3[%add3A_70] : memref<327680xi32, #tpu.memory_space<hbm>> -> memref<64xi32, #tpu.memory_space<hbm>>
      %dma_start3A_154 = tpu.memref_slice %arg3[%add3A_70] : memref<327680xi32, #tpu.memory_space<hbm>> -> memref<64xi32, #tpu.memory_space<hbm>>
      tpu.enqueue_dma source(%dma_start3A_154 : memref<64xi32, #tpu.memory_space<hbm>>) target(%arg9 : memref<64xi32, #tpu.memory_space<vmem>>) target_semaphore(%run_scoped3A : memref<!tpu.dma_semaphore, #tpu.memory_space<semaphore_mem>>)
      %dma_wait3A_155 = tpu.memref_slice %arg3[%add3A_70] : memref<327680xi32, #tpu.memory_space<hbm>> -> memref<64xi32, #tpu.memory_space<hbm>>
      %dma_wait3A_156 = tpu.memref_slice %arg3[%add3A_70] : memref<327680xi32, #tpu.memory_space<hbm>> -> memref<64xi32, #tpu.memory_space<hbm>>
      tpu.wait_dma2 semaphore(%run_scoped3A : memref<!tpu.dma_semaphore, #tpu.memory_space<semaphore_mem>>) src(%dma_wait3A_156 : memref<64xi32, #tpu.memory_space<hbm>>) dst(%arg9 : memref<64xi32, #tpu.memory_space<vmem>>)
      tpu.yield
    }) : () -> ()
    "tpu.region"() ({
      %run_scoped3A = tpu.sem_alloc : memref<!tpu.dma_semaphore, #tpu.memory_space<semaphore_mem>>
      %dma_start3A_153 = tpu.memref_slice %arg4[%add3A_70] : memref<327680xi32, #tpu.memory_space<hbm>> -> memref<64xi32, #tpu.memory_space<hbm>>
      %dma_start3A_154 = tpu.memref_slice %arg4[%add3A_70] : memref<327680xi32, #tpu.memory_space<hbm>> -> memref<64xi32, #tpu.memory_space<hbm>>
      tpu.enqueue_dma source(%dma_start3A_154 : memref<64xi32, #tpu.memory_space<hbm>>) target(%arg14 : memref<64xi32, #tpu.memory_space<vmem>>) target_semaphore(%run_scoped3A : memref<!tpu.dma_semaphore, #tpu.memory_space<semaphore_mem>>)
      %dma_wait3A_155 = tpu.memref_slice %arg4[%add3A_70] : memref<327680xi32, #tpu.memory_space<hbm>> -> memref<64xi32, #tpu.memory_space<hbm>>
      %dma_wait3A_156 = tpu.memref_slice %arg4[%add3A_70] : memref<327680xi32, #tpu.memory_space<hbm>> -> memref<64xi32, #tpu.memory_space<hbm>>
      tpu.wait_dma2 semaphore(%run_scoped3A : memref<!tpu.dma_semaphore, #tpu.memory_space<semaphore_mem>>) src(%dma_wait3A_156 : memref<64xi32, #tpu.memory_space<hbm>>) dst(%arg14 : memref<64xi32, #tpu.memory_space<vmem>>)
      tpu.yield
    }) : () -> ()
    %dma_start3A_71 = arith.constant 0 : i32
    %dma_start3A_72 = arith.constant 0 : i32
    %dma_start3A_73 = tpu.memref_slice %arg2[%dma_start3A_71, %dma_start3A_72] : memref<10000x128xf32, #tpu.memory_space<hbm>> -> memref<10000x128xf32, #tpu.memory_space<hbm>>
    tpu.enqueue_indirect_dma source(%dma_start3A_73 : memref<10000x128xf32, #tpu.memory_space<hbm>>) target(%arg19 : memref<64x128xf32, #tpu.memory_space<vmem>>) offsets(%arg9 : memref<64xi32, #tpu.memory_space<vmem>>) semaphore(%arg24 : memref<!tpu.dma_semaphore, #tpu.memory_space<semaphore_mem>>)
    %scan3A = arith.constant 0 : i32
    %scan3A_74 = arith.constant 1 : i32
    %scan3A_75 = arith.constant 30 : i32
    %scan3A_76 = arith.addi %scan3A_74, %scan3A_75 : i32
    %scan3A_77 = arith.constant 1 : i32
    scf.for %scan3A_153 = %scan3A_74 to %scan3A_76 step %scan3A_77  : i32 {
      %mul3A_154 = arith.constant 5 : i32
      %mul3A_155 = arith.muli %mul3A_154, %scan3A_153 : i32
      %add3A_156 = arith.constant 0 : i32
      %add3A_157 = arith.addi %mul3A_155, %add3A_156 : i32
      %dma_wait3A_158 = arith.constant 0 : i32
      %dma_wait3A_159 = arith.constant 0 : i32
      %dma_wait3A_160 = tpu.memref_slice %arg2[%dma_wait3A_158, %dma_wait3A_159] : memref<10000x128xf32, #tpu.memory_space<hbm>> -> memref<10000x128xf32, #tpu.memory_space<hbm>>
      tpu.wait_indirect_dma semaphore(%arg23 : memref<!tpu.dma_semaphore, #tpu.memory_space<semaphore_mem>>) src(%dma_wait3A_160 : memref<10000x128xf32, #tpu.memory_space<hbm>>) dst(%arg18 : memref<64x128xf32, #tpu.memory_space<vmem>>)
      %dma_start3A_161 = arith.constant 0 : i32
      %dma_start3A_162 = arith.constant 0 : i32
      %dma_start3A_163 = tpu.memref_slice %arg7[%dma_start3A_161, %dma_start3A_162] : memref<10240x128xf32, #tpu.memory_space<vmem_shared>> -> memref<10240x128xf32, #tpu.memory_space<vmem_shared>>
      tpu.enqueue_indirect_dma source(%arg18 : memref<64x128xf32, #tpu.memory_space<vmem>>) target(%dma_start3A_163 : memref<10240x128xf32, #tpu.memory_space<vmem_shared>>) offsets(%arg13 : memref<64xi32, #tpu.memory_space<vmem>>) semaphore(%arg28 : memref<!tpu.dma_semaphore, #tpu.memory_space<semaphore_mem>>) {add = true}
      %dma_wait3A_164 = arith.constant 0 : i32
      %dma_wait3A_165 = arith.constant 0 : i32
      %dma_wait3A_166 = tpu.memref_slice %arg7[%dma_wait3A_164, %dma_wait3A_165] : memref<10240x128xf32, #tpu.memory_space<vmem_shared>> -> memref<10240x128xf32, #tpu.memory_space<vmem_shared>>
      tpu.wait_indirect_dma semaphore(%arg30 : memref<!tpu.dma_semaphore, #tpu.memory_space<semaphore_mem>>) src(%arg20 : memref<64x128xf32, #tpu.memory_space<vmem>>) dst(%dma_wait3A_166 : memref<10240x128xf32, #tpu.memory_space<vmem_shared>>)
      %add3A_167 = arith.constant 2 : i32
      %add3A_168 = arith.addi %add3A_157, %add3A_167 : i32
      %mul3A_169 = arith.constant 64 : i32
      %mul3A_170 = arith.muli %add3A_168, %mul3A_169 : i32
      %add3A_171 = arith.addi %mul3A_4, %mul3A_170 : i32
      "tpu.region"() ({
        %run_scoped3A = tpu.sem_alloc : memref<!tpu.dma_semaphore, #tpu.memory_space<semaphore_mem>>
        %dma_start3A_259 = tpu.memref_slice %arg3[%add3A_171] : memref<327680xi32, #tpu.memory_space<hbm>> -> memref<64xi32, #tpu.memory_space<hbm>>
        %dma_start3A_260 = tpu.memref_slice %arg3[%add3A_171] : memref<327680xi32, #tpu.memory_space<hbm>> -> memref<64xi32, #tpu.memory_space<hbm>>
        tpu.enqueue_dma source(%dma_start3A_260 : memref<64xi32, #tpu.memory_space<hbm>>) target(%arg10 : memref<64xi32, #tpu.memory_space<vmem>>) target_semaphore(%run_scoped3A : memref<!tpu.dma_semaphore, #tpu.memory_space<semaphore_mem>>)
        %dma_wait3A_261 = tpu.memref_slice %arg3[%add3A_171] : memref<327680xi32, #tpu.memory_space<hbm>> -> memref<64xi32, #tpu.memory_space<hbm>>
        %dma_wait3A_262 = tpu.memref_slice %arg3[%add3A_171] : memref<327680xi32, #tpu.memory_space<hbm>> -> memref<64xi32, #tpu.memory_space<hbm>>
        tpu.wait_dma2 semaphore(%run_scoped3A : memref<!tpu.dma_semaphore, #tpu.memory_space<semaphore_mem>>) src(%dma_wait3A_262 : memref<64xi32, #tpu.memory_space<hbm>>) dst(%arg10 : memref<64xi32, #tpu.memory_space<vmem>>)
        tpu.yield
      }) : () -> ()
      "tpu.region"() ({
        %run_scoped3A = tpu.sem_alloc : memref<!tpu.dma_semaphore, #tpu.memory_space<semaphore_mem>>
        %dma_start3A_259 = tpu.memref_slice %arg4[%add3A_171] : memref<327680xi32, #tpu.memory_space<hbm>> -> memref<64xi32, #tpu.memory_space<hbm>>
        %dma_start3A_260 = tpu.memref_slice %arg4[%add3A_171] : memref<327680xi32, #tpu.memory_space<hbm>> -> memref<64xi32, #tpu.memory_space<hbm>>
        tpu.enqueue_dma source(%dma_start3A_260 : memref<64xi32, #tpu.memory_space<hbm>>) target(%arg15 : memref<64xi32, #tpu.memory_space<vmem>>) target_semaphore(%run_scoped3A : memref<!tpu.dma_semaphore, #tpu.memory_space<semaphore_mem>>)
        %dma_wait3A_261 = tpu.memref_slice %arg4[%add3A_171] : memref<327680xi32, #tpu.memory_space<hbm>> -> memref<64xi32, #tpu.memory_space<hbm>>
        %dma_wait3A_262 = tpu.memref_slice %arg4[%add3A_171] : memref<327680xi32, #tpu.memory_space<hbm>> -> memref<64xi32, #tpu.memory_space<hbm>>
        tpu.wait_dma2 semaphore(%run_scoped3A : memref<!tpu.dma_semaphore, #tpu.memory_space<semaphore_mem>>) src(%dma_wait3A_262 : memref<64xi32, #tpu.memory_space<hbm>>) dst(%arg15 : memref<64xi32, #tpu.memory_space<vmem>>)
        tpu.yield
      }) : () -> ()
      %dma_start3A_172 = arith.constant 0 : i32
      %dma_start3A_173 = arith.constant 0 : i32
      %dma_start3A_174 = tpu.memref_slice %arg2[%dma_start3A_172, %dma_start3A_173] : memref<10000x128xf32, #tpu.memory_space<hbm>> -> memref<10000x128xf32, #tpu.memory_space<hbm>>
      tpu.enqueue_indirect_dma source(%dma_start3A_174 : memref<10000x128xf32, #tpu.memory_space<hbm>>) target(%arg20 : memref<64x128xf32, #tpu.memory_space<vmem>>) offsets(%arg10 : memref<64xi32, #tpu.memory_space<vmem>>) semaphore(%arg25 : memref<!tpu.dma_semaphore, #tpu.memory_space<semaphore_mem>>)
      %mul3A_175 = arith.constant 5 : i32
      %mul3A_176 = arith.muli %mul3A_175, %scan3A_153 : i32
      %add3A_177 = arith.constant 1 : i32
      %add3A_178 = arith.addi %mul3A_176, %add3A_177 : i32
      %dma_wait3A_179 = arith.constant 0 : i32
      %dma_wait3A_180 = arith.constant 0 : i32
      %dma_wait3A_181 = tpu.memref_slice %arg2[%dma_wait3A_179, %dma_wait3A_180] : memref<10000x128xf32, #tpu.memory_space<hbm>> -> memref<10000x128xf32, #tpu.memory_space<hbm>>
      tpu.wait_indirect_dma semaphore(%arg24 : memref<!tpu.dma_semaphore, #tpu.memory_space<semaphore_mem>>) src(%dma_wait3A_181 : memref<10000x128xf32, #tpu.memory_space<hbm>>) dst(%arg19 : memref<64x128xf32, #tpu.memory_space<vmem>>)
      %dma_start3A_182 = arith.constant 0 : i32
      %dma_start3A_183 = arith.constant 0 : i32
      %dma_start3A_184 = tpu.memref_slice %arg7[%dma_start3A_182, %dma_start3A_183] : memref<10240x128xf32, #tpu.memory_space<vmem_shared>> -> memref<10240x128xf32, #tpu.memory_space<vmem_shared>>
      tpu.enqueue_indirect_dma source(%arg19 : memref<64x128xf32, #tpu.memory_space<vmem>>) target(%dma_start3A_184 : memref<10240x128xf32, #tpu.memory_space<vmem_shared>>) offsets(%arg14 : memref<64xi32, #tpu.memory_space<vmem>>) semaphore(%arg29 : memref<!tpu.dma_semaphore, #tpu.memory_space<semaphore_mem>>) {add = true}
      %dma_wait3A_185 = arith.constant 0 : i32
      %dma_wait3A_186 = arith.constant 0 : i32
      %dma_wait3A_187 = tpu.memref_slice %arg7[%dma_wait3A_185, %dma_wait3A_186] : memref<10240x128xf32, #tpu.memory_space<vmem_shared>> -> memref<10240x128xf32, #tpu.memory_space<vmem_shared>>
      tpu.wait_indirect_dma semaphore(%arg31 : memref<!tpu.dma_semaphore, #tpu.memory_space<semaphore_mem>>) src(%arg21 : memref<64x128xf32, #tpu.memory_space<vmem>>) dst(%dma_wait3A_187 : memref<10240x128xf32, #tpu.memory_space<vmem_shared>>)
      %add3A_188 = arith.constant 2 : i32
      %add3A_189 = arith.addi %add3A_178, %add3A_188 : i32
      %mul3A_190 = arith.constant 64 : i32
      %mul3A_191 = arith.muli %add3A_189, %mul3A_190 : i32
      %add3A_192 = arith.addi %mul3A_4, %mul3A_191 : i32
      "tpu.region"() ({
        %run_scoped3A = tpu.sem_alloc : memref<!tpu.dma_semaphore, #tpu.memory_space<semaphore_mem>>
        %dma_start3A_259 = tpu.memref_slice %arg3[%add3A_192] : memref<327680xi32, #tpu.memory_space<hbm>> -> memref<64xi32, #tpu.memory_space<hbm>>
        %dma_start3A_260 = tpu.memref_slice %arg3[%add3A_192] : memref<327680xi32, #tpu.memory_space<hbm>> -> memref<64xi32, #tpu.memory_space<hbm>>
        tpu.enqueue_dma source(%dma_start3A_260 : memref<64xi32, #tpu.memory_space<hbm>>) target(%arg11 : memref<64xi32, #tpu.memory_space<vmem>>) target_semaphore(%run_scoped3A : memref<!tpu.dma_semaphore, #tpu.memory_space<semaphore_mem>>)
        %dma_wait3A_261 = tpu.memref_slice %arg3[%add3A_192] : memref<327680xi32, #tpu.memory_space<hbm>> -> memref<64xi32, #tpu.memory_space<hbm>>
        %dma_wait3A_262 = tpu.memref_slice %arg3[%add3A_192] : memref<327680xi32, #tpu.memory_space<hbm>> -> memref<64xi32, #tpu.memory_space<hbm>>
        tpu.wait_dma2 semaphore(%run_scoped3A : memref<!tpu.dma_semaphore, #tpu.memory_space<semaphore_mem>>) src(%dma_wait3A_262 : memref<64xi32, #tpu.memory_space<hbm>>) dst(%arg11 : memref<64xi32, #tpu.memory_space<vmem>>)
        tpu.yield
      }) : () -> ()
      "tpu.region"() ({
        %run_scoped3A = tpu.sem_alloc : memref<!tpu.dma_semaphore, #tpu.memory_space<semaphore_mem>>
        %dma_start3A_259 = tpu.memref_slice %arg4[%add3A_192] : memref<327680xi32, #tpu.memory_space<hbm>> -> memref<64xi32, #tpu.memory_space<hbm>>
        %dma_start3A_260 = tpu.memref_slice %arg4[%add3A_192] : memref<327680xi32, #tpu.memory_space<hbm>> -> memref<64xi32, #tpu.memory_space<hbm>>
        tpu.enqueue_dma source(%dma_start3A_260 : memref<64xi32, #tpu.memory_space<hbm>>) target(%arg16 : memref<64xi32, #tpu.memory_space<vmem>>) target_semaphore(%run_scoped3A : memref<!tpu.dma_semaphore, #tpu.memory_space<semaphore_mem>>)
        %dma_wait3A_261 = tpu.memref_slice %arg4[%add3A_192] : memref<327680xi32, #tpu.memory_space<hbm>> -> memref<64xi32, #tpu.memory_space<hbm>>
        %dma_wait3A_262 = tpu.memref_slice %arg4[%add3A_192] : memref<327680xi32, #tpu.memory_space<hbm>> -> memref<64xi32, #tpu.memory_space<hbm>>
        tpu.wait_dma2 semaphore(%run_scoped3A : memref<!tpu.dma_semaphore, #tpu.memory_space<semaphore_mem>>) src(%dma_wait3A_262 : memref<64xi32, #tpu.memory_space<hbm>>) dst(%arg16 : memref<64xi32, #tpu.memory_space<vmem>>)
        tpu.yield
      }) : () -> ()
      %dma_start3A_193 = arith.constant 0 : i32
      %dma_start3A_194 = arith.constant 0 : i32
      %dma_start3A_195 = tpu.memref_slice %arg2[%dma_start3A_193, %dma_start3A_194] : memref<10000x128xf32, #tpu.memory_space<hbm>> -> memref<10000x128xf32, #tpu.memory_space<hbm>>
      tpu.enqueue_indirect_dma source(%dma_start3A_195 : memref<10000x128xf32, #tpu.memory_space<hbm>>) target(%arg21 : memref<64x128xf32, #tpu.memory_space<vmem>>) offsets(%arg11 : memref<64xi32, #tpu.memory_space<vmem>>) semaphore(%arg26 : memref<!tpu.dma_semaphore, #tpu.memory_space<semaphore_mem>>)
      %mul3A_196 = arith.constant 5 : i32
      %mul3A_197 = arith.muli %mul3A_196, %scan3A_153 : i32
      %add3A_198 = arith.constant 2 : i32
      %add3A_199 = arith.addi %mul3A_197, %add3A_198 : i32
      %dma_wait3A_200 = arith.constant 0 : i32
      %dma_wait3A_201 = arith.constant 0 : i32
      %dma_wait3A_202 = tpu.memref_slice %arg2[%dma_wait3A_200, %dma_wait3A_201] : memref<10000x128xf32, #tpu.memory_space<hbm>> -> memref<10000x128xf32, #tpu.memory_space<hbm>>
      tpu.wait_indirect_dma semaphore(%arg25 : memref<!tpu.dma_semaphore, #tpu.memory_space<semaphore_mem>>) src(%dma_wait3A_202 : memref<10000x128xf32, #tpu.memory_space<hbm>>) dst(%arg20 : memref<64x128xf32, #tpu.memory_space<vmem>>)
      %dma_start3A_203 = arith.constant 0 : i32
      %dma_start3A_204 = arith.constant 0 : i32
      %dma_start3A_205 = tpu.memref_slice %arg7[%dma_start3A_203, %dma_start3A_204] : memref<10240x128xf32, #tpu.memory_space<vmem_shared>> -> memref<10240x128xf32, #tpu.memory_space<vmem_shared>>
      tpu.enqueue_indirect_dma source(%arg20 : memref<64x128xf32, #tpu.memory_space<vmem>>) target(%dma_start3A_205 : memref<10240x128xf32, #tpu.memory_space<vmem_shared>>) offsets(%arg15 : memref<64xi32, #tpu.memory_space<vmem>>) semaphore(%arg30 : memref<!tpu.dma_semaphore, #tpu.memory_space<semaphore_mem>>) {add = true}
      %dma_wait3A_206 = arith.constant 0 : i32
      %dma_wait3A_207 = arith.constant 0 : i32
      %dma_wait3A_208 = tpu.memref_slice %arg7[%dma_wait3A_206, %dma_wait3A_207] : memref<10240x128xf32, #tpu.memory_space<vmem_shared>> -> memref<10240x128xf32, #tpu.memory_space<vmem_shared>>
      tpu.wait_indirect_dma semaphore(%arg32 : memref<!tpu.dma_semaphore, #tpu.memory_space<semaphore_mem>>) src(%arg22 : memref<64x128xf32, #tpu.memory_space<vmem>>) dst(%dma_wait3A_208 : memref<10240x128xf32, #tpu.memory_space<vmem_shared>>)
      %add3A_209 = arith.constant 2 : i32
      %add3A_210 = arith.addi %add3A_199, %add3A_209 : i32
      %mul3A_211 = arith.constant 64 : i32
      %mul3A_212 = arith.muli %add3A_210, %mul3A_211 : i32
      %add3A_213 = arith.addi %mul3A_4, %mul3A_212 : i32
      "tpu.region"() ({
        %run_scoped3A = tpu.sem_alloc : memref<!tpu.dma_semaphore, #tpu.memory_space<semaphore_mem>>
        %dma_start3A_259 = tpu.memref_slice %arg3[%add3A_213] : memref<327680xi32, #tpu.memory_space<hbm>> -> memref<64xi32, #tpu.memory_space<hbm>>
        %dma_start3A_260 = tpu.memref_slice %arg3[%add3A_213] : memref<327680xi32, #tpu.memory_space<hbm>> -> memref<64xi32, #tpu.memory_space<hbm>>
        tpu.enqueue_dma source(%dma_start3A_260 : memref<64xi32, #tpu.memory_space<hbm>>) target(%arg12 : memref<64xi32, #tpu.memory_space<vmem>>) target_semaphore(%run_scoped3A : memref<!tpu.dma_semaphore, #tpu.memory_space<semaphore_mem>>)
        %dma_wait3A_261 = tpu.memref_slice %arg3[%add3A_213] : memref<327680xi32, #tpu.memory_space<hbm>> -> memref<64xi32, #tpu.memory_space<hbm>>
        %dma_wait3A_262 = tpu.memref_slice %arg3[%add3A_213] : memref<327680xi32, #tpu.memory_space<hbm>> -> memref<64xi32, #tpu.memory_space<hbm>>
        tpu.wait_dma2 semaphore(%run_scoped3A : memref<!tpu.dma_semaphore, #tpu.memory_space<semaphore_mem>>) src(%dma_wait3A_262 : memref<64xi32, #tpu.memory_space<hbm>>) dst(%arg12 : memref<64xi32, #tpu.memory_space<vmem>>)
        tpu.yield
      }) : () -> ()
      "tpu.region"() ({
        %run_scoped3A = tpu.sem_alloc : memref<!tpu.dma_semaphore, #tpu.memory_space<semaphore_mem>>
        %dma_start3A_259 = tpu.memref_slice %arg4[%add3A_213] : memref<327680xi32, #tpu.memory_space<hbm>> -> memref<64xi32, #tpu.memory_space<hbm>>
        %dma_start3A_260 = tpu.memref_slice %arg4[%add3A_213] : memref<327680xi32, #tpu.memory_space<hbm>> -> memref<64xi32, #tpu.memory_space<hbm>>
        tpu.enqueue_dma source(%dma_start3A_260 : memref<64xi32, #tpu.memory_space<hbm>>) target(%arg17 : memref<64xi32, #tpu.memory_space<vmem>>) target_semaphore(%run_scoped3A : memref<!tpu.dma_semaphore, #tpu.memory_space<semaphore_mem>>)
        %dma_wait3A_261 = tpu.memref_slice %arg4[%add3A_213] : memref<327680xi32, #tpu.memory_space<hbm>> -> memref<64xi32, #tpu.memory_space<hbm>>
        %dma_wait3A_262 = tpu.memref_slice %arg4[%add3A_213] : memref<327680xi32, #tpu.memory_space<hbm>> -> memref<64xi32, #tpu.memory_space<hbm>>
        tpu.wait_dma2 semaphore(%run_scoped3A : memref<!tpu.dma_semaphore, #tpu.memory_space<semaphore_mem>>) src(%dma_wait3A_262 : memref<64xi32, #tpu.memory_space<hbm>>) dst(%arg17 : memref<64xi32, #tpu.memory_space<vmem>>)
        tpu.yield
      }) : () -> ()
      %dma_start3A_214 = arith.constant 0 : i32
      %dma_start3A_215 = arith.constant 0 : i32
      %dma_start3A_216 = tpu.memref_slice %arg2[%dma_start3A_214, %dma_start3A_215] : memref<10000x128xf32, #tpu.memory_space<hbm>> -> memref<10000x128xf32, #tpu.memory_space<hbm>>
      tpu.enqueue_indirect_dma source(%dma_start3A_216 : memref<10000x128xf32, #tpu.memory_space<hbm>>) target(%arg22 : memref<64x128xf32, #tpu.memory_space<vmem>>) offsets(%arg12 : memref<64xi32, #tpu.memory_space<vmem>>) semaphore(%arg27 : memref<!tpu.dma_semaphore, #tpu.memory_space<semaphore_mem>>)
      %mul3A_217 = arith.constant 5 : i32
      %mul3A_218 = arith.muli %mul3A_217, %scan3A_153 : i32
      %add3A_219 = arith.constant 3 : i32
      %add3A_220 = arith.addi %mul3A_218, %add3A_219 : i32
      %dma_wait3A_221 = arith.constant 0 : i32
      %dma_wait3A_222 = arith.constant 0 : i32
      %dma_wait3A_223 = tpu.memref_slice %arg2[%dma_wait3A_221, %dma_wait3A_222] : memref<10000x128xf32, #tpu.memory_space<hbm>> -> memref<10000x128xf32, #tpu.memory_space<hbm>>
      tpu.wait_indirect_dma semaphore(%arg26 : memref<!tpu.dma_semaphore, #tpu.memory_space<semaphore_mem>>) src(%dma_wait3A_223 : memref<10000x128xf32, #tpu.memory_space<hbm>>) dst(%arg21 : memref<64x128xf32, #tpu.memory_space<vmem>>)
      %dma_start3A_224 = arith.constant 0 : i32
      %dma_start3A_225 = arith.constant 0 : i32
      %dma_start3A_226 = tpu.memref_slice %arg7[%dma_start3A_224, %dma_start3A_225] : memref<10240x128xf32, #tpu.memory_space<vmem_shared>> -> memref<10240x128xf32, #tpu.memory_space<vmem_shared>>
      tpu.enqueue_indirect_dma source(%arg21 : memref<64x128xf32, #tpu.memory_space<vmem>>) target(%dma_start3A_226 : memref<10240x128xf32, #tpu.memory_space<vmem_shared>>) offsets(%arg16 : memref<64xi32, #tpu.memory_space<vmem>>) semaphore(%arg31 : memref<!tpu.dma_semaphore, #tpu.memory_space<semaphore_mem>>) {add = true}
      %dma_wait3A_227 = arith.constant 0 : i32
      %dma_wait3A_228 = arith.constant 0 : i32
      %dma_wait3A_229 = tpu.memref_slice %arg7[%dma_wait3A_227, %dma_wait3A_228] : memref<10240x128xf32, #tpu.memory_space<vmem_shared>> -> memref<10240x128xf32, #tpu.memory_space<vmem_shared>>
      tpu.wait_indirect_dma semaphore(%arg28 : memref<!tpu.dma_semaphore, #tpu.memory_space<semaphore_mem>>) src(%arg18 : memref<64x128xf32, #tpu.memory_space<vmem>>) dst(%dma_wait3A_229 : memref<10240x128xf32, #tpu.memory_space<vmem_shared>>)
      %add3A_230 = arith.constant 2 : i32
      %add3A_231 = arith.addi %add3A_220, %add3A_230 : i32
      %mul3A_232 = arith.constant 64 : i32
      %mul3A_233 = arith.muli %add3A_231, %mul3A_232 : i32
      %add3A_234 = arith.addi %mul3A_4, %mul3A_233 : i32
      "tpu.region"() ({
        %run_scoped3A = tpu.sem_alloc : memref<!tpu.dma_semaphore, #tpu.memory_space<semaphore_mem>>
        %dma_start3A_259 = tpu.memref_slice %arg3[%add3A_234] : memref<327680xi32, #tpu.memory_space<hbm>> -> memref<64xi32, #tpu.memory_space<hbm>>
        %dma_start3A_260 = tpu.memref_slice %arg3[%add3A_234] : memref<327680xi32, #tpu.memory_space<hbm>> -> memref<64xi32, #tpu.memory_space<hbm>>
        tpu.enqueue_dma source(%dma_start3A_260 : memref<64xi32, #tpu.memory_space<hbm>>) target(%arg8 : memref<64xi32, #tpu.memory_space<vmem>>) target_semaphore(%run_scoped3A : memref<!tpu.dma_semaphore, #tpu.memory_space<semaphore_mem>>)
        %dma_wait3A_261 = tpu.memref_slice %arg3[%add3A_234] : memref<327680xi32, #tpu.memory_space<hbm>> -> memref<64xi32, #tpu.memory_space<hbm>>
        %dma_wait3A_262 = tpu.memref_slice %arg3[%add3A_234] : memref<327680xi32, #tpu.memory_space<hbm>> -> memref<64xi32, #tpu.memory_space<hbm>>
        tpu.wait_dma2 semaphore(%run_scoped3A : memref<!tpu.dma_semaphore, #tpu.memory_space<semaphore_mem>>) src(%dma_wait3A_262 : memref<64xi32, #tpu.memory_space<hbm>>) dst(%arg8 : memref<64xi32, #tpu.memory_space<vmem>>)
        tpu.yield
      }) : () -> ()
      "tpu.region"() ({
        %run_scoped3A = tpu.sem_alloc : memref<!tpu.dma_semaphore, #tpu.memory_space<semaphore_mem>>
        %dma_start3A_259 = tpu.memref_slice %arg4[%add3A_234] : memref<327680xi32, #tpu.memory_space<hbm>> -> memref<64xi32, #tpu.memory_space<hbm>>
        %dma_start3A_260 = tpu.memref_slice %arg4[%add3A_234] : memref<327680xi32, #tpu.memory_space<hbm>> -> memref<64xi32, #tpu.memory_space<hbm>>
        tpu.enqueue_dma source(%dma_start3A_260 : memref<64xi32, #tpu.memory_space<hbm>>) target(%arg13 : memref<64xi32, #tpu.memory_space<vmem>>) target_semaphore(%run_scoped3A : memref<!tpu.dma_semaphore, #tpu.memory_space<semaphore_mem>>)
        %dma_wait3A_261 = tpu.memref_slice %arg4[%add3A_234] : memref<327680xi32, #tpu.memory_space<hbm>> -> memref<64xi32, #tpu.memory_space<hbm>>
        %dma_wait3A_262 = tpu.memref_slice %arg4[%add3A_234] : memref<327680xi32, #tpu.memory_space<hbm>> -> memref<64xi32, #tpu.memory_space<hbm>>
        tpu.wait_dma2 semaphore(%run_scoped3A : memref<!tpu.dma_semaphore, #tpu.memory_space<semaphore_mem>>) src(%dma_wait3A_262 : memref<64xi32, #tpu.memory_space<hbm>>) dst(%arg13 : memref<64xi32, #tpu.memory_space<vmem>>)
        tpu.yield
      }) : () -> ()
      %dma_start3A_235 = arith.constant 0 : i32
      %dma_start3A_236 = arith.constant 0 : i32
      %dma_start3A_237 = tpu.memref_slice %arg2[%dma_start3A_235, %dma_start3A_236] : memref<10000x128xf32, #tpu.memory_space<hbm>> -> memref<10000x128xf32, #tpu.memory_space<hbm>>
      tpu.enqueue_indirect_dma source(%dma_start3A_237 : memref<10000x128xf32, #tpu.memory_space<hbm>>) target(%arg18 : memref<64x128xf32, #tpu.memory_space<vmem>>) offsets(%arg8 : memref<64xi32, #tpu.memory_space<vmem>>) semaphore(%arg23 : memref<!tpu.dma_semaphore, #tpu.memory_space<semaphore_mem>>)
      %mul3A_238 = arith.constant 5 : i32
      %mul3A_239 = arith.muli %mul3A_238, %scan3A_153 : i32
      %add3A_240 = arith.constant 4 : i32
      %add3A_241 = arith.addi %mul3A_239, %add3A_240 : i32
      %dma_wait3A_242 = arith.constant 0 : i32
      %dma_wait3A_243 = arith.constant 0 : i32
      %dma_wait3A_244 = tpu.memref_slice %arg2[%dma_wait3A_242, %dma_wait3A_243] : memref<10000x128xf32, #tpu.memory_space<hbm>> -> memref<10000x128xf32, #tpu.memory_space<hbm>>
      tpu.wait_indirect_dma semaphore(%arg27 : memref<!tpu.dma_semaphore, #tpu.memory_space<semaphore_mem>>) src(%dma_wait3A_244 : memref<10000x128xf32, #tpu.memory_space<hbm>>) dst(%arg22 : memref<64x128xf32, #tpu.memory_space<vmem>>)
      %dma_start3A_245 = arith.constant 0 : i32
      %dma_start3A_246 = arith.constant 0 : i32
      %dma_start3A_247 = tpu.memref_slice %arg7[%dma_start3A_245, %dma_start3A_246] : memref<10240x128xf32, #tpu.memory_space<vmem_shared>> -> memref<10240x128xf32, #tpu.memory_space<vmem_shared>>
      tpu.enqueue_indirect_dma source(%arg22 : memref<64x128xf32, #tpu.memory_space<vmem>>) target(%dma_start3A_247 : memref<10240x128xf32, #tpu.memory_space<vmem_shared>>) offsets(%arg17 : memref<64xi32, #tpu.memory_space<vmem>>) semaphore(%arg32 : memref<!tpu.dma_semaphore, #tpu.memory_space<semaphore_mem>>) {add = true}
      %dma_wait3A_248 = arith.constant 0 : i32
      %dma_wait3A_249 = arith.constant 0 : i32
      %dma_wait3A_250 = tpu.memref_slice %arg7[%dma_wait3A_248, %dma_wait3A_249] : memref<10240x128xf32, #tpu.memory_space<vmem_shared>> -> memref<10240x128xf32, #tpu.memory_space<vmem_shared>>
      tpu.wait_indirect_dma semaphore(%arg29 : memref<!tpu.dma_semaphore, #tpu.memory_space<semaphore_mem>>) src(%arg19 : memref<64x128xf32, #tpu.memory_space<vmem>>) dst(%dma_wait3A_250 : memref<10240x128xf32, #tpu.memory_space<vmem_shared>>)
      %add3A_251 = arith.constant 2 : i32
      %add3A_252 = arith.addi %add3A_241, %add3A_251 : i32
      %mul3A_253 = arith.constant 64 : i32
      %mul3A_254 = arith.muli %add3A_252, %mul3A_253 : i32
      %add3A_255 = arith.addi %mul3A_4, %mul3A_254 : i32
      "tpu.region"() ({
        %run_scoped3A = tpu.sem_alloc : memref<!tpu.dma_semaphore, #tpu.memory_space<semaphore_mem>>
        %dma_start3A_259 = tpu.memref_slice %arg3[%add3A_255] : memref<327680xi32, #tpu.memory_space<hbm>> -> memref<64xi32, #tpu.memory_space<hbm>>
        %dma_start3A_260 = tpu.memref_slice %arg3[%add3A_255] : memref<327680xi32, #tpu.memory_space<hbm>> -> memref<64xi32, #tpu.memory_space<hbm>>
        tpu.enqueue_dma source(%dma_start3A_260 : memref<64xi32, #tpu.memory_space<hbm>>) target(%arg9 : memref<64xi32, #tpu.memory_space<vmem>>) target_semaphore(%run_scoped3A : memref<!tpu.dma_semaphore, #tpu.memory_space<semaphore_mem>>)
        %dma_wait3A_261 = tpu.memref_slice %arg3[%add3A_255] : memref<327680xi32, #tpu.memory_space<hbm>> -> memref<64xi32, #tpu.memory_space<hbm>>
        %dma_wait3A_262 = tpu.memref_slice %arg3[%add3A_255] : memref<327680xi32, #tpu.memory_space<hbm>> -> memref<64xi32, #tpu.memory_space<hbm>>
        tpu.wait_dma2 semaphore(%run_scoped3A : memref<!tpu.dma_semaphore, #tpu.memory_space<semaphore_mem>>) src(%dma_wait3A_262 : memref<64xi32, #tpu.memory_space<hbm>>) dst(%arg9 : memref<64xi32, #tpu.memory_space<vmem>>)
        tpu.yield
      }) : () -> ()
      "tpu.region"() ({
        %run_scoped3A = tpu.sem_alloc : memref<!tpu.dma_semaphore, #tpu.memory_space<semaphore_mem>>
        %dma_start3A_259 = tpu.memref_slice %arg4[%add3A_255] : memref<327680xi32, #tpu.memory_space<hbm>> -> memref<64xi32, #tpu.memory_space<hbm>>
        %dma_start3A_260 = tpu.memref_slice %arg4[%add3A_255] : memref<327680xi32, #tpu.memory_space<hbm>> -> memref<64xi32, #tpu.memory_space<hbm>>
        tpu.enqueue_dma source(%dma_start3A_260 : memref<64xi32, #tpu.memory_space<hbm>>) target(%arg14 : memref<64xi32, #tpu.memory_space<vmem>>) target_semaphore(%run_scoped3A : memref<!tpu.dma_semaphore, #tpu.memory_space<semaphore_mem>>)
        %dma_wait3A_261 = tpu.memref_slice %arg4[%add3A_255] : memref<327680xi32, #tpu.memory_space<hbm>> -> memref<64xi32, #tpu.memory_space<hbm>>
        %dma_wait3A_262 = tpu.memref_slice %arg4[%add3A_255] : memref<327680xi32, #tpu.memory_space<hbm>> -> memref<64xi32, #tpu.memory_space<hbm>>
        tpu.wait_dma2 semaphore(%run_scoped3A : memref<!tpu.dma_semaphore, #tpu.memory_space<semaphore_mem>>) src(%dma_wait3A_262 : memref<64xi32, #tpu.memory_space<hbm>>) dst(%arg14 : memref<64xi32, #tpu.memory_space<vmem>>)
        tpu.yield
      }) : () -> ()
      %dma_start3A_256 = arith.constant 0 : i32
      %dma_start3A_257 = arith.constant 0 : i32
      %dma_start3A_258 = tpu.memref_slice %arg2[%dma_start3A_256, %dma_start3A_257] : memref<10000x128xf32, #tpu.memory_space<hbm>> -> memref<10000x128xf32, #tpu.memory_space<hbm>>
      tpu.enqueue_indirect_dma source(%dma_start3A_258 : memref<10000x128xf32, #tpu.memory_space<hbm>>) target(%arg19 : memref<64x128xf32, #tpu.memory_space<vmem>>) offsets(%arg9 : memref<64xi32, #tpu.memory_space<vmem>>) semaphore(%arg24 : memref<!tpu.dma_semaphore, #tpu.memory_space<semaphore_mem>>)
    }
    %scan3A_78 = arith.constant 30 : i32
    %dma_wait3A_79 = arith.constant 0 : i32
    %dma_wait3A_80 = arith.constant 0 : i32
    %dma_wait3A_81 = tpu.memref_slice %arg2[%dma_wait3A_79, %dma_wait3A_80] : memref<10000x128xf32, #tpu.memory_space<hbm>> -> memref<10000x128xf32, #tpu.memory_space<hbm>>
    tpu.wait_indirect_dma semaphore(%arg23 : memref<!tpu.dma_semaphore, #tpu.memory_space<semaphore_mem>>) src(%dma_wait3A_81 : memref<10000x128xf32, #tpu.memory_space<hbm>>) dst(%arg18 : memref<64x128xf32, #tpu.memory_space<vmem>>)
    %dma_start3A_82 = arith.constant 0 : i32
    %dma_start3A_83 = arith.constant 0 : i32
    %dma_start3A_84 = tpu.memref_slice %arg7[%dma_start3A_82, %dma_start3A_83] : memref<10240x128xf32, #tpu.memory_space<vmem_shared>> -> memref<10240x128xf32, #tpu.memory_space<vmem_shared>>
    tpu.enqueue_indirect_dma source(%arg18 : memref<64x128xf32, #tpu.memory_space<vmem>>) target(%dma_start3A_84 : memref<10240x128xf32, #tpu.memory_space<vmem_shared>>) offsets(%arg13 : memref<64xi32, #tpu.memory_space<vmem>>) semaphore(%arg28 : memref<!tpu.dma_semaphore, #tpu.memory_space<semaphore_mem>>) {add = true}
    %dma_wait3A_85 = arith.constant 0 : i32
    %dma_wait3A_86 = arith.constant 0 : i32
    %dma_wait3A_87 = tpu.memref_slice %arg7[%dma_wait3A_85, %dma_wait3A_86] : memref<10240x128xf32, #tpu.memory_space<vmem_shared>> -> memref<10240x128xf32, #tpu.memory_space<vmem_shared>>
    tpu.wait_indirect_dma semaphore(%arg30 : memref<!tpu.dma_semaphore, #tpu.memory_space<semaphore_mem>>) src(%arg20 : memref<64x128xf32, #tpu.memory_space<vmem>>) dst(%dma_wait3A_87 : memref<10240x128xf32, #tpu.memory_space<vmem_shared>>)
    %add3A_88 = arith.constant 10048 : i32
    %add3A_89 = arith.addi %mul3A_4, %add3A_88 : i32
    "tpu.region"() ({
      %run_scoped3A = tpu.sem_alloc : memref<!tpu.dma_semaphore, #tpu.memory_space<semaphore_mem>>
      %dma_start3A_153 = tpu.memref_slice %arg3[%add3A_89] : memref<327680xi32, #tpu.memory_space<hbm>> -> memref<64xi32, #tpu.memory_space<hbm>>
      %dma_start3A_154 = tpu.memref_slice %arg3[%add3A_89] : memref<327680xi32, #tpu.memory_space<hbm>> -> memref<64xi32, #tpu.memory_space<hbm>>
      tpu.enqueue_dma source(%dma_start3A_154 : memref<64xi32, #tpu.memory_space<hbm>>) target(%arg10 : memref<64xi32, #tpu.memory_space<vmem>>) target_semaphore(%run_scoped3A : memref<!tpu.dma_semaphore, #tpu.memory_space<semaphore_mem>>)
      %dma_wait3A_155 = tpu.memref_slice %arg3[%add3A_89] : memref<327680xi32, #tpu.memory_space<hbm>> -> memref<64xi32, #tpu.memory_space<hbm>>
      %dma_wait3A_156 = tpu.memref_slice %arg3[%add3A_89] : memref<327680xi32, #tpu.memory_space<hbm>> -> memref<64xi32, #tpu.memory_space<hbm>>
      tpu.wait_dma2 semaphore(%run_scoped3A : memref<!tpu.dma_semaphore, #tpu.memory_space<semaphore_mem>>) src(%dma_wait3A_156 : memref<64xi32, #tpu.memory_space<hbm>>) dst(%arg10 : memref<64xi32, #tpu.memory_space<vmem>>)
      tpu.yield
    }) : () -> ()
    "tpu.region"() ({
      %run_scoped3A = tpu.sem_alloc : memref<!tpu.dma_semaphore, #tpu.memory_space<semaphore_mem>>
      %dma_start3A_153 = tpu.memref_slice %arg4[%add3A_89] : memref<327680xi32, #tpu.memory_space<hbm>> -> memref<64xi32, #tpu.memory_space<hbm>>
      %dma_start3A_154 = tpu.memref_slice %arg4[%add3A_89] : memref<327680xi32, #tpu.memory_space<hbm>> -> memref<64xi32, #tpu.memory_space<hbm>>
      tpu.enqueue_dma source(%dma_start3A_154 : memref<64xi32, #tpu.memory_space<hbm>>) target(%arg15 : memref<64xi32, #tpu.memory_space<vmem>>) target_semaphore(%run_scoped3A : memref<!tpu.dma_semaphore, #tpu.memory_space<semaphore_mem>>)
      %dma_wait3A_155 = tpu.memref_slice %arg4[%add3A_89] : memref<327680xi32, #tpu.memory_space<hbm>> -> memref<64xi32, #tpu.memory_space<hbm>>
      %dma_wait3A_156 = tpu.memref_slice %arg4[%add3A_89] : memref<327680xi32, #tpu.memory_space<hbm>> -> memref<64xi32, #tpu.memory_space<hbm>>
      tpu.wait_dma2 semaphore(%run_scoped3A : memref<!tpu.dma_semaphore, #tpu.memory_space<semaphore_mem>>) src(%dma_wait3A_156 : memref<64xi32, #tpu.memory_space<hbm>>) dst(%arg15 : memref<64xi32, #tpu.memory_space<vmem>>)
      tpu.yield
    }) : () -> ()
    %dma_start3A_90 = arith.constant 0 : i32
    %dma_start3A_91 = arith.constant 0 : i32
    %dma_start3A_92 = tpu.memref_slice %arg2[%dma_start3A_90, %dma_start3A_91] : memref<10000x128xf32, #tpu.memory_space<hbm>> -> memref<10000x128xf32, #tpu.memory_space<hbm>>
    tpu.enqueue_indirect_dma source(%dma_start3A_92 : memref<10000x128xf32, #tpu.memory_space<hbm>>) target(%arg20 : memref<64x128xf32, #tpu.memory_space<vmem>>) offsets(%arg10 : memref<64xi32, #tpu.memory_space<vmem>>) semaphore(%arg25 : memref<!tpu.dma_semaphore, #tpu.memory_space<semaphore_mem>>)
    %dma_wait3A_93 = arith.constant 0 : i32
    %dma_wait3A_94 = arith.constant 0 : i32
    %dma_wait3A_95 = tpu.memref_slice %arg2[%dma_wait3A_93, %dma_wait3A_94] : memref<10000x128xf32, #tpu.memory_space<hbm>> -> memref<10000x128xf32, #tpu.memory_space<hbm>>
    tpu.wait_indirect_dma semaphore(%arg24 : memref<!tpu.dma_semaphore, #tpu.memory_space<semaphore_mem>>) src(%dma_wait3A_95 : memref<10000x128xf32, #tpu.memory_space<hbm>>) dst(%arg19 : memref<64x128xf32, #tpu.memory_space<vmem>>)
    %dma_start3A_96 = arith.constant 0 : i32
    %dma_start3A_97 = arith.constant 0 : i32
    %dma_start3A_98 = tpu.memref_slice %arg7[%dma_start3A_96, %dma_start3A_97] : memref<10240x128xf32, #tpu.memory_space<vmem_shared>> -> memref<10240x128xf32, #tpu.memory_space<vmem_shared>>
    tpu.enqueue_indirect_dma source(%arg19 : memref<64x128xf32, #tpu.memory_space<vmem>>) target(%dma_start3A_98 : memref<10240x128xf32, #tpu.memory_space<vmem_shared>>) offsets(%arg14 : memref<64xi32, #tpu.memory_space<vmem>>) semaphore(%arg29 : memref<!tpu.dma_semaphore, #tpu.memory_space<semaphore_mem>>) {add = true}
    %dma_wait3A_99 = arith.constant 0 : i32
    %dma_wait3A_100 = arith.constant 0 : i32
    %dma_wait3A_101 = tpu.memref_slice %arg7[%dma_wait3A_99, %dma_wait3A_100] : memref<10240x128xf32, #tpu.memory_space<vmem_shared>> -> memref<10240x128xf32, #tpu.memory_space<vmem_shared>>
    tpu.wait_indirect_dma semaphore(%arg31 : memref<!tpu.dma_semaphore, #tpu.memory_space<semaphore_mem>>) src(%arg21 : memref<64x128xf32, #tpu.memory_space<vmem>>) dst(%dma_wait3A_101 : memref<10240x128xf32, #tpu.memory_space<vmem_shared>>)
    %add3A_102 = arith.constant 10112 : i32
    %add3A_103 = arith.addi %mul3A_4, %add3A_102 : i32
    "tpu.region"() ({
      %run_scoped3A = tpu.sem_alloc : memref<!tpu.dma_semaphore, #tpu.memory_space<semaphore_mem>>
      %dma_start3A_153 = tpu.memref_slice %arg3[%add3A_103] : memref<327680xi32, #tpu.memory_space<hbm>> -> memref<64xi32, #tpu.memory_space<hbm>>
      %dma_start3A_154 = tpu.memref_slice %arg3[%add3A_103] : memref<327680xi32, #tpu.memory_space<hbm>> -> memref<64xi32, #tpu.memory_space<hbm>>
      tpu.enqueue_dma source(%dma_start3A_154 : memref<64xi32, #tpu.memory_space<hbm>>) target(%arg11 : memref<64xi32, #tpu.memory_space<vmem>>) target_semaphore(%run_scoped3A : memref<!tpu.dma_semaphore, #tpu.memory_space<semaphore_mem>>)
      %dma_wait3A_155 = tpu.memref_slice %arg3[%add3A_103] : memref<327680xi32, #tpu.memory_space<hbm>> -> memref<64xi32, #tpu.memory_space<hbm>>
      %dma_wait3A_156 = tpu.memref_slice %arg3[%add3A_103] : memref<327680xi32, #tpu.memory_space<hbm>> -> memref<64xi32, #tpu.memory_space<hbm>>
      tpu.wait_dma2 semaphore(%run_scoped3A : memref<!tpu.dma_semaphore, #tpu.memory_space<semaphore_mem>>) src(%dma_wait3A_156 : memref<64xi32, #tpu.memory_space<hbm>>) dst(%arg11 : memref<64xi32, #tpu.memory_space<vmem>>)
      tpu.yield
    }) : () -> ()
    "tpu.region"() ({
      %run_scoped3A = tpu.sem_alloc : memref<!tpu.dma_semaphore, #tpu.memory_space<semaphore_mem>>
      %dma_start3A_153 = tpu.memref_slice %arg4[%add3A_103] : memref<327680xi32, #tpu.memory_space<hbm>> -> memref<64xi32, #tpu.memory_space<hbm>>
      %dma_start3A_154 = tpu.memref_slice %arg4[%add3A_103] : memref<327680xi32, #tpu.memory_space<hbm>> -> memref<64xi32, #tpu.memory_space<hbm>>
      tpu.enqueue_dma source(%dma_start3A_154 : memref<64xi32, #tpu.memory_space<hbm>>) target(%arg16 : memref<64xi32, #tpu.memory_space<vmem>>) target_semaphore(%run_scoped3A : memref<!tpu.dma_semaphore, #tpu.memory_space<semaphore_mem>>)
      %dma_wait3A_155 = tpu.memref_slice %arg4[%add3A_103] : memref<327680xi32, #tpu.memory_space<hbm>> -> memref<64xi32, #tpu.memory_space<hbm>>
      %dma_wait3A_156 = tpu.memref_slice %arg4[%add3A_103] : memref<327680xi32, #tpu.memory_space<hbm>> -> memref<64xi32, #tpu.memory_space<hbm>>
      tpu.wait_dma2 semaphore(%run_scoped3A : memref<!tpu.dma_semaphore, #tpu.memory_space<semaphore_mem>>) src(%dma_wait3A_156 : memref<64xi32, #tpu.memory_space<hbm>>) dst(%arg16 : memref<64xi32, #tpu.memory_space<vmem>>)
      tpu.yield
    }) : () -> ()
    %dma_start3A_104 = arith.constant 0 : i32
    %dma_start3A_105 = arith.constant 0 : i32
    %dma_start3A_106 = tpu.memref_slice %arg2[%dma_start3A_104, %dma_start3A_105] : memref<10000x128xf32, #tpu.memory_space<hbm>> -> memref<10000x128xf32, #tpu.memory_space<hbm>>
    tpu.enqueue_indirect_dma source(%dma_start3A_106 : memref<10000x128xf32, #tpu.memory_space<hbm>>) target(%arg21 : memref<64x128xf32, #tpu.memory_space<vmem>>) offsets(%arg11 : memref<64xi32, #tpu.memory_space<vmem>>) semaphore(%arg26 : memref<!tpu.dma_semaphore, #tpu.memory_space<semaphore_mem>>)
    %dma_wait3A_107 = arith.constant 0 : i32
    %dma_wait3A_108 = arith.constant 0 : i32
    %dma_wait3A_109 = tpu.memref_slice %arg2[%dma_wait3A_107, %dma_wait3A_108] : memref<10000x128xf32, #tpu.memory_space<hbm>> -> memref<10000x128xf32, #tpu.memory_space<hbm>>
    tpu.wait_indirect_dma semaphore(%arg25 : memref<!tpu.dma_semaphore, #tpu.memory_space<semaphore_mem>>) src(%dma_wait3A_109 : memref<10000x128xf32, #tpu.memory_space<hbm>>) dst(%arg20 : memref<64x128xf32, #tpu.memory_space<vmem>>)
    %dma_start3A_110 = arith.constant 0 : i32
    %dma_start3A_111 = arith.constant 0 : i32
    %dma_start3A_112 = tpu.memref_slice %arg7[%dma_start3A_110, %dma_start3A_111] : memref<10240x128xf32, #tpu.memory_space<vmem_shared>> -> memref<10240x128xf32, #tpu.memory_space<vmem_shared>>
    tpu.enqueue_indirect_dma source(%arg20 : memref<64x128xf32, #tpu.memory_space<vmem>>) target(%dma_start3A_112 : memref<10240x128xf32, #tpu.memory_space<vmem_shared>>) offsets(%arg15 : memref<64xi32, #tpu.memory_space<vmem>>) semaphore(%arg30 : memref<!tpu.dma_semaphore, #tpu.memory_space<semaphore_mem>>) {add = true}
    %dma_wait3A_113 = arith.constant 0 : i32
    %dma_wait3A_114 = arith.constant 0 : i32
    %dma_wait3A_115 = tpu.memref_slice %arg7[%dma_wait3A_113, %dma_wait3A_114] : memref<10240x128xf32, #tpu.memory_space<vmem_shared>> -> memref<10240x128xf32, #tpu.memory_space<vmem_shared>>
    tpu.wait_indirect_dma semaphore(%arg32 : memref<!tpu.dma_semaphore, #tpu.memory_space<semaphore_mem>>) src(%arg22 : memref<64x128xf32, #tpu.memory_space<vmem>>) dst(%dma_wait3A_115 : memref<10240x128xf32, #tpu.memory_space<vmem_shared>>)
    %add3A_116 = arith.constant 10176 : i32
    %add3A_117 = arith.addi %mul3A_4, %add3A_116 : i32
    "tpu.region"() ({
      %run_scoped3A = tpu.sem_alloc : memref<!tpu.dma_semaphore, #tpu.memory_space<semaphore_mem>>
      %dma_start3A_153 = tpu.memref_slice %arg3[%add3A_117] : memref<327680xi32, #tpu.memory_space<hbm>> -> memref<64xi32, #tpu.memory_space<hbm>>
      %dma_start3A_154 = tpu.memref_slice %arg3[%add3A_117] : memref<327680xi32, #tpu.memory_space<hbm>> -> memref<64xi32, #tpu.memory_space<hbm>>
      tpu.enqueue_dma source(%dma_start3A_154 : memref<64xi32, #tpu.memory_space<hbm>>) target(%arg12 : memref<64xi32, #tpu.memory_space<vmem>>) target_semaphore(%run_scoped3A : memref<!tpu.dma_semaphore, #tpu.memory_space<semaphore_mem>>)
      %dma_wait3A_155 = tpu.memref_slice %arg3[%add3A_117] : memref<327680xi32, #tpu.memory_space<hbm>> -> memref<64xi32, #tpu.memory_space<hbm>>
      %dma_wait3A_156 = tpu.memref_slice %arg3[%add3A_117] : memref<327680xi32, #tpu.memory_space<hbm>> -> memref<64xi32, #tpu.memory_space<hbm>>
      tpu.wait_dma2 semaphore(%run_scoped3A : memref<!tpu.dma_semaphore, #tpu.memory_space<semaphore_mem>>) src(%dma_wait3A_156 : memref<64xi32, #tpu.memory_space<hbm>>) dst(%arg12 : memref<64xi32, #tpu.memory_space<vmem>>)
      tpu.yield
    }) : () -> ()
    "tpu.region"() ({
      %run_scoped3A = tpu.sem_alloc : memref<!tpu.dma_semaphore, #tpu.memory_space<semaphore_mem>>
      %dma_start3A_153 = tpu.memref_slice %arg4[%add3A_117] : memref<327680xi32, #tpu.memory_space<hbm>> -> memref<64xi32, #tpu.memory_space<hbm>>
      %dma_start3A_154 = tpu.memref_slice %arg4[%add3A_117] : memref<327680xi32, #tpu.memory_space<hbm>> -> memref<64xi32, #tpu.memory_space<hbm>>
      tpu.enqueue_dma source(%dma_start3A_154 : memref<64xi32, #tpu.memory_space<hbm>>) target(%arg17 : memref<64xi32, #tpu.memory_space<vmem>>) target_semaphore(%run_scoped3A : memref<!tpu.dma_semaphore, #tpu.memory_space<semaphore_mem>>)
      %dma_wait3A_155 = tpu.memref_slice %arg4[%add3A_117] : memref<327680xi32, #tpu.memory_space<hbm>> -> memref<64xi32, #tpu.memory_space<hbm>>
      %dma_wait3A_156 = tpu.memref_slice %arg4[%add3A_117] : memref<327680xi32, #tpu.memory_space<hbm>> -> memref<64xi32, #tpu.memory_space<hbm>>
      tpu.wait_dma2 semaphore(%run_scoped3A : memref<!tpu.dma_semaphore, #tpu.memory_space<semaphore_mem>>) src(%dma_wait3A_156 : memref<64xi32, #tpu.memory_space<hbm>>) dst(%arg17 : memref<64xi32, #tpu.memory_space<vmem>>)
      tpu.yield
    }) : () -> ()
    %dma_start3A_118 = arith.constant 0 : i32
    %dma_start3A_119 = arith.constant 0 : i32
    %dma_start3A_120 = tpu.memref_slice %arg2[%dma_start3A_118, %dma_start3A_119] : memref<10000x128xf32, #tpu.memory_space<hbm>> -> memref<10000x128xf32, #tpu.memory_space<hbm>>
    tpu.enqueue_indirect_dma source(%dma_start3A_120 : memref<10000x128xf32, #tpu.memory_space<hbm>>) target(%arg22 : memref<64x128xf32, #tpu.memory_space<vmem>>) offsets(%arg12 : memref<64xi32, #tpu.memory_space<vmem>>) semaphore(%arg27 : memref<!tpu.dma_semaphore, #tpu.memory_space<semaphore_mem>>)
    %dma_wait3A_121 = arith.constant 0 : i32
    %dma_wait3A_122 = arith.constant 0 : i32
    %dma_wait3A_123 = tpu.memref_slice %arg2[%dma_wait3A_121, %dma_wait3A_122] : memref<10000x128xf32, #tpu.memory_space<hbm>> -> memref<10000x128xf32, #tpu.memory_space<hbm>>
    tpu.wait_indirect_dma semaphore(%arg26 : memref<!tpu.dma_semaphore, #tpu.memory_space<semaphore_mem>>) src(%dma_wait3A_123 : memref<10000x128xf32, #tpu.memory_space<hbm>>) dst(%arg21 : memref<64x128xf32, #tpu.memory_space<vmem>>)
    %dma_start3A_124 = arith.constant 0 : i32
    %dma_start3A_125 = arith.constant 0 : i32
    %dma_start3A_126 = tpu.memref_slice %arg7[%dma_start3A_124, %dma_start3A_125] : memref<10240x128xf32, #tpu.memory_space<vmem_shared>> -> memref<10240x128xf32, #tpu.memory_space<vmem_shared>>
    tpu.enqueue_indirect_dma source(%arg21 : memref<64x128xf32, #tpu.memory_space<vmem>>) target(%dma_start3A_126 : memref<10240x128xf32, #tpu.memory_space<vmem_shared>>) offsets(%arg16 : memref<64xi32, #tpu.memory_space<vmem>>) semaphore(%arg31 : memref<!tpu.dma_semaphore, #tpu.memory_space<semaphore_mem>>) {add = true}
    %dma_wait3A_127 = arith.constant 0 : i32
    %dma_wait3A_128 = arith.constant 0 : i32
    %dma_wait3A_129 = tpu.memref_slice %arg2[%dma_wait3A_127, %dma_wait3A_128] : memref<10000x128xf32, #tpu.memory_space<hbm>> -> memref<10000x128xf32, #tpu.memory_space<hbm>>
    tpu.wait_indirect_dma semaphore(%arg27 : memref<!tpu.dma_semaphore, #tpu.memory_space<semaphore_mem>>) src(%dma_wait3A_129 : memref<10000x128xf32, #tpu.memory_space<hbm>>) dst(%arg22 : memref<64x128xf32, #tpu.memory_space<vmem>>)
    %dma_start3A_130 = arith.constant 0 : i32
    %dma_start3A_131 = arith.constant 0 : i32
    %dma_start3A_132 = tpu.memref_slice %arg7[%dma_start3A_130, %dma_start3A_131] : memref<10240x128xf32, #tpu.memory_space<vmem_shared>> -> memref<10240x128xf32, #tpu.memory_space<vmem_shared>>
    tpu.enqueue_indirect_dma source(%arg22 : memref<64x128xf32, #tpu.memory_space<vmem>>) target(%dma_start3A_132 : memref<10240x128xf32, #tpu.memory_space<vmem_shared>>) offsets(%arg17 : memref<64xi32, #tpu.memory_space<vmem>>) semaphore(%arg32 : memref<!tpu.dma_semaphore, #tpu.memory_space<semaphore_mem>>) {add = true}
    %dma_wait3A_133 = arith.constant 0 : i32
    %dma_wait3A_134 = arith.constant 0 : i32
    %dma_wait3A_135 = tpu.memref_slice %arg7[%dma_wait3A_133, %dma_wait3A_134] : memref<10240x128xf32, #tpu.memory_space<vmem_shared>> -> memref<10240x128xf32, #tpu.memory_space<vmem_shared>>
    tpu.wait_indirect_dma semaphore(%arg28 : memref<!tpu.dma_semaphore, #tpu.memory_space<semaphore_mem>>) src(%arg18 : memref<64x128xf32, #tpu.memory_space<vmem>>) dst(%dma_wait3A_135 : memref<10240x128xf32, #tpu.memory_space<vmem_shared>>)
    %dma_wait3A_136 = arith.constant 0 : i32
    %dma_wait3A_137 = arith.constant 0 : i32
    %dma_wait3A_138 = tpu.memref_slice %arg7[%dma_wait3A_136, %dma_wait3A_137] : memref<10240x128xf32, #tpu.memory_space<vmem_shared>> -> memref<10240x128xf32, #tpu.memory_space<vmem_shared>>
    tpu.wait_indirect_dma semaphore(%arg29 : memref<!tpu.dma_semaphore, #tpu.memory_space<semaphore_mem>>) src(%arg19 : memref<64x128xf32, #tpu.memory_space<vmem>>) dst(%dma_wait3A_138 : memref<10240x128xf32, #tpu.memory_space<vmem_shared>>)
    %dma_wait3A_139 = arith.constant 0 : i32
    %dma_wait3A_140 = arith.constant 0 : i32
    %dma_wait3A_141 = tpu.memref_slice %arg7[%dma_wait3A_139, %dma_wait3A_140] : memref<10240x128xf32, #tpu.memory_space<vmem_shared>> -> memref<10240x128xf32, #tpu.memory_space<vmem_shared>>
    tpu.wait_indirect_dma semaphore(%arg30 : memref<!tpu.dma_semaphore, #tpu.memory_space<semaphore_mem>>) src(%arg20 : memref<64x128xf32, #tpu.memory_space<vmem>>) dst(%dma_wait3A_141 : memref<10240x128xf32, #tpu.memory_space<vmem_shared>>)
    %dma_wait3A_142 = arith.constant 0 : i32
    %dma_wait3A_143 = arith.constant 0 : i32
    %dma_wait3A_144 = tpu.memref_slice %arg7[%dma_wait3A_142, %dma_wait3A_143] : memref<10240x128xf32, #tpu.memory_space<vmem_shared>> -> memref<10240x128xf32, #tpu.memory_space<vmem_shared>>
    tpu.wait_indirect_dma semaphore(%arg31 : memref<!tpu.dma_semaphore, #tpu.memory_space<semaphore_mem>>) src(%arg21 : memref<64x128xf32, #tpu.memory_space<vmem>>) dst(%dma_wait3A_144 : memref<10240x128xf32, #tpu.memory_space<vmem_shared>>)
    %dma_wait3A_145 = arith.constant 0 : i32
    %dma_wait3A_146 = arith.constant 0 : i32
    %dma_wait3A_147 = tpu.memref_slice %arg7[%dma_wait3A_145, %dma_wait3A_146] : memref<10240x128xf32, #tpu.memory_space<vmem_shared>> -> memref<10240x128xf32, #tpu.memory_space<vmem_shared>>
    tpu.wait_indirect_dma semaphore(%arg32 : memref<!tpu.dma_semaphore, #tpu.memory_space<semaphore_mem>>) src(%arg22 : memref<64x128xf32, #tpu.memory_space<vmem>>) dst(%dma_wait3A_147 : memref<10240x128xf32, #tpu.memory_space<vmem_shared>>)
    %barrier3A_148 = arith.constant 0 : index
    tpu.barrier barrier_id(%barrier3A_148)
    %mul3A_149 = arith.constant 640 : i32
    %mul3A_150 = arith.muli %arg1, %mul3A_149 : i32
    %mul3A_151 = arith.constant 640 : i32
    %mul3A_152 = arith.muli %arg1, %mul3A_151 : i32
    "tpu.region"() ({
      %run_scoped3A = tpu.sem_alloc : memref<!tpu.dma_semaphore, #tpu.memory_space<semaphore_mem>>
      %dma_start3A_153 = arith.constant 0 : i32
      %dma_start3A_154 = tpu.memref_slice %arg6[%arg0, %mul3A_152, %dma_start3A_153] : memref<2x10240x128xf32, #tpu.memory_space<hbm>> -> memref<1x640x128xf32, #tpu.memory_space<hbm>>
      %dma_start3A_155 = tpu.memref_squeeze %dma_start3A_154 : memref<1x640x128xf32, #tpu.memory_space<hbm>> -> memref<640x128xf32, #tpu.memory_space<hbm>>
      %dma_start3A_156 = arith.constant 0 : i32
      %dma_start3A_157 = tpu.memref_slice %arg7[%mul3A_150, %dma_start3A_156] : memref<10240x128xf32, #tpu.memory_space<vmem_shared>> -> memref<640x128xf32, #tpu.memory_space<vmem_shared>>
      tpu.enqueue_dma source(%dma_start3A_157 : memref<640x128xf32, #tpu.memory_space<vmem_shared>>) target(%dma_start3A_155 : memref<640x128xf32, #tpu.memory_space<hbm>>) target_semaphore(%run_scoped3A : memref<!tpu.dma_semaphore, #tpu.memory_space<semaphore_mem>>)
      %dma_wait3A_158 = arith.constant 0 : i32
      %dma_wait3A_159 = tpu.memref_slice %arg6[%arg0, %mul3A_152, %dma_wait3A_158] : memref<2x10240x128xf32, #tpu.memory_space<hbm>> -> memref<1x640x128xf32, #tpu.memory_space<hbm>>
      %dma_wait3A_160 = tpu.memref_squeeze %dma_wait3A_159 : memref<1x640x128xf32, #tpu.memory_space<hbm>> -> memref<640x128xf32, #tpu.memory_space<hbm>>
      %dma_wait3A_161 = arith.constant 0 : i32
      %dma_wait3A_162 = tpu.memref_slice %arg7[%mul3A_150, %dma_wait3A_161] : memref<10240x128xf32, #tpu.memory_space<vmem_shared>> -> memref<640x128xf32, #tpu.memory_space<vmem_shared>>
      tpu.wait_dma2 semaphore(%run_scoped3A : memref<!tpu.dma_semaphore, #tpu.memory_space<semaphore_mem>>) src(%dma_wait3A_162 : memref<640x128xf32, #tpu.memory_space<vmem_shared>>) dst(%dma_wait3A_160 : memref<640x128xf32, #tpu.memory_space<hbm>>)
      tpu.yield
    }) : () -> ()
    return
  }
}

module attributes {stable_mosaic.version = 14 : i64} {
  func.func @_l2_body(%arg0: i32, %arg1: memref<2x1000x128xf32, #tpu.memory_space<vmem>>, %arg2: memref<1000x128xf32, #tpu.memory_space<vmem>>, %arg3: memref<1000x1xf32, #tpu.memory_space<vmem>>, %arg4: memref<1x128xf32, #tpu.memory_space<vmem>>, %arg5: memref<128x128xf32, #tpu.memory_space<vmem>>, %arg6: memref<1000x128xf32, #tpu.memory_space<vmem>>) attributes {dimension_semantics = [#tpu.dimension_semantics<arbitrary>], iteration_bounds = array<i64: 10>, scalar_prefetch = 0 : i64, scratch_operands = 0 : i64, tpu.core_type = #tpu.core_type<tc>, window_params = [{transform_indices = @transform_0, window_bounds = array<i64: 2, 1000, 128>}, {transform_indices = @transform_1, window_bounds = array<i64: 1000, 128>}, {transform_indices = @transform_2, window_bounds = array<i64: 1000, 1>}, {pipeline_mode = #tpu.pipeline_mode<synchronous>, transform_indices = @transform_3, window_bounds = array<i64: 1, 128>}, {pipeline_mode = #tpu.pipeline_mode<synchronous>, transform_indices = @transform_4, window_bounds = array<i64: 128, 128>}, {transform_indices = @transform_5, window_bounds = array<i64: 1000, 128>}]} {
    %get3A = arith.constant 0 : index
    %get3A_0 = arith.constant 0 : index
    %get3A_1 = vector.load %arg3[%get3A, %get3A_0] : memref<1000x1xf32, #tpu.memory_space<vmem>>, vector<1000x1xf32>
    %get3A_2 = arith.constant 0 : index
    %get3A_3 = arith.constant 0 : index
    %get3A_4 = arith.constant 0 : index
    %get3A_5 = vector.load %arg1[%get3A_2, %get3A_3, %get3A_4] : memref<2x1000x128xf32, #tpu.memory_space<vmem>>, vector<1x1000x128xf32>
    %get3A_6 = vector.shape_cast %get3A_5 : vector<1x1000x128xf32> to vector<1000x128xf32>
    %get3A_7 = arith.constant 1 : index
    %get3A_8 = arith.constant 0 : index
    %get3A_9 = arith.constant 0 : index
    %get3A_10 = vector.load %arg1[%get3A_7, %get3A_8, %get3A_9] : memref<2x1000x128xf32, #tpu.memory_space<vmem>>, vector<1x1000x128xf32>
    %get3A_11 = vector.shape_cast %get3A_10 : vector<1x1000x128xf32> to vector<1000x128xf32>
    %add3A = arith.addf %get3A_6, %get3A_11 : vector<1000x128xf32>
    %get3A_12 = arith.constant 0 : index
    %get3A_13 = arith.constant 0 : index
    %get3A_14 = vector.load %arg2[%get3A_12, %get3A_13] : memref<1000x128xf32, #tpu.memory_space<vmem>>, vector<1000x128xf32>
    %add3A_15 = arith.addf %add3A, %get3A_14 : vector<1000x128xf32>
    %mul3A = vector.broadcast %get3A_1 : vector<1000x1xf32> to vector<1000x128xf32>
    %mul3A_16 = arith.mulf %mul3A, %add3A_15 : vector<1000x128xf32>
    %get3A_17 = arith.constant 0 : index
    %get3A_18 = arith.constant 0 : index
    %get3A_19 = vector.load %arg4[%get3A_17, %get3A_18] : memref<1x128xf32, #tpu.memory_space<vmem>>, vector<1x128xf32>
    %add3A_20 = vector.broadcast %get3A_19 : vector<1x128xf32> to vector<1000x128xf32>
    %add3A_21 = arith.addf %mul3A_16, %add3A_20 : vector<1000x128xf32>
    %max3A = arith.constant 0.000000e+00 : f32
    %max3A_22 = vector.broadcast %max3A : f32 to vector<1000x128xf32>
    %max3A_23 = arith.maximumf %add3A_21, %max3A_22 : vector<1000x128xf32>
    %get3A_24 = arith.constant 0 : index
    %get3A_25 = arith.constant 0 : index
    %get3A_26 = vector.load %arg5[%get3A_24, %get3A_25] : memref<128x128xf32, #tpu.memory_space<vmem>>, vector<128x128xf32>
    %dot_general3A = arith.constant dense<0.000000e+00> : vector<1000x128xf32>
    %dot_general3A_27 = tpu.matmul %max3A_23, %get3A_26, %dot_general3A {dimension_numbers = #tpu.dot_dimension_numbers<[1], [0], [0], [1], [0, 0, 1, 1], [], []>, transpose_lhs_hint = false} : vector<1000x128xf32>, vector<128x128xf32>, vector<1000x128xf32> -> vector<1000x128xf32>
    %get3A_28 = arith.constant 0 : index
    %get3A_29 = arith.constant 0 : index
    %get3A_30 = vector.load %arg3[%get3A_28, %get3A_29] : memref<1000x1xf32, #tpu.memory_space<vmem>>, vector<1000x1xf32>
    %mul3A_31 = vector.broadcast %get3A_30 : vector<1000x1xf32> to vector<1000x128xf32>
    %mul3A_32 = arith.mulf %dot_general3A_27, %mul3A_31 : vector<1000x128xf32>
    %swap3A = arith.constant 0 : index
    %swap3A_33 = arith.constant 0 : index
    %swap3A_34 = vector.load %arg6[%swap3A, %swap3A_33] : memref<1000x128xf32, #tpu.memory_space<vmem>>, vector<1000x128xf32>
    tpu.vector_store %arg6[%swap3A, %swap3A_33], %mul3A_32 {strides = array<i32>} : memref<1000x128xf32, #tpu.memory_space<vmem>>, vector<1000x128xf32>,
    return
  }
  func.func @transform_0(%arg0: i32) -> (i32, i32, i32) {
    %c0_i32 = arith.constant 0 : i32
    %c0_i32_0 = arith.constant 0 : i32
    %c0_i32_1 = arith.constant 0 : i32
    return %c0_i32, %arg0, %c0_i32_0 : i32, i32, i32
  }
  func.func @transform_1(%arg0: i32) -> (i32, i32) {
    %c0_i32 = arith.constant 0 : i32
    %c0_i32_0 = arith.constant 0 : i32
    return %arg0, %c0_i32 : i32, i32
  }
  func.func @transform_2(%arg0: i32) -> (i32, i32) {
    %c0_i32 = arith.constant 0 : i32
    %c0_i32_0 = arith.constant 0 : i32
    return %arg0, %c0_i32 : i32, i32
  }
  func.func @transform_3(%arg0: i32) -> (i32, i32) {
    %c0_i32 = arith.constant 0 : i32
    %c0_i32_0 = arith.constant 0 : i32
    %c0_i32_1 = arith.constant 0 : i32
    return %c0_i32, %c0_i32_0 : i32, i32
  }
  func.func @transform_4(%arg0: i32) -> (i32, i32) {
    %c0_i32 = arith.constant 0 : i32
    %c0_i32_0 = arith.constant 0 : i32
    %c0_i32_1 = arith.constant 0 : i32
    return %c0_i32, %c0_i32_0 : i32, i32
  }
  func.func @transform_5(%arg0: i32) -> (i32, i32) {
    %c0_i32 = arith.constant 0 : i32
    %c0_i32_0 = arith.constant 0 : i32
    return %arg0, %c0_i32 : i32, i32
  }
}

module attributes {stable_mosaic.version = 14 : i64} {
  func.func @_l1_body(%arg0: i32, %arg1: memref<1000x128xf32, #tpu.memory_space<vmem>>, %arg2: memref<128x128xf32, #tpu.memory_space<vmem>>, %arg3: memref<2x1000x128xf32, #tpu.memory_space<vmem>>, %arg4: memref<1000x128xf32, #tpu.memory_space<vmem>>, %arg5: memref<1000x1xf32, #tpu.memory_space<vmem>>) attributes {dimension_semantics = [#tpu.dimension_semantics<arbitrary>], iteration_bounds = array<i64: 10>, scalar_prefetch = 0 : i64, scratch_operands = 0 : i64, tpu.core_type = #tpu.core_type<tc>, window_params = [{transform_indices = @transform_0, window_bounds = array<i64: 1000, 128>}, {pipeline_mode = #tpu.pipeline_mode<synchronous>, transform_indices = @transform_1, window_bounds = array<i64: 128, 128>}, {transform_indices = @transform_2, window_bounds = array<i64: 2, 1000, 128>}, {transform_indices = @transform_3, window_bounds = array<i64: 1000, 128>}, {transform_indices = @transform_4, window_bounds = array<i64: 1000, 1>}]} {
    %get3A = arith.constant 0 : index
    %get3A_0 = arith.constant 0 : index
    %get3A_1 = arith.constant 0 : index
    %get3A_2 = vector.load %arg3[%get3A, %get3A_0, %get3A_1] : memref<2x1000x128xf32, #tpu.memory_space<vmem>>, vector<1x1000x1xf32>
    %get3A_3 = vector.shape_cast %get3A_2 : vector<1x1000x1xf32> to vector<1000x1xf32>
    %get3A_4 = arith.constant 1 : index
    %get3A_5 = arith.constant 0 : index
    %get3A_6 = arith.constant 0 : index
    %get3A_7 = vector.load %arg3[%get3A_4, %get3A_5, %get3A_6] : memref<2x1000x128xf32, #tpu.memory_space<vmem>>, vector<1x1000x1xf32>
    %get3A_8 = vector.shape_cast %get3A_7 : vector<1x1000x1xf32> to vector<1000x1xf32>
    %add3A = arith.addf %get3A_3, %get3A_8 : vector<1000x1xf32>
    %add3A_9 = arith.constant 1.000000e+00 : f32
    %add3A_10 = vector.broadcast %add3A_9 : f32 to vector<1000x1xf32>
    %add3A_11 = arith.addf %add3A, %add3A_10 : vector<1000x1xf32>
    %rsqrt3A = math.rsqrt %add3A_11 : vector<1000x1xf32>
    %get3A_12 = arith.constant 0 : index
    %get3A_13 = arith.constant 0 : index
    %get3A_14 = vector.load %arg1[%get3A_12, %get3A_13] : memref<1000x128xf32, #tpu.memory_space<vmem>>, vector<1000x128xf32>
    %get3A_15 = arith.constant 0 : index
    %get3A_16 = arith.constant 0 : index
    %get3A_17 = vector.load %arg2[%get3A_15, %get3A_16] : memref<128x128xf32, #tpu.memory_space<vmem>>, vector<128x128xf32>
    %dot_general3A = arith.constant dense<0.000000e+00> : vector<1000x128xf32>
    %dot_general3A_18 = tpu.matmul %get3A_14, %get3A_17, %dot_general3A {dimension_numbers = #tpu.dot_dimension_numbers<[1], [0], [0], [1], [0, 0, 1, 1], [], []>, transpose_lhs_hint = false} : vector<1000x128xf32>, vector<128x128xf32>, vector<1000x128xf32> -> vector<1000x128xf32>
    %mul3A = vector.broadcast %rsqrt3A : vector<1000x1xf32> to vector<1000x128xf32>
    %mul3A_19 = arith.mulf %dot_general3A_18, %mul3A : vector<1000x128xf32>
    %swap3A = arith.constant 0 : index
    %swap3A_20 = arith.constant 0 : index
    %swap3A_21 = vector.load %arg4[%swap3A, %swap3A_20] : memref<1000x128xf32, #tpu.memory_space<vmem>>, vector<1000x128xf32>
    tpu.vector_store %arg4[%swap3A, %swap3A_20], %mul3A_19 {strides = array<i32>} : memref<1000x128xf32, #tpu.memory_space<vmem>>, vector<1000x128xf32>,
    %swap3A_22 = arith.constant 0 : index
    %swap3A_23 = arith.constant 0 : index
    %swap3A_24 = vector.load %arg5[%swap3A_22, %swap3A_23] : memref<1000x1xf32, #tpu.memory_space<vmem>>, vector<1000x1xf32>
    tpu.vector_store %arg5[%swap3A_22, %swap3A_23], %rsqrt3A {strides = array<i32>} : memref<1000x1xf32, #tpu.memory_space<vmem>>, vector<1000x1xf32>,
    return
  }
  func.func @transform_0(%arg0: i32) -> (i32, i32) {
    %c0_i32 = arith.constant 0 : i32
    %c0_i32_0 = arith.constant 0 : i32
    return %arg0, %c0_i32 : i32, i32
  }
  func.func @transform_1(%arg0: i32) -> (i32, i32) {
    %c0_i32 = arith.constant 0 : i32
    %c0_i32_0 = arith.constant 0 : i32
    %c0_i32_1 = arith.constant 0 : i32
    return %c0_i32, %c0_i32_0 : i32, i32
  }
  func.func @transform_2(%arg0: i32) -> (i32, i32, i32) {
    %c0_i32 = arith.constant 0 : i32
    %c0_i32_0 = arith.constant 0 : i32
    %c0_i32_1 = arith.constant 0 : i32
    return %c0_i32, %arg0, %c0_i32_0 : i32, i32, i32
  }
  func.func @transform_3(%arg0: i32) -> (i32, i32) {
    %c0_i32 = arith.constant 0 : i32
    %c0_i32_0 = arith.constant 0 : i32
    return %arg0, %c0_i32 : i32, i32
  }
  func.func @transform_4(%arg0: i32) -> (i32, i32) {
    %c0_i32 = arith.constant 0 : i32
    %c0_i32_0 = arith.constant 0 : i32
    return %arg0, %c0_i32 : i32, i32
  }
}

module attributes {stable_mosaic.version = 14 : i64} {
  func.func @_fin_body(%arg0: i32, %arg1: memref<2x1000x128xf32, #tpu.memory_space<vmem>>, %arg2: memref<1000x128xf32, #tpu.memory_space<vmem>>, %arg3: memref<1000x1xf32, #tpu.memory_space<vmem>>, %arg4: memref<1x128xf32, #tpu.memory_space<vmem>>, %arg5: memref<1000x128xf32, #tpu.memory_space<vmem>>) attributes {dimension_semantics = [#tpu.dimension_semantics<arbitrary>], iteration_bounds = array<i64: 10>, scalar_prefetch = 0 : i64, scratch_operands = 0 : i64, tpu.core_type = #tpu.core_type<tc>, window_params = [{transform_indices = @transform_0, window_bounds = array<i64: 2, 1000, 128>}, {transform_indices = @transform_1, window_bounds = array<i64: 1000, 128>}, {transform_indices = @transform_2, window_bounds = array<i64: 1000, 1>}, {pipeline_mode = #tpu.pipeline_mode<synchronous>, transform_indices = @transform_3, window_bounds = array<i64: 1, 128>}, {transform_indices = @transform_4, window_bounds = array<i64: 1000, 128>}]} {
    %get3A = arith.constant 0 : index
    %get3A_0 = arith.constant 0 : index
    %get3A_1 = vector.load %arg3[%get3A, %get3A_0] : memref<1000x1xf32, #tpu.memory_space<vmem>>, vector<1000x1xf32>
    %get3A_2 = arith.constant 0 : index
    %get3A_3 = arith.constant 0 : index
    %get3A_4 = arith.constant 0 : index
    %get3A_5 = vector.load %arg1[%get3A_2, %get3A_3, %get3A_4] : memref<2x1000x128xf32, #tpu.memory_space<vmem>>, vector<1x1000x128xf32>
    %get3A_6 = vector.shape_cast %get3A_5 : vector<1x1000x128xf32> to vector<1000x128xf32>
    %get3A_7 = arith.constant 1 : index
    %get3A_8 = arith.constant 0 : index
    %get3A_9 = arith.constant 0 : index
    %get3A_10 = vector.load %arg1[%get3A_7, %get3A_8, %get3A_9] : memref<2x1000x128xf32, #tpu.memory_space<vmem>>, vector<1x1000x128xf32>
    %get3A_11 = vector.shape_cast %get3A_10 : vector<1x1000x128xf32> to vector<1000x128xf32>
    %add3A = arith.addf %get3A_6, %get3A_11 : vector<1000x128xf32>
    %get3A_12 = arith.constant 0 : index
    %get3A_13 = arith.constant 0 : index
    %get3A_14 = vector.load %arg2[%get3A_12, %get3A_13] : memref<1000x128xf32, #tpu.memory_space<vmem>>, vector<1000x128xf32>
    %add3A_15 = arith.addf %add3A, %get3A_14 : vector<1000x128xf32>
    %mul3A = vector.broadcast %get3A_1 : vector<1000x1xf32> to vector<1000x128xf32>
    %mul3A_16 = arith.mulf %mul3A, %add3A_15 : vector<1000x128xf32>
    %get3A_17 = arith.constant 0 : index
    %get3A_18 = arith.constant 0 : index
    %get3A_19 = vector.load %arg4[%get3A_17, %get3A_18] : memref<1x128xf32, #tpu.memory_space<vmem>>, vector<1x128xf32>
    %add3A_20 = vector.broadcast %get3A_19 : vector<1x128xf32> to vector<1000x128xf32>
    %add3A_21 = arith.addf %mul3A_16, %add3A_20 : vector<1000x128xf32>
    %logistic3A = arith.negf %add3A_21 : vector<1000x128xf32>
    %logistic3A_22 = math.exp %logistic3A : vector<1000x128xf32>
    %logistic3A_23 = arith.constant 1.000000e+00 : f32
    %logistic3A_24 = vector.broadcast %logistic3A_23 : f32 to vector<1000x128xf32>
    %logistic3A_25 = arith.addf %logistic3A_24, %logistic3A_22 : vector<1000x128xf32>
    %logistic3A_26 = arith.divf %logistic3A_24, %logistic3A_25 : vector<1000x128xf32>
    %swap3A = arith.constant 0 : index
    %swap3A_27 = arith.constant 0 : index
    %swap3A_28 = vector.load %arg5[%swap3A, %swap3A_27] : memref<1000x128xf32, #tpu.memory_space<vmem>>, vector<1000x128xf32>
    tpu.vector_store %arg5[%swap3A, %swap3A_27], %logistic3A_26 {strides = array<i32>} : memref<1000x128xf32, #tpu.memory_space<vmem>>, vector<1000x128xf32>,
    return
  }
  func.func @transform_0(%arg0: i32) -> (i32, i32, i32) {
    %c0_i32 = arith.constant 0 : i32
    %c0_i32_0 = arith.constant 0 : i32
    %c0_i32_1 = arith.constant 0 : i32
    return %c0_i32, %arg0, %c0_i32_0 : i32, i32, i32
  }
  func.func @transform_1(%arg0: i32) -> (i32, i32) {
    %c0_i32 = arith.constant 0 : i32
    %c0_i32_0 = arith.constant 0 : i32
    return %arg0, %c0_i32 : i32, i32
  }
  func.func @transform_2(%arg0: i32) -> (i32, i32) {
    %c0_i32 = arith.constant 0 : i32
    %c0_i32_0 = arith.constant 0 : i32
    return %arg0, %c0_i32 : i32, i32
  }
  func.func @transform_3(%arg0: i32) -> (i32, i32) {
    %c0_i32 = arith.constant 0 : i32
    %c0_i32_0 = arith.constant 0 : i32
    %c0_i32_1 = arith.constant 0 : i32
    return %c0_i32, %c0_i32_0 : i32, i32
  }
  func.func @transform_4(%arg0: i32) -> (i32, i32) {
    %c0_i32 = arith.constant 0 : i32
    %c0_i32_0 = arith.constant 0 : i32
    return %arg0, %c0_i32 : i32, i32
  }
}

</mosaic_0001>

<sc_bundles>
// kernel: kernel.11.cloned.1.call-start
scs
__scs_entry_jumppad:
0x0: {  	(pc) =	sbr.rel $0x88, $3  }
0x1: {  	(tag) =	ssettag $0x0;
	lr =	simm.s32 $0x1  }
0x2: {  	[smem:$0x3F9B] =	sst lr;
	_ =	strace $0xD0000000  }
0x3: {  	_ = 	snop  }
0x4: {  	_ = 	snop  }
0x5: {  	_ = 	snop  }
0x6: {  	_ = 	snop  }
0x7: {  	_ = 	snop  }
__scs_overlays_trampoline_lowered:
0x8: {  	[smem:$0x3FAA] =	sst s0  }
0x9: {  	[smem:$0x3FAB] =	sst s1  }
0xa: {  	[smem:$0x3FAC] =	sst s2  }
0xb: {  	[smem:$0x3FAD] =	sst s3  }
0xc: {  	[smem:$0x3FAE] =	sst s4  }
0xd: {  	[smem:$0x3FAF] =	sst s5  }
0xe: {  	[smem:$0x3FB0] =	sst s6  }
0xf: {  	[smem:$0x3FB1] =	sst s7  }
0x10: {  	[smem:$0x3FB2] =	sst s8  }
0x11: {  	[smem:$0x3FB3] =	sst s9;
	s0 =	simm.s32 @!p0 $0x0  }
0x12: {  	s1 =	sld [smem:$0x3F99];
	s0 =	simm.s32 @p0 $0x1  }
0x13: {  	[smem:$0x3FB4] =	sst s0;
	s0 =	simm.s32 @!p1 $0x0  }
0x14: {  	s2 =	sld [smem:$0x3F98];
	s0 =	simm.s32 @p1 $0x1  }
0x15: {  	[smem:$0x3FB5] =	sst s0;
	s0 =	simm.s32 @!p2 $0x0  }
0x16: {  	s3 =	sld [smem:$0x3FDB];
	s0 =	simm.s32 @p2 $0x1  }
0x17: {  	s4 =	simm.s32 $0x1BF5;
	[smem:$0x3FB7] =	sst s0  }
0x18: {  	s0 =	sld [smem:$0x3F9A];
	_ =	swait.ge [sflag:s4], $0x0  }
0x19: {  	s7 =	sld [smem:$0x3F9B]  }
0x1a: {  	s8 =	sadd.s32 $0xFFFFE003, lr  }
0x1b: {  	s9 =	sadd.s32 $0xFFFFFEF7, lr;
	s5 =	simm.s32 $0xFFFFFFFF;
	p2 =	slt.u32 s8, $0xFFFFF086  }
0x1c: {  	p1 =	slt.u32 s9, $0xF7A;
	s5 =	simm.s32 @!p2 $0x0  }
0x1d: {  	s5 =	simm.s32 @p1 $0x1;
	p0 =	seq.s32 s7, s2  }
0x1e: {  	s7 =	smul.u32 @!p0 $0xF7A, s2;
	p2 =	seq.s32 @!p0 s5, $0x0  }
0x1f: {  	s9 =	smul.u32 $0xF7A, s1;
	s8 =	simm.s32 @!p0 $0x1BF5;
	p2 =	por !p2, p0  }
0x20: {  	[sflag:s8] =	ssyncset.s32 @!p0 $0xFFFFF086;
	s6 =	sadd.s32 @!p0 s3, s7;
	s7 =	simm.s32 @!p0 $0x108  }
0x21: {  	s3 =	sadd.s32 s3, s9;
	s6 =	sadd.s32 @!p0 $0x88, s6;
	s7 =	simm.s32 @p2 $0x1082  }
0x22: {  	[simem:s7], [sflag:s8] =	dma.local @!p0 [hbm:s6], $0xF7A  }
0x23: {  	s9 =	sor.u32 $0xD0000000, s2;
	s6 =	simm.s32 $0x108;
	_ =	swait.ge @!p0 [sflag:s8], $0x0  }
0x24: {  	s3 =	sadd.s32 $0x88, s3;
	s6 =	simm.s32 @!p1 $0x1082;
	[sflag:s4] =	ssyncset.s32 $0xFFFFF086  }
0x25: {  	[simem:s6], [sflag:s4] =	dma.local [hbm:s3], $0xF7A  }
0x26: {  	[smem:$0x3F9B] =	sst s1;
	(tag) =	ssettag s2;
	_ =	strace s9  }
0x27: {  	s1 =	sld [smem:$0x3FAB]  }
0x28: {  	s2 =	sld [smem:$0x3FAC]  }
0x29: {  	s4 =	sld [smem:$0x3FAE]  }
0x2a: {  	p0 =	seq.s32 s5, $0x0;
	s5 =	sld [smem:$0x3FAF]  }
0x2b: {  	s6 =	sld [smem:$0x3FB0]  }
0x2c: {  	s7 =	sld [smem:$0x3FB1]  }
0x2d: {  	s3 =	simm.s32 $0x108;
	s8 =	sld [smem:$0x3FB2]  }
0x2e: {  	s3 =	simm.s32 @!p0 $0x1082;
	s9 =	sld [smem:$0x3FB3]  }
0x2f: {  	lr =	sadd.s32 s0, s3;
	s0 =	sld [smem:$0x3FAA]  }
0x30: {  	s3 =	sld [smem:$0x3FAD]  }
0x31: {  	[smem:$0x3FB6] =	sst s10  }
0x32: {  	s10 =	sld [smem:$0x3FB4];
	_ =	sdelay $0x3  }
0x33: {  	p0 =	seq.s32 s10, $0x1;
	s10 =	sld [smem:$0x3FB6];
	_ =	sdelay $0x3  }
0x34: {  	[smem:$0x3FB6] =	sst s10  }
0x35: {  	s10 =	sld [smem:$0x3FB5];
	_ =	sdelay $0x3  }
0x36: {  	p1 =	seq.s32 s10, $0x1;
	s10 =	sld [smem:$0x3FB6];
	_ =	sdelay $0x3  }
0x37: {  	[smem:$0x3FB6] =	sst s10  }
0x38: {  	s10 =	sld [smem:$0x3FB7]  }
0x39: {  	_ = 	snop;
	(pc) =	sbr.ind lr, $3  }
0x3a: {  	_ = 	snop  }
0x3b: {  	_ = 	snop  }
0x3c: {  	p2 =	seq.s32 s10, $0x1;
	s10 =	sld [smem:$0x3FB6]  }
0x3d: {  	_ =	shalt  }
0x3e: {  	_ =	shalt  }
0x3f: {  	_ =	shalt  }
0x40: {  	_ =	shalt  }
0x41: {  	_ =	shalt  }
0x42: {  	_ =	shalt  }
0x43: {  	_ =	shalt  }
0x44: {  	_ =	shalt  }
0x45: {  	_ =	shalt  }
0x46: {  	_ =	shalt  }
0x47: {  	_ =	shalt  }
0x48: {  	_ =	shalt  }
0x49: {  	_ =	shalt  }
0x4a: {  	_ =	shalt  }
0x4b: {  	_ =	shalt  }
0x4c: {  	_ =	shalt  }
0x4d: {  	_ =	shalt  }
0x4e: {  	_ =	shalt  }
0x4f: {  	_ =	shalt  }
0x50: {  	_ =	shalt  }
0x51: {  	_ =	shalt  }
0x52: {  	_ =	shalt  }
0x53: {  	_ =	shalt  }
0x54: {  	_ =	shalt  }
0x55: {  	_ =	shalt  }
0x56: {  	_ =	shalt  }
0x57: {  	_ =	shalt  }
0x58: {  	_ =	shalt  }
0x59: {  	_ =	shalt  }
0x5a: {  	_ =	shalt  }
0x5b: {  	_ =	shalt  }
0x5c: {  	_ =	shalt  }
0x5d: {  	_ =	shalt  }
0x5e: {  	_ =	shalt  }
0x5f: {  	_ =	shalt  }
0x60: {  	_ =	shalt  }
0x61: {  	_ =	shalt  }
0x62: {  	_ =	shalt  }
0x63: {  	_ =	shalt  }
0x64: {  	_ =	shalt  }
0x65: {  	_ =	shalt  }
0x66: {  	_ =	shalt  }
0x67: {  	_ =	shalt  }
0x68: {  	_ =	shalt  }
0x69: {  	_ =	shalt  }
0x6a: {  	_ =	shalt  }
0x6b: {  	_ =	shalt  }
0x6c: {  	_ =	shalt  }
0x6d: {  	_ =	shalt  }
0x6e: {  	_ =	shalt  }
0x6f: {  	_ =	shalt  }
0x70: {  	_ =	shalt  }
0x71: {  	_ =	shalt  }
0x72: {  	_ =	shalt  }
0x73: {  	_ =	shalt  }
0x74: {  	_ =	shalt  }
0x75: {  	_ =	shalt  }
0x76: {  	_ =	shalt  }
0x77: {  	_ =	shalt  }
0x78: {  	_ =	shalt  }
0x79: {  	_ =	shalt  }
0x7a: {  	_ =	shalt  }
0x7b: {  	_ =	shalt  }
0x7c: {  	_ =	shalt  }
0x7d: {  	_ =	shalt  }
0x7e: {  	_ =	shalt  }
0x7f: {  	_ =	shalt  }
0x80: {  	_ =	shalt  }
0x81: {  	_ =	shalt  }
0x82: {  	_ =	shalt  }
0x83: {  	_ =	shalt  }
0x84: {  	_ =	shalt  }
0x85: {  	_ =	shalt  }
0x86: {  	_ =	shalt  }
0x87: {  	_ =	shalt  }
.Lfunc_end0:
.L_simem_size_0:
called_computation.1_lowered:
.L_overlay_start_0:
0x88: {  	s2 =	sld [smem:$0x3FD9]  }
0x89: {  	s3 =	sld [smem:$0x3FFE];
	_ =	sdelay $0x1  }
0x8a: {  	s1 =	srdreg.scid  }
0x8b: {  	s0 =	sand.u32 $0x1, s1  }
0x8c: {  	s17 =	sshll.u32 s0, $0xA;
	s2 =	sadd.s32 s3, s2  }
0x8d: {  	s2 =	sadd.s32 s2, s17  }
0x8e: {  	[smem:$0x3FC2] =	sst s2  }
0x8f: {  	_ = 	snop  }
0x90: {  	s2 =	sld [smem:$0x3FD0];
	(tm) =	ssettm $0x1  }
0x91: {  	s18 =	sld [smem:$0x3FFB];
	_ =	sdelay $0x3  }
0x92: {  	_ =	strace s18  }
0x93: {  	s3 =	sld [smem:$0x3FFC];
	_ =	sdelay $0x3  }
0x94: {  	_ =	strace s3  }
0x95: {  	s3 =	sld [smem:$0x3FFD];
	_ =	sdelay $0x3  }
0x96: {  	_ =	strace s3  }
0x97: {  	_ =	strace $0x8FFFFFFF  }
0x98: {  	s19 =	sld [smem:$0x3FDB];
	_ =	sdelay $0x1  }
0x99: {  	s4 =	simm.s32 $_scs_section_size  }
0x9a: {  	s5 =	simm.s32 $_size__tile_overlayer_lowered;
	s6 =	simm.s32 $_tile_overlayer_lowered  }
0x9b: {  	s22 =	simm.s32 $0x1BFF;
	s21 =	sshll.u32 s6, $0x1;
	s3 =	sadd.s32 s4, s19  }
0x9c: {  	s7 =	simm.s32 $0x0;
	s20 =	sshll.u32 s5, $0x1;
	s5 =	sadd.s32 s21, s3  }
0x9d: {  	[timem:s7], [sflag:s22] =	dma.local [hbm:s5], s20  }
0x9e: {  	_ =	swait.ge [sflag:s22], s20  }
0x9f: {  	s4 =	ssub.s32 $0x0, s20;
	[sflag:s22] =	ssyncset.done $0x0  }
0xa0: {  	[sflag:s22] =	ssyncadd.s32 s4;
	_ =	sdelay $0x1  }
0xa1: {  	s23 =	simm.s32 $0x1B8B  }
0xa2: {  	_ =	swait.ge [sflag:s23], $0x1  }
0xa3: {  	[sflag:s23] =	ssyncset.done $0x0  }
0xa4: {  	s25 =	simm.s32 $0x1B8E;
	s24 =	sld [smem:$0x3FFE];
	[sflag:s23] =	ssyncadd.s32 $0xFFFFFFFF  }
0xa5: {  	s26 =	simm.s32 $execute0_lowered;
	[smem:$0x3FD2] =	sst s25  }
0xa6: {  	s5 =	sshll.u32 s26, $0x1;
	_ =	strace $0x80000049;
	[dreg:$0x1] =	wrdreg $0xFFFFFFFF  }
0xa7: {  	s28 =	simm.s32 $_size_execute0_lowered;
	s3 =	sadd.s32 s3, s5;
	[dreg:$0x0] =	wrdreg $0x0  }
0xa8: {  	s5 =	sshll.u32 s28, $0x1;
	[dreg:$0x2] =	wrdreg s3  }
0xa9: {  	[dreg:$0x3] =	wrdreg s5  }
0xaa: {  	[dreg:$0x4] =	wrdreg $0xC0  }
0xab: {  	_ =	task [dreg:s7], $0x5FFFF  }
0xac: {  	[dreg:$0x1] =	wrdreg $0xFFFFFFFF  }
0xad: {  	[dreg:$0x0] =	wrdreg $0x60  }
0xae: {  	[dreg:$0x2] =	wrdreg s2  }
0xaf: {  	[dreg:$0x3] =	wrdreg s24  }
0xb0: {  	[dreg:$0x4] =	wrdreg $0x0  }
0xb1: {  	[dreg:$0x5] =	wrdreg $0x9  }
0xb2: {  	_ =	task.clear_ibuf [dreg:s7], $0x6FFFF;
	_ =	strace $0x90000049  }
0xb3: {  	s29 =	simm.s32 $0x9;
	_ =	strace $0x8000004B  }
0xb4: {  	_ =	swait.ge [sflag:s29], $0x1  }
0xb5: {  	[sflag:s29] =	ssyncadd.s32 $0xFFFFFFFF  }
0xb6: {  	_ =	strace $0x9000004B  }
0xb7: {  	_ =	sfence  }
0xb8: {  	s30 =	sld [smem:$0x0];
	_ =	sdelay $0x2  }
0xb9: {  	s31 =	sshll.u32 s1, $0xD;
	s1 =	sshrl.u32 s1, $0x2  }
0xba: {  	s3 =	sand.u32 $0x4000, s31;
	s1 =	sadd.s32 s1, s30  }
0xbb: {  	s0 =	sor.u32 s3, s0;
	s1 =	sshll.u32 s1, $0x11  }
0xbc: {  	s0 =	sor.u32 s1, s0  }
0xbd: {  	s0 =	sadd.s32 $0x8F2B, s0  }
0xbe: {  	[sflag:s0] =	ssyncadd.remote.s32 $0x1  }
0xbf: {  	_ =	sfence.sel $0xFFFF  }
0xc0: {  	[dreg:$0x0] =	wrdreg $0xFFFFFFFF;
	(pc) =	sbr.abs _section_cstart, $3  }
0xc1: {  	[dreg:$0x1] =	wrdreg $0xFFFFFFFF  }
0xc2: {  	_ =	task.clear_ibuf [dreg:s7], $0x2FFFF;
	_ =	strace $0x9FFFFFFF  }
0xc3: {  	(tm) =	ssettm $0x7FFFFFFF  }
tec
execute0_lowered:
.L_overlay_start_1:
0x0: {  	(tag) =	ssettag $0x1  }
0x1: {  	s1 =	rddreg [dreg:$0x0]  }
0x2: {  	s0 =	rddreg [dreg:$0x1]  }
0x3: {  	s2 =	rddreg [dreg:$0x2];
	s3 =	srdreg.scid;
	s4 =	simm.s32 $0x0  }
0x4: {  	s13 =	stileid.u32;
	s31 =	simm.s32 $0xB;
	s8 =	sand.u32 $0x1, s3  }
0x5: {  	s29 =	simm.s32 $0x9;
	s9 =	smul.u32 $0x14000, s13;
	s3 =	sshll.u32 s8, $0x4  }
0x6: {  	s30 =	simm.s32 $0xA;
	s20 =	smul.u32 $0x2800, s13;
	s3 =	sor.u32 s13, s3  }
0x7: {  	[smem:$0x7FF] =	sst s4;
	s5 =	sadd.s32 $0xC800, s0;
	s3 =	smul.u32 $0x2800, s3  }
0x8: {  	s6 =	sadd.s32 $0x2800, s0;
	s7 =	smul.u32 $0x140000, s8;
	_ =	strace $0x8000004A  }
0x9: {  	s10 =	ssub.s32 $0x2, s8;
	s8 =	smul.u32 $0x28000, s8;
	s12 =	sshrl.u32 s3, $0x3  }
0xa: {  	s11 =	sshrl.u32 s10, $0x1;
	s7 =	sadd.s32 s9, s7;
	s16 =	sor.u32 $0x8, s12  }
0xb: {  	s8 =	sadd.s32 s20, s8;
	s3 =	ssub.s32 s10, s11;
	s17 =	sadd.s32 s5, s16  }
0xc: {  	s18 =	sor.u32 $0x10, s12;
	s9 =	sadd.s32 s6, s16;
	[dreg:$0xe] =	wrdreg s17  }
0xd: {  	s19 =	sor.u32 $0x18, s12;
	s14 =	sadd.s32 s5, s18;
	[dreg:$0xf] =	wrdreg s9  }
0xe: {  	s11 =	sor.u32 $0x2C0, s8;
	s21 =	sadd.s32 s5, s19;
	[dreg:$0x10] =	wrdreg s14  }
0xf: {  	s23 =	sor.u32 $0x20, s12;
	s22 =	sadd.s32 s6, s19;
	[dreg:$0x12] =	wrdreg s21  }
0x10: {  	s25 =	sor.u32 $0x28, s12;
	s24 =	sadd.s32 s5, s23;
	[dreg:$0x13] =	wrdreg s22  }
0x11: {  	s26 =	sadd.s32 s5, s25;
	s10 =	sadd.s32 s6, s25;
	[dreg:$0x14] =	wrdreg s24  }
0x12: {  	s16 =	sor.u32 $0x280, s8;
	s19 =	sor.u32 $0x240, s8;
	[dreg:$0x16] =	wrdreg s26  }
0x13: {  	s25 =	sor.u32 $0x200, s8;
	s9 =	sadd.s32 s6, s18;
	[dreg:$0x17] =	wrdreg s10  }
0x14: {  	s21 =	sshrl.u32 s19, $0x3;
	s19 =	sadd.s32 s6, s12;
	[dreg:$0x11] =	wrdreg s9  }
0x15: {  	s14 =	sshrl.u32 s11, $0x3;
	s9 =	sadd.s32 s6, s23;
	[dreg:$0x1f] =	wrdreg s19  }
0x16: {  	s17 =	sshrl.u32 s16, $0x3;
	s15 =	sadd.s32 s14, s6;
	[dreg:$0x15] =	wrdreg s9  }
0x17: {  	s8 =	sor.u32 $0x1C0, s8;
	s18 =	sadd.s32 s17, s6;
	[dreg:$0x4] =	wrdreg s15  }
0x18: {  	s22 =	sor.u32 $0x30, s12;
	s20 =	sadd.s32 s17, s5;
	[dreg:$0x6] =	wrdreg s18  }
0x19: {  	s8 =	sshrl.u32 s8, $0x3;
	s24 =	sadd.s32 s5, s22;
	[dreg:$0x7] =	wrdreg s20  }
0x1a: {  	s16 =	sadd.s32 $0x4F0, s12;
	s23 =	sadd.s32 s21, s6;
	[dreg:$0x18] =	wrdreg s24  }
0x1b: {  	s11 =	sadd.s32 s6, s22;
	s10 =	sadd.s32 s21, s5;
	[dreg:$0x8] =	wrdreg s23  }
0x1c: {  	s17 =	sadd.s32 s5, s16;
	s21 =	smul.u32 $0x50000, s13;
	[dreg:$0x19] =	wrdreg s11  }
0x1d: {  	s22 =	sshrl.u32 s7, $0x3;
	s19 =	simm.s32 $0x14200;
	[dreg:$0x9] =	wrdreg s10  }
0x1e: {  	s9 =	sadd.s32 s14, s5;
	s11 =	sadd.s32 $0x4E8, s12;
	[dreg:$0x1c] =	wrdreg s17  }
0x1f: {  	s14 =	sadd.s32 s8, s6;
	s18 =	sadd.s32 s5, s12;
	[dreg:$0x5] =	wrdreg s9  }
0x20: {  	s20 =	sadd.s32 $0x4F8, s12;
	s8 =	sadd.s32 s8, s5;
	[dreg:$0xc] =	wrdreg s14  }
0x21: {  	s23 =	sshll.u32 s13, $0x6;
	s17 =	simm.s32 $0x1A500;
	[dreg:$0x1e] =	wrdreg s18  }
0x22: {  	s9 =	sshrl.u32 s25, $0x3;
	s15 =	sadd.s32 s5, s11;
	[dreg:$0xd] =	wrdreg s8  }
0x23: {  	s10 =	sadd.s32 s6, s11;
	s28 =	sor.u32 $0x1C0B, s23;
	[dreg:$0x1a] =	wrdreg s15  }
0x24: {  	s14 =	simm.s32 $0x2;
	s18 =	simm.s32 $0x3;
	[dreg:$0x1b] =	wrdreg s10  }
0x25: {  	s23 =	simm.s32 $0x6;
	s26 =	sadd.s32 s9, s6;
	[smem:$0x7FD] =	sst s28  }
0x26: {  	s9 =	sadd.s32 s9, s5;
	s5 =	sadd.s32 s5, s20;
	[dreg:$0xa] =	wrdreg s26  }
0x27: {  	s10 =	simm.s32 $0x1;
	[dreg:$0xb] =	wrdreg s9;
	s9 =	sadd.s32 s6, s16  }
0x28: {  	[smem:$0x7F7] =	sst s5;
	s6 =	sadd.s32 s6, s20;
	s5 =	sshrl.u32 s21, $0x2  }
0x29: {  	s26 =	smax.u32 s3, $0x1;
	s3 =	simm.s32 $0x14000;
	s16 =	simm.s32 $0x14400  }
0x2a: {  	s20 =	simm.s32 $0x14480;
	s21 =	simm.s32 $0x1C500;
	[dreg:$0x1d] =	wrdreg s9  }
0x2b: {  	[smem:$0x7F8] =	sst s6;
	s6 =	sadd.s32 s22, s0;
	s0 =	sadd.s32 $0x16800, s0  }
0x2c: {  	s24 =	sadd.s32 s5, s2;
	[smem:$0x7FC] =	sst s26;
	s5 =	simm.s32 $0x40  }
0x2d: {  	s22 =	simm.s32 $0x4;
	s26 =	simm.s32 $0x8;
	[smem:$0x7F9] =	sst s0  }
0x2e: {  	[smem:$0x7FA] =	sst s24;
	s25 =	sadd.s32 $0x19000, s6;
	s24 =	simm.s32 $0x5  }
0x2f: {  	s6 =	simm.s32 $0x0;
	[smem:$0x7FB] =	sst s25;
	s25 =	simm.s32 $0x7  }
.LBB2_1:
0x30: {  	s0 =	sld [smem:$0x7FA];
	_ =	sdelay $0x1  }
0x31: {  	s7 =	sld [smem:$0x7F9]  }
0x32: {  	[smem:$0x7F5] =	sst s6;
	s0 =	sshrl.u32 s0, $0x3  }
0x33: {  	[smem:$0x7F6] =	sst s0  }
0x34: {  	[spmem:s0], [sflag:s28] =	dma.local [hbm:s7], $0x2800  }
0x35: {  	_ =	swait.ge [sflag:s31], $0x2800  }
0x36: {  	[sflag:s31] =	ssyncset.done $0x0  }
0x37: {  	[sflag:s31] =	ssyncadd.s32 $0xFFFFD800  }
0x38: {  	[bflag:$0x0] =	sbarrier.arrive $0xFFFF  }
0x39: {  	s8 =	rddreg [dreg:$0x1e]  }
0x3a: {  	[tilespmem:s3], [sflag:$0xB] =	stream.linear.gather [hbm4b:s8+s4], $0x40, $0x38;
	[tilespmem:$0x1E500] =	vst v63  }
0x3b: {  	_ =	swait.ge [sflag:s31], $0x40  }
0x3c: {  	[sflag:s31] =	ssyncset.done $0x0  }
0x3d: {  	s6 =	simm.s32 $0x14280;
	s9 =	rddreg [dreg:$0x1f];
	[sflag:s31] =	ssyncadd.s32 $0xFFFFFFC0  }
0x3e: {  	[tilespmem:s6], [sflag:$0xB] =	stream.linear.gather [hbm4b:s9+s4], $0x40, $0x38;
	[tilespmem:$0x1E500] =	vst v63  }
0x3f: {  	_ =	swait.ge [sflag:s31], $0x40  }
0x40: {  	[sflag:s31] =	ssyncset.done $0x0  }
0x41: {  	s7 =	simm.s32 $0x14500;
	[sflag:s31] =	ssyncadd.s32 $0xFFFFFFC0  }
0x42: {  	[tilespmem:s7], [sflag:$0x1] =	stream.indirect.gather [hbm4b:s1+s5], $0x80, s3, s5, $0xb8;
	[tilespmem:$0x1E500] =	vst v63  }
0x43: {  	s8 =	simm.s32 $0x14080;
	s11 =	rddreg [dreg:$0xe]  }
0x44: {  	[tilespmem:s8], [sflag:$0xB] =	stream.linear.gather [hbm4b:s11+s4], $0x40, $0x38;
	[tilespmem:$0x1E500] =	vst v63  }
0x45: {  	_ =	swait.ge [sflag:s31], $0x40  }
0x46: {  	[sflag:s31] =	ssyncset.done $0x0  }
0x47: {  	s9 =	simm.s32 $0x14300;
	s12 =	rddreg [dreg:$0xf];
	[sflag:s31] =	ssyncadd.s32 $0xFFFFFFC0  }
0x48: {  	[tilespmem:s9], [sflag:$0xB] =	stream.linear.gather [hbm4b:s12+s4], $0x40, $0x38;
	[tilespmem:$0x1E500] =	vst v63  }
0x49: {  	_ =	swait.ge [sflag:s31], $0x40  }
0x4a: {  	[sflag:s31] =	ssyncset.done $0x0  }
0x4b: {  	s11 =	simm.s32 $0x16500;
	[sflag:s31] =	ssyncadd.s32 $0xFFFFFFC0  }
0x4c: {  	[tilespmem:s11], [sflag:$0x2] =	stream.indirect.gather [hbm4b:s1+s5], $0x80, s8, s5, $0xb8;
	[tilespmem:$0x1E500] =	vst v63  }
0x4d: {  	_ =	swait.ge [sflag:s10], $0x2000  }
0x4e: {  	[sflag:s10] =	ssyncset.done $0x0  }
0x4f: {  	[sflag:s10] =	ssyncadd.s32 $0xFFFFE000  }
0x50: {  	[spmem:s2] =	stream.indirect.scatter.add.f32 [tilespmem:s7], [sflag:$0x6], $0x80, s6, s5, $0xb8;
	[tilespmem:$0x1E500] =	vst v63  }
0x51: {  	s12 =	simm.s32 $0x14100;
	s13 =	rddreg [dreg:$0x10]  }
0x52: {  	[tilespmem:s12], [sflag:$0xB] =	stream.linear.gather [hbm4b:s13+s4], $0x40, $0x38;
	[tilespmem:$0x1E500] =	vst v63  }
0x53: {  	_ =	swait.ge [sflag:s31], $0x40  }
0x54: {  	[sflag:s31] =	ssyncset.done $0x0  }
0x55: {  	s28 =	simm.s32 $0x14380;
	s15 =	rddreg [dreg:$0x11];
	[sflag:s31] =	ssyncadd.s32 $0xFFFFFFC0  }
0x56: {  	[tilespmem:s28], [sflag:$0xB] =	stream.linear.gather [hbm4b:s15+s4], $0x40, $0x38;
	[tilespmem:$0x1E500] =	vst v63  }
0x57: {  	_ =	swait.ge [sflag:s31], $0x40  }
0x58: {  	[sflag:s31] =	ssyncset.done $0x0  }
0x59: {  	s13 =	simm.s32 $0x18500;
	[sflag:s31] =	ssyncadd.s32 $0xFFFFFFC0  }
0x5a: {  	[tilespmem:s13], [sflag:$0x3] =	stream.indirect.gather [hbm4b:s1+s5], $0x80, s12, s5, $0xb8;
	[tilespmem:$0x1E500] =	vst v63  }
0x5b: {  	_ =	swait.ge [sflag:s14], $0x2000  }
0x5c: {  	[sflag:s14] =	ssyncset.done $0x0  }
0x5d: {  	[sflag:s14] =	ssyncadd.s32 $0xFFFFE000  }
0x5e: {  	[spmem:s2] =	stream.indirect.scatter.add.f32 [tilespmem:s11], [sflag:$0x7], $0x80, s9, s5, $0xb8;
	[tilespmem:$0x1E500] =	vst v63  }
0x5f: {  	s15 =	simm.s32 $0x14180;
	s0 =	rddreg [dreg:$0x12]  }
0x60: {  	[tilespmem:s15], [sflag:$0xB] =	stream.linear.gather [hbm4b:s0+s4], $0x40, $0x38;
	[tilespmem:$0x1E500] =	vst v63  }
0x61: {  	_ =	swait.ge [sflag:s31], $0x40  }
0x62: {  	[sflag:s31] =	ssyncset.done $0x0  }
0x63: {  	s0 =	rddreg [dreg:$0x13];
	[sflag:s31] =	ssyncadd.s32 $0xFFFFFFC0  }
0x64: {  	[tilespmem:s16], [sflag:$0xB] =	stream.linear.gather [hbm4b:s0+s4], $0x40, $0x38;
	[tilespmem:$0x1E500] =	vst v63  }
0x65: {  	_ =	swait.ge [sflag:s31], $0x40  }
0x66: {  	[sflag:s31] =	ssyncset.done $0x0  }
0x67: {  	[sflag:s31] =	ssyncadd.s32 $0xFFFFFFC0  }
0x68: {  	[tilespmem:s17], [sflag:$0x4] =	stream.indirect.gather [hbm4b:s1+s5], $0x80, s15, s5, $0xb8;
	[tilespmem:$0x1E500] =	vst v63  }
0x69: {  	_ =	swait.ge [sflag:s18], $0x2000  }
0x6a: {  	[sflag:s18] =	ssyncset.done $0x0  }
0x6b: {  	[sflag:s18] =	ssyncadd.s32 $0xFFFFE000  }
0x6c: {  	[spmem:s2] =	stream.indirect.scatter.add.f32 [tilespmem:s13], [sflag:$0x8], $0x80, s28, s5, $0xb8;
	[tilespmem:$0x1E500] =	vst v63  }
0x6d: {  	s0 =	rddreg [dreg:$0x14]  }
0x6e: {  	[tilespmem:s19], [sflag:$0xB] =	stream.linear.gather [hbm4b:s0+s4], $0x40, $0x38;
	[tilespmem:$0x1E500] =	vst v63  }
0x6f: {  	_ =	swait.ge [sflag:s31], $0x40  }
0x70: {  	[sflag:s31] =	ssyncset.done $0x0  }
0x71: {  	s0 =	rddreg [dreg:$0x15];
	[sflag:s31] =	ssyncadd.s32 $0xFFFFFFC0  }
0x72: {  	[tilespmem:s20], [sflag:$0xB] =	stream.linear.gather [hbm4b:s0+s4], $0x40, $0x38;
	[tilespmem:$0x1E500] =	vst v63  }
0x73: {  	_ =	swait.ge [sflag:s31], $0x40  }
0x74: {  	[sflag:s31] =	ssyncset.done $0x0  }
0x75: {  	[sflag:s31] =	ssyncadd.s32 $0xFFFFFFC0  }
0x76: {  	[tilespmem:s21], [sflag:$0x5] =	stream.indirect.gather [hbm4b:s1+s5], $0x80, s19, s5, $0xb8;
	[tilespmem:$0x1E500] =	vst v63  }
0x77: {  	_ =	swait.ge [sflag:s22], $0x2000  }
0x78: {  	[sflag:s22] =	ssyncset.done $0x0  }
0x79: {  	[sflag:s22] =	ssyncadd.s32 $0xFFFFE000  }
0x7a: {  	[spmem:s2] =	stream.indirect.scatter.add.f32 [tilespmem:s17], [sflag:$0x9], $0x80, s16, s5, $0xb8;
	[tilespmem:$0x1E500] =	vst v63  }
0x7b: {  	_ =	swait.ge [sflag:s23], $0x2000  }
0x7c: {  	[sflag:s23] =	ssyncset.done $0x0  }
0x7d: {  	s0 =	rddreg [dreg:$0x16];
	[sflag:s23] =	ssyncadd.s32 $0xFFFFE000  }
0x7e: {  	[tilespmem:s3], [sflag:$0xB] =	stream.linear.gather [hbm4b:s0+s4], $0x40, $0x38;
	[tilespmem:$0x1E500] =	vst v63  }
0x7f: {  	_ =	swait.ge [sflag:s31], $0x40  }
0x80: {  	[sflag:s31] =	ssyncset.done $0x0  }
0x81: {  	s0 =	rddreg [dreg:$0x17];
	[sflag:s31] =	ssyncadd.s32 $0xFFFFFFC0  }
0x82: {  	[tilespmem:s6], [sflag:$0xB] =	stream.linear.gather [hbm4b:s0+s4], $0x40, $0x38;
	[tilespmem:$0x1E500] =	vst v63  }
0x83: {  	_ =	swait.ge [sflag:s31], $0x40  }
0x84: {  	[sflag:s31] =	ssyncset.done $0x0  }
0x85: {  	[sflag:s31] =	ssyncadd.s32 $0xFFFFFFC0  }
0x86: {  	[tilespmem:s7], [sflag:$0x1] =	stream.indirect.gather [hbm4b:s1+s5], $0x80, s3, s5, $0xb8;
	[tilespmem:$0x1E500] =	vst v63  }
0x87: {  	_ =	swait.ge [sflag:s24], $0x2000  }
0x88: {  	[sflag:s24] =	ssyncset.done $0x0  }
0x89: {  	[sflag:s24] =	ssyncadd.s32 $0xFFFFE000  }
0x8a: {  	[spmem:s2] =	stream.indirect.scatter.add.f32 [tilespmem:s21], [sflag:$0xA], $0x80, s20, s5, $0xb8;
	[tilespmem:$0x1E500] =	vst v63  }
0x8b: {  	_ =	swait.ge [sflag:s25], $0x2000  }
0x8c: {  	[sflag:s25] =	ssyncset.done $0x0  }
0x8d: {  	s0 =	rddreg [dreg:$0x18];
	[sflag:s25] =	ssyncadd.s32 $0xFFFFE000  }
0x8e: {  	[tilespmem:s8], [sflag:$0xB] =	stream.linear.gather [hbm4b:s0+s4], $0x40, $0x38;
	[tilespmem:$0x1E500] =	vst v63  }
0x8f: {  	_ =	swait.ge [sflag:s31], $0x40  }
0x90: {  	[sflag:s31] =	ssyncset.done $0x0  }
0x91: {  	s0 =	rddreg [dreg:$0x19];
	[sflag:s31] =	ssyncadd.s32 $0xFFFFFFC0  }
0x92: {  	[tilespmem:s9], [sflag:$0xB] =	stream.linear.gather [hbm4b:s0+s4], $0x40, $0x38;
	[tilespmem:$0x1E500] =	vst v63  }
0x93: {  	_ =	swait.ge [sflag:s31], $0x40  }
0x94: {  	[sflag:s31] =	ssyncset.done $0x0  }
0x95: {  	[sflag:s31] =	ssyncadd.s32 $0xFFFFFFC0  }
0x96: {  	[tilespmem:s11], [sflag:$0x2] =	stream.indirect.gather [hbm4b:s1+s5], $0x80, s8, s5, $0xb8;
	[tilespmem:$0x1E500] =	vst v63  }
0x97: {  	_ =	swait.ge [sflag:s10], $0x2000  }
0x98: {  	[sflag:s10] =	ssyncset.done $0x0  }
0x99: {  	[sflag:s10] =	ssyncadd.s32 $0xFFFFE000  }
0x9a: {  	[spmem:s2] =	stream.indirect.scatter.add.f32 [tilespmem:s7], [sflag:$0x6], $0x80, s6, s5, $0xb8;
	[tilespmem:$0x1E500] =	vst v63  }
0x9b: {  	_ =	swait.ge [sflag:s26], $0x2000  }
0x9c: {  	s0 =	rddreg [dreg:$0xd];
	[sflag:s26] =	ssyncset.done $0x0  }
0x9d: {  	[sflag:s26] =	ssyncadd.s32 $0xFFFFE000;
	s0 =	sadd.s32 $0x0, s0  }
0x9e: {  	[tilespmem:s12], [sflag:$0xB] =	stream.linear.gather [hbm4b:s0+s4], $0x40, $0x38;
	[tilespmem:$0x1E500] =	vst v63  }
0x9f: {  	_ =	swait.ge [sflag:s31], $0x40  }
0xa0: {  	s0 =	rddreg [dreg:$0xc];
	[sflag:s31] =	ssyncset.done $0x0  }
0xa1: {  	[sflag:s31] =	ssyncadd.s32 $0xFFFFFFC0;
	s0 =	sadd.s32 $0x0, s0  }
0xa2: {  	[tilespmem:s28], [sflag:$0xB] =	stream.linear.gather [hbm4b:s0+s4], $0x40, $0x38;
	[tilespmem:$0x1E500] =	vst v63  }
0xa3: {  	_ =	swait.ge [sflag:s31], $0x40  }
0xa4: {  	[sflag:s31] =	ssyncset.done $0x0  }
0xa5: {  	[sflag:s31] =	ssyncadd.s32 $0xFFFFFFC0  }
0xa6: {  	[tilespmem:s13], [sflag:$0x3] =	stream.indirect.gather [hbm4b:s1+s5], $0x80, s12, s5, $0xb8;
	[tilespmem:$0x1E500] =	vst v63  }
0xa7: {  	_ =	swait.ge [sflag:s14], $0x2000  }
0xa8: {  	[sflag:s14] =	ssyncset.done $0x0  }
0xa9: {  	[sflag:s14] =	ssyncadd.s32 $0xFFFFE000  }
0xaa: {  	[spmem:s2] =	stream.indirect.scatter.add.f32 [tilespmem:s11], [sflag:$0x7], $0x80, s9, s5, $0xb8;
	[tilespmem:$0x1E500] =	vst v63  }
0xab: {  	_ =	swait.ge [sflag:s29], $0x2000  }
0xac: {  	s11 =	rddreg [dreg:$0xb];
	[sflag:s29] =	ssyncset.done $0x0  }
0xad: {  	[sflag:s29] =	ssyncadd.s32 $0xFFFFE000;
	s0 =	sadd.s32 $0x0, s11  }
0xae: {  	[tilespmem:s15], [sflag:$0xB] =	stream.linear.gather [hbm4b:s0+s4], $0x40, $0x38;
	[tilespmem:$0x1E500] =	vst v63  }
0xaf: {  	_ =	swait.ge [sflag:s31], $0x40  }
0xb0: {  	s12 =	rddreg [dreg:$0xa];
	[sflag:s31] =	ssyncset.done $0x0  }
0xb1: {  	[sflag:s31] =	ssyncadd.s32 $0xFFFFFFC0;
	s0 =	sadd.s32 $0x0, s12  }
0xb2: {  	[tilespmem:s16], [sflag:$0xB] =	stream.linear.gather [hbm4b:s0+s4], $0x40, $0x38;
	[tilespmem:$0x1E500] =	vst v63  }
0xb3: {  	_ =	swait.ge [sflag:s31], $0x40  }
0xb4: {  	[sflag:s31] =	ssyncset.done $0x0  }
0xb5: {  	[sflag:s31] =	ssyncadd.s32 $0xFFFFFFC0  }
0xb6: {  	[tilespmem:s17], [sflag:$0x4] =	stream.indirect.gather [hbm4b:s1+s5], $0x80, s15, s5, $0xb8;
	[tilespmem:$0x1E500] =	vst v63  }
0xb7: {  	_ =	swait.ge [sflag:s18], $0x2000  }
0xb8: {  	[sflag:s18] =	ssyncset.done $0x0  }
0xb9: {  	[sflag:s18] =	ssyncadd.s32 $0xFFFFE000  }
0xba: {  	[spmem:s2] =	stream.indirect.scatter.add.f32 [tilespmem:s13], [sflag:$0x8], $0x80, s28, s5, $0xb8;
	[tilespmem:$0x1E500] =	vst v63  }
0xbb: {  	_ =	swait.ge [sflag:s30], $0x2000  }
0xbc: {  	s13 =	rddreg [dreg:$0x9];
	[sflag:s30] =	ssyncset.done $0x0  }
0xbd: {  	[sflag:s30] =	ssyncadd.s32 $0xFFFFE000;
	s0 =	sadd.s32 $0x0, s13  }
0xbe: {  	[tilespmem:s19], [sflag:$0xB] =	stream.linear.gather [hbm4b:s0+s4], $0x40, $0x38;
	[tilespmem:$0x1E500] =	vst v63  }
0xbf: {  	_ =	swait.ge [sflag:s31], $0x40  }
0xc0: {  	s15 =	rddreg [dreg:$0x8];
	[sflag:s31] =	ssyncset.done $0x0  }
0xc1: {  	[sflag:s31] =	ssyncadd.s32 $0xFFFFFFC0;
	s0 =	sadd.s32 $0x0, s15  }
0xc2: {  	[tilespmem:s20], [sflag:$0xB] =	stream.linear.gather [hbm4b:s0+s4], $0x40, $0x38;
	[tilespmem:$0x1E500] =	vst v63  }
0xc3: {  	_ =	swait.ge [sflag:s31], $0x40  }
0xc4: {  	[sflag:s31] =	ssyncset.done $0x0  }
0xc5: {  	[sflag:s31] =	ssyncadd.s32 $0xFFFFFFC0  }
0xc6: {  	[tilespmem:s21], [sflag:$0x5] =	stream.indirect.gather [hbm4b:s1+s5], $0x80, s19, s5, $0xb8;
	[tilespmem:$0x1E500] =	vst v63  }
0xc7: {  	_ =	swait.ge [sflag:s22], $0x2000  }
0xc8: {  	[sflag:s22] =	ssyncset.done $0x0  }
0xc9: {  	[sflag:s22] =	ssyncadd.s32 $0xFFFFE000  }
0xca: {  	[spmem:s2] =	stream.indirect.scatter.add.f32 [tilespmem:s17], [sflag:$0x9], $0x80, s16, s5, $0xb8;
	[tilespmem:$0x1E500] =	vst v63  }
0xcb: {  	_ =	swait.ge [sflag:s23], $0x2000  }
0xcc: {  	s11 =	rddreg [dreg:$0x7];
	[sflag:s23] =	ssyncset.done $0x0  }
0xcd: {  	[sflag:s23] =	ssyncadd.s32 $0xFFFFE000;
	s0 =	sadd.s32 $0x0, s11  }
0xce: {  	[tilespmem:s3], [sflag:$0xB] =	stream.linear.gather [hbm4b:s0+s4], $0x40, $0x38;
	[tilespmem:$0x1E500] =	vst v63  }
0xcf: {  	_ =	swait.ge [sflag:s31], $0x40  }
0xd0: {  	s12 =	rddreg [dreg:$0x6];
	[sflag:s31] =	ssyncset.done $0x0  }
0xd1: {  	[sflag:s31] =	ssyncadd.s32 $0xFFFFFFC0;
	s0 =	sadd.s32 $0x0, s12  }
0xd2: {  	[tilespmem:s6], [sflag:$0xB] =	stream.linear.gather [hbm4b:s0+s4], $0x40, $0x38;
	[tilespmem:$0x1E500] =	vst v63  }
0xd3: {  	_ =	swait.ge [sflag:s31], $0x40  }
0xd4: {  	[sflag:s31] =	ssyncset.done $0x0  }
0xd5: {  	[sflag:s31] =	ssyncadd.s32 $0xFFFFFFC0  }
0xd6: {  	[tilespmem:s7], [sflag:$0x1] =	stream.indirect.gather [hbm4b:s1+s5], $0x80, s3, s5, $0xb8;
	[tilespmem:$0x1E500] =	vst v63  }
0xd7: {  	_ =	swait.ge [sflag:s24], $0x2000  }
0xd8: {  	[sflag:s24] =	ssyncset.done $0x0  }
0xd9: {  	[sflag:s24] =	ssyncadd.s32 $0xFFFFE000  }
0xda: {  	[spmem:s2] =	stream.indirect.scatter.add.f32 [tilespmem:s21], [sflag:$0xA], $0x80, s20, s5, $0xb8;
	[tilespmem:$0x1E500] =	vst v63  }
0xdb: {  	_ =	swait.ge [sflag:s25], $0x2000  }
0xdc: {  	s13 =	rddreg [dreg:$0x5];
	[sflag:s25] =	ssyncset.done $0x0  }
0xdd: {  	[sflag:s25] =	ssyncadd.s32 $0xFFFFE000;
	s0 =	sadd.s32 $0x0, s13  }
0xde: {  	[tilespmem:s8], [sflag:$0xB] =	stream.linear.gather [hbm4b:s0+s4], $0x40, $0x38;
	[tilespmem:$0x1E500] =	vst v63  }
0xdf: {  	_ =	swait.ge [sflag:s31], $0x40  }
0xe0: {  	s15 =	rddreg [dreg:$0x4];
	[sflag:s31] =	ssyncset.done $0x0  }
0xe1: {  	[sflag:s31] =	ssyncadd.s32 $0xFFFFFFC0;
	s0 =	sadd.s32 $0x0, s15  }
0xe2: {  	[tilespmem:s9], [sflag:$0xB] =	stream.linear.gather [hbm4b:s0+s4], $0x40, $0x38;
	[tilespmem:$0x1E500] =	vst v63  }
0xe3: {  	_ =	swait.ge [sflag:s31], $0x40  }
0xe4: {  	[sflag:s31] =	ssyncset.done $0x0  }
0xe5: {  	s28 =	simm.s32 $0x28;
	s6 =	simm.s32 $0x14000;
	[sflag:s31] =	ssyncadd.s32 $0xFFFFFFC0  }
.LBB2_2:
0xe6: {  	s11 =	simm.s32 $0x14080;
	s8 =	simm.s32 $0x16500  }
0xe7: {  	[tilespmem:s8], [sflag:$0x2] =	stream.indirect.gather [hbm4b:s1+s5], $0x80, s11, s5, $0xb8;
	[tilespmem:$0x1E500] =	vst v63  }
0xe8: {  	_ =	swait.ge [sflag:s10], $0x2000  }
0xe9: {  	[sflag:s10] =	ssyncset.done $0x0  }
0xea: {  	s7 =	simm.s32 $0x14280;
	s9 =	simm.s32 $0x14500;
	[sflag:s10] =	ssyncadd.s32 $0xFFFFE000  }
0xeb: {  	[spmem:s2] =	stream.indirect.scatter.add.f32 [tilespmem:s9], [sflag:$0x6], $0x80, s7, s5, $0xb8;
	[tilespmem:$0x1E500] =	vst v63  }
0xec: {  	_ =	swait.ge [sflag:s26], $0x2000  }
0xed: {  	s0 =	smov.u32 s28;
	s3 =	rddreg [dreg:$0xd];
	[sflag:s26] =	ssyncset.done $0x0  }
0xee: {  	s12 =	simm.s32 $0x14100;
	[sflag:s26] =	ssyncadd.s32 $0xFFFFE000;
	s3 =	sadd.s32 s0, s3  }
0xef: {  	[tilespmem:s12], [sflag:$0xB] =	stream.linear.gather [hbm4b:s3+s4], $0x40, $0x38;
	[tilespmem:$0x1E500] =	vst v63  }
0xf0: {  	_ =	swait.ge [sflag:s31], $0x40  }
0xf1: {  	s15 =	rddreg [dreg:$0xc];
	[sflag:s31] =	ssyncset.done $0x0  }
0xf2: {  	s13 =	simm.s32 $0x14380;
	[sflag:s31] =	ssyncadd.s32 $0xFFFFFFC0;
	s3 =	sadd.s32 s0, s15  }
0xf3: {  	[tilespmem:s13], [sflag:$0xB] =	stream.linear.gather [hbm4b:s3+s4], $0x40, $0x38;
	[tilespmem:$0x1E500] =	vst v63  }
0xf4: {  	_ =	swait.ge [sflag:s31], $0x40  }
0xf5: {  	[sflag:s31] =	ssyncset.done $0x0  }
0xf6: {  	s15 =	simm.s32 $0x18500;
	[sflag:s31] =	ssyncadd.s32 $0xFFFFFFC0  }
0xf7: {  	[tilespmem:s15], [sflag:$0x3] =	stream.indirect.gather [hbm4b:s1+s5], $0x80, s12, s5, $0xb8;
	[tilespmem:$0x1E500] =	vst v63  }
0xf8: {  	_ =	swait.ge [sflag:s14], $0x2000  }
0xf9: {  	[sflag:s14] =	ssyncset.done $0x0  }
0xfa: {  	s12 =	simm.s32 $0x14300;
	[sflag:s14] =	ssyncadd.s32 $0xFFFFE000  }
0xfb: {  	[spmem:s2] =	stream.indirect.scatter.add.f32 [tilespmem:s8], [sflag:$0x7], $0x80, s12, s5, $0xb8;
	[tilespmem:$0x1E500] =	vst v63  }
0xfc: {  	_ =	swait.ge [sflag:s29], $0x2000  }
0xfd: {  	s8 =	rddreg [dreg:$0xb];
	[sflag:s29] =	ssyncset.done $0x0  }
0xfe: {  	[sflag:s29] =	ssyncadd.s32 $0xFFFFE000;
	s3 =	sadd.s32 s0, s8;
	s8 =	simm.s32 $0x14180  }
0xff: {  	[tilespmem:s8], [sflag:$0xB] =	stream.linear.gather [hbm4b:s3+s4], $0x40, $0x38;
	[tilespmem:$0x1E500] =	vst v63  }
0x100: {  	_ =	swait.ge [sflag:s31], $0x40  }
0x101: {  	s3 =	rddreg [dreg:$0xa];
	[sflag:s31] =	ssyncset.done $0x0  }
0x102: {  	[sflag:s31] =	ssyncadd.s32 $0xFFFFFFC0;
	s3 =	sadd.s32 s0, s3  }
0x103: {  	[tilespmem:s16], [sflag:$0xB] =	stream.linear.gather [hbm4b:s3+s4], $0x40, $0x38;
	[tilespmem:$0x1E500] =	vst v63  }
0x104: {  	_ =	swait.ge [sflag:s31], $0x40  }
0x105: {  	[sflag:s31] =	ssyncset.done $0x0  }
0x106: {  	[sflag:s31] =	ssyncadd.s32 $0xFFFFFFC0  }
0x107: {  	[tilespmem:s17], [sflag:$0x4] =	stream.indirect.gather [hbm4b:s1+s5], $0x80, s8, s5, $0xb8;
	[tilespmem:$0x1E500] =	vst v63  }
0x108: {  	_ =	swait.ge [sflag:s18], $0x2000  }
0x109: {  	[sflag:s18] =	ssyncset.done $0x0  }
0x10a: {  	[sflag:s18] =	ssyncadd.s32 $0xFFFFE000  }
0x10b: {  	[spmem:s2] =	stream.indirect.scatter.add.f32 [tilespmem:s15], [sflag:$0x8], $0x80, s13, s5, $0xb8;
	[tilespmem:$0x1E500] =	vst v63  }
0x10c: {  	_ =	swait.ge [sflag:s30], $0x2000  }
0x10d: {  	s8 =	rddreg [dreg:$0x9];
	[sflag:s30] =	ssyncset.done $0x0  }
0x10e: {  	[sflag:s30] =	ssyncadd.s32 $0xFFFFE000;
	s3 =	sadd.s32 s0, s8  }
0x10f: {  	[tilespmem:s19], [sflag:$0xB] =	stream.linear.gather [hbm4b:s3+s4], $0x40, $0x38;
	[tilespmem:$0x1E500] =	vst v63  }
0x110: {  	_ =	swait.ge [sflag:s31], $0x40  }
0x111: {  	s13 =	rddreg [dreg:$0x8];
	[sflag:s31] =	ssyncset.done $0x0  }
0x112: {  	[sflag:s31] =	ssyncadd.s32 $0xFFFFFFC0;
	s3 =	sadd.s32 s0, s13  }
0x113: {  	[tilespmem:s20], [sflag:$0xB] =	stream.linear.gather [hbm4b:s3+s4], $0x40, $0x38;
	[tilespmem:$0x1E500] =	vst v63  }
0x114: {  	_ =	swait.ge [sflag:s31], $0x40  }
0x115: {  	[sflag:s31] =	ssyncset.done $0x0  }
0x116: {  	[sflag:s31] =	ssyncadd.s32 $0xFFFFFFC0  }
0x117: {  	[tilespmem:s21], [sflag:$0x5] =	stream.indirect.gather [hbm4b:s1+s5], $0x80, s19, s5, $0xb8;
	[tilespmem:$0x1E500] =	vst v63  }
0x118: {  	_ =	swait.ge [sflag:s22], $0x2000  }
0x119: {  	[sflag:s22] =	ssyncset.done $0x0  }
0x11a: {  	[sflag:s22] =	ssyncadd.s32 $0xFFFFE000  }
0x11b: {  	[spmem:s2] =	stream.indirect.scatter.add.f32 [tilespmem:s17], [sflag:$0x9], $0x80, s16, s5, $0xb8;
	[tilespmem:$0x1E500] =	vst v63  }
0x11c: {  	_ =	swait.ge [sflag:s23], $0x2000  }
0x11d: {  	s15 =	rddreg [dreg:$0x7];
	[sflag:s23] =	ssyncset.done $0x0  }
0x11e: {  	[sflag:s23] =	ssyncadd.s32 $0xFFFFE000;
	s3 =	sadd.s32 s0, s15  }
0x11f: {  	[tilespmem:s6], [sflag:$0xB] =	stream.linear.gather [hbm4b:s3+s4], $0x40, $0x38;
	[tilespmem:$0x1E500] =	vst v63  }
0x120: {  	_ =	swait.ge [sflag:s31], $0x40  }
0x121: {  	s8 =	rddreg [dreg:$0x6];
	[sflag:s31] =	ssyncset.done $0x0  }
0x122: {  	[sflag:s31] =	ssyncadd.s32 $0xFFFFFFC0;
	s3 =	sadd.s32 s0, s8  }
0x123: {  	[tilespmem:s7], [sflag:$0xB] =	stream.linear.gather [hbm4b:s3+s4], $0x40, $0x38;
	[tilespmem:$0x1E500] =	vst v63  }
0x124: {  	_ =	swait.ge [sflag:s31], $0x40  }
0x125: {  	[sflag:s31] =	ssyncset.done $0x0  }
0x126: {  	[sflag:s31] =	ssyncadd.s32 $0xFFFFFFC0  }
0x127: {  	[tilespmem:s9], [sflag:$0x1] =	stream.indirect.gather [hbm4b:s1+s5], $0x80, s6, s5, $0xb8;
	[tilespmem:$0x1E500] =	vst v63  }
0x128: {  	_ =	swait.ge [sflag:s24], $0x2000  }
0x129: {  	[sflag:s24] =	ssyncset.done $0x0  }
0x12a: {  	[sflag:s24] =	ssyncadd.s32 $0xFFFFE000  }
0x12b: {  	[spmem:s2] =	stream.indirect.scatter.add.f32 [tilespmem:s21], [sflag:$0xA], $0x80, s20, s5, $0xb8;
	[tilespmem:$0x1E500] =	vst v63  }
0x12c: {  	_ =	swait.ge [sflag:s25], $0x2000  }
0x12d: {  	s13 =	rddreg [dreg:$0x5];
	[sflag:s25] =	ssyncset.done $0x0  }
0x12e: {  	[sflag:s25] =	ssyncadd.s32 $0xFFFFE000;
	s3 =	sadd.s32 s0, s13  }
0x12f: {  	[tilespmem:s11], [sflag:$0xB] =	stream.linear.gather [hbm4b:s3+s4], $0x40, $0x38;
	[tilespmem:$0x1E500] =	vst v63  }
0x130: {  	_ =	swait.ge [sflag:s31], $0x40  }
0x131: {  	p0 =	sne.s32 s28, $0x488;
	s15 =	rddreg [dreg:$0x4];
	[sflag:s31] =	ssyncset.done $0x0  }
.Ltmp0:
0x132: {  	[sflag:s31] =	ssyncadd.s32 $0xFFFFFFC0;
	s0 =	sadd.s32 s0, s15;
	(pc) =	sbr.rel @p0 .LBB2_2-.Ltmp0, $4  }
0x133: {  	[tilespmem:s12], [sflag:$0xB] =	stream.linear.gather [hbm4b:s0+s4], $0x40, $0x38;
	[tilespmem:$0x1E500] =	vst v63  }
0x134: {  	s28 =	sadd.s32 $0x28, s28;
	_ =	swait.ge [sflag:s31], $0x40  }
0x135: {  	s8 =	simm.s32 $0x14280;
	s7 =	simm.s32 $0x14500;
	[sflag:s31] =	ssyncset.done $0x0  }
0x136: {  	s9 =	simm.s32 $0x14080;
	s3 =	simm.s32 $0x14300;
	[sflag:s31] =	ssyncadd.s32 $0xFFFFFFC0  }
0x137: {  	s6 =	simm.s32 $0x16500  }
0x138: {  	[tilespmem:s6], [sflag:$0x2] =	stream.indirect.gather [hbm4b:s1+s5], $0x80, s9, s5, $0xb8;
	[tilespmem:$0x1E500] =	vst v63  }
0x139: {  	_ =	swait.ge [sflag:s10], $0x2000  }
0x13a: {  	[sflag:s10] =	ssyncset.done $0x0  }
0x13b: {  	[sflag:s10] =	ssyncadd.s32 $0xFFFFE000  }
0x13c: {  	[spmem:s2] =	stream.indirect.scatter.add.f32 [tilespmem:s7], [sflag:$0x6], $0x80, s8, s5, $0xb8;
	[tilespmem:$0x1E500] =	vst v63  }
0x13d: {  	_ =	swait.ge [sflag:s26], $0x2000  }
0x13e: {  	[sflag:s26] =	ssyncset.done $0x0  }
0x13f: {  	s11 =	simm.s32 $0x14100;
	s0 =	rddreg [dreg:$0x1a];
	[sflag:s26] =	ssyncadd.s32 $0xFFFFE000  }
0x140: {  	[tilespmem:s11], [sflag:$0xB] =	stream.linear.gather [hbm4b:s0+s4], $0x40, $0x38;
	[tilespmem:$0x1E500] =	vst v63  }
0x141: {  	_ =	swait.ge [sflag:s31], $0x40  }
0x142: {  	[sflag:s31] =	ssyncset.done $0x0  }
0x143: {  	s13 =	simm.s32 $0x14380;
	s12 =	rddreg [dreg:$0x1b];
	[sflag:s31] =	ssyncadd.s32 $0xFFFFFFC0  }
0x144: {  	[tilespmem:s13], [sflag:$0xB] =	stream.linear.gather [hbm4b:s12+s4], $0x40, $0x38;
	[tilespmem:$0x1E500] =	vst v63  }
0x145: {  	_ =	swait.ge [sflag:s31], $0x40  }
0x146: {  	[sflag:s31] =	ssyncset.done $0x0  }
0x147: {  	s15 =	simm.s32 $0x18500;
	[sflag:s31] =	ssyncadd.s32 $0xFFFFFFC0  }
0x148: {  	[tilespmem:s15], [sflag:$0x3] =	stream.indirect.gather [hbm4b:s1+s5], $0x80, s11, s5, $0xb8;
	[tilespmem:$0x1E500] =	vst v63  }
0x149: {  	_ =	swait.ge [sflag:s14], $0x2000  }
0x14a: {  	[sflag:s14] =	ssyncset.done $0x0  }
0x14b: {  	[sflag:s14] =	ssyncadd.s32 $0xFFFFE000  }
0x14c: {  	[spmem:s2] =	stream.indirect.scatter.add.f32 [tilespmem:s6], [sflag:$0x7], $0x80, s3, s5, $0xb8;
	[tilespmem:$0x1E500] =	vst v63  }
0x14d: {  	_ =	swait.ge [sflag:s29], $0x2000  }
0x14e: {  	[sflag:s29] =	ssyncset.done $0x0  }
0x14f: {  	s6 =	simm.s32 $0x14180;
	s3 =	rddreg [dreg:$0x1c];
	[sflag:s29] =	ssyncadd.s32 $0xFFFFE000  }
0x150: {  	[tilespmem:s6], [sflag:$0xB] =	stream.linear.gather [hbm4b:s3+s4], $0x40, $0x38;
	[tilespmem:$0x1E500] =	vst v63  }
0x151: {  	_ =	swait.ge [sflag:s31], $0x40  }
0x152: {  	[sflag:s31] =	ssyncset.done $0x0  }
0x153: {  	s7 =	rddreg [dreg:$0x1d];
	[sflag:s31] =	ssyncadd.s32 $0xFFFFFFC0  }
0x154: {  	[tilespmem:s16], [sflag:$0xB] =	stream.linear.gather [hbm4b:s7+s4], $0x40, $0x38;
	[tilespmem:$0x1E500] =	vst v63  }
0x155: {  	_ =	swait.ge [sflag:s31], $0x40  }
0x156: {  	[sflag:s31] =	ssyncset.done $0x0  }
0x157: {  	[sflag:s31] =	ssyncadd.s32 $0xFFFFFFC0  }
0x158: {  	[tilespmem:s17], [sflag:$0x4] =	stream.indirect.gather [hbm4b:s1+s5], $0x80, s6, s5, $0xb8;
	[tilespmem:$0x1E500] =	vst v63  }
0x159: {  	_ =	swait.ge [sflag:s18], $0x2000  }
0x15a: {  	[sflag:s18] =	ssyncset.done $0x0  }
0x15b: {  	[sflag:s18] =	ssyncadd.s32 $0xFFFFE000  }
0x15c: {  	[spmem:s2] =	stream.indirect.scatter.add.f32 [tilespmem:s15], [sflag:$0x8], $0x80, s13, s5, $0xb8;
	[tilespmem:$0x1E500] =	vst v63  }
0x15d: {  	_ =	swait.ge [sflag:s30], $0x2000  }
0x15e: {  	s8 =	sld [smem:$0x7F7]  }
0x15f: {  	[sflag:s30] =	ssyncset.done $0x0  }
0x160: {  	[sflag:s30] =	ssyncadd.s32 $0xFFFFE000  }
0x161: {  	[tilespmem:s19], [sflag:$0xB] =	stream.linear.gather [hbm4b:s8+s4], $0x40, $0x38;
	[tilespmem:$0x1E500] =	vst v63  }
0x162: {  	_ =	swait.ge [sflag:s31], $0x40  }
0x163: {  	s9 =	sld [smem:$0x7F8]  }
0x164: {  	[sflag:s31] =	ssyncset.done $0x0  }
0x165: {  	[sflag:s31] =	ssyncadd.s32 $0xFFFFFFC0  }
0x166: {  	[tilespmem:s20], [sflag:$0xB] =	stream.linear.gather [hbm4b:s9+s4], $0x40, $0x38;
	[tilespmem:$0x1E500] =	vst v63  }
0x167: {  	_ =	swait.ge [sflag:s31], $0x40  }
0x168: {  	[sflag:s31] =	ssyncset.done $0x0  }
0x169: {  	[sflag:s31] =	ssyncadd.s32 $0xFFFFFFC0  }
0x16a: {  	[tilespmem:s21], [sflag:$0x5] =	stream.indirect.gather [hbm4b:s1+s5], $0x80, s19, s5, $0xb8;
	[tilespmem:$0x1E500] =	vst v63  }
0x16b: {  	_ =	swait.ge [sflag:s22], $0x2000  }
0x16c: {  	[sflag:s22] =	ssyncset.done $0x0  }
0x16d: {  	[sflag:s22] =	ssyncadd.s32 $0xFFFFE000  }
0x16e: {  	[spmem:s2] =	stream.indirect.scatter.add.f32 [tilespmem:s17], [sflag:$0x9], $0x80, s16, s5, $0xb8;
	[tilespmem:$0x1E500] =	vst v63  }
0x16f: {  	_ =	swait.ge [sflag:s24], $0x2000  }
0x170: {  	[sflag:s24] =	ssyncset.done $0x0  }
0x171: {  	[sflag:s24] =	ssyncadd.s32 $0xFFFFE000  }
0x172: {  	[spmem:s2] =	stream.indirect.scatter.add.f32 [tilespmem:s21], [sflag:$0xA], $0x80, s20, s5, $0xb8;
	[tilespmem:$0x1E500] =	vst v63  }
0x173: {  	_ =	swait.ge [sflag:s23], $0x2000  }
0x174: {  	[sflag:s23] =	ssyncset.done $0x0  }
0x175: {  	[sflag:s23] =	ssyncadd.s32 $0xFFFFE000  }
0x176: {  	_ =	swait.ge [sflag:s25], $0x2000  }
0x177: {  	[sflag:s25] =	ssyncset.done $0x0  }
0x178: {  	[sflag:s25] =	ssyncadd.s32 $0xFFFFE000  }
0x179: {  	_ =	swait.ge [sflag:s26], $0x2000  }
0x17a: {  	[sflag:s26] =	ssyncset.done $0x0  }
0x17b: {  	[sflag:s26] =	ssyncadd.s32 $0xFFFFE000  }
0x17c: {  	_ =	swait.ge [sflag:s29], $0x2000  }
0x17d: {  	[sflag:s29] =	ssyncset.done $0x0  }
0x17e: {  	[sflag:s29] =	ssyncadd.s32 $0xFFFFE000  }
0x17f: {  	_ =	swait.ge [sflag:s30], $0x2000  }
0x180: {  	[sflag:s30] =	ssyncset.done $0x0  }
0x181: {  	[sflag:s30] =	ssyncadd.s32 $0xFFFFE000  }
0x182: {  	[bflag:$0x0] =	sbarrier.arrive $0xFFFF  }
0x183: {  	s28 =	sld [smem:$0x7FD]  }
0x184: {  	s11 =	sld [smem:$0x7FB]  }
0x185: {  	s12 =	sld [smem:$0x7F6];
	_ =	sdelay $0x2  }
0x186: {  	[hbm:s11], [sflag:s28] =	dma.local [spmem:s12], $0x2800  }
0x187: {  	_ =	swait.ge [sflag:s31], $0x2800  }
0x188: {  	s13 =	sld [smem:$0x7F5]  }
0x189: {  	s15 =	sld [smem:$0x7FC];
	_ =	sdelay $0x1  }
0x18a: {  	s6 =	sadd.s32 $0x1, s13  }
0x18b: {  	p0 =	sne.s32 s6, s15  }
.Ltmp1:
0x18c: {  	_ = 	snop;
	(pc) =	sbr.rel @p0 .LBB2_1-.Ltmp1, $3  }
0x18d: {  	_ =	sdelay $0x1  }
0x18e: {  	[sflag:s31] =	ssyncset.done $0x0  }
0x18f: {  	s3 =	simm.s32 $0x14000;
	[sflag:s31] =	ssyncadd.s32 $0xFFFFD800  }
0x190: {  	_ =	sfence.sel $0x180000  }
0x191: {  	[bflag:$0x0] =	sbarrier.arrive $0xFFFF  }
0x192: {  	_ =	strace $0x9000004A  }
0x193: {  	s0 =	stileid.u32;
	[bflag:$0x2] =	sbarrier.arrive $0xFFFF  }
0x194: {  	p0 =	sne.s32 s0, $0x0;
	s0 =	rddreg [dreg:$0x3]  }
0x195: {  	s0 =	sadd.s32 @!p0 $0x100000, s0  }
0x196: {  	[sflag:s0] =	ssyncadd.tile.s32 @!p0 $0x1;
	_ =	shalt  }
.Lfunc_end2:
_tile_overlayer_lowered:
.L_overlay_start_2:
0x197: {  	(tag) =	ssettag $0x2  }
0x198: {  	s0 =	rddreg [dreg:$0x0];
	s2 =	stileid.u32  }
0x199: {  	s1 =	rddreg [dreg:$0x1];
	p0 =	sne.s32 s2, $0x0  }
0x19a: {  	s3 =	rddreg [dreg:$0x2];
	[bflag:$0x3] =	sbarrier.arrive $0xFFFF;
	s2 =	simm.s32 @!p0 $0x1C0B  }
0x19b: {  	[timem:s3], [sflag:s2] =	dma.local @!p0 [hbm:s0], s1  }
0x19c: {  	s0 =	simm.s32 @!p0 $0xB  }
0x19d: {  	_ =	swait.ge @!p0 [sflag:s0], s1  }
0x19e: {  	s1 =	ssub.s32 @!p0 $0x0, s1;
	[sflag:s0] =	ssyncset.done @!p0 $0x0  }
0x19f: {  	[sflag:s0] =	ssyncadd.s32 @!p0 s1  }
0x1a0: {  	[bflag:$0x3] =	sbarrier.arrive $0xFFFF  }
0x1a1: {  	_ =	shalt  }

// kernel: kernel.14.cloned.1.call-start
scs
__scs_entry_jumppad:
0x0: {  	(pc) =	sbr.rel $0x88, $3  }
0x1: {  	(tag) =	ssettag $0x0;
	lr =	simm.s32 $0x1  }
0x2: {  	[smem:$0x3F9B] =	sst lr;
	_ =	strace $0xD0000000  }
0x3: {  	_ = 	snop  }
0x4: {  	_ = 	snop  }
0x5: {  	_ = 	snop  }
0x6: {  	_ = 	snop  }
0x7: {  	_ = 	snop  }
__scs_overlays_trampoline_lowered:
0x8: {  	[smem:$0x3FAA] =	sst s0  }
0x9: {  	[smem:$0x3FAB] =	sst s1  }
0xa: {  	[smem:$0x3FAC] =	sst s2  }
0xb: {  	[smem:$0x3FAD] =	sst s3  }
0xc: {  	[smem:$0x3FAE] =	sst s4  }
0xd: {  	[smem:$0x3FAF] =	sst s5  }
0xe: {  	[smem:$0x3FB0] =	sst s6  }
0xf: {  	[smem:$0x3FB1] =	sst s7  }
0x10: {  	[smem:$0x3FB2] =	sst s8  }
0x11: {  	[smem:$0x3FB3] =	sst s9;
	s0 =	simm.s32 @!p0 $0x0  }
0x12: {  	s1 =	sld [smem:$0x3F99];
	s0 =	simm.s32 @p0 $0x1  }
0x13: {  	[smem:$0x3FB4] =	sst s0;
	s0 =	simm.s32 @!p1 $0x0  }
0x14: {  	s2 =	sld [smem:$0x3F98];
	s0 =	simm.s32 @p1 $0x1  }
0x15: {  	[smem:$0x3FB5] =	sst s0;
	s0 =	simm.s32 @!p2 $0x0  }
0x16: {  	s3 =	sld [smem:$0x3FDB];
	s0 =	simm.s32 @p2 $0x1  }
0x17: {  	s4 =	simm.s32 $0x1BF5;
	[smem:$0x3FB7] =	sst s0  }
0x18: {  	s0 =	sld [smem:$0x3F9A];
	_ =	swait.ge [sflag:s4], $0x0  }
0x19: {  	s7 =	sld [smem:$0x3F9B]  }
0x1a: {  	s8 =	sadd.s32 $0xFFFFE003, lr  }
0x1b: {  	s9 =	sadd.s32 $0xFFFFFEF7, lr;
	s5 =	simm.s32 $0xFFFFFFFF;
	p2 =	slt.u32 s8, $0xFFFFF086  }
0x1c: {  	p1 =	slt.u32 s9, $0xF7A;
	s5 =	simm.s32 @!p2 $0x0  }
0x1d: {  	s5 =	simm.s32 @p1 $0x1;
	p0 =	seq.s32 s7, s2  }
0x1e: {  	s7 =	smul.u32 @!p0 $0xF7A, s2;
	p2 =	seq.s32 @!p0 s5, $0x0  }
0x1f: {  	s9 =	smul.u32 $0xF7A, s1;
	s8 =	simm.s32 @!p0 $0x1BF5;
	p2 =	por !p2, p0  }
0x20: {  	[sflag:s8] =	ssyncset.s32 @!p0 $0xFFFFF086;
	s6 =	sadd.s32 @!p0 s3, s7;
	s7 =	simm.s32 @!p0 $0x108  }
0x21: {  	s3 =	sadd.s32 s3, s9;
	s6 =	sadd.s32 @!p0 $0x88, s6;
	s7 =	simm.s32 @p2 $0x1082  }
0x22: {  	[simem:s7], [sflag:s8] =	dma.local @!p0 [hbm:s6], $0xF7A  }
0x23: {  	s9 =	sor.u32 $0xD0000000, s2;
	s6 =	simm.s32 $0x108;
	_ =	swait.ge @!p0 [sflag:s8], $0x0  }
0x24: {  	s3 =	sadd.s32 $0x88, s3;
	s6 =	simm.s32 @!p1 $0x1082;
	[sflag:s4] =	ssyncset.s32 $0xFFFFF086  }
0x25: {  	[simem:s6], [sflag:s4] =	dma.local [hbm:s3], $0xF7A  }
0x26: {  	[smem:$0x3F9B] =	sst s1;
	(tag) =	ssettag s2;
	_ =	strace s9  }
0x27: {  	s1 =	sld [smem:$0x3FAB]  }
0x28: {  	s2 =	sld [smem:$0x3FAC]  }
0x29: {  	s4 =	sld [smem:$0x3FAE]  }
0x2a: {  	p0 =	seq.s32 s5, $0x0;
	s5 =	sld [smem:$0x3FAF]  }
0x2b: {  	s6 =	sld [smem:$0x3FB0]  }
0x2c: {  	s7 =	sld [smem:$0x3FB1]  }
0x2d: {  	s3 =	simm.s32 $0x108;
	s8 =	sld [smem:$0x3FB2]  }
0x2e: {  	s3 =	simm.s32 @!p0 $0x1082;
	s9 =	sld [smem:$0x3FB3]  }
0x2f: {  	lr =	sadd.s32 s0, s3;
	s0 =	sld [smem:$0x3FAA]  }
0x30: {  	s3 =	sld [smem:$0x3FAD]  }
0x31: {  	[smem:$0x3FB6] =	sst s10  }
0x32: {  	s10 =	sld [smem:$0x3FB4];
	_ =	sdelay $0x3  }
0x33: {  	p0 =	seq.s32 s10, $0x1;
	s10 =	sld [smem:$0x3FB6];
	_ =	sdelay $0x3  }
0x34: {  	[smem:$0x3FB6] =	sst s10  }
0x35: {  	s10 =	sld [smem:$0x3FB5];
	_ =	sdelay $0x3  }
0x36: {  	p1 =	seq.s32 s10, $0x1;
	s10 =	sld [smem:$0x3FB6];
	_ =	sdelay $0x3  }
0x37: {  	[smem:$0x3FB6] =	sst s10  }
0x38: {  	s10 =	sld [smem:$0x3FB7]  }
0x39: {  	_ = 	snop;
	(pc) =	sbr.ind lr, $3  }
0x3a: {  	_ = 	snop  }
0x3b: {  	_ = 	snop  }
0x3c: {  	p2 =	seq.s32 s10, $0x1;
	s10 =	sld [smem:$0x3FB6]  }
0x3d: {  	_ =	shalt  }
0x3e: {  	_ =	shalt  }
0x3f: {  	_ =	shalt  }
0x40: {  	_ =	shalt  }
0x41: {  	_ =	shalt  }
0x42: {  	_ =	shalt  }
0x43: {  	_ =	shalt  }
0x44: {  	_ =	shalt  }
0x45: {  	_ =	shalt  }
0x46: {  	_ =	shalt  }
0x47: {  	_ =	shalt  }
0x48: {  	_ =	shalt  }
0x49: {  	_ =	shalt  }
0x4a: {  	_ =	shalt  }
0x4b: {  	_ =	shalt  }
0x4c: {  	_ =	shalt  }
0x4d: {  	_ =	shalt  }
0x4e: {  	_ =	shalt  }
0x4f: {  	_ =	shalt  }
0x50: {  	_ =	shalt  }
0x51: {  	_ =	shalt  }
0x52: {  	_ =	shalt  }
0x53: {  	_ =	shalt  }
0x54: {  	_ =	shalt  }
0x55: {  	_ =	shalt  }
0x56: {  	_ =	shalt  }
0x57: {  	_ =	shalt  }
0x58: {  	_ =	shalt  }
0x59: {  	_ =	shalt  }
0x5a: {  	_ =	shalt  }
0x5b: {  	_ =	shalt  }
0x5c: {  	_ =	shalt  }
0x5d: {  	_ =	shalt  }
0x5e: {  	_ =	shalt  }
0x5f: {  	_ =	shalt  }
0x60: {  	_ =	shalt  }
0x61: {  	_ =	shalt  }
0x62: {  	_ =	shalt  }
0x63: {  	_ =	shalt  }
0x64: {  	_ =	shalt  }
0x65: {  	_ =	shalt  }
0x66: {  	_ =	shalt  }
0x67: {  	_ =	shalt  }
0x68: {  	_ =	shalt  }
0x69: {  	_ =	shalt  }
0x6a: {  	_ =	shalt  }
0x6b: {  	_ =	shalt  }
0x6c: {  	_ =	shalt  }
0x6d: {  	_ =	shalt  }
0x6e: {  	_ =	shalt  }
0x6f: {  	_ =	shalt  }
0x70: {  	_ =	shalt  }
0x71: {  	_ =	shalt  }
0x72: {  	_ =	shalt  }
0x73: {  	_ =	shalt  }
0x74: {  	_ =	shalt  }
0x75: {  	_ =	shalt  }
0x76: {  	_ =	shalt  }
0x77: {  	_ =	shalt  }
0x78: {  	_ =	shalt  }
0x79: {  	_ =	shalt  }
0x7a: {  	_ =	shalt  }
0x7b: {  	_ =	shalt  }
0x7c: {  	_ =	shalt  }
0x7d: {  	_ =	shalt  }
0x7e: {  	_ =	shalt  }
0x7f: {  	_ =	shalt  }
0x80: {  	_ =	shalt  }
0x81: {  	_ =	shalt  }
0x82: {  	_ =	shalt  }
0x83: {  	_ =	shalt  }
0x84: {  	_ =	shalt  }
0x85: {  	_ =	shalt  }
0x86: {  	_ =	shalt  }
0x87: {  	_ =	shalt  }
.Lfunc_end0:
.L_simem_size_0:
called_computation.2_lowered:
.L_overlay_start_0:
0x88: {  	s2 =	sld [smem:$0x3FD9]  }
0x89: {  	s3 =	sld [smem:$0x3FFE];
	_ =	sdelay $0x1  }
0x8a: {  	s1 =	srdreg.scid  }
0x8b: {  	s0 =	sand.u32 $0x1, s1  }
0x8c: {  	s17 =	sshll.u32 s0, $0xA;
	s2 =	sadd.s32 s3, s2  }
0x8d: {  	s2 =	sadd.s32 s2, s17  }
0x8e: {  	[smem:$0x3FC2] =	sst s2  }
0x8f: {  	_ = 	snop  }
0x90: {  	s2 =	sld [smem:$0x3FD0];
	(tm) =	ssettm $0x1  }
0x91: {  	s18 =	sld [smem:$0x3FFB];
	_ =	sdelay $0x3  }
0x92: {  	_ =	strace s18  }
0x93: {  	s3 =	sld [smem:$0x3FFC];
	_ =	sdelay $0x3  }
0x94: {  	_ =	strace s3  }
0x95: {  	s3 =	sld [smem:$0x3FFD];
	_ =	sdelay $0x3  }
0x96: {  	_ =	strace s3  }
0x97: {  	_ =	strace $0x8FFFFFFF  }
0x98: {  	s19 =	sld [smem:$0x3FDB];
	_ =	sdelay $0x1  }
0x99: {  	s4 =	simm.s32 $_scs_section_size  }
0x9a: {  	s5 =	simm.s32 $_size__tile_overlayer_lowered;
	s6 =	simm.s32 $_tile_overlayer_lowered  }
0x9b: {  	s22 =	simm.s32 $0x1BFF;
	s21 =	sshll.u32 s6, $0x1;
	s3 =	sadd.s32 s4, s19  }
0x9c: {  	s7 =	simm.s32 $0x0;
	s20 =	sshll.u32 s5, $0x1;
	s5 =	sadd.s32 s21, s3  }
0x9d: {  	[timem:s7], [sflag:s22] =	dma.local [hbm:s5], s20  }
0x9e: {  	_ =	swait.ge [sflag:s22], s20  }
0x9f: {  	s4 =	ssub.s32 $0x0, s20;
	[sflag:s22] =	ssyncset.done $0x0  }
0xa0: {  	[sflag:s22] =	ssyncadd.s32 s4;
	_ =	sdelay $0x1  }
0xa1: {  	s23 =	simm.s32 $0x1B8B  }
0xa2: {  	_ =	swait.ge [sflag:s23], $0x1  }
0xa3: {  	[sflag:s23] =	ssyncset.done $0x0  }
0xa4: {  	s25 =	simm.s32 $0x1B8E;
	s24 =	sld [smem:$0x3FFE];
	[sflag:s23] =	ssyncadd.s32 $0xFFFFFFFF  }
0xa5: {  	s26 =	simm.s32 $execute0_lowered;
	[smem:$0x3FD2] =	sst s25  }
0xa6: {  	s5 =	sshll.u32 s26, $0x1;
	_ =	strace $0x8000004C;
	[dreg:$0x1] =	wrdreg $0xFFFFFFFF  }
0xa7: {  	s28 =	simm.s32 $_size_execute0_lowered;
	s3 =	sadd.s32 s3, s5;
	[dreg:$0x0] =	wrdreg $0x0  }
0xa8: {  	s5 =	sshll.u32 s28, $0x1;
	[dreg:$0x2] =	wrdreg s3  }
0xa9: {  	[dreg:$0x3] =	wrdreg s5  }
0xaa: {  	[dreg:$0x4] =	wrdreg $0xC0  }
0xab: {  	_ =	task [dreg:s7], $0x5FFFF  }
0xac: {  	[dreg:$0x1] =	wrdreg $0xFFFFFFFF  }
0xad: {  	[dreg:$0x0] =	wrdreg $0x60  }
0xae: {  	[dreg:$0x2] =	wrdreg s2  }
0xaf: {  	[dreg:$0x3] =	wrdreg s24  }
0xb0: {  	[dreg:$0x4] =	wrdreg $0x0  }
0xb1: {  	[dreg:$0x5] =	wrdreg $0x9  }
0xb2: {  	_ =	task.clear_ibuf [dreg:s7], $0x6FFFF;
	_ =	strace $0x9000004C  }
0xb3: {  	s29 =	simm.s32 $0x9;
	_ =	strace $0x8000004E  }
0xb4: {  	_ =	swait.ge [sflag:s29], $0x1  }
0xb5: {  	[sflag:s29] =	ssyncadd.s32 $0xFFFFFFFF  }
0xb6: {  	_ =	strace $0x9000004E  }
0xb7: {  	_ =	sfence  }
0xb8: {  	s30 =	sld [smem:$0x0];
	_ =	sdelay $0x2  }
0xb9: {  	s31 =	sshll.u32 s1, $0xD;
	s1 =	sshrl.u32 s1, $0x2  }
0xba: {  	s3 =	sand.u32 $0x4000, s31;
	s1 =	sadd.s32 s1, s30  }
0xbb: {  	s0 =	sor.u32 s3, s0;
	s1 =	sshll.u32 s1, $0x11  }
0xbc: {  	s0 =	sor.u32 s1, s0  }
0xbd: {  	s0 =	sadd.s32 $0x8F2B, s0  }
0xbe: {  	[sflag:s0] =	ssyncadd.remote.s32 $0x1  }
0xbf: {  	_ =	sfence.sel $0xFFFF  }
0xc0: {  	[dreg:$0x0] =	wrdreg $0xFFFFFFFF;
	(pc) =	sbr.abs _section_cstart, $3  }
0xc1: {  	[dreg:$0x1] =	wrdreg $0xFFFFFFFF  }
0xc2: {  	_ =	task.clear_ibuf [dreg:s7], $0x2FFFF;
	_ =	strace $0x9FFFFFFF  }
0xc3: {  	(tm) =	ssettm $0x7FFFFFFF  }
tec
execute0_lowered:
.L_overlay_start_1:
0x0: {  	(tag) =	ssettag $0x1  }
0x1: {  	s1 =	rddreg [dreg:$0x0]  }
0x2: {  	s0 =	rddreg [dreg:$0x1]  }
0x3: {  	s2 =	rddreg [dreg:$0x2];
	s3 =	srdreg.scid;
	s4 =	simm.s32 $0x0  }
0x4: {  	s13 =	stileid.u32;
	s31 =	simm.s32 $0xB;
	s8 =	sand.u32 $0x1, s3  }
0x5: {  	s29 =	simm.s32 $0x9;
	s9 =	smul.u32 $0x14000, s13;
	s3 =	sshll.u32 s8, $0x4  }
0x6: {  	s30 =	simm.s32 $0xA;
	s20 =	smul.u32 $0x2800, s13;
	s3 =	sor.u32 s13, s3  }
0x7: {  	[smem:$0x7FF] =	sst s4;
	s5 =	sadd.s32 $0xC800, s0;
	s3 =	smul.u32 $0x2800, s3  }
0x8: {  	s6 =	sadd.s32 $0x2800, s0;
	s7 =	smul.u32 $0x140000, s8;
	_ =	strace $0x8000004D  }
0x9: {  	s10 =	ssub.s32 $0x2, s8;
	s8 =	smul.u32 $0x28000, s8;
	s12 =	sshrl.u32 s3, $0x3  }
0xa: {  	s11 =	sshrl.u32 s10, $0x1;
	s7 =	sadd.s32 s9, s7;
	s16 =	sor.u32 $0x8, s12  }
0xb: {  	s8 =	sadd.s32 s20, s8;
	s3 =	ssub.s32 s10, s11;
	s17 =	sadd.s32 s5, s16  }
0xc: {  	s18 =	sor.u32 $0x10, s12;
	s9 =	sadd.s32 s6, s16;
	[dreg:$0xe] =	wrdreg s17  }
0xd: {  	s19 =	sor.u32 $0x18, s12;
	s14 =	sadd.s32 s5, s18;
	[dreg:$0xf] =	wrdreg s9  }
0xe: {  	s11 =	sor.u32 $0x2C0, s8;
	s21 =	sadd.s32 s5, s19;
	[dreg:$0x10] =	wrdreg s14  }
0xf: {  	s23 =	sor.u32 $0x20, s12;
	s22 =	sadd.s32 s6, s19;
	[dreg:$0x12] =	wrdreg s21  }
0x10: {  	s25 =	sor.u32 $0x28, s12;
	s24 =	sadd.s32 s5, s23;
	[dreg:$0x13] =	wrdreg s22  }
0x11: {  	s26 =	sadd.s32 s5, s25;
	s10 =	sadd.s32 s6, s25;
	[dreg:$0x14] =	wrdreg s24  }
0x12: {  	s16 =	sor.u32 $0x280, s8;
	s19 =	sor.u32 $0x240, s8;
	[dreg:$0x16] =	wrdreg s26  }
0x13: {  	s25 =	sor.u32 $0x200, s8;
	s9 =	sadd.s32 s6, s18;
	[dreg:$0x17] =	wrdreg s10  }
0x14: {  	s21 =	sshrl.u32 s19, $0x3;
	s19 =	sadd.s32 s6, s12;
	[dreg:$0x11] =	wrdreg s9  }
0x15: {  	s14 =	sshrl.u32 s11, $0x3;
	s9 =	sadd.s32 s6, s23;
	[dreg:$0x1f] =	wrdreg s19  }
0x16: {  	s17 =	sshrl.u32 s16, $0x3;
	s15 =	sadd.s32 s14, s6;
	[dreg:$0x15] =	wrdreg s9  }
0x17: {  	s8 =	sor.u32 $0x1C0, s8;
	s18 =	sadd.s32 s17, s6;
	[dreg:$0x4] =	wrdreg s15  }
0x18: {  	s22 =	sor.u32 $0x30, s12;
	s20 =	sadd.s32 s17, s5;
	[dreg:$0x6] =	wrdreg s18  }
0x19: {  	s8 =	sshrl.u32 s8, $0x3;
	s24 =	sadd.s32 s5, s22;
	[dreg:$0x7] =	wrdreg s20  }
0x1a: {  	s16 =	sadd.s32 $0x4F0, s12;
	s23 =	sadd.s32 s21, s6;
	[dreg:$0x18] =	wrdreg s24  }
0x1b: {  	s11 =	sadd.s32 s6, s22;
	s10 =	sadd.s32 s21, s5;
	[dreg:$0x8] =	wrdreg s23  }
0x1c: {  	s17 =	sadd.s32 s5, s16;
	s21 =	smul.u32 $0x50000, s13;
	[dreg:$0x19] =	wrdreg s11  }
0x1d: {  	s22 =	sshrl.u32 s7, $0x3;
	s19 =	simm.s32 $0x14200;
	[dreg:$0x9] =	wrdreg s10  }
0x1e: {  	s9 =	sadd.s32 s14, s5;
	s11 =	sadd.s32 $0x4E8, s12;
	[dreg:$0x1c] =	wrdreg s17  }
0x1f: {  	s14 =	sadd.s32 s8, s6;
	s18 =	sadd.s32 s5, s12;
	[dreg:$0x5] =	wrdreg s9  }
0x20: {  	s20 =	sadd.s32 $0x4F8, s12;
	s8 =	sadd.s32 s8, s5;
	[dreg:$0xc] =	wrdreg s14  }
0x21: {  	s23 =	sshll.u32 s13, $0x6;
	s17 =	simm.s32 $0x1A500;
	[dreg:$0x1e] =	wrdreg s18  }
0x22: {  	s9 =	sshrl.u32 s25, $0x3;
	s15 =	sadd.s32 s5, s11;
	[dreg:$0xd] =	wrdreg s8  }
0x23: {  	s10 =	sadd.s32 s6, s11;
	s28 =	sor.u32 $0x1C0B, s23;
	[dreg:$0x1a] =	wrdreg s15  }
0x24: {  	s14 =	simm.s32 $0x2;
	s18 =	simm.s32 $0x3;
	[dreg:$0x1b] =	wrdreg s10  }
0x25: {  	s23 =	simm.s32 $0x6;
	s26 =	sadd.s32 s9, s6;
	[smem:$0x7FD] =	sst s28  }
0x26: {  	s9 =	sadd.s32 s9, s5;
	s5 =	sadd.s32 s5, s20;
	[dreg:$0xa] =	wrdreg s26  }
0x27: {  	s10 =	simm.s32 $0x1;
	[dreg:$0xb] =	wrdreg s9;
	s9 =	sadd.s32 s6, s16  }
0x28: {  	[smem:$0x7F7] =	sst s5;
	s6 =	sadd.s32 s6, s20;
	s5 =	sshrl.u32 s21, $0x2  }
0x29: {  	s26 =	smax.u32 s3, $0x1;
	s3 =	simm.s32 $0x14000;
	s16 =	simm.s32 $0x14400  }
0x2a: {  	s20 =	simm.s32 $0x14480;
	s21 =	simm.s32 $0x1C500;
	[dreg:$0x1d] =	wrdreg s9  }
0x2b: {  	[smem:$0x7F8] =	sst s6;
	s6 =	sadd.s32 s22, s0;
	s0 =	sadd.s32 $0x16800, s0  }
0x2c: {  	s24 =	sadd.s32 s5, s2;
	[smem:$0x7FC] =	sst s26;
	s5 =	simm.s32 $0x40  }
0x2d: {  	s22 =	simm.s32 $0x4;
	s26 =	simm.s32 $0x8;
	[smem:$0x7F9] =	sst s0  }
0x2e: {  	[smem:$0x7FA] =	sst s24;
	s25 =	sadd.s32 $0x19000, s6;
	s24 =	simm.s32 $0x5  }
0x2f: {  	s6 =	simm.s32 $0x0;
	[smem:$0x7FB] =	sst s25;
	s25 =	simm.s32 $0x7  }
.LBB2_1:
0x30: {  	s0 =	sld [smem:$0x7FA];
	_ =	sdelay $0x1  }
0x31: {  	s7 =	sld [smem:$0x7F9]  }
0x32: {  	[smem:$0x7F5] =	sst s6;
	s0 =	sshrl.u32 s0, $0x3  }
0x33: {  	[smem:$0x7F6] =	sst s0  }
0x34: {  	[spmem:s0], [sflag:s28] =	dma.local [hbm:s7], $0x2800  }
0x35: {  	_ =	swait.ge [sflag:s31], $0x2800  }
0x36: {  	[sflag:s31] =	ssyncset.done $0x0  }
0x37: {  	[sflag:s31] =	ssyncadd.s32 $0xFFFFD800  }
0x38: {  	[bflag:$0x0] =	sbarrier.arrive $0xFFFF  }
0x39: {  	s8 =	rddreg [dreg:$0x1e]  }
0x3a: {  	[tilespmem:s3], [sflag:$0xB] =	stream.linear.gather [hbm4b:s8+s4], $0x40, $0x38;
	[tilespmem:$0x1E500] =	vst v63  }
0x3b: {  	_ =	swait.ge [sflag:s31], $0x40  }
0x3c: {  	[sflag:s31] =	ssyncset.done $0x0  }
0x3d: {  	s6 =	simm.s32 $0x14280;
	s9 =	rddreg [dreg:$0x1f];
	[sflag:s31] =	ssyncadd.s32 $0xFFFFFFC0  }
0x3e: {  	[tilespmem:s6], [sflag:$0xB] =	stream.linear.gather [hbm4b:s9+s4], $0x40, $0x38;
	[tilespmem:$0x1E500] =	vst v63  }
0x3f: {  	_ =	swait.ge [sflag:s31], $0x40  }
0x40: {  	[sflag:s31] =	ssyncset.done $0x0  }
0x41: {  	s7 =	simm.s32 $0x14500;
	[sflag:s31] =	ssyncadd.s32 $0xFFFFFFC0  }
0x42: {  	[tilespmem:s7], [sflag:$0x1] =	stream.indirect.gather [hbm4b:s1+s5], $0x80, s3, s5, $0xb8;
	[tilespmem:$0x1E500] =	vst v63  }
0x43: {  	s8 =	simm.s32 $0x14080;
	s11 =	rddreg [dreg:$0xe]  }
0x44: {  	[tilespmem:s8], [sflag:$0xB] =	stream.linear.gather [hbm4b:s11+s4], $0x40, $0x38;
	[tilespmem:$0x1E500] =	vst v63  }
0x45: {  	_ =	swait.ge [sflag:s31], $0x40  }
0x46: {  	[sflag:s31] =	ssyncset.done $0x0  }
0x47: {  	s9 =	simm.s32 $0x14300;
	s12 =	rddreg [dreg:$0xf];
	[sflag:s31] =	ssyncadd.s32 $0xFFFFFFC0  }
0x48: {  	[tilespmem:s9], [sflag:$0xB] =	stream.linear.gather [hbm4b:s12+s4], $0x40, $0x38;
	[tilespmem:$0x1E500] =	vst v63  }
0x49: {  	_ =	swait.ge [sflag:s31], $0x40  }
0x4a: {  	[sflag:s31] =	ssyncset.done $0x0  }
0x4b: {  	s11 =	simm.s32 $0x16500;
	[sflag:s31] =	ssyncadd.s32 $0xFFFFFFC0  }
0x4c: {  	[tilespmem:s11], [sflag:$0x2] =	stream.indirect.gather [hbm4b:s1+s5], $0x80, s8, s5, $0xb8;
	[tilespmem:$0x1E500] =	vst v63  }
0x4d: {  	_ =	swait.ge [sflag:s10], $0x2000  }
0x4e: {  	[sflag:s10] =	ssyncset.done $0x0  }
0x4f: {  	[sflag:s10] =	ssyncadd.s32 $0xFFFFE000  }
0x50: {  	[spmem:s2] =	stream.indirect.scatter.add.f32 [tilespmem:s7], [sflag:$0x6], $0x80, s6, s5, $0xb8;
	[tilespmem:$0x1E500] =	vst v63  }
0x51: {  	s12 =	simm.s32 $0x14100;
	s13 =	rddreg [dreg:$0x10]  }
0x52: {  	[tilespmem:s12], [sflag:$0xB] =	stream.linear.gather [hbm4b:s13+s4], $0x40, $0x38;
	[tilespmem:$0x1E500] =	vst v63  }
0x53: {  	_ =	swait.ge [sflag:s31], $0x40  }
0x54: {  	[sflag:s31] =	ssyncset.done $0x0  }
0x55: {  	s28 =	simm.s32 $0x14380;
	s15 =	rddreg [dreg:$0x11];
	[sflag:s31] =	ssyncadd.s32 $0xFFFFFFC0  }
0x56: {  	[tilespmem:s28], [sflag:$0xB] =	stream.linear.gather [hbm4b:s15+s4], $0x40, $0x38;
	[tilespmem:$0x1E500] =	vst v63  }
0x57: {  	_ =	swait.ge [sflag:s31], $0x40  }
0x58: {  	[sflag:s31] =	ssyncset.done $0x0  }
0x59: {  	s13 =	simm.s32 $0x18500;
	[sflag:s31] =	ssyncadd.s32 $0xFFFFFFC0  }
0x5a: {  	[tilespmem:s13], [sflag:$0x3] =	stream.indirect.gather [hbm4b:s1+s5], $0x80, s12, s5, $0xb8;
	[tilespmem:$0x1E500] =	vst v63  }
0x5b: {  	_ =	swait.ge [sflag:s14], $0x2000  }
0x5c: {  	[sflag:s14] =	ssyncset.done $0x0  }
0x5d: {  	[sflag:s14] =	ssyncadd.s32 $0xFFFFE000  }
0x5e: {  	[spmem:s2] =	stream.indirect.scatter.add.f32 [tilespmem:s11], [sflag:$0x7], $0x80, s9, s5, $0xb8;
	[tilespmem:$0x1E500] =	vst v63  }
0x5f: {  	s15 =	simm.s32 $0x14180;
	s0 =	rddreg [dreg:$0x12]  }
0x60: {  	[tilespmem:s15], [sflag:$0xB] =	stream.linear.gather [hbm4b:s0+s4], $0x40, $0x38;
	[tilespmem:$0x1E500] =	vst v63  }
0x61: {  	_ =	swait.ge [sflag:s31], $0x40  }
0x62: {  	[sflag:s31] =	ssyncset.done $0x0  }
0x63: {  	s0 =	rddreg [dreg:$0x13];
	[sflag:s31] =	ssyncadd.s32 $0xFFFFFFC0  }
0x64: {  	[tilespmem:s16], [sflag:$0xB] =	stream.linear.gather [hbm4b:s0+s4], $0x40, $0x38;
	[tilespmem:$0x1E500] =	vst v63  }
0x65: {  	_ =	swait.ge [sflag:s31], $0x40  }
0x66: {  	[sflag:s31] =	ssyncset.done $0x0  }
0x67: {  	[sflag:s31] =	ssyncadd.s32 $0xFFFFFFC0  }
0x68: {  	[tilespmem:s17], [sflag:$0x4] =	stream.indirect.gather [hbm4b:s1+s5], $0x80, s15, s5, $0xb8;
	[tilespmem:$0x1E500] =	vst v63  }
0x69: {  	_ =	swait.ge [sflag:s18], $0x2000  }
0x6a: {  	[sflag:s18] =	ssyncset.done $0x0  }
0x6b: {  	[sflag:s18] =	ssyncadd.s32 $0xFFFFE000  }
0x6c: {  	[spmem:s2] =	stream.indirect.scatter.add.f32 [tilespmem:s13], [sflag:$0x8], $0x80, s28, s5, $0xb8;
	[tilespmem:$0x1E500] =	vst v63  }
0x6d: {  	s0 =	rddreg [dreg:$0x14]  }
0x6e: {  	[tilespmem:s19], [sflag:$0xB] =	stream.linear.gather [hbm4b:s0+s4], $0x40, $0x38;
	[tilespmem:$0x1E500] =	vst v63  }
0x6f: {  	_ =	swait.ge [sflag:s31], $0x40  }
0x70: {  	[sflag:s31] =	ssyncset.done $0x0  }
0x71: {  	s0 =	rddreg [dreg:$0x15];
	[sflag:s31] =	ssyncadd.s32 $0xFFFFFFC0  }
0x72: {  	[tilespmem:s20], [sflag:$0xB] =	stream.linear.gather [hbm4b:s0+s4], $0x40, $0x38;
	[tilespmem:$0x1E500] =	vst v63  }
0x73: {  	_ =	swait.ge [sflag:s31], $0x40  }
0x74: {  	[sflag:s31] =	ssyncset.done $0x0  }
0x75: {  	[sflag:s31] =	ssyncadd.s32 $0xFFFFFFC0  }
0x76: {  	[tilespmem:s21], [sflag:$0x5] =	stream.indirect.gather [hbm4b:s1+s5], $0x80, s19, s5, $0xb8;
	[tilespmem:$0x1E500] =	vst v63  }
0x77: {  	_ =	swait.ge [sflag:s22], $0x2000  }
0x78: {  	[sflag:s22] =	ssyncset.done $0x0  }
0x79: {  	[sflag:s22] =	ssyncadd.s32 $0xFFFFE000  }
0x7a: {  	[spmem:s2] =	stream.indirect.scatter.add.f32 [tilespmem:s17], [sflag:$0x9], $0x80, s16, s5, $0xb8;
	[tilespmem:$0x1E500] =	vst v63  }
0x7b: {  	_ =	swait.ge [sflag:s23], $0x2000  }
0x7c: {  	[sflag:s23] =	ssyncset.done $0x0  }
0x7d: {  	s0 =	rddreg [dreg:$0x16];
	[sflag:s23] =	ssyncadd.s32 $0xFFFFE000  }
0x7e: {  	[tilespmem:s3], [sflag:$0xB] =	stream.linear.gather [hbm4b:s0+s4], $0x40, $0x38;
	[tilespmem:$0x1E500] =	vst v63  }
0x7f: {  	_ =	swait.ge [sflag:s31], $0x40  }
0x80: {  	[sflag:s31] =	ssyncset.done $0x0  }
0x81: {  	s0 =	rddreg [dreg:$0x17];
	[sflag:s31] =	ssyncadd.s32 $0xFFFFFFC0  }
0x82: {  	[tilespmem:s6], [sflag:$0xB] =	stream.linear.gather [hbm4b:s0+s4], $0x40, $0x38;
	[tilespmem:$0x1E500] =	vst v63  }
0x83: {  	_ =	swait.ge [sflag:s31], $0x40  }
0x84: {  	[sflag:s31] =	ssyncset.done $0x0  }
0x85: {  	[sflag:s31] =	ssyncadd.s32 $0xFFFFFFC0  }
0x86: {  	[tilespmem:s7], [sflag:$0x1] =	stream.indirect.gather [hbm4b:s1+s5], $0x80, s3, s5, $0xb8;
	[tilespmem:$0x1E500] =	vst v63  }
0x87: {  	_ =	swait.ge [sflag:s24], $0x2000  }
0x88: {  	[sflag:s24] =	ssyncset.done $0x0  }
0x89: {  	[sflag:s24] =	ssyncadd.s32 $0xFFFFE000  }
0x8a: {  	[spmem:s2] =	stream.indirect.scatter.add.f32 [tilespmem:s21], [sflag:$0xA], $0x80, s20, s5, $0xb8;
	[tilespmem:$0x1E500] =	vst v63  }
0x8b: {  	_ =	swait.ge [sflag:s25], $0x2000  }
0x8c: {  	[sflag:s25] =	ssyncset.done $0x0  }
0x8d: {  	s0 =	rddreg [dreg:$0x18];
	[sflag:s25] =	ssyncadd.s32 $0xFFFFE000  }
0x8e: {  	[tilespmem:s8], [sflag:$0xB] =	stream.linear.gather [hbm4b:s0+s4], $0x40, $0x38;
	[tilespmem:$0x1E500] =	vst v63  }
0x8f: {  	_ =	swait.ge [sflag:s31], $0x40  }
0x90: {  	[sflag:s31] =	ssyncset.done $0x0  }
0x91: {  	s0 =	rddreg [dreg:$0x19];
	[sflag:s31] =	ssyncadd.s32 $0xFFFFFFC0  }
0x92: {  	[tilespmem:s9], [sflag:$0xB] =	stream.linear.gather [hbm4b:s0+s4], $0x40, $0x38;
	[tilespmem:$0x1E500] =	vst v63  }
0x93: {  	_ =	swait.ge [sflag:s31], $0x40  }
0x94: {  	[sflag:s31] =	ssyncset.done $0x0  }
0x95: {  	[sflag:s31] =	ssyncadd.s32 $0xFFFFFFC0  }
0x96: {  	[tilespmem:s11], [sflag:$0x2] =	stream.indirect.gather [hbm4b:s1+s5], $0x80, s8, s5, $0xb8;
	[tilespmem:$0x1E500] =	vst v63  }
0x97: {  	_ =	swait.ge [sflag:s10], $0x2000  }
0x98: {  	[sflag:s10] =	ssyncset.done $0x0  }
0x99: {  	[sflag:s10] =	ssyncadd.s32 $0xFFFFE000  }
0x9a: {  	[spmem:s2] =	stream.indirect.scatter.add.f32 [tilespmem:s7], [sflag:$0x6], $0x80, s6, s5, $0xb8;
	[tilespmem:$0x1E500] =	vst v63  }
0x9b: {  	_ =	swait.ge [sflag:s26], $0x2000  }
0x9c: {  	s0 =	rddreg [dreg:$0xd];
	[sflag:s26] =	ssyncset.done $0x0  }
0x9d: {  	[sflag:s26] =	ssyncadd.s32 $0xFFFFE000;
	s0 =	sadd.s32 $0x0, s0  }
0x9e: {  	[tilespmem:s12], [sflag:$0xB] =	stream.linear.gather [hbm4b:s0+s4], $0x40, $0x38;
	[tilespmem:$0x1E500] =	vst v63  }
0x9f: {  	_ =	swait.ge [sflag:s31], $0x40  }
0xa0: {  	s0 =	rddreg [dreg:$0xc];
	[sflag:s31] =	ssyncset.done $0x0  }
0xa1: {  	[sflag:s31] =	ssyncadd.s32 $0xFFFFFFC0;
	s0 =	sadd.s32 $0x0, s0  }
0xa2: {  	[tilespmem:s28], [sflag:$0xB] =	stream.linear.gather [hbm4b:s0+s4], $0x40, $0x38;
	[tilespmem:$0x1E500] =	vst v63  }
0xa3: {  	_ =	swait.ge [sflag:s31], $0x40  }
0xa4: {  	[sflag:s31] =	ssyncset.done $0x0  }
0xa5: {  	[sflag:s31] =	ssyncadd.s32 $0xFFFFFFC0  }
0xa6: {  	[tilespmem:s13], [sflag:$0x3] =	stream.indirect.gather [hbm4b:s1+s5], $0x80, s12, s5, $0xb8;
	[tilespmem:$0x1E500] =	vst v63  }
0xa7: {  	_ =	swait.ge [sflag:s14], $0x2000  }
0xa8: {  	[sflag:s14] =	ssyncset.done $0x0  }
0xa9: {  	[sflag:s14] =	ssyncadd.s32 $0xFFFFE000  }
0xaa: {  	[spmem:s2] =	stream.indirect.scatter.add.f32 [tilespmem:s11], [sflag:$0x7], $0x80, s9, s5, $0xb8;
	[tilespmem:$0x1E500] =	vst v63  }
0xab: {  	_ =	swait.ge [sflag:s29], $0x2000  }
0xac: {  	s11 =	rddreg [dreg:$0xb];
	[sflag:s29] =	ssyncset.done $0x0  }
0xad: {  	[sflag:s29] =	ssyncadd.s32 $0xFFFFE000;
	s0 =	sadd.s32 $0x0, s11  }
0xae: {  	[tilespmem:s15], [sflag:$0xB] =	stream.linear.gather [hbm4b:s0+s4], $0x40, $0x38;
	[tilespmem:$0x1E500] =	vst v63  }
0xaf: {  	_ =	swait.ge [sflag:s31], $0x40  }
0xb0: {  	s12 =	rddreg [dreg:$0xa];
	[sflag:s31] =	ssyncset.done $0x0  }
0xb1: {  	[sflag:s31] =	ssyncadd.s32 $0xFFFFFFC0;
	s0 =	sadd.s32 $0x0, s12  }
0xb2: {  	[tilespmem:s16], [sflag:$0xB] =	stream.linear.gather [hbm4b:s0+s4], $0x40, $0x38;
	[tilespmem:$0x1E500] =	vst v63  }
0xb3: {  	_ =	swait.ge [sflag:s31], $0x40  }
0xb4: {  	[sflag:s31] =	ssyncset.done $0x0  }
0xb5: {  	[sflag:s31] =	ssyncadd.s32 $0xFFFFFFC0  }
0xb6: {  	[tilespmem:s17], [sflag:$0x4] =	stream.indirect.gather [hbm4b:s1+s5], $0x80, s15, s5, $0xb8;
	[tilespmem:$0x1E500] =	vst v63  }
0xb7: {  	_ =	swait.ge [sflag:s18], $0x2000  }
0xb8: {  	[sflag:s18] =	ssyncset.done $0x0  }
0xb9: {  	[sflag:s18] =	ssyncadd.s32 $0xFFFFE000  }
0xba: {  	[spmem:s2] =	stream.indirect.scatter.add.f32 [tilespmem:s13], [sflag:$0x8], $0x80, s28, s5, $0xb8;
	[tilespmem:$0x1E500] =	vst v63  }
0xbb: {  	_ =	swait.ge [sflag:s30], $0x2000  }
0xbc: {  	s13 =	rddreg [dreg:$0x9];
	[sflag:s30] =	ssyncset.done $0x0  }
0xbd: {  	[sflag:s30] =	ssyncadd.s32 $0xFFFFE000;
	s0 =	sadd.s32 $0x0, s13  }
0xbe: {  	[tilespmem:s19], [sflag:$0xB] =	stream.linear.gather [hbm4b:s0+s4], $0x40, $0x38;
	[tilespmem:$0x1E500] =	vst v63  }
0xbf: {  	_ =	swait.ge [sflag:s31], $0x40  }
0xc0: {  	s15 =	rddreg [dreg:$0x8];
	[sflag:s31] =	ssyncset.done $0x0  }
0xc1: {  	[sflag:s31] =	ssyncadd.s32 $0xFFFFFFC0;
	s0 =	sadd.s32 $0x0, s15  }
0xc2: {  	[tilespmem:s20], [sflag:$0xB] =	stream.linear.gather [hbm4b:s0+s4], $0x40, $0x38;
	[tilespmem:$0x1E500] =	vst v63  }
0xc3: {  	_ =	swait.ge [sflag:s31], $0x40  }
0xc4: {  	[sflag:s31] =	ssyncset.done $0x0  }
0xc5: {  	[sflag:s31] =	ssyncadd.s32 $0xFFFFFFC0  }
0xc6: {  	[tilespmem:s21], [sflag:$0x5] =	stream.indirect.gather [hbm4b:s1+s5], $0x80, s19, s5, $0xb8;
	[tilespmem:$0x1E500] =	vst v63  }
0xc7: {  	_ =	swait.ge [sflag:s22], $0x2000  }
0xc8: {  	[sflag:s22] =	ssyncset.done $0x0  }
0xc9: {  	[sflag:s22] =	ssyncadd.s32 $0xFFFFE000  }
0xca: {  	[spmem:s2] =	stream.indirect.scatter.add.f32 [tilespmem:s17], [sflag:$0x9], $0x80, s16, s5, $0xb8;
	[tilespmem:$0x1E500] =	vst v63  }
0xcb: {  	_ =	swait.ge [sflag:s23], $0x2000  }
0xcc: {  	s11 =	rddreg [dreg:$0x7];
	[sflag:s23] =	ssyncset.done $0x0  }
0xcd: {  	[sflag:s23] =	ssyncadd.s32 $0xFFFFE000;
	s0 =	sadd.s32 $0x0, s11  }
0xce: {  	[tilespmem:s3], [sflag:$0xB] =	stream.linear.gather [hbm4b:s0+s4], $0x40, $0x38;
	[tilespmem:$0x1E500] =	vst v63  }
0xcf: {  	_ =	swait.ge [sflag:s31], $0x40  }
0xd0: {  	s12 =	rddreg [dreg:$0x6];
	[sflag:s31] =	ssyncset.done $0x0  }
0xd1: {  	[sflag:s31] =	ssyncadd.s32 $0xFFFFFFC0;
	s0 =	sadd.s32 $0x0, s12  }
0xd2: {  	[tilespmem:s6], [sflag:$0xB] =	stream.linear.gather [hbm4b:s0+s4], $0x40, $0x38;
	[tilespmem:$0x1E500] =	vst v63  }
0xd3: {  	_ =	swait.ge [sflag:s31], $0x40  }
0xd4: {  	[sflag:s31] =	ssyncset.done $0x0  }
0xd5: {  	[sflag:s31] =	ssyncadd.s32 $0xFFFFFFC0  }
0xd6: {  	[tilespmem:s7], [sflag:$0x1] =	stream.indirect.gather [hbm4b:s1+s5], $0x80, s3, s5, $0xb8;
	[tilespmem:$0x1E500] =	vst v63  }
0xd7: {  	_ =	swait.ge [sflag:s24], $0x2000  }
0xd8: {  	[sflag:s24] =	ssyncset.done $0x0  }
0xd9: {  	[sflag:s24] =	ssyncadd.s32 $0xFFFFE000  }
0xda: {  	[spmem:s2] =	stream.indirect.scatter.add.f32 [tilespmem:s21], [sflag:$0xA], $0x80, s20, s5, $0xb8;
	[tilespmem:$0x1E500] =	vst v63  }
0xdb: {  	_ =	swait.ge [sflag:s25], $0x2000  }
0xdc: {  	s13 =	rddreg [dreg:$0x5];
	[sflag:s25] =	ssyncset.done $0x0  }
0xdd: {  	[sflag:s25] =	ssyncadd.s32 $0xFFFFE000;
	s0 =	sadd.s32 $0x0, s13  }
0xde: {  	[tilespmem:s8], [sflag:$0xB] =	stream.linear.gather [hbm4b:s0+s4], $0x40, $0x38;
	[tilespmem:$0x1E500] =	vst v63  }
0xdf: {  	_ =	swait.ge [sflag:s31], $0x40  }
0xe0: {  	s15 =	rddreg [dreg:$0x4];
	[sflag:s31] =	ssyncset.done $0x0  }
0xe1: {  	[sflag:s31] =	ssyncadd.s32 $0xFFFFFFC0;
	s0 =	sadd.s32 $0x0, s15  }
0xe2: {  	[tilespmem:s9], [sflag:$0xB] =	stream.linear.gather [hbm4b:s0+s4], $0x40, $0x38;
	[tilespmem:$0x1E500] =	vst v63  }
0xe3: {  	_ =	swait.ge [sflag:s31], $0x40  }
0xe4: {  	[sflag:s31] =	ssyncset.done $0x0  }
0xe5: {  	s28 =	simm.s32 $0x28;
	s6 =	simm.s32 $0x14000;
	[sflag:s31] =	ssyncadd.s32 $0xFFFFFFC0  }
.LBB2_2:
0xe6: {  	s11 =	simm.s32 $0x14080;
	s8 =	simm.s32 $0x16500  }
0xe7: {  	[tilespmem:s8], [sflag:$0x2] =	stream.indirect.gather [hbm4b:s1+s5], $0x80, s11, s5, $0xb8;
	[tilespmem:$0x1E500] =	vst v63  }
0xe8: {  	_ =	swait.ge [sflag:s10], $0x2000  }
0xe9: {  	[sflag:s10] =	ssyncset.done $0x0  }
0xea: {  	s7 =	simm.s32 $0x14280;
	s9 =	simm.s32 $0x14500;
	[sflag:s10] =	ssyncadd.s32 $0xFFFFE000  }
0xeb: {  	[spmem:s2] =	stream.indirect.scatter.add.f32 [tilespmem:s9], [sflag:$0x6], $0x80, s7, s5, $0xb8;
	[tilespmem:$0x1E500] =	vst v63  }
0xec: {  	_ =	swait.ge [sflag:s26], $0x2000  }
0xed: {  	s0 =	smov.u32 s28;
	s3 =	rddreg [dreg:$0xd];
	[sflag:s26] =	ssyncset.done $0x0  }
0xee: {  	s12 =	simm.s32 $0x14100;
	[sflag:s26] =	ssyncadd.s32 $0xFFFFE000;
	s3 =	sadd.s32 s0, s3  }
0xef: {  	[tilespmem:s12], [sflag:$0xB] =	stream.linear.gather [hbm4b:s3+s4], $0x40, $0x38;
	[tilespmem:$0x1E500] =	vst v63  }
0xf0: {  	_ =	swait.ge [sflag:s31], $0x40  }
0xf1: {  	s15 =	rddreg [dreg:$0xc];
	[sflag:s31] =	ssyncset.done $0x0  }
0xf2: {  	s13 =	simm.s32 $0x14380;
	[sflag:s31] =	ssyncadd.s32 $0xFFFFFFC0;
	s3 =	sadd.s32 s0, s15  }
0xf3: {  	[tilespmem:s13], [sflag:$0xB] =	stream.linear.gather [hbm4b:s3+s4], $0x40, $0x38;
	[tilespmem:$0x1E500] =	vst v63  }
0xf4: {  	_ =	swait.ge [sflag:s31], $0x40  }
0xf5: {  	[sflag:s31] =	ssyncset.done $0x0  }
0xf6: {  	s15 =	simm.s32 $0x18500;
	[sflag:s31] =	ssyncadd.s32 $0xFFFFFFC0  }
0xf7: {  	[tilespmem:s15], [sflag:$0x3] =	stream.indirect.gather [hbm4b:s1+s5], $0x80, s12, s5, $0xb8;
	[tilespmem:$0x1E500] =	vst v63  }
0xf8: {  	_ =	swait.ge [sflag:s14], $0x2000  }
0xf9: {  	[sflag:s14] =	ssyncset.done $0x0  }
0xfa: {  	s12 =	simm.s32 $0x14300;
	[sflag:s14] =	ssyncadd.s32 $0xFFFFE000  }
0xfb: {  	[spmem:s2] =	stream.indirect.scatter.add.f32 [tilespmem:s8], [sflag:$0x7], $0x80, s12, s5, $0xb8;
	[tilespmem:$0x1E500] =	vst v63  }
0xfc: {  	_ =	swait.ge [sflag:s29], $0x2000  }
0xfd: {  	s8 =	rddreg [dreg:$0xb];
	[sflag:s29] =	ssyncset.done $0x0  }
0xfe: {  	[sflag:s29] =	ssyncadd.s32 $0xFFFFE000;
	s3 =	sadd.s32 s0, s8;
	s8 =	simm.s32 $0x14180  }
0xff: {  	[tilespmem:s8], [sflag:$0xB] =	stream.linear.gather [hbm4b:s3+s4], $0x40, $0x38;
	[tilespmem:$0x1E500] =	vst v63  }
0x100: {  	_ =	swait.ge [sflag:s31], $0x40  }
0x101: {  	s3 =	rddreg [dreg:$0xa];
	[sflag:s31] =	ssyncset.done $0x0  }
0x102: {  	[sflag:s31] =	ssyncadd.s32 $0xFFFFFFC0;
	s3 =	sadd.s32 s0, s3  }
0x103: {  	[tilespmem:s16], [sflag:$0xB] =	stream.linear.gather [hbm4b:s3+s4], $0x40, $0x38;
	[tilespmem:$0x1E500] =	vst v63  }
0x104: {  	_ =	swait.ge [sflag:s31], $0x40  }
0x105: {  	[sflag:s31] =	ssyncset.done $0x0  }
0x106: {  	[sflag:s31] =	ssyncadd.s32 $0xFFFFFFC0  }
0x107: {  	[tilespmem:s17], [sflag:$0x4] =	stream.indirect.gather [hbm4b:s1+s5], $0x80, s8, s5, $0xb8;
	[tilespmem:$0x1E500] =	vst v63  }
0x108: {  	_ =	swait.ge [sflag:s18], $0x2000  }
0x109: {  	[sflag:s18] =	ssyncset.done $0x0  }
0x10a: {  	[sflag:s18] =	ssyncadd.s32 $0xFFFFE000  }
0x10b: {  	[spmem:s2] =	stream.indirect.scatter.add.f32 [tilespmem:s15], [sflag:$0x8], $0x80, s13, s5, $0xb8;
	[tilespmem:$0x1E500] =	vst v63  }
0x10c: {  	_ =	swait.ge [sflag:s30], $0x2000  }
0x10d: {  	s8 =	rddreg [dreg:$0x9];
	[sflag:s30] =	ssyncset.done $0x0  }
0x10e: {  	[sflag:s30] =	ssyncadd.s32 $0xFFFFE000;
	s3 =	sadd.s32 s0, s8  }
0x10f: {  	[tilespmem:s19], [sflag:$0xB] =	stream.linear.gather [hbm4b:s3+s4], $0x40, $0x38;
	[tilespmem:$0x1E500] =	vst v63  }
0x110: {  	_ =	swait.ge [sflag:s31], $0x40  }
0x111: {  	s13 =	rddreg [dreg:$0x8];
	[sflag:s31] =	ssyncset.done $0x0  }
0x112: {  	[sflag:s31] =	ssyncadd.s32 $0xFFFFFFC0;
	s3 =	sadd.s32 s0, s13  }
0x113: {  	[tilespmem:s20], [sflag:$0xB] =	stream.linear.gather [hbm4b:s3+s4], $0x40, $0x38;
	[tilespmem:$0x1E500] =	vst v63  }
0x114: {  	_ =	swait.ge [sflag:s31], $0x40  }
0x115: {  	[sflag:s31] =	ssyncset.done $0x0  }
0x116: {  	[sflag:s31] =	ssyncadd.s32 $0xFFFFFFC0  }
0x117: {  	[tilespmem:s21], [sflag:$0x5] =	stream.indirect.gather [hbm4b:s1+s5], $0x80, s19, s5, $0xb8;
	[tilespmem:$0x1E500] =	vst v63  }
0x118: {  	_ =	swait.ge [sflag:s22], $0x2000  }
0x119: {  	[sflag:s22] =	ssyncset.done $0x0  }
0x11a: {  	[sflag:s22] =	ssyncadd.s32 $0xFFFFE000  }
0x11b: {  	[spmem:s2] =	stream.indirect.scatter.add.f32 [tilespmem:s17], [sflag:$0x9], $0x80, s16, s5, $0xb8;
	[tilespmem:$0x1E500] =	vst v63  }
0x11c: {  	_ =	swait.ge [sflag:s23], $0x2000  }
0x11d: {  	s15 =	rddreg [dreg:$0x7];
	[sflag:s23] =	ssyncset.done $0x0  }
0x11e: {  	[sflag:s23] =	ssyncadd.s32 $0xFFFFE000;
	s3 =	sadd.s32 s0, s15  }
0x11f: {  	[tilespmem:s6], [sflag:$0xB] =	stream.linear.gather [hbm4b:s3+s4], $0x40, $0x38;
	[tilespmem:$0x1E500] =	vst v63  }
0x120: {  	_ =	swait.ge [sflag:s31], $0x40  }
0x121: {  	s8 =	rddreg [dreg:$0x6];
	[sflag:s31] =	ssyncset.done $0x0  }
0x122: {  	[sflag:s31] =	ssyncadd.s32 $0xFFFFFFC0;
	s3 =	sadd.s32 s0, s8  }
0x123: {  	[tilespmem:s7], [sflag:$0xB] =	stream.linear.gather [hbm4b:s3+s4], $0x40, $0x38;
	[tilespmem:$0x1E500] =	vst v63  }
0x124: {  	_ =	swait.ge [sflag:s31], $0x40  }
0x125: {  	[sflag:s31] =	ssyncset.done $0x0  }
0x126: {  	[sflag:s31] =	ssyncadd.s32 $0xFFFFFFC0  }
0x127: {  	[tilespmem:s9], [sflag:$0x1] =	stream.indirect.gather [hbm4b:s1+s5], $0x80, s6, s5, $0xb8;
	[tilespmem:$0x1E500] =	vst v63  }
0x128: {  	_ =	swait.ge [sflag:s24], $0x2000  }
0x129: {  	[sflag:s24] =	ssyncset.done $0x0  }
0x12a: {  	[sflag:s24] =	ssyncadd.s32 $0xFFFFE000  }
0x12b: {  	[spmem:s2] =	stream.indirect.scatter.add.f32 [tilespmem:s21], [sflag:$0xA], $0x80, s20, s5, $0xb8;
	[tilespmem:$0x1E500] =	vst v63  }
0x12c: {  	_ =	swait.ge [sflag:s25], $0x2000  }
0x12d: {  	s13 =	rddreg [dreg:$0x5];
	[sflag:s25] =	ssyncset.done $0x0  }
0x12e: {  	[sflag:s25] =	ssyncadd.s32 $0xFFFFE000;
	s3 =	sadd.s32 s0, s13  }
0x12f: {  	[tilespmem:s11], [sflag:$0xB] =	stream.linear.gather [hbm4b:s3+s4], $0x40, $0x38;
	[tilespmem:$0x1E500] =	vst v63  }
0x130: {  	_ =	swait.ge [sflag:s31], $0x40  }
0x131: {  	p0 =	sne.s32 s28, $0x488;
	s15 =	rddreg [dreg:$0x4];
	[sflag:s31] =	ssyncset.done $0x0  }
.Ltmp0:
0x132: {  	[sflag:s31] =	ssyncadd.s32 $0xFFFFFFC0;
	s0 =	sadd.s32 s0, s15;
	(pc) =	sbr.rel @p0 .LBB2_2-.Ltmp0, $4  }
0x133: {  	[tilespmem:s12], [sflag:$0xB] =	stream.linear.gather [hbm4b:s0+s4], $0x40, $0x38;
	[tilespmem:$0x1E500] =	vst v63  }
0x134: {  	s28 =	sadd.s32 $0x28, s28;
	_ =	swait.ge [sflag:s31], $0x40  }
0x135: {  	s8 =	simm.s32 $0x14280;
	s7 =	simm.s32 $0x14500;
	[sflag:s31] =	ssyncset.done $0x0  }
0x136: {  	s9 =	simm.s32 $0x14080;
	s3 =	simm.s32 $0x14300;
	[sflag:s31] =	ssyncadd.s32 $0xFFFFFFC0  }
0x137: {  	s6 =	simm.s32 $0x16500  }
0x138: {  	[tilespmem:s6], [sflag:$0x2] =	stream.indirect.gather [hbm4b:s1+s5], $0x80, s9, s5, $0xb8;
	[tilespmem:$0x1E500] =	vst v63  }
0x139: {  	_ =	swait.ge [sflag:s10], $0x2000  }
0x13a: {  	[sflag:s10] =	ssyncset.done $0x0  }
0x13b: {  	[sflag:s10] =	ssyncadd.s32 $0xFFFFE000  }
0x13c: {  	[spmem:s2] =	stream.indirect.scatter.add.f32 [tilespmem:s7], [sflag:$0x6], $0x80, s8, s5, $0xb8;
	[tilespmem:$0x1E500] =	vst v63  }
0x13d: {  	_ =	swait.ge [sflag:s26], $0x2000  }
0x13e: {  	[sflag:s26] =	ssyncset.done $0x0  }
0x13f: {  	s11 =	simm.s32 $0x14100;
	s0 =	rddreg [dreg:$0x1a];
	[sflag:s26] =	ssyncadd.s32 $0xFFFFE000  }
0x140: {  	[tilespmem:s11], [sflag:$0xB] =	stream.linear.gather [hbm4b:s0+s4], $0x40, $0x38;
	[tilespmem:$0x1E500] =	vst v63  }
0x141: {  	_ =	swait.ge [sflag:s31], $0x40  }
0x142: {  	[sflag:s31] =	ssyncset.done $0x0  }
0x143: {  	s13 =	simm.s32 $0x14380;
	s12 =	rddreg [dreg:$0x1b];
	[sflag:s31] =	ssyncadd.s32 $0xFFFFFFC0  }
0x144: {  	[tilespmem:s13], [sflag:$0xB] =	stream.linear.gather [hbm4b:s12+s4], $0x40, $0x38;
	[tilespmem:$0x1E500] =	vst v63  }
0x145: {  	_ =	swait.ge [sflag:s31], $0x40  }
0x146: {  	[sflag:s31] =	ssyncset.done $0x0  }
0x147: {  	s15 =	simm.s32 $0x18500;
	[sflag:s31] =	ssyncadd.s32 $0xFFFFFFC0  }
0x148: {  	[tilespmem:s15], [sflag:$0x3] =	stream.indirect.gather [hbm4b:s1+s5], $0x80, s11, s5, $0xb8;
	[tilespmem:$0x1E500] =	vst v63  }
0x149: {  	_ =	swait.ge [sflag:s14], $0x2000  }
0x14a: {  	[sflag:s14] =	ssyncset.done $0x0  }
0x14b: {  	[sflag:s14] =	ssyncadd.s32 $0xFFFFE000  }
0x14c: {  	[spmem:s2] =	stream.indirect.scatter.add.f32 [tilespmem:s6], [sflag:$0x7], $0x80, s3, s5, $0xb8;
	[tilespmem:$0x1E500] =	vst v63  }
0x14d: {  	_ =	swait.ge [sflag:s29], $0x2000  }
0x14e: {  	[sflag:s29] =	ssyncset.done $0x0  }
0x14f: {  	s6 =	simm.s32 $0x14180;
	s3 =	rddreg [dreg:$0x1c];
	[sflag:s29] =	ssyncadd.s32 $0xFFFFE000  }
0x150: {  	[tilespmem:s6], [sflag:$0xB] =	stream.linear.gather [hbm4b:s3+s4], $0x40, $0x38;
	[tilespmem:$0x1E500] =	vst v63  }
0x151: {  	_ =	swait.ge [sflag:s31], $0x40  }
0x152: {  	[sflag:s31] =	ssyncset.done $0x0  }
0x153: {  	s7 =	rddreg [dreg:$0x1d];
	[sflag:s31] =	ssyncadd.s32 $0xFFFFFFC0  }
0x154: {  	[tilespmem:s16], [sflag:$0xB] =	stream.linear.gather [hbm4b:s7+s4], $0x40, $0x38;
	[tilespmem:$0x1E500] =	vst v63  }
0x155: {  	_ =	swait.ge [sflag:s31], $0x40  }
0x156: {  	[sflag:s31] =	ssyncset.done $0x0  }
0x157: {  	[sflag:s31] =	ssyncadd.s32 $0xFFFFFFC0  }
0x158: {  	[tilespmem:s17], [sflag:$0x4] =	stream.indirect.gather [hbm4b:s1+s5], $0x80, s6, s5, $0xb8;
	[tilespmem:$0x1E500] =	vst v63  }
0x159: {  	_ =	swait.ge [sflag:s18], $0x2000  }
0x15a: {  	[sflag:s18] =	ssyncset.done $0x0  }
0x15b: {  	[sflag:s18] =	ssyncadd.s32 $0xFFFFE000  }
0x15c: {  	[spmem:s2] =	stream.indirect.scatter.add.f32 [tilespmem:s15], [sflag:$0x8], $0x80, s13, s5, $0xb8;
	[tilespmem:$0x1E500] =	vst v63  }
0x15d: {  	_ =	swait.ge [sflag:s30], $0x2000  }
0x15e: {  	s8 =	sld [smem:$0x7F7]  }
0x15f: {  	[sflag:s30] =	ssyncset.done $0x0  }
0x160: {  	[sflag:s30] =	ssyncadd.s32 $0xFFFFE000  }
0x161: {  	[tilespmem:s19], [sflag:$0xB] =	stream.linear.gather [hbm4b:s8+s4], $0x40, $0x38;
	[tilespmem:$0x1E500] =	vst v63  }
0x162: {  	_ =	swait.ge [sflag:s31], $0x40  }
0x163: {  	s9 =	sld [smem:$0x7F8]  }
0x164: {  	[sflag:s31] =	ssyncset.done $0x0  }
0x165: {  	[sflag:s31] =	ssyncadd.s32 $0xFFFFFFC0  }
0x166: {  	[tilespmem:s20], [sflag:$0xB] =	stream.linear.gather [hbm4b:s9+s4], $0x40, $0x38;
	[tilespmem:$0x1E500] =	vst v63  }
0x167: {  	_ =	swait.ge [sflag:s31], $0x40  }
0x168: {  	[sflag:s31] =	ssyncset.done $0x0  }
0x169: {  	[sflag:s31] =	ssyncadd.s32 $0xFFFFFFC0  }
0x16a: {  	[tilespmem:s21], [sflag:$0x5] =	stream.indirect.gather [hbm4b:s1+s5], $0x80, s19, s5, $0xb8;
	[tilespmem:$0x1E500] =	vst v63  }
0x16b: {  	_ =	swait.ge [sflag:s22], $0x2000  }
0x16c: {  	[sflag:s22] =	ssyncset.done $0x0  }
0x16d: {  	[sflag:s22] =	ssyncadd.s32 $0xFFFFE000  }
0x16e: {  	[spmem:s2] =	stream.indirect.scatter.add.f32 [tilespmem:s17], [sflag:$0x9], $0x80, s16, s5, $0xb8;
	[tilespmem:$0x1E500] =	vst v63  }
0x16f: {  	_ =	swait.ge [sflag:s24], $0x2000  }
0x170: {  	[sflag:s24] =	ssyncset.done $0x0  }
0x171: {  	[sflag:s24] =	ssyncadd.s32 $0xFFFFE000  }
0x172: {  	[spmem:s2] =	stream.indirect.scatter.add.f32 [tilespmem:s21], [sflag:$0xA], $0x80, s20, s5, $0xb8;
	[tilespmem:$0x1E500] =	vst v63  }
0x173: {  	_ =	swait.ge [sflag:s23], $0x2000  }
0x174: {  	[sflag:s23] =	ssyncset.done $0x0  }
0x175: {  	[sflag:s23] =	ssyncadd.s32 $0xFFFFE000  }
0x176: {  	_ =	swait.ge [sflag:s25], $0x2000  }
0x177: {  	[sflag:s25] =	ssyncset.done $0x0  }
0x178: {  	[sflag:s25] =	ssyncadd.s32 $0xFFFFE000  }
0x179: {  	_ =	swait.ge [sflag:s26], $0x2000  }
0x17a: {  	[sflag:s26] =	ssyncset.done $0x0  }
0x17b: {  	[sflag:s26] =	ssyncadd.s32 $0xFFFFE000  }
0x17c: {  	_ =	swait.ge [sflag:s29], $0x2000  }
0x17d: {  	[sflag:s29] =	ssyncset.done $0x0  }
0x17e: {  	[sflag:s29] =	ssyncadd.s32 $0xFFFFE000  }
0x17f: {  	_ =	swait.ge [sflag:s30], $0x2000  }
0x180: {  	[sflag:s30] =	ssyncset.done $0x0  }
0x181: {  	[sflag:s30] =	ssyncadd.s32 $0xFFFFE000  }
0x182: {  	[bflag:$0x0] =	sbarrier.arrive $0xFFFF  }
0x183: {  	s28 =	sld [smem:$0x7FD]  }
0x184: {  	s11 =	sld [smem:$0x7FB]  }
0x185: {  	s12 =	sld [smem:$0x7F6];
	_ =	sdelay $0x2  }
0x186: {  	[hbm:s11], [sflag:s28] =	dma.local [spmem:s12], $0x2800  }
0x187: {  	_ =	swait.ge [sflag:s31], $0x2800  }
0x188: {  	s13 =	sld [smem:$0x7F5]  }
0x189: {  	s15 =	sld [smem:$0x7FC];
	_ =	sdelay $0x1  }
0x18a: {  	s6 =	sadd.s32 $0x1, s13  }
0x18b: {  	p0 =	sne.s32 s6, s15  }
.Ltmp1:
0x18c: {  	_ = 	snop;
	(pc) =	sbr.rel @p0 .LBB2_1-.Ltmp1, $3  }
0x18d: {  	_ =	sdelay $0x1  }
0x18e: {  	[sflag:s31] =	ssyncset.done $0x0  }
0x18f: {  	s3 =	simm.s32 $0x14000;
	[sflag:s31] =	ssyncadd.s32 $0xFFFFD800  }
0x190: {  	_ =	sfence.sel $0x180000  }
0x191: {  	[bflag:$0x0] =	sbarrier.arrive $0xFFFF  }
0x192: {  	_ =	strace $0x9000004D  }
0x193: {  	s0 =	stileid.u32;
	[bflag:$0x2] =	sbarrier.arrive $0xFFFF  }
0x194: {  	p0 =	sne.s32 s0, $0x0;
	s0 =	rddreg [dreg:$0x3]  }
0x195: {  	s0 =	sadd.s32 @!p0 $0x100000, s0  }
0x196: {  	[sflag:s0] =	ssyncadd.tile.s32 @!p0 $0x1;
	_ =	shalt  }
.Lfunc_end2:
_tile_overlayer_lowered:
.L_overlay_start_2:
0x197: {  	(tag) =	ssettag $0x2  }
0x198: {  	s0 =	rddreg [dreg:$0x0];
	s2 =	stileid.u32  }
0x199: {  	s1 =	rddreg [dreg:$0x1];
	p0 =	sne.s32 s2, $0x0  }
0x19a: {  	s3 =	rddreg [dreg:$0x2];
	[bflag:$0x3] =	sbarrier.arrive $0xFFFF;
	s2 =	simm.s32 @!p0 $0x1C0B  }
0x19b: {  	[timem:s3], [sflag:s2] =	dma.local @!p0 [hbm:s0], s1  }
0x19c: {  	s0 =	simm.s32 @!p0 $0xB  }
0x19d: {  	_ =	swait.ge @!p0 [sflag:s0], s1  }
0x19e: {  	s1 =	ssub.s32 @!p0 $0x0, s1;
	[sflag:s0] =	ssyncset.done @!p0 $0x0  }
0x19f: {  	[sflag:s0] =	ssyncadd.s32 @!p0 s1  }
0x1a0: {  	[bflag:$0x3] =	sbarrier.arrive $0xFFFF  }
0x1a1: {  	_ =	shalt  }

// kernel: kernel.8.cloned.1.call-start
scs
__scs_entry_jumppad:
0x0: {  	(pc) =	sbr.rel $0x88, $3  }
0x1: {  	(tag) =	ssettag $0x0;
	lr =	simm.s32 $0x1  }
0x2: {  	[smem:$0x3F9B] =	sst lr;
	_ =	strace $0xD0000000  }
0x3: {  	_ = 	snop  }
0x4: {  	_ = 	snop  }
0x5: {  	_ = 	snop  }
0x6: {  	_ = 	snop  }
0x7: {  	_ = 	snop  }
__scs_overlays_trampoline_lowered:
0x8: {  	[smem:$0x3FAA] =	sst s0  }
0x9: {  	[smem:$0x3FAB] =	sst s1  }
0xa: {  	[smem:$0x3FAC] =	sst s2  }
0xb: {  	[smem:$0x3FAD] =	sst s3  }
0xc: {  	[smem:$0x3FAE] =	sst s4  }
0xd: {  	[smem:$0x3FAF] =	sst s5  }
0xe: {  	[smem:$0x3FB0] =	sst s6  }
0xf: {  	[smem:$0x3FB1] =	sst s7  }
0x10: {  	[smem:$0x3FB2] =	sst s8  }
0x11: {  	[smem:$0x3FB3] =	sst s9;
	s0 =	simm.s32 @!p0 $0x0  }
0x12: {  	s1 =	sld [smem:$0x3F99];
	s0 =	simm.s32 @p0 $0x1  }
0x13: {  	[smem:$0x3FB4] =	sst s0;
	s0 =	simm.s32 @!p1 $0x0  }
0x14: {  	s2 =	sld [smem:$0x3F98];
	s0 =	simm.s32 @p1 $0x1  }
0x15: {  	[smem:$0x3FB5] =	sst s0;
	s0 =	simm.s32 @!p2 $0x0  }
0x16: {  	s3 =	sld [smem:$0x3FDB];
	s0 =	simm.s32 @p2 $0x1  }
0x17: {  	s4 =	simm.s32 $0x1BF5;
	[smem:$0x3FB7] =	sst s0  }
0x18: {  	s0 =	sld [smem:$0x3F9A];
	_ =	swait.ge [sflag:s4], $0x0  }
0x19: {  	s7 =	sld [smem:$0x3F9B]  }
0x1a: {  	s8 =	sadd.s32 $0xFFFFE003, lr  }
0x1b: {  	s9 =	sadd.s32 $0xFFFFFEF7, lr;
	s5 =	simm.s32 $0xFFFFFFFF;
	p2 =	slt.u32 s8, $0xFFFFF086  }
0x1c: {  	p1 =	slt.u32 s9, $0xF7A;
	s5 =	simm.s32 @!p2 $0x0  }
0x1d: {  	s5 =	simm.s32 @p1 $0x1;
	p0 =	seq.s32 s7, s2  }
0x1e: {  	s7 =	smul.u32 @!p0 $0xF7A, s2;
	p2 =	seq.s32 @!p0 s5, $0x0  }
0x1f: {  	s9 =	smul.u32 $0xF7A, s1;
	s8 =	simm.s32 @!p0 $0x1BF5;
	p2 =	por !p2, p0  }
0x20: {  	[sflag:s8] =	ssyncset.s32 @!p0 $0xFFFFF086;
	s6 =	sadd.s32 @!p0 s3, s7;
	s7 =	simm.s32 @!p0 $0x108  }
0x21: {  	s3 =	sadd.s32 s3, s9;
	s6 =	sadd.s32 @!p0 $0x88, s6;
	s7 =	simm.s32 @p2 $0x1082  }
0x22: {  	[simem:s7], [sflag:s8] =	dma.local @!p0 [hbm:s6], $0xF7A  }
0x23: {  	s9 =	sor.u32 $0xD0000000, s2;
	s6 =	simm.s32 $0x108;
	_ =	swait.ge @!p0 [sflag:s8], $0x0  }
0x24: {  	s3 =	sadd.s32 $0x88, s3;
	s6 =	simm.s32 @!p1 $0x1082;
	[sflag:s4] =	ssyncset.s32 $0xFFFFF086  }
0x25: {  	[simem:s6], [sflag:s4] =	dma.local [hbm:s3], $0xF7A  }
0x26: {  	[smem:$0x3F9B] =	sst s1;
	(tag) =	ssettag s2;
	_ =	strace s9  }
0x27: {  	s1 =	sld [smem:$0x3FAB]  }
0x28: {  	s2 =	sld [smem:$0x3FAC]  }
0x29: {  	s4 =	sld [smem:$0x3FAE]  }
0x2a: {  	p0 =	seq.s32 s5, $0x0;
	s5 =	sld [smem:$0x3FAF]  }
0x2b: {  	s6 =	sld [smem:$0x3FB0]  }
0x2c: {  	s7 =	sld [smem:$0x3FB1]  }
0x2d: {  	s3 =	simm.s32 $0x108;
	s8 =	sld [smem:$0x3FB2]  }
0x2e: {  	s3 =	simm.s32 @!p0 $0x1082;
	s9 =	sld [smem:$0x3FB3]  }
0x2f: {  	lr =	sadd.s32 s0, s3;
	s0 =	sld [smem:$0x3FAA]  }
0x30: {  	s3 =	sld [smem:$0x3FAD]  }
0x31: {  	[smem:$0x3FB6] =	sst s10  }
0x32: {  	s10 =	sld [smem:$0x3FB4];
	_ =	sdelay $0x3  }
0x33: {  	p0 =	seq.s32 s10, $0x1;
	s10 =	sld [smem:$0x3FB6];
	_ =	sdelay $0x3  }
0x34: {  	[smem:$0x3FB6] =	sst s10  }
0x35: {  	s10 =	sld [smem:$0x3FB5];
	_ =	sdelay $0x3  }
0x36: {  	p1 =	seq.s32 s10, $0x1;
	s10 =	sld [smem:$0x3FB6];
	_ =	sdelay $0x3  }
0x37: {  	[smem:$0x3FB6] =	sst s10  }
0x38: {  	s10 =	sld [smem:$0x3FB7]  }
0x39: {  	_ = 	snop;
	(pc) =	sbr.ind lr, $3  }
0x3a: {  	_ = 	snop  }
0x3b: {  	_ = 	snop  }
0x3c: {  	p2 =	seq.s32 s10, $0x1;
	s10 =	sld [smem:$0x3FB6]  }
0x3d: {  	_ =	shalt  }
0x3e: {  	_ =	shalt  }
0x3f: {  	_ =	shalt  }
0x40: {  	_ =	shalt  }
0x41: {  	_ =	shalt  }
0x42: {  	_ =	shalt  }
0x43: {  	_ =	shalt  }
0x44: {  	_ =	shalt  }
0x45: {  	_ =	shalt  }
0x46: {  	_ =	shalt  }
0x47: {  	_ =	shalt  }
0x48: {  	_ =	shalt  }
0x49: {  	_ =	shalt  }
0x4a: {  	_ =	shalt  }
0x4b: {  	_ =	shalt  }
0x4c: {  	_ =	shalt  }
0x4d: {  	_ =	shalt  }
0x4e: {  	_ =	shalt  }
0x4f: {  	_ =	shalt  }
0x50: {  	_ =	shalt  }
0x51: {  	_ =	shalt  }
0x52: {  	_ =	shalt  }
0x53: {  	_ =	shalt  }
0x54: {  	_ =	shalt  }
0x55: {  	_ =	shalt  }
0x56: {  	_ =	shalt  }
0x57: {  	_ =	shalt  }
0x58: {  	_ =	shalt  }
0x59: {  	_ =	shalt  }
0x5a: {  	_ =	shalt  }
0x5b: {  	_ =	shalt  }
0x5c: {  	_ =	shalt  }
0x5d: {  	_ =	shalt  }
0x5e: {  	_ =	shalt  }
0x5f: {  	_ =	shalt  }
0x60: {  	_ =	shalt  }
0x61: {  	_ =	shalt  }
0x62: {  	_ =	shalt  }
0x63: {  	_ =	shalt  }
0x64: {  	_ =	shalt  }
0x65: {  	_ =	shalt  }
0x66: {  	_ =	shalt  }
0x67: {  	_ =	shalt  }
0x68: {  	_ =	shalt  }
0x69: {  	_ =	shalt  }
0x6a: {  	_ =	shalt  }
0x6b: {  	_ =	shalt  }
0x6c: {  	_ =	shalt  }
0x6d: {  	_ =	shalt  }
0x6e: {  	_ =	shalt  }
0x6f: {  	_ =	shalt  }
0x70: {  	_ =	shalt  }
0x71: {  	_ =	shalt  }
0x72: {  	_ =	shalt  }
0x73: {  	_ =	shalt  }
0x74: {  	_ =	shalt  }
0x75: {  	_ =	shalt  }
0x76: {  	_ =	shalt  }
0x77: {  	_ =	shalt  }
0x78: {  	_ =	shalt  }
0x79: {  	_ =	shalt  }
0x7a: {  	_ =	shalt  }
0x7b: {  	_ =	shalt  }
0x7c: {  	_ =	shalt  }
0x7d: {  	_ =	shalt  }
0x7e: {  	_ =	shalt  }
0x7f: {  	_ =	shalt  }
0x80: {  	_ =	shalt  }
0x81: {  	_ =	shalt  }
0x82: {  	_ =	shalt  }
0x83: {  	_ =	shalt  }
0x84: {  	_ =	shalt  }
0x85: {  	_ =	shalt  }
0x86: {  	_ =	shalt  }
0x87: {  	_ =	shalt  }
.Lfunc_end0:
.L_simem_size_0:
called_computation_lowered:
.L_overlay_start_0:
0x88: {  	s2 =	sld [smem:$0x3FD9]  }
0x89: {  	s3 =	sld [smem:$0x3FFE];
	_ =	sdelay $0x1  }
0x8a: {  	s1 =	srdreg.scid  }
0x8b: {  	s0 =	sand.u32 $0x1, s1  }
0x8c: {  	s17 =	sshll.u32 s0, $0xA;
	s2 =	sadd.s32 s3, s2  }
0x8d: {  	s2 =	sadd.s32 s2, s17  }
0x8e: {  	[smem:$0x3FC2] =	sst s2  }
0x8f: {  	_ = 	snop  }
0x90: {  	s2 =	sld [smem:$0x3FD0];
	(tm) =	ssettm $0x1  }
0x91: {  	s18 =	sld [smem:$0x3FFB];
	_ =	sdelay $0x3  }
0x92: {  	_ =	strace s18  }
0x93: {  	s3 =	sld [smem:$0x3FFC];
	_ =	sdelay $0x3  }
0x94: {  	_ =	strace s3  }
0x95: {  	s3 =	sld [smem:$0x3FFD];
	_ =	sdelay $0x3  }
0x96: {  	_ =	strace s3  }
0x97: {  	_ =	strace $0x8FFFFFFF  }
0x98: {  	s19 =	sld [smem:$0x3FDB];
	_ =	sdelay $0x1  }
0x99: {  	s4 =	simm.s32 $_scs_section_size  }
0x9a: {  	s5 =	simm.s32 $_size__tile_overlayer_lowered;
	s6 =	simm.s32 $_tile_overlayer_lowered  }
0x9b: {  	s22 =	simm.s32 $0x1BFF;
	s21 =	sshll.u32 s6, $0x1;
	s3 =	sadd.s32 s4, s19  }
0x9c: {  	s7 =	simm.s32 $0x0;
	s20 =	sshll.u32 s5, $0x1;
	s5 =	sadd.s32 s21, s3  }
0x9d: {  	[timem:s7], [sflag:s22] =	dma.local [hbm:s5], s20  }
0x9e: {  	_ =	swait.ge [sflag:s22], s20  }
0x9f: {  	s4 =	ssub.s32 $0x0, s20;
	[sflag:s22] =	ssyncset.done $0x0  }
0xa0: {  	[sflag:s22] =	ssyncadd.s32 s4;
	_ =	sdelay $0x1  }
0xa1: {  	s23 =	simm.s32 $0x1B8B  }
0xa2: {  	_ =	swait.ge [sflag:s23], $0x1  }
0xa3: {  	[sflag:s23] =	ssyncset.done $0x0  }
0xa4: {  	s25 =	simm.s32 $0x1B8E;
	s24 =	sld [smem:$0x3FFE];
	[sflag:s23] =	ssyncadd.s32 $0xFFFFFFFF  }
0xa5: {  	s26 =	simm.s32 $execute0_lowered;
	[smem:$0x3FD2] =	sst s25  }
0xa6: {  	s5 =	sshll.u32 s26, $0x1;
	_ =	strace $0x80000046;
	[dreg:$0x1] =	wrdreg $0xFFFFFFFF  }
0xa7: {  	s28 =	simm.s32 $_size_execute0_lowered;
	s3 =	sadd.s32 s3, s5;
	[dreg:$0x0] =	wrdreg $0x0  }
0xa8: {  	s5 =	sshll.u32 s28, $0x1;
	[dreg:$0x2] =	wrdreg s3  }
0xa9: {  	[dreg:$0x3] =	wrdreg s5  }
0xaa: {  	[dreg:$0x4] =	wrdreg $0xC0  }
0xab: {  	_ =	task [dreg:s7], $0x5FFFF  }
0xac: {  	[dreg:$0x1] =	wrdreg $0xFFFFFFFF  }
0xad: {  	[dreg:$0x0] =	wrdreg $0x60  }
0xae: {  	[dreg:$0x2] =	wrdreg s24  }
0xaf: {  	[dreg:$0x3] =	wrdreg s2  }
0xb0: {  	[dreg:$0x4] =	wrdreg $0x0  }
0xb1: {  	[dreg:$0x5] =	wrdreg $0x9  }
0xb2: {  	_ =	task.clear_ibuf [dreg:s7], $0x6FFFF;
	_ =	strace $0x90000046  }
0xb3: {  	s29 =	simm.s32 $0x9;
	_ =	strace $0x80000048  }
0xb4: {  	_ =	swait.ge [sflag:s29], $0x1  }
0xb5: {  	[sflag:s29] =	ssyncadd.s32 $0xFFFFFFFF  }
0xb6: {  	_ =	strace $0x90000048  }
0xb7: {  	_ =	sfence  }
0xb8: {  	s30 =	sld [smem:$0x0];
	_ =	sdelay $0x2  }
0xb9: {  	s31 =	sshll.u32 s1, $0xD;
	s1 =	sshrl.u32 s1, $0x2  }
0xba: {  	s3 =	sand.u32 $0x4000, s31;
	s1 =	sadd.s32 s1, s30  }
0xbb: {  	s0 =	sor.u32 s3, s0;
	s1 =	sshll.u32 s1, $0x11  }
0xbc: {  	s0 =	sor.u32 s1, s0  }
0xbd: {  	s0 =	sadd.s32 $0x8F2B, s0  }
0xbe: {  	[sflag:s0] =	ssyncadd.remote.s32 $0x1  }
0xbf: {  	_ =	sfence.sel $0xFFFF  }
0xc0: {  	[dreg:$0x0] =	wrdreg $0xFFFFFFFF;
	(pc) =	sbr.abs _section_cstart, $3  }
0xc1: {  	[dreg:$0x1] =	wrdreg $0xFFFFFFFF  }
0xc2: {  	_ =	task.clear_ibuf [dreg:s7], $0x2FFFF;
	_ =	strace $0x9FFFFFFF  }
0xc3: {  	(tm) =	ssettm $0x7FFFFFFF  }
tec
execute0_lowered:
.L_overlay_start_1:
0x0: {  	(tag) =	ssettag $0x1  }
0x1: {  	s6 =	rddreg [dreg:$0x0]  }
0x2: {  	s1 =	rddreg [dreg:$0x1]  }
0x3: {  	s2 =	rddreg [dreg:$0x2];
	s3 =	srdreg.scid;
	s4 =	simm.s32 $0x0  }
0x4: {  	s0 =	stileid.u32;
	s20 =	simm.s32 $0x14000;
	s21 =	simm.s32 $0x40  }
0x5: {  	s28 =	simm.s32 $0x3;
	s29 =	simm.s32 $0x4;
	s9 =	smul.u32 $0x14000, s0  }
0x6: {  	s30 =	simm.s32 $0x0;
	s7 =	sand.u32 $0x1, s3;
	s11 =	smul.u32 $0x50000, s0  }
0x7: {  	[smem:$0x7FF] =	sst s4;
	s15 =	sadd.s32 $0x2800, s6;
	s13 =	smul.u32 $0x2800, s0  }
0x8: {  	s18 =	sshll.u32 s0, $0x6;
	s8 =	smul.u32 $0x140000, s7;
	s5 =	sshll.u32 s7, $0x4  }
0x9: {  	_ =	strace $0x80000047;
	s22 =	ssub.s32 $0x2, s7;
	s7 =	smul.u32 $0x28000, s7  }
0xa: {  	s18 =	sor.u32 $0x1C05, s18;
	s10 =	sor.u32 s0, s5;
	s5 =	sadd.s32 $0x16800, s6  }
0xb: {  	s12 =	sshrl.u32 s22, $0x1;
	s24 =	sshrl.u32 s11, $0x2;
	s10 =	smul.u32 $0x2800, s10  }
0xc: {  	s8 =	sadd.s32 s9, s8;
	s12 =	ssub.s32 s22, s12;
	s13 =	sadd.s32 s13, s7  }
0xd: {  	s19 =	sadd.s32 s24, s2;
	s22 =	simm.s32 $0x14080;
	s24 =	simm.s32 $0x14180  }
0xe: {  	s8 =	sshrl.u32 s8, $0x3;
	s25 =	sor.u32 $0x1C0, s13;
	s11 =	smax.u32 s12, $0x1  }
0xf: {  	s26 =	sor.u32 $0x180, s13;
	s31 =	sor.u32 $0x140, s13;
	s13 =	sor.u32 $0x100, s13  }
0x10: {  	s19 =	sshrl.u32 s19, $0x3;
	s14 =	sadd.s32 s8, s6;
	s23 =	sshrl.u32 s10, $0x3  }
0x11: {  	s16 =	sshrl.u32 s25, $0x3;
	s17 =	sshrl.u32 s13, $0x3;
	s25 =	simm.s32 $0x1  }
0x12: {  	s6 =	sadd.s32 s15, s23;
	s10 =	sadd.s32 $0x19000, s14;
	s12 =	sadd.s32 s16, s15  }
0x13: {  	s14 =	sshrl.u32 s26, $0x3;
	s16 =	sshrl.u32 s31, $0x3;
	s23 =	simm.s32 $0x14100  }
0x14: {  	s26 =	simm.s32 $0x2;
	s7 =	sadd.s32 $0x8, s6;
	s8 =	sadd.s32 $0x10, s6  }
0x15: {  	s9 =	sadd.s32 $0x18, s6;
	s13 =	sadd.s32 s14, s15;
	s14 =	sadd.s32 s16, s15  }
0x16: {  	s15 =	sadd.s32 s17, s15;
	s16 =	simm.s32 $0x14200;
	s17 =	simm.s32 $0x5  }
.LBB2_1:
0x17: {  	[tilespmem:s16], [sflag:$0x5] =	stream.linear.gather [hbm4b:s1+s4], $0x2000, $0x38;
	[tilespmem:$0x16200] =	vst v63  }
0x18: {  	_ =	swait.ge [sflag:s17], $0x2000  }
0x19: {  	[sflag:s17] =	ssyncset.done $0x0  }
0x1a: {  	[sflag:s17] =	ssyncadd.s32 $0xFFFFE000  }
0x1b: {  	[spmem:s19], [sflag:s18] =	dma.local [hbm:s5], $0x2800  }
0x1c: {  	_ =	swait.ge [sflag:s17], $0x2800  }
0x1d: {  	[sflag:s17] =	ssyncset.done $0x0  }
0x1e: {  	[sflag:s17] =	ssyncadd.s32 $0xFFFFD800  }
0x1f: {  	[bflag:$0x0] =	sbarrier.arrive $0xFFFF  }
0x20: {  	[tilespmem:s20], [sflag:$0x5] =	stream.linear.gather [hbm4b:s6+s4], $0x40, $0x38;
	[tilespmem:$0x16200] =	vst v63  }
0x21: {  	_ =	swait.ge [sflag:s17], $0x40  }
0x22: {  	[sflag:s17] =	ssyncset.done $0x0  }
0x23: {  	[sflag:s17] =	ssyncadd.s32 $0xFFFFFFC0  }
0x24: {  	[spmem:s2] =	stream.indirect.scatter.add.f32 [tilespmem:s16], [sflag:$0x1], $0x80, s20, s21, $0xb8;
	[tilespmem:$0x16200] =	vst v63  }
0x25: {  	_ = 	snop  }
0x26: {  	[tilespmem:s22], [sflag:$0x5] =	stream.linear.gather [hbm4b:s7+s4], $0x40, $0x38;
	[tilespmem:$0x16200] =	vst v63  }
0x27: {  	_ =	swait.ge [sflag:s17], $0x40  }
0x28: {  	[sflag:s17] =	ssyncset.done $0x0  }
0x29: {  	[sflag:s17] =	ssyncadd.s32 $0xFFFFFFC0  }
0x2a: {  	[spmem:s2] =	stream.indirect.scatter.add.f32 [tilespmem:s16], [sflag:$0x2], $0x80, s22, s21, $0xb8;
	[tilespmem:$0x16200] =	vst v63  }
0x2b: {  	_ = 	snop  }
0x2c: {  	[tilespmem:s23], [sflag:$0x5] =	stream.linear.gather [hbm4b:s8+s4], $0x40, $0x38;
	[tilespmem:$0x16200] =	vst v63  }
0x2d: {  	_ =	swait.ge [sflag:s17], $0x40  }
0x2e: {  	[sflag:s17] =	ssyncset.done $0x0  }
0x2f: {  	[sflag:s17] =	ssyncadd.s32 $0xFFFFFFC0  }
0x30: {  	[spmem:s2] =	stream.indirect.scatter.add.f32 [tilespmem:s16], [sflag:$0x3], $0x80, s23, s21, $0xb8;
	[tilespmem:$0x16200] =	vst v63  }
0x31: {  	_ = 	snop  }
0x32: {  	[tilespmem:s24], [sflag:$0x5] =	stream.linear.gather [hbm4b:s9+s4], $0x40, $0x38;
	[tilespmem:$0x16200] =	vst v63  }
0x33: {  	_ =	swait.ge [sflag:s17], $0x40  }
0x34: {  	[sflag:s17] =	ssyncset.done $0x0  }
0x35: {  	[sflag:s17] =	ssyncadd.s32 $0xFFFFFFC0  }
0x36: {  	[spmem:s2] =	stream.indirect.scatter.add.f32 [tilespmem:s16], [sflag:$0x4], $0x80, s24, s21, $0xb8;
	[tilespmem:$0x16200] =	vst v63  }
0x37: {  	_ =	swait.ge [sflag:s25], $0x2000  }
0x38: {  	[sflag:s25] =	ssyncset.done $0x0  }
0x39: {  	s31 =	sadd.s32 $0x0, s15;
	[sflag:s25] =	ssyncadd.s32 $0xFFFFE000  }
0x3a: {  	[tilespmem:s20], [sflag:$0x5] =	stream.linear.gather [hbm4b:s31+s4], $0x40, $0x38;
	[tilespmem:$0x16200] =	vst v63  }
0x3b: {  	_ =	swait.ge [sflag:s17], $0x40  }
0x3c: {  	[sflag:s17] =	ssyncset.done $0x0  }
0x3d: {  	[sflag:s17] =	ssyncadd.s32 $0xFFFFFFC0  }
0x3e: {  	[spmem:s2] =	stream.indirect.scatter.add.f32 [tilespmem:s16], [sflag:$0x1], $0x80, s20, s21, $0xb8;
	[tilespmem:$0x16200] =	vst v63  }
0x3f: {  	_ =	swait.ge [sflag:s26], $0x2000  }
0x40: {  	[sflag:s26] =	ssyncset.done $0x0  }
0x41: {  	s31 =	sadd.s32 $0x0, s14;
	[sflag:s26] =	ssyncadd.s32 $0xFFFFE000  }
0x42: {  	[tilespmem:s22], [sflag:$0x5] =	stream.linear.gather [hbm4b:s31+s4], $0x40, $0x38;
	[tilespmem:$0x16200] =	vst v63  }
0x43: {  	_ =	swait.ge [sflag:s17], $0x40  }
0x44: {  	[sflag:s17] =	ssyncset.done $0x0  }
0x45: {  	[sflag:s17] =	ssyncadd.s32 $0xFFFFFFC0  }
0x46: {  	[spmem:s2] =	stream.indirect.scatter.add.f32 [tilespmem:s16], [sflag:$0x2], $0x80, s22, s21, $0xb8;
	[tilespmem:$0x16200] =	vst v63  }
0x47: {  	_ =	swait.ge [sflag:s28], $0x2000  }
0x48: {  	[sflag:s28] =	ssyncset.done $0x0  }
0x49: {  	s31 =	sadd.s32 $0x0, s13;
	[sflag:s28] =	ssyncadd.s32 $0xFFFFE000  }
0x4a: {  	[tilespmem:s23], [sflag:$0x5] =	stream.linear.gather [hbm4b:s31+s4], $0x40, $0x38;
	[tilespmem:$0x16200] =	vst v63  }
0x4b: {  	_ =	swait.ge [sflag:s17], $0x40  }
0x4c: {  	[sflag:s17] =	ssyncset.done $0x0  }
0x4d: {  	[sflag:s17] =	ssyncadd.s32 $0xFFFFFFC0  }
0x4e: {  	[spmem:s2] =	stream.indirect.scatter.add.f32 [tilespmem:s16], [sflag:$0x3], $0x80, s23, s21, $0xb8;
	[tilespmem:$0x16200] =	vst v63  }
0x4f: {  	_ =	swait.ge [sflag:s29], $0x2000  }
0x50: {  	[sflag:s29] =	ssyncset.done $0x0  }
0x51: {  	s31 =	sadd.s32 $0x0, s12;
	[sflag:s29] =	ssyncadd.s32 $0xFFFFE000  }
0x52: {  	[tilespmem:s24], [sflag:$0x5] =	stream.linear.gather [hbm4b:s31+s4], $0x40, $0x38;
	[tilespmem:$0x16200] =	vst v63  }
0x53: {  	_ =	swait.ge [sflag:s17], $0x40  }
0x54: {  	[sflag:s17] =	ssyncset.done $0x0  }
0x55: {  	s31 =	simm.s32 $0x20;
	[sflag:s17] =	ssyncadd.s32 $0xFFFFFFC0  }
.LBB2_2:
0x56: {  	[spmem:s2] =	stream.indirect.scatter.add.f32 [tilespmem:s16], [sflag:$0x4], $0x80, s24, s21, $0xb8;
	[tilespmem:$0x16200] =	vst v63  }
0x57: {  	s0 =	smov.u32 s31  }
0x58: {  	p0 =	sne.s32 s31, $0x4C0;
	s31 =	sadd.s32 $0x20, s31;
	_ =	swait.ge [sflag:s25], $0x2000  }
0x59: {  	[sflag:s25] =	ssyncset.done $0x0  }
0x5a: {  	s3 =	sadd.s32 s0, s15;
	[sflag:s25] =	ssyncadd.s32 $0xFFFFE000  }
0x5b: {  	[tilespmem:s20], [sflag:$0x5] =	stream.linear.gather [hbm4b:s3+s4], $0x40, $0x38;
	[tilespmem:$0x16200] =	vst v63  }
0x5c: {  	_ =	swait.ge [sflag:s17], $0x40  }
0x5d: {  	[sflag:s17] =	ssyncset.done $0x0  }
0x5e: {  	[sflag:s17] =	ssyncadd.s32 $0xFFFFFFC0  }
0x5f: {  	[spmem:s2] =	stream.indirect.scatter.add.f32 [tilespmem:s16], [sflag:$0x1], $0x80, s20, s21, $0xb8;
	[tilespmem:$0x16200] =	vst v63  }
0x60: {  	_ =	swait.ge [sflag:s26], $0x2000  }
0x61: {  	[sflag:s26] =	ssyncset.done $0x0  }
0x62: {  	s3 =	sadd.s32 s0, s14;
	[sflag:s26] =	ssyncadd.s32 $0xFFFFE000  }
0x63: {  	[tilespmem:s22], [sflag:$0x5] =	stream.linear.gather [hbm4b:s3+s4], $0x40, $0x38;
	[tilespmem:$0x16200] =	vst v63  }
0x64: {  	_ =	swait.ge [sflag:s17], $0x40  }
0x65: {  	[sflag:s17] =	ssyncset.done $0x0  }
0x66: {  	[sflag:s17] =	ssyncadd.s32 $0xFFFFFFC0  }
0x67: {  	[spmem:s2] =	stream.indirect.scatter.add.f32 [tilespmem:s16], [sflag:$0x2], $0x80, s22, s21, $0xb8;
	[tilespmem:$0x16200] =	vst v63  }
0x68: {  	_ =	swait.ge [sflag:s28], $0x2000  }
0x69: {  	[sflag:s28] =	ssyncset.done $0x0  }
0x6a: {  	s3 =	sadd.s32 s0, s13;
	[sflag:s28] =	ssyncadd.s32 $0xFFFFE000  }
0x6b: {  	[tilespmem:s23], [sflag:$0x5] =	stream.linear.gather [hbm4b:s3+s4], $0x40, $0x38;
	[tilespmem:$0x16200] =	vst v63  }
0x6c: {  	_ =	swait.ge [sflag:s17], $0x40  }
0x6d: {  	[sflag:s17] =	ssyncset.done $0x0  }
0x6e: {  	[sflag:s17] =	ssyncadd.s32 $0xFFFFFFC0  }
0x6f: {  	[spmem:s2] =	stream.indirect.scatter.add.f32 [tilespmem:s16], [sflag:$0x3], $0x80, s23, s21, $0xb8;
	[tilespmem:$0x16200] =	vst v63  }
0x70: {  	_ =	swait.ge [sflag:s29], $0x2000  }
0x71: {  	[sflag:s29] =	ssyncset.done $0x0  }
.Ltmp0:
0x72: {  	s0 =	sadd.s32 s0, s12;
	[sflag:s29] =	ssyncadd.s32 $0xFFFFE000;
	(pc) =	sbr.rel @p0 .LBB2_2-.Ltmp0, $4  }
0x73: {  	[tilespmem:s24], [sflag:$0x5] =	stream.linear.gather [hbm4b:s0+s4], $0x40, $0x38;
	[tilespmem:$0x16200] =	vst v63  }
0x74: {  	_ =	swait.ge [sflag:s17], $0x40  }
0x75: {  	[sflag:s17] =	ssyncset.done $0x0  }
0x76: {  	[sflag:s17] =	ssyncadd.s32 $0xFFFFFFC0  }
0x77: {  	[spmem:s2] =	stream.indirect.scatter.add.f32 [tilespmem:s16], [sflag:$0x4], $0x80, s24, s21, $0xb8;
	[tilespmem:$0x16200] =	vst v63  }
0x78: {  	_ =	swait.ge [sflag:s25], $0x2000  }
0x79: {  	[sflag:s25] =	ssyncset.done $0x0  }
0x7a: {  	[sflag:s25] =	ssyncadd.s32 $0xFFFFE000  }
0x7b: {  	_ =	swait.ge [sflag:s26], $0x2000  }
0x7c: {  	[sflag:s26] =	ssyncset.done $0x0  }
0x7d: {  	[sflag:s26] =	ssyncadd.s32 $0xFFFFE000  }
0x7e: {  	_ =	swait.ge [sflag:s28], $0x2000  }
0x7f: {  	[sflag:s28] =	ssyncset.done $0x0  }
0x80: {  	[sflag:s28] =	ssyncadd.s32 $0xFFFFE000  }
0x81: {  	_ =	swait.ge [sflag:s29], $0x2000  }
0x82: {  	s30 =	sadd.s32 $0x1, s30;
	[sflag:s29] =	ssyncset.done $0x0  }
0x83: {  	p0 =	sne.s32 s30, s11;
	[sflag:s29] =	ssyncadd.s32 $0xFFFFE000  }
.Ltmp1:
0x84: {  	[bflag:$0x0] =	sbarrier.arrive $0xFFFF;
	(pc) =	sbr.rel @p0 .LBB2_1-.Ltmp1, $4  }
0x85: {  	[hbm:s10], [sflag:s18] =	dma.local [spmem:s19], $0x2800  }
0x86: {  	_ =	swait.ge [sflag:s17], $0x2800  }
0x87: {  	[sflag:s17] =	ssyncset.done $0x0  }
0x88: {  	[sflag:s17] =	ssyncadd.s32 $0xFFFFD800  }
0x89: {  	_ =	sfence.sel $0x180000  }
0x8a: {  	[bflag:$0x0] =	sbarrier.arrive $0xFFFF  }
0x8b: {  	_ =	strace $0x90000047  }
0x8c: {  	s0 =	stileid.u32;
	[bflag:$0x2] =	sbarrier.arrive $0xFFFF  }
0x8d: {  	p0 =	sne.s32 s0, $0x0;
	s0 =	rddreg [dreg:$0x3]  }
0x8e: {  	s0 =	sadd.s32 @!p0 $0x100000, s0  }
0x8f: {  	[sflag:s0] =	ssyncadd.tile.s32 @!p0 $0x1;
	_ =	shalt  }
.Lfunc_end2:
_tile_overlayer_lowered:
.L_overlay_start_2:
0x90: {  	(tag) =	ssettag $0x2  }
0x91: {  	s0 =	rddreg [dreg:$0x0];
	s2 =	stileid.u32  }
0x92: {  	s1 =	rddreg [dreg:$0x1];
	p0 =	sne.s32 s2, $0x0  }
0x93: {  	s3 =	rddreg [dreg:$0x2];
	[bflag:$0x3] =	sbarrier.arrive $0xFFFF;
	s2 =	simm.s32 @!p0 $0x1C05  }
0x94: {  	[timem:s3], [sflag:s2] =	dma.local @!p0 [hbm:s0], s1  }
0x95: {  	s0 =	simm.s32 @!p0 $0x5  }
0x96: {  	_ =	swait.ge @!p0 [sflag:s0], s1  }
0x97: {  	s1 =	ssub.s32 @!p0 $0x0, s1;
	[sflag:s0] =	ssyncset.done @!p0 $0x0  }
0x98: {  	[sflag:s0] =	ssyncadd.s32 @!p0 s1  }
0x99: {  	[bflag:$0x3] =	sbarrier.arrive $0xFFFF  }
0x9a: {  	_ =	shalt  }

</sc_bundles>
